<compile_context>
chip_gen: v7x
topology: tpu7x:2x2x1
jax: 0.10.2.dev20260603
libtpu: 0.0.44.dev20260713+nightly
codegen_flags: <defaults>
</compile_context>

<pallas_src>
import functools

import jax
import jax.numpy as jnp
from jax import lax
from jax.experimental import pallas as pl
from jax.experimental.pallas import tpu as pltpu

_N = 8192
_E = 131072
_D = 256
_H = 256
_O = 128
_K = 1024
_RB = 512
_SENT = 1 << 20


def _prep_body(dgo_ref, dgi_ref, feats_ref, ns_ref, nd_ref, hs_ref):
    dgo = dgo_ref[:, 0:1]
    dgi = dgi_ref[:, 0:1]
    ns = jnp.where(dgo > 0, lax.rsqrt(jnp.maximum(dgo, 1.0)), 0.0)
    nd = jnp.where(dgi > 0, lax.rsqrt(jnp.maximum(dgi, 1.0)), 0.0)
    ns_ref[...] = ns
    nd_ref[...] = nd
    hs_ref[...] = feats_ref[...] * ns


def _prep(deg_out, deg_in, feats):
    nb = _N // _RB
    return pl.pallas_call(
        _prep_body,
        grid=(nb,),
        in_specs=[
            pl.BlockSpec((_RB, 16), lambda i: (i, 0)),
            pl.BlockSpec((_RB, 16), lambda i: (i, 0)),
            pl.BlockSpec((_RB, _D), lambda i: (i, 0)),
        ],
        out_specs=[
            pl.BlockSpec((_RB, 1), lambda i: (i, 0)),
            pl.BlockSpec((_RB, 1), lambda i: (i, 0)),
            pl.BlockSpec((_RB, _D), lambda i: (i, 0)),
        ],
        out_shape=[
            jax.ShapeDtypeStruct((_N, 1), jnp.float32),
            jax.ShapeDtypeStruct((_N, 1), jnp.float32),
            jax.ShapeDtypeStruct((_N, _D), jnp.float32),
        ],
    )(deg_out, deg_in, feats)


def _pc1_body(agg_ref, nd_ref, W_ref, b_ref, h_ref, xn_ref):
    a = agg_ref[...] * nd_ref[...]
    h = jnp.maximum(
        jnp.dot(a, W_ref[...], preferred_element_type=jnp.float32) + b_ref[...], 0.0)
    h_ref[...] = h
    nrm = jnp.sqrt(jnp.sum(h * h, axis=1, keepdims=True))
    xn_ref[...] = h / (nrm + 1e-12)


def _postconv1(agg, nd, W1, b1):
    nb = _N // _RB
    return pl.pallas_call(
        _pc1_body,
        grid=(nb,),
        in_specs=[
            pl.BlockSpec((_RB, _D), lambda i: (i, 0)),
            pl.BlockSpec((_RB, 1), lambda i: (i, 0)),
            pl.BlockSpec((_D, _D), lambda i: (0, 0)),
            pl.BlockSpec((1, _D), lambda i: (0, 0)),
        ],
        out_specs=[
            pl.BlockSpec((_RB, _D), lambda i: (i, 0)),
            pl.BlockSpec((_RB, _D), lambda i: (i, 0)),
        ],
        out_shape=[
            jax.ShapeDtypeStruct((_N, _D), jnp.float32),
            jax.ShapeDtypeStruct((_N, _D), jnp.float32),
        ],
    )(agg, nd, W1, b1)


def _cbn_body(cb_ref, out_ref):
    cb = cb_ref[...]
    nrm = jnp.sqrt(jnp.sum(cb * cb, axis=1, keepdims=True))
    out_ref[...] = cb / (nrm + 1e-12)


def _cbnorm(cb):
    return pl.pallas_call(
        _cbn_body,
        out_shape=jax.ShapeDtypeStruct((_K, _D), jnp.float32),
    )(cb)


def _vq_body(xn_ref, h_ref, cbn_ref, dist_ref, quant_ref, commit_ref):
    i = pl.program_id(0)
    xn = xn_ref[...]
    cbn = cbn_ref[...]
    dist = lax.dot_general(xn, cbn, (((1,), (1,)), ((), ())),
                           preferred_element_type=jnp.float32)
    dist_ref[...] = dist
    mx = jnp.max(dist, axis=1, keepdims=True)
    kio = lax.broadcasted_iota(jnp.int32, dist.shape, 1)
    ind = jnp.min(jnp.where(dist >= mx, kio, _K), axis=1, keepdims=True)
    onehot = (kio == ind).astype(jnp.float32)
    quant = jnp.dot(onehot, cbn, preferred_element_type=jnp.float32,
                    precision=lax.Precision.HIGHEST)
    quant_ref[...] = quant
    d = quant - h_ref[...]

    @pl.when(i == 0)
    def _():
        commit_ref[...] = jnp.zeros_like(commit_ref)

    commit_ref[...] += jnp.sum(d * d)


def _vq(xn, h, cbn):
    nb = _N // _RB
    return pl.pallas_call(
        _vq_body,
        grid=(nb,),
        in_specs=[
            pl.BlockSpec((_RB, _D), lambda i: (i, 0)),
            pl.BlockSpec((_RB, _D), lambda i: (i, 0)),
            pl.BlockSpec((_K, _D), lambda i: (0, 0)),
        ],
        out_specs=[
            pl.BlockSpec((_RB, _K), lambda i: (i, 0)),
            pl.BlockSpec((_RB, _D), lambda i: (i, 0)),
            pl.BlockSpec((1, 1), lambda i: (0, 0)),
        ],
        out_shape=[
            jax.ShapeDtypeStruct((_N, _K), jnp.float32),
            jax.ShapeDtypeStruct((_N, _D), jnp.float32),
            jax.ShapeDtypeStruct((1, 1), jnp.float32),
        ],
    )(xn, h, cbn)


def _dec_body(qt_ref, h_ref, ns_ref, d1w_ref, d1b_ref, d2w_ref, d2b_ref,
              qe_ref, qs_ref, feat_ref, srow_ref, M_ref):
    i = pl.program_id(0)
    qt = qt_ref[...]
    qe = jnp.dot(qt, d1w_ref[...], preferred_element_type=jnp.float32) + d1b_ref[...]
    qn = jnp.dot(qt, d2w_ref[...], preferred_element_type=jnp.float32) + d2b_ref[...]
    qe_ref[...] = qe
    qs_ref[...] = qe * ns_ref[...]
    d = h_ref[...] - qn

    @pl.when(i == 0)
    def _():
        feat_ref[...] = jnp.zeros_like(feat_ref)
        srow_ref[...] = jnp.zeros_like(srow_ref)
        M_ref[...] = jnp.zeros_like(M_ref)

    feat_ref[...] += jnp.sum(d * d)
    srow_ref[...] += jnp.sum(qe, axis=0, keepdims=True)
    M_ref[...] += lax.dot_general(qe, qe, (((0,), (0,)), ((), ())),
                                  preferred_element_type=jnp.float32)


def _decode(quant, h, ns, d1w, d1b, d2w, d2b):
    nb = _N // _RB
    return pl.pallas_call(
        _dec_body,
        grid=(nb,),
        in_specs=[
            pl.BlockSpec((_RB, _D), lambda i: (i, 0)),
            pl.BlockSpec((_RB, _D), lambda i: (i, 0)),
            pl.BlockSpec((_RB, 1), lambda i: (i, 0)),
            pl.BlockSpec((_D, _D), lambda i: (0, 0)),
            pl.BlockSpec((1, _D), lambda i: (0, 0)),
            pl.BlockSpec((_D, _D), lambda i: (0, 0)),
            pl.BlockSpec((1, _D), lambda i: (0, 0)),
        ],
        out_specs=[
            pl.BlockSpec((_RB, _D), lambda i: (i, 0)),
            pl.BlockSpec((_RB, _D), lambda i: (i, 0)),
            pl.BlockSpec((1, 1), lambda i: (0, 0)),
            pl.BlockSpec((1, _D), lambda i: (0, 0)),
            pl.BlockSpec((_D, _D), lambda i: (0, 0)),
        ],
        out_shape=[
            jax.ShapeDtypeStruct((_N, _D), jnp.float32),
            jax.ShapeDtypeStruct((_N, _D), jnp.float32),
            jax.ShapeDtypeStruct((1, 1), jnp.float32),
            jax.ShapeDtypeStruct((1, _D), jnp.float32),
            jax.ShapeDtypeStruct((_D, _D), jnp.float32),
        ],
    )(quant, h, ns, d1w, d1b, d2w, d2b)


def _mm_body(a_ref, b_ref, mn_ref, mx_ref):
    i = pl.program_id(0)
    j = pl.program_id(1)
    q = lax.dot_general(a_ref[...], b_ref[...], (((1,), (1,)), ((), ())),
                        preferred_element_type=jnp.float32)

    @pl.when((i == 0) & (j == 0))
    def _():
        mn_ref[...] = jnp.full(mn_ref.shape, jnp.inf, jnp.float32)
        mx_ref[...] = jnp.full(mx_ref.shape, -jnp.inf, jnp.float32)

    mn_ref[...] = jnp.minimum(mn_ref[...], jnp.min(q))
    mx_ref[...] = jnp.maximum(mx_ref[...], jnp.max(q))


def _minmax(qe):
    nb = _N // _RB
    return pl.pallas_call(
        _mm_body,
        grid=(nb, nb),
        in_specs=[
            pl.BlockSpec((_RB, _D), lambda i, j: (i, 0)),
            pl.BlockSpec((_RB, _D), lambda i, j: (j, 0)),
        ],
        out_specs=[
            pl.BlockSpec((1, 1), lambda i, j: (0, 0)),
            pl.BlockSpec((1, 1), lambda i, j: (0, 0)),
        ],
        out_shape=[
            jax.ShapeDtypeStruct((1, 1), jnp.float32),
            jax.ShapeDtypeStruct((1, 1), jnp.float32),
        ],
    )(qe, qe)


def _keys_body(ei_ref, k_ref):
    k_ref[...] = ei_ref[0:1, :] * _N + ei_ref[1:2, :]


def _keys(edge_index):
    return pl.pallas_call(
        _keys_body,
        out_shape=jax.ShapeDtypeStruct((1, _E), jnp.int32),
    )(edge_index)


def _mask_body(sk_ref, pv_ref, srcs_ref, dste_ref, u_ref):
    k = sk_ref[...]
    m = k != pv_ref[...]
    srcs_ref[...] = lax.shift_right_logical(k, 13)
    dst = jnp.bitwise_and(k, _N - 1)
    dste_ref[...] = jnp.where(m, dst, _SENT)
    u_ref[...] = jnp.sum(m.astype(jnp.float32)).reshape(1, 1)


def _mask(sk2, pv2):
    return pl.pallas_call(
        _mask_body,
        out_shape=[
            jax.ShapeDtypeStruct((_E // 128, 128), jnp.int32),
            jax.ShapeDtypeStruct((_E // 128, 128), jnp.int32),
            jax.ShapeDtypeStruct((1, 1), jnp.float32),
        ],
    )(sk2, pv2)


def _pc2_body(agg_ref, nd_ref, W_ref, b_ref, lw_ref, lb_ref, pu_ref, qe_ref,
              out_ref, t_ref):
    i = pl.program_id(0)
    a = agg_ref[...] * nd_ref[...]
    h2 = jnp.maximum(
        jnp.dot(a, W_ref[...], preferred_element_type=jnp.float32) + b_ref[...], 0.0)
    out_ref[...] = jnp.dot(h2, lw_ref[...],
                           preferred_element_type=jnp.float32) + lb_ref[...]

    @pl.when(i == 0)
    def _():
        t_ref[...] = jnp.zeros_like(t_ref)

    t_ref[...] += jnp.sum(pu_ref[...] * qe_ref[...])


def _postconv2(agg2, nd, W2, b2, lw, lb, pu, qe):
    nb = _N // _RB
    return pl.pallas_call(
        _pc2_body,
        grid=(nb,),
        in_specs=[
            pl.BlockSpec((_RB, _H), lambda i: (i, 0)),
            pl.BlockSpec((_RB, 1), lambda i: (i, 0)),
            pl.BlockSpec((_H, _H), lambda i: (0, 0)),
            pl.BlockSpec((1, _H), lambda i: (0, 0)),
            pl.BlockSpec((_H, _O), lambda i: (0, 0)),
            pl.BlockSpec((1, _O), lambda i: (0, 0)),
            pl.BlockSpec((_RB, _D), lambda i: (i, 0)),
            pl.BlockSpec((_RB, _D), lambda i: (i, 0)),
        ],
        out_specs=[
            pl.BlockSpec((_RB, _O), lambda i: (i, 0)),
            pl.BlockSpec((1, 1), lambda i: (0, 0)),
        ],
        out_shape=[
            jax.ShapeDtypeStruct((_N, _O), jnp.float32),
            jax.ShapeDtypeStruct((1, 1), jnp.float32),
        ],
    )(agg2, nd, W2, b2, lw, lb, pu, qe)


def _fin_body(cs_ref, fs_ref, M_ref, s_ref, mn_ref, mx_ref, t_ref, u_ref,
              loss_ref, fr_ref, er_ref, cl_ref):
    M = M_ref[...]
    sq2 = jnp.sum(M * M)
    sr = s_ref[...]
    sq = jnp.sum(sr * sr)
    mn = mn_ref[0, 0]
    mx = mx_ref[0, 0]
    T = t_ref[0, 0]
    U = u_ref[0, 0]
    den = mx - mn
    n2 = jnp.float32(_N) * jnp.float32(_N)
    nd_el = jnp.float32(_N) * jnp.float32(_D)
    sq2n = (sq2 - 2.0 * mn * sq + n2 * mn * mn) / (den * den)
    tn = (T - U * mn) / den
    S = sq2n - 2.0 * tn + U
    er = 0.3 * jnp.sqrt(S / n2)
    fr = 0.7 * fs_ref[0, 0] / nd_el
    cl = 0.25 * cs_ref[0, 0] / nd_el
    fr_ref[...] = jnp.full((1, 1), fr)
    er_ref[...] = jnp.full((1, 1), er)
    cl_ref[...] = jnp.full((1, 1), cl)
    loss_ref[...] = jnp.full((1, 1), fr + er + cl)


def _finalize(cs, fs, M, srow, mn, mx, T, U):
    return pl.pallas_call(
        _fin_body,
        out_shape=[jax.ShapeDtypeStruct((1, 1), jnp.float32)] * 4,
    )(cs, fs, M, srow, mn, mx, T, U)



def _scat_degrees(src, dst):
    dgo = jnp.zeros((_N,), jnp.float32).at[src].add(1.0)
    dgi = jnp.zeros((_N,), jnp.float32).at[dst].add(1.0)
    return (jnp.broadcast_to(dgo[:, None], (_N, 16)),
            jnp.broadcast_to(dgi[:, None], (_N, 16)))


def _scat_rows(table, gidx, sidx):
    return jnp.zeros((_N, table.shape[1]), jnp.float32).at[sidx].add(
        table[gidx], mode="drop")


def kernel(feats, edge_index, W1, b1, W2, b2, dec1_W, dec1_b, dec2_W, dec2_b,
           lin_W, lin_b, codebook):
    src = edge_index[0]
    dst = edge_index[1]
    b1r = b1.reshape(1, _D)
    b2r = b2.reshape(1, _H)
    d1br = dec1_b.reshape(1, _D)
    d2br = dec2_b.reshape(1, _D)
    lbr = lin_b.reshape(1, _O)

    deg_out, deg_in = _scat_degrees(src, dst)
    ns, nd, h_scaled = _prep(deg_out, deg_in, feats)

    agg1 = _scat_rows(h_scaled, src, dst)
    h, xn = _postconv1(agg1, nd, W1, b1r)
    cbn = _cbnorm(codebook)
    dist, quant, commit_s = _vq(xn, h, cbn)
    q_edge, q_s, feat_s, srow, M = _decode(quant, h, ns, dec1_W, d1br,
                                           dec2_W, d2br)

    keys = _keys(edge_index).reshape(_E)
    sk = jnp.sort(keys)
    pv = jnp.concatenate([jnp.full((1,), -1, jnp.int32), sk[:-1]])
    srcs2, dste2, U = _mask(sk.reshape(_E // 128, 128),
                            pv.reshape(_E // 128, 128))
    src_u = srcs2.reshape(_E)
    dst_u = dste2.reshape(_E)

    mn, mx = _minmax(q_edge)
    agg2 = _scat_rows(q_s, src, dst)
    p_u = _scat_rows(q_edge, src_u, dst_u)
    out, T = _postconv2(agg2, nd, W2, b2r, lin_W, lbr, p_u, q_edge)
    loss, fr, er, cl = _finalize(commit_s, feat_s, M, srow, mn, mx, T, U)

    return (out, loss.reshape(()), dist, cbn, fr.reshape(()),
            er.reshape(()), cl.reshape(()))

# --- scband reference (transcript-rebuilt; emitter-appended) ---
"""Pipeline reference for scband-gcn-12266426597735 (READ-ONLY COPY).

The authoritative reference and input builder live on the scoring server;
editing this copy changes nothing except your own understanding.
"""

import jax, jax.numpy as jnp
import numpy as np

N = 8192
E = 131072
D = 256
H = 256
OUT = 128
K = 1024
LAMB_EDGE = 0.3
LAMB_NODE = 0.7
COMMIT_W = 0.25


def l2norm(t):
    return t / (jnp.linalg.norm(t, axis=-1, keepdims=True) + 1e-12)


def graph_conv(x, src, dst, W, b, n):
    deg_out = jnp.zeros((n,), x.dtype).at[src].add(1.0)
    deg_in = jnp.zeros((n,), x.dtype).at[dst].add(1.0)
    ns = jnp.where(deg_out > 0, jax.lax.rsqrt(jnp.maximum(deg_out, 1.0)), 0.0)
    nd = jnp.where(deg_in > 0, jax.lax.rsqrt(jnp.maximum(deg_in, 1.0)), 0.0)
    h = x * ns[:, None]
    agg = jnp.zeros((n, x.shape[1]), x.dtype).at[dst].add(h[src])
    agg = agg * nd[:, None]
    return jax.nn.relu(agg @ W + b)


def setup_inputs(seed: int = 0):
    key = jax.random.key(seed)
    ks = jax.random.split(key, 14)
    s = 1.0 / np.sqrt(D)
    return {
        'feats': jax.random.normal(ks[0], (N, D), jnp.float32),
        'edge_index': jax.random.randint(ks[1], (2, E), 0, N, jnp.int32),
        'W1': jax.random.normal(ks[2], (D, D), jnp.float32) * s,
        'b1': jnp.zeros((D,), jnp.float32),
        'W2': jax.random.normal(ks[3], (D, H), jnp.float32) * s,
        'b2': jnp.zeros((H,), jnp.float32),
        'dec1_W': jax.random.normal(ks[4], (D, D), jnp.float32) * s,
        'dec1_b': jnp.zeros((D,), jnp.float32),
        'dec2_W': jax.random.normal(ks[5], (D, D), jnp.float32) * s,
        'dec2_b': jnp.zeros((D,), jnp.float32),
        'lin_W': jax.random.normal(ks[6], (H, OUT), jnp.float32) * (1.0 / np.sqrt(H)),
        'lin_b': jnp.zeros((OUT,), jnp.float32),
        'codebook': jax.random.normal(ks[7], (K, D), jnp.float32),
    }


def reference(feats, edge_index, W1, b1, W2, b2, dec1_W, dec1_b, dec2_W, dec2_b, lin_W, lin_b, codebook):
    src = edge_index[0]
    dst = edge_index[1]
    # g.adjacency_matrix().to_dense()
    adj = jnp.zeros((N, N), jnp.float32).at[src, dst].set(1.0)
    # graph_layer_1 (DGL GraphConv, norm='both', activation)
    h = graph_conv(feats, src, dst, W1, b1, N)
    # norm_type == 'none' -> no norm; dropout in eval mode -> identity
    # VectorQuantize with use_cosine_sim=True
    x_n = l2norm(h)
    cb_n = l2norm(codebook)
    dist = x_n @ cb_n.T
    ind = jnp.argmax(dist, axis=-1)
    quant = cb_n[ind]
    commit_loss = COMMIT_W * jnp.mean((jax.lax.stop_gradient(quant) - h) ** 2)
    quant_st = h + jax.lax.stop_gradient(quant - h)  # straight-through
    # decoders
    q_edge = quant_st @ dec1_W + dec1_b
    q_node = quant_st @ dec2_W + dec2_b
    feat_rec = LAMB_NODE * jnp.mean((h - q_node) ** 2)
    adj_q = q_edge @ q_edge.T
    adj_q = (adj_q - adj_q.min()) / (adj_q.max() - adj_q.min())
    edge_rec = LAMB_EDGE * jnp.sqrt(jnp.mean((adj - adj_q) ** 2))
    # second graph conv on quantized_edge, then linear head
    h2 = graph_conv(q_edge, src, dst, W2, b2, N)
    out = h2 @ lin_W + lin_b
    loss = feat_rec + edge_rec + commit_loss
    return (out, loss, dist, cb_n, feat_rec, edge_rec, commit_loss)

if __name__ == "__main__":
    import jax
    _d = setup_inputs()
    print(jax.jit(kernel)(*tuple(_d.values())))

</pallas_src>

<mosaic_0001>
module attributes {stable_mosaic.version = 14 : i64} {
  func.func @_prep_body(%arg0: i32, %arg1: memref<512x16xf32, #tpu.memory_space<vmem>>, %arg2: memref<512x16xf32, #tpu.memory_space<vmem>>, %arg3: memref<512x256xf32, #tpu.memory_space<vmem>>, %arg4: memref<512x1xf32, #tpu.memory_space<vmem>>, %arg5: memref<512x1xf32, #tpu.memory_space<vmem>>, %arg6: memref<512x256xf32, #tpu.memory_space<vmem>>) attributes {dimension_semantics = [#tpu.dimension_semantics<arbitrary>], iteration_bounds = array<i64: 16>, scalar_prefetch = 0 : i64, scratch_operands = 0 : i64, tpu.core_type = #tpu.core_type<tc>, window_params = [{transform_indices = @transform_0, window_bounds = array<i64: 512, 16>}, {transform_indices = @transform_1, window_bounds = array<i64: 512, 16>}, {transform_indices = @transform_2, window_bounds = array<i64: 512, 256>}, {transform_indices = @transform_3, window_bounds = array<i64: 512, 1>}, {transform_indices = @transform_4, window_bounds = array<i64: 512, 1>}, {transform_indices = @transform_5, window_bounds = array<i64: 512, 256>}]} {
    %get3A = arith.constant 0 : index
    %get3A_0 = arith.constant 0 : index
    %get3A_1 = vector.load %arg1[%get3A, %get3A_0] : memref<512x16xf32, #tpu.memory_space<vmem>>, vector<512x1xf32>
    %get3A_2 = arith.constant 0 : index
    %get3A_3 = arith.constant 0 : index
    %get3A_4 = vector.load %arg2[%get3A_2, %get3A_3] : memref<512x16xf32, #tpu.memory_space<vmem>>, vector<512x1xf32>
    %gt3A = arith.constant 0.000000e+00 : f32
    %gt3A_5 = vector.broadcast %gt3A : f32 to vector<512x1xf32>
    %gt3A_6 = arith.cmpf ogt, %get3A_1, %gt3A_5 : vector<512x1xf32>
    %max3A = arith.constant 1.000000e+00 : f32
    %max3A_7 = vector.broadcast %max3A : f32 to vector<512x1xf32>
    %max3A_8 = arith.maximumf %get3A_1, %max3A_7 : vector<512x1xf32>
    %rsqrt3A = math.rsqrt %max3A_8 : vector<512x1xf32>
    %jit3A = arith.constant 0.000000e+00 : f32
    %broadcast_in_dim3A = vector.broadcast %jit3A : f32 to vector<512x1xf32>
    %select_n3A = arith.select %gt3A_6, %rsqrt3A, %broadcast_in_dim3A : vector<512x1xi1>, vector<512x1xf32>
    %gt3A_9 = arith.constant 0.000000e+00 : f32
    %gt3A_10 = vector.broadcast %gt3A_9 : f32 to vector<512x1xf32>
    %gt3A_11 = arith.cmpf ogt, %get3A_4, %gt3A_10 : vector<512x1xf32>
    %max3A_12 = arith.constant 1.000000e+00 : f32
    %max3A_13 = vector.broadcast %max3A_12 : f32 to vector<512x1xf32>
    %max3A_14 = arith.maximumf %get3A_4, %max3A_13 : vector<512x1xf32>
    %rsqrt3A_15 = math.rsqrt %max3A_14 : vector<512x1xf32>
    %jit3A_16 = arith.constant 0.000000e+00 : f32
    %broadcast_in_dim3A_17 = vector.broadcast %jit3A_16 : f32 to vector<512x1xf32>
    %select_n3A_18 = arith.select %gt3A_11, %rsqrt3A_15, %broadcast_in_dim3A_17 : vector<512x1xi1>, vector<512x1xf32>
    %swap3A = arith.constant 0 : index
    %swap3A_19 = arith.constant 0 : index
    %swap3A_20 = vector.load %arg4[%swap3A, %swap3A_19] : memref<512x1xf32, #tpu.memory_space<vmem>>, vector<512x1xf32>
    tpu.vector_store %arg4[%swap3A, %swap3A_19], %select_n3A {strides = array<i32>} : memref<512x1xf32, #tpu.memory_space<vmem>>, vector<512x1xf32>,
    %swap3A_21 = arith.constant 0 : index
    %swap3A_22 = arith.constant 0 : index
    %swap3A_23 = vector.load %arg5[%swap3A_21, %swap3A_22] : memref<512x1xf32, #tpu.memory_space<vmem>>, vector<512x1xf32>
    tpu.vector_store %arg5[%swap3A_21, %swap3A_22], %select_n3A_18 {strides = array<i32>} : memref<512x1xf32, #tpu.memory_space<vmem>>, vector<512x1xf32>,
    %get3A_24 = arith.constant 0 : index
    %get3A_25 = arith.constant 0 : index
    %get3A_26 = vector.load %arg3[%get3A_24, %get3A_25] : memref<512x256xf32, #tpu.memory_space<vmem>>, vector<512x256xf32>
    %mul3A = vector.broadcast %select_n3A : vector<512x1xf32> to vector<512x256xf32>
    %mul3A_27 = arith.mulf %get3A_26, %mul3A : vector<512x256xf32>
    %swap3A_28 = arith.constant 0 : index
    %swap3A_29 = arith.constant 0 : index
    %swap3A_30 = vector.load %arg6[%swap3A_28, %swap3A_29] : memref<512x256xf32, #tpu.memory_space<vmem>>, vector<512x256xf32>
    tpu.vector_store %arg6[%swap3A_28, %swap3A_29], %mul3A_27 {strides = array<i32>} : memref<512x256xf32, #tpu.memory_space<vmem>>, vector<512x256xf32>,
    return
  }
  func.func @transform_0(%arg0: i32) -> (i32, i32) {
    %c0_i32 = arith.constant 0 : i32
    %c0_i32_0 = arith.constant 0 : i32
    return %arg0, %c0_i32 : i32, i32
  }
  func.func @transform_1(%arg0: i32) -> (i32, i32) {
    %c0_i32 = arith.constant 0 : i32
    %c0_i32_0 = arith.constant 0 : i32
    return %arg0, %c0_i32 : i32, i32
  }
  func.func @transform_2(%arg0: i32) -> (i32, i32) {
    %c0_i32 = arith.constant 0 : i32
    %c0_i32_0 = arith.constant 0 : i32
    return %arg0, %c0_i32 : i32, i32
  }
  func.func @transform_3(%arg0: i32) -> (i32, i32) {
    %c0_i32 = arith.constant 0 : i32
    %c0_i32_0 = arith.constant 0 : i32
    return %arg0, %c0_i32 : i32, i32
  }
  func.func @transform_4(%arg0: i32) -> (i32, i32) {
    %c0_i32 = arith.constant 0 : i32
    %c0_i32_0 = arith.constant 0 : i32
    return %arg0, %c0_i32 : i32, i32
  }
  func.func @transform_5(%arg0: i32) -> (i32, i32) {
    %c0_i32 = arith.constant 0 : i32
    %c0_i32_0 = arith.constant 0 : i32
    return %arg0, %c0_i32 : i32, i32
  }
}

module attributes {stable_mosaic.version = 14 : i64} {
  func.func @_cbn_body(%arg0: memref<1024x256xf32, #tpu.memory_space<vmem>>, %arg1: memref<1024x256xf32, #tpu.memory_space<vmem>>) attributes {dimension_semantics = [], scalar_prefetch = 0 : i64, scratch_operands = 0 : i64, tpu.core_type = #tpu.core_type<tc>} {
    %get3A = arith.constant 0 : index
    %get3A_0 = arith.constant 0 : index
    %get3A_1 = vector.load %arg0[%get3A, %get3A_0] : memref<1024x256xf32, #tpu.memory_space<vmem>>, vector<1024x256xf32>
    %mul3A = arith.mulf %get3A_1, %get3A_1 : vector<1024x256xf32>
    %reduce_sum3A = arith.constant dense<0.000000e+00> : vector<1024xf32>
    %reduce_sum3A_2 = vector.multi_reduction <add>, %mul3A, %reduce_sum3A [1] : vector<1024x256xf32> to vector<1024xf32>
    %broadcast_in_dim3A = vector.shape_cast %reduce_sum3A_2 : vector<1024xf32> to vector<1024x1xf32>
    %sqrt3A = math.sqrt %broadcast_in_dim3A : vector<1024x1xf32>
    %add3A = arith.constant 9.99999996E-13 : f32
    %add3A_3 = vector.broadcast %add3A : f32 to vector<1024x1xf32>
    %add3A_4 = arith.addf %sqrt3A, %add3A_3 : vector<1024x1xf32>
    %div3A = vector.broadcast %add3A_4 : vector<1024x1xf32> to vector<1024x256xf32>
    %div3A_5 = arith.divf %get3A_1, %div3A : vector<1024x256xf32>
    %swap3A = arith.constant 0 : index
    %swap3A_6 = arith.constant 0 : index
    %swap3A_7 = vector.load %arg1[%swap3A, %swap3A_6] : memref<1024x256xf32, #tpu.memory_space<vmem>>, vector<1024x256xf32>
    tpu.vector_store %arg1[%swap3A, %swap3A_6], %div3A_5 {strides = array<i32>} : memref<1024x256xf32, #tpu.memory_space<vmem>>, vector<1024x256xf32>,
    return
  }
}

module attributes {stable_mosaic.version = 14 : i64} {
  func.func @_pc1_body(%arg0: i32, %arg1: memref<512x256xf32, #tpu.memory_space<vmem>>, %arg2: memref<512x1xf32, #tpu.memory_space<vmem>>, %arg3: memref<256x256xf32, #tpu.memory_space<vmem>>, %arg4: memref<1x256xf32, #tpu.memory_space<vmem>>, %arg5: memref<512x256xf32, #tpu.memory_space<vmem>>, %arg6: memref<512x256xf32, #tpu.memory_space<vmem>>) attributes {dimension_semantics = [#tpu.dimension_semantics<arbitrary>], iteration_bounds = array<i64: 16>, scalar_prefetch = 0 : i64, scratch_operands = 0 : i64, tpu.core_type = #tpu.core_type<tc>, window_params = [{transform_indices = @transform_0, window_bounds = array<i64: 512, 256>}, {transform_indices = @transform_1, window_bounds = array<i64: 512, 1>}, {pipeline_mode = #tpu.pipeline_mode<synchronous>, transform_indices = @transform_2, window_bounds = array<i64: 256, 256>}, {pipeline_mode = #tpu.pipeline_mode<synchronous>, transform_indices = @transform_3, window_bounds = array<i64: 1, 256>}, {transform_indices = @transform_4, window_bounds = array<i64: 512, 256>}, {transform_indices = @transform_5, window_bounds = array<i64: 512, 256>}]} {
    %get3A = arith.constant 0 : index
    %get3A_0 = arith.constant 0 : index
    %get3A_1 = vector.load %arg1[%get3A, %get3A_0] : memref<512x256xf32, #tpu.memory_space<vmem>>, vector<512x256xf32>
    %get3A_2 = arith.constant 0 : index
    %get3A_3 = arith.constant 0 : index
    %get3A_4 = vector.load %arg2[%get3A_2, %get3A_3] : memref<512x1xf32, #tpu.memory_space<vmem>>, vector<512x1xf32>
    %mul3A = vector.broadcast %get3A_4 : vector<512x1xf32> to vector<512x256xf32>
    %mul3A_5 = arith.mulf %get3A_1, %mul3A : vector<512x256xf32>
    %get3A_6 = arith.constant 0 : index
    %get3A_7 = arith.constant 0 : index
    %get3A_8 = vector.load %arg3[%get3A_6, %get3A_7] : memref<256x256xf32, #tpu.memory_space<vmem>>, vector<256x256xf32>
    %dot_general3A = arith.constant dense<0.000000e+00> : vector<512x256xf32>
    %dot_general3A_9 = tpu.matmul %mul3A_5, %get3A_8, %dot_general3A {dimension_numbers = #tpu.dot_dimension_numbers<[1], [0], [0], [1], [0, 0, 1, 1], [], []>, transpose_lhs_hint = false} : vector<512x256xf32>, vector<256x256xf32>, vector<512x256xf32> -> vector<512x256xf32>
    %get3A_10 = arith.constant 0 : index
    %get3A_11 = arith.constant 0 : index
    %get3A_12 = vector.load %arg4[%get3A_10, %get3A_11] : memref<1x256xf32, #tpu.memory_space<vmem>>, vector<1x256xf32>
    %add3A = vector.broadcast %get3A_12 : vector<1x256xf32> to vector<512x256xf32>
    %add3A_13 = arith.addf %dot_general3A_9, %add3A : vector<512x256xf32>
    %max3A = arith.constant 0.000000e+00 : f32
    %max3A_14 = vector.broadcast %max3A : f32 to vector<512x256xf32>
    %max3A_15 = arith.maximumf %add3A_13, %max3A_14 : vector<512x256xf32>
    %swap3A = arith.constant 0 : index
    %swap3A_16 = arith.constant 0 : index
    %swap3A_17 = vector.load %arg5[%swap3A, %swap3A_16] : memref<512x256xf32, #tpu.memory_space<vmem>>, vector<512x256xf32>
    tpu.vector_store %arg5[%swap3A, %swap3A_16], %max3A_15 {strides = array<i32>} : memref<512x256xf32, #tpu.memory_space<vmem>>, vector<512x256xf32>,
    %mul3A_18 = arith.mulf %max3A_15, %max3A_15 : vector<512x256xf32>
    %reduce_sum3A = arith.constant dense<0.000000e+00> : vector<512xf32>
    %reduce_sum3A_19 = vector.multi_reduction <add>, %mul3A_18, %reduce_sum3A [1] : vector<512x256xf32> to vector<512xf32>
    %broadcast_in_dim3A = vector.shape_cast %reduce_sum3A_19 : vector<512xf32> to vector<512x1xf32>
    %sqrt3A = math.sqrt %broadcast_in_dim3A : vector<512x1xf32>
    %add3A_20 = arith.constant 9.99999996E-13 : f32
    %add3A_21 = vector.broadcast %add3A_20 : f32 to vector<512x1xf32>
    %add3A_22 = arith.addf %sqrt3A, %add3A_21 : vector<512x1xf32>
    %div3A = vector.broadcast %add3A_22 : vector<512x1xf32> to vector<512x256xf32>
    %div3A_23 = arith.divf %max3A_15, %div3A : vector<512x256xf32>
    %swap3A_24 = arith.constant 0 : index
    %swap3A_25 = arith.constant 0 : index
    %swap3A_26 = vector.load %arg6[%swap3A_24, %swap3A_25] : memref<512x256xf32, #tpu.memory_space<vmem>>, vector<512x256xf32>
    tpu.vector_store %arg6[%swap3A_24, %swap3A_25], %div3A_23 {strides = array<i32>} : memref<512x256xf32, #tpu.memory_space<vmem>>, vector<512x256xf32>,
    return
  }
  func.func @transform_0(%arg0: i32) -> (i32, i32) {
    %c0_i32 = arith.constant 0 : i32
    %c0_i32_0 = arith.constant 0 : i32
    return %arg0, %c0_i32 : i32, i32
  }
  func.func @transform_1(%arg0: i32) -> (i32, i32) {
    %c0_i32 = arith.constant 0 : i32
    %c0_i32_0 = arith.constant 0 : i32
    return %arg0, %c0_i32 : i32, i32
  }
  func.func @transform_2(%arg0: i32) -> (i32, i32) {
    %c0_i32 = arith.constant 0 : i32
    %c0_i32_0 = arith.constant 0 : i32
    %c0_i32_1 = arith.constant 0 : i32
    return %c0_i32, %c0_i32_0 : i32, i32
  }
  func.func @transform_3(%arg0: i32) -> (i32, i32) {
    %c0_i32 = arith.constant 0 : i32
    %c0_i32_0 = arith.constant 0 : i32
    %c0_i32_1 = arith.constant 0 : i32
    return %c0_i32, %c0_i32_0 : i32, i32
  }
  func.func @transform_4(%arg0: i32) -> (i32, i32) {
    %c0_i32 = arith.constant 0 : i32
    %c0_i32_0 = arith.constant 0 : i32
    return %arg0, %c0_i32 : i32, i32
  }
  func.func @transform_5(%arg0: i32) -> (i32, i32) {
    %c0_i32 = arith.constant 0 : i32
    %c0_i32_0 = arith.constant 0 : i32
    return %arg0, %c0_i32 : i32, i32
  }
}

module attributes {stable_mosaic.version = 14 : i64} {
  func.func @_vq_body(%arg0: i32, %arg1: memref<512x256xf32, #tpu.memory_space<vmem>>, %arg2: memref<512x256xf32, #tpu.memory_space<vmem>>, %arg3: memref<1024x256xf32, #tpu.memory_space<vmem>>, %arg4: memref<512x1024xf32, #tpu.memory_space<vmem>>, %arg5: memref<512x256xf32, #tpu.memory_space<vmem>>, %arg6: memref<1x1xf32, #tpu.memory_space<vmem>>) attributes {dimension_semantics = [#tpu.dimension_semantics<arbitrary>], iteration_bounds = array<i64: 16>, scalar_prefetch = 0 : i64, scratch_operands = 0 : i64, tpu.core_type = #tpu.core_type<tc>, window_params = [{transform_indices = @transform_0, window_bounds = array<i64: 512, 256>}, {transform_indices = @transform_1, window_bounds = array<i64: 512, 256>}, {pipeline_mode = #tpu.pipeline_mode<synchronous>, transform_indices = @transform_2, window_bounds = array<i64: 1024, 256>}, {transform_indices = @transform_3, window_bounds = array<i64: 512, 1024>}, {transform_indices = @transform_4, window_bounds = array<i64: 512, 256>}, {pipeline_mode = #tpu.pipeline_mode<synchronous>, transform_indices = @transform_5, window_bounds = array<i64: 1, 1>}]} {
    %get3A = arith.constant 0 : index
    %get3A_0 = arith.constant 0 : index
    %get3A_1 = vector.load %arg1[%get3A, %get3A_0] : memref<512x256xf32, #tpu.memory_space<vmem>>, vector<512x256xf32>
    %get3A_2 = arith.constant 0 : index
    %get3A_3 = arith.constant 0 : index
    %get3A_4 = vector.load %arg3[%get3A_2, %get3A_3] : memref<1024x256xf32, #tpu.memory_space<vmem>>, vector<1024x256xf32>
    %dot_general3A = arith.constant dense<0.000000e+00> : vector<512x1024xf32>
    %dot_general3A_5 = tpu.matmul %get3A_1, %get3A_4, %dot_general3A {dimension_numbers = #tpu.dot_dimension_numbers<[1], [1], [0], [0], [0, 0, 1, 0], [], []>, transpose_lhs_hint = false} : vector<512x256xf32>, vector<1024x256xf32>, vector<512x1024xf32> -> vector<512x1024xf32>
    %swap3A = arith.constant 0 : index
    %swap3A_6 = arith.constant 0 : index
    %swap3A_7 = vector.load %arg4[%swap3A, %swap3A_6] : memref<512x1024xf32, #tpu.memory_space<vmem>>, vector<512x1024xf32>
    tpu.vector_store %arg4[%swap3A, %swap3A_6], %dot_general3A_5 {strides = array<i32>} : memref<512x1024xf32, #tpu.memory_space<vmem>>, vector<512x1024xf32>,
    %reduce_max3A = arith.constant dense<0xFF800000> : vector<512xf32>
    %reduce_max3A_8 = vector.multi_reduction <maximumf>, %dot_general3A_5, %reduce_max3A [1] : vector<512x1024xf32> to vector<512xf32>
    %broadcast_in_dim3A = vector.shape_cast %reduce_max3A_8 : vector<512xf32> to vector<512x1xf32>
    %iota3A = tpu.iota {dimensions = array<i32: 1>} : vector<512x1024xi32>
    %ge3A = vector.broadcast %broadcast_in_dim3A : vector<512x1xf32> to vector<512x1024xf32>
    %ge3A_9 = arith.cmpf oge, %dot_general3A_5, %ge3A : vector<512x1024xf32>
    %jit3A = arith.constant 1024 : i32
    %broadcast_in_dim3A_10 = vector.broadcast %jit3A : i32 to vector<512x1024xi32>
    %select_n3A = arith.select %ge3A_9, %iota3A, %broadcast_in_dim3A_10 : vector<512x1024xi1>, vector<512x1024xi32>
    %reduce_min3A = arith.constant dense<2147483647> : vector<512xi32>
    %reduce_min3A_11 = vector.multi_reduction <minsi>, %select_n3A, %reduce_min3A [1] : vector<512x1024xi32> to vector<512xi32>
    %broadcast_in_dim3A_12 = vector.shape_cast %reduce_min3A_11 : vector<512xi32> to vector<512x1xi32>
    %eq3A = vector.broadcast %broadcast_in_dim3A_12 : vector<512x1xi32> to vector<512x1024xi32>
    %eq3A_13 = arith.cmpi eq, %iota3A, %eq3A : vector<512x1024xi32>
    %convert_element_type3A = arith.extui %eq3A_13 : vector<512x1024xi1> to vector<512x1024xi32>
    %convert_element_type3A_14 = arith.sitofp %convert_element_type3A : vector<512x1024xi32> to vector<512x1024xf32>
    %dot_general3A_15 = arith.constant dense<0.000000e+00> : vector<512x256xf32>
    %dot_general3A_16 = tpu.matmul %convert_element_type3A_14, %get3A_4, %dot_general3A_15 {dimension_numbers = #tpu.dot_dimension_numbers<[1], [0], [0], [1], [0, 0, 1, 1], [], []>, precision = #tpu.contract_precision<fp32>, transpose_lhs_hint = false} : vector<512x1024xf32>, vector<1024x256xf32>, vector<512x256xf32> -> vector<512x256xf32>
    %swap3A_17 = arith.constant 0 : index
    %swap3A_18 = arith.constant 0 : index
    %swap3A_19 = vector.load %arg5[%swap3A_17, %swap3A_18] : memref<512x256xf32, #tpu.memory_space<vmem>>, vector<512x256xf32>
    tpu.vector_store %arg5[%swap3A_17, %swap3A_18], %dot_general3A_16 {strides = array<i32>} : memref<512x256xf32, #tpu.memory_space<vmem>>, vector<512x256xf32>,
    %get3A_20 = arith.constant 0 : index
    %get3A_21 = arith.constant 0 : index
    %get3A_22 = vector.load %arg2[%get3A_20, %get3A_21] : memref<512x256xf32, #tpu.memory_space<vmem>>, vector<512x256xf32>
    %sub3A = arith.subf %dot_general3A_16, %get3A_22 : vector<512x256xf32>
    %eq3A_23 = arith.constant 0 : i32
    %eq3A_24 = arith.cmpi eq, %arg0, %eq3A_23 : i32
    %convert_element_type3A_25 = arith.extui %eq3A_24 : i1 to i32
    %cond3A = arith.constant 0 : i32
    %cond3A_26 = arith.cmpi ne, %convert_element_type3A_25, %cond3A : i32
    scf.if %cond3A_26 {
      %broadcast_in_dim3A_38 = arith.constant 0.000000e+00 : f32
      %broadcast_in_dim3A_39 = vector.broadcast %broadcast_in_dim3A_38 : f32 to vector<1x1xf32>
      %swap3A_40 = arith.constant 0 : index
      %swap3A_41 = arith.constant 0 : index
      %swap3A_42 = vector.load %arg6[%swap3A_40, %swap3A_41] : memref<1x1xf32, #tpu.memory_space<vmem>>, vector<1x1xf32>
      tpu.vector_store %arg6[%swap3A_40, %swap3A_41], %broadcast_in_dim3A_39 {strides = array<i32>} : memref<1x1xf32, #tpu.memory_space<vmem>>, vector<1x1xf32>,
    } else {
    }
    %get3A_27 = arith.constant 0 : index
    %get3A_28 = arith.constant 0 : index
    %get3A_29 = vector.load %arg6[%get3A_27, %get3A_28] : memref<1x1xf32, #tpu.memory_space<vmem>>, vector<1x1xf32>
    %mul3A = arith.mulf %sub3A, %sub3A : vector<512x256xf32>
    %reduce_sum3A = vector.shape_cast %mul3A : vector<512x256xf32> to vector<1x512x256xf32>
    %reduce_sum3A_30 = arith.constant dense<0.000000e+00> : vector<1xf32>
    %reduce_sum3A_31 = vector.multi_reduction <add>, %reduce_sum3A, %reduce_sum3A_30 [1, 2] : vector<1x512x256xf32> to vector<1xf32>
    %reduce_sum3A_32 = vector.shape_cast %reduce_sum3A_31 : vector<1xf32> to vector<1x1x1xf32>
    %reduce_sum3A_33 = vector.extract %reduce_sum3A_32[0, 0, 0] : f32 from vector<1x1x1xf32>
    %add3A = vector.broadcast %reduce_sum3A_33 : f32 to vector<1x1xf32>
    %add3A_34 = arith.addf %get3A_29, %add3A : vector<1x1xf32>
    %swap3A_35 = arith.constant 0 : index
    %swap3A_36 = arith.constant 0 : index
    %swap3A_37 = vector.load %arg6[%swap3A_35, %swap3A_36] : memref<1x1xf32, #tpu.memory_space<vmem>>, vector<1x1xf32>
    tpu.vector_store %arg6[%swap3A_35, %swap3A_36], %add3A_34 {strides = array<i32>} : memref<1x1xf32, #tpu.memory_space<vmem>>, vector<1x1xf32>,
    return
  }
  func.func @transform_0(%arg0: i32) -> (i32, i32) {
    %c0_i32 = arith.constant 0 : i32
    %c0_i32_0 = arith.constant 0 : i32
    return %arg0, %c0_i32 : i32, i32
  }
  func.func @transform_1(%arg0: i32) -> (i32, i32) {
    %c0_i32 = arith.constant 0 : i32
    %c0_i32_0 = arith.constant 0 : i32
    return %arg0, %c0_i32 : i32, i32
  }
  func.func @transform_2(%arg0: i32) -> (i32, i32) {
    %c0_i32 = arith.constant 0 : i32
    %c0_i32_0 = arith.constant 0 : i32
    %c0_i32_1 = arith.constant 0 : i32
    return %c0_i32, %c0_i32_0 : i32, i32
  }
  func.func @transform_3(%arg0: i32) -> (i32, i32) {
    %c0_i32 = arith.constant 0 : i32
    %c0_i32_0 = arith.constant 0 : i32
    return %arg0, %c0_i32 : i32, i32
  }
  func.func @transform_4(%arg0: i32) -> (i32, i32) {
    %c0_i32 = arith.constant 0 : i32
    %c0_i32_0 = arith.constant 0 : i32
    return %arg0, %c0_i32 : i32, i32
  }
  func.func @transform_5(%arg0: i32) -> (i32, i32) {
    %c0_i32 = arith.constant 0 : i32
    %c0_i32_0 = arith.constant 0 : i32
    %c0_i32_1 = arith.constant 0 : i32
    return %c0_i32, %c0_i32_0 : i32, i32
  }
}

module attributes {stable_mosaic.version = 14 : i64} {
  func.func @_dec_body(%arg0: i32, %arg1: memref<512x256xf32, #tpu.memory_space<vmem>>, %arg2: memref<512x256xf32, #tpu.memory_space<vmem>>, %arg3: memref<512x1xf32, #tpu.memory_space<vmem>>, %arg4: memref<256x256xf32, #tpu.memory_space<vmem>>, %arg5: memref<1x256xf32, #tpu.memory_space<vmem>>, %arg6: memref<256x256xf32, #tpu.memory_space<vmem>>, %arg7: memref<1x256xf32, #tpu.memory_space<vmem>>, %arg8: memref<512x256xf32, #tpu.memory_space<vmem>>, %arg9: memref<512x256xf32, #tpu.memory_space<vmem>>, %arg10: memref<1x1xf32, #tpu.memory_space<vmem>>, %arg11: memref<1x256xf32, #tpu.memory_space<vmem>>, %arg12: memref<256x256xf32, #tpu.memory_space<vmem>>) attributes {dimension_semantics = [#tpu.dimension_semantics<arbitrary>], iteration_bounds = array<i64: 16>, scalar_prefetch = 0 : i64, scratch_operands = 0 : i64, tpu.core_type = #tpu.core_type<tc>, window_params = [{transform_indices = @transform_0, window_bounds = array<i64: 512, 256>}, {transform_indices = @transform_1, window_bounds = array<i64: 512, 256>}, {transform_indices = @transform_2, window_bounds = array<i64: 512, 1>}, {pipeline_mode = #tpu.pipeline_mode<synchronous>, transform_indices = @transform_3, window_bounds = array<i64: 256, 256>}, {pipeline_mode = #tpu.pipeline_mode<synchronous>, transform_indices = @transform_4, window_bounds = array<i64: 1, 256>}, {pipeline_mode = #tpu.pipeline_mode<synchronous>, transform_indices = @transform_5, window_bounds = array<i64: 256, 256>}, {pipeline_mode = #tpu.pipeline_mode<synchronous>, transform_indices = @transform_6, window_bounds = array<i64: 1, 256>}, {transform_indices = @transform_7, window_bounds = array<i64: 512, 256>}, {transform_indices = @transform_8, window_bounds = array<i64: 512, 256>}, {pipeline_mode = #tpu.pipeline_mode<synchronous>, transform_indices = @transform_9, window_bounds = array<i64: 1, 1>}, {pipeline_mode = #tpu.pipeline_mode<synchronous>, transform_indices = @transform_10, window_bounds = array<i64: 1, 256>}, {pipeline_mode = #tpu.pipeline_mode<synchronous>, transform_indices = @transform_11, window_bounds = array<i64: 256, 256>}]} {
    %get3A = arith.constant 0 : index
    %get3A_0 = arith.constant 0 : index
    %get3A_1 = vector.load %arg1[%get3A, %get3A_0] : memref<512x256xf32, #tpu.memory_space<vmem>>, vector<512x256xf32>
    %get3A_2 = arith.constant 0 : index
    %get3A_3 = arith.constant 0 : index
    %get3A_4 = vector.load %arg4[%get3A_2, %get3A_3] : memref<256x256xf32, #tpu.memory_space<vmem>>, vector<256x256xf32>
    %dot_general3A = arith.constant dense<0.000000e+00> : vector<512x256xf32>
    %dot_general3A_5 = tpu.matmul %get3A_1, %get3A_4, %dot_general3A {dimension_numbers = #tpu.dot_dimension_numbers<[1], [0], [0], [1], [0, 0, 1, 1], [], []>, transpose_lhs_hint = false} : vector<512x256xf32>, vector<256x256xf32>, vector<512x256xf32> -> vector<512x256xf32>
    %get3A_6 = arith.constant 0 : index
    %get3A_7 = arith.constant 0 : index
    %get3A_8 = vector.load %arg5[%get3A_6, %get3A_7] : memref<1x256xf32, #tpu.memory_space<vmem>>, vector<1x256xf32>
    %add3A = vector.broadcast %get3A_8 : vector<1x256xf32> to vector<512x256xf32>
    %add3A_9 = arith.addf %dot_general3A_5, %add3A : vector<512x256xf32>
    %get3A_10 = arith.constant 0 : index
    %get3A_11 = arith.constant 0 : index
    %get3A_12 = vector.load %arg6[%get3A_10, %get3A_11] : memref<256x256xf32, #tpu.memory_space<vmem>>, vector<256x256xf32>
    %dot_general3A_13 = arith.constant dense<0.000000e+00> : vector<512x256xf32>
    %dot_general3A_14 = tpu.matmul %get3A_1, %get3A_12, %dot_general3A_13 {dimension_numbers = #tpu.dot_dimension_numbers<[1], [0], [0], [1], [0, 0, 1, 1], [], []>, transpose_lhs_hint = false} : vector<512x256xf32>, vector<256x256xf32>, vector<512x256xf32> -> vector<512x256xf32>
    %get3A_15 = arith.constant 0 : index
    %get3A_16 = arith.constant 0 : index
    %get3A_17 = vector.load %arg7[%get3A_15, %get3A_16] : memref<1x256xf32, #tpu.memory_space<vmem>>, vector<1x256xf32>
    %add3A_18 = vector.broadcast %get3A_17 : vector<1x256xf32> to vector<512x256xf32>
    %add3A_19 = arith.addf %dot_general3A_14, %add3A_18 : vector<512x256xf32>
    %swap3A = arith.constant 0 : index
    %swap3A_20 = arith.constant 0 : index
    %swap3A_21 = vector.load %arg8[%swap3A, %swap3A_20] : memref<512x256xf32, #tpu.memory_space<vmem>>, vector<512x256xf32>
    tpu.vector_store %arg8[%swap3A, %swap3A_20], %add3A_9 {strides = array<i32>} : memref<512x256xf32, #tpu.memory_space<vmem>>, vector<512x256xf32>,
    %get3A_22 = arith.constant 0 : index
    %get3A_23 = arith.constant 0 : index
    %get3A_24 = vector.load %arg3[%get3A_22, %get3A_23] : memref<512x1xf32, #tpu.memory_space<vmem>>, vector<512x1xf32>
    %mul3A = vector.broadcast %get3A_24 : vector<512x1xf32> to vector<512x256xf32>
    %mul3A_25 = arith.mulf %add3A_9, %mul3A : vector<512x256xf32>
    %swap3A_26 = arith.constant 0 : index
    %swap3A_27 = arith.constant 0 : index
    %swap3A_28 = vector.load %arg9[%swap3A_26, %swap3A_27] : memref<512x256xf32, #tpu.memory_space<vmem>>, vector<512x256xf32>
    tpu.vector_store %arg9[%swap3A_26, %swap3A_27], %mul3A_25 {strides = array<i32>} : memref<512x256xf32, #tpu.memory_space<vmem>>, vector<512x256xf32>,
    %get3A_29 = arith.constant 0 : index
    %get3A_30 = arith.constant 0 : index
    %get3A_31 = vector.load %arg2[%get3A_29, %get3A_30] : memref<512x256xf32, #tpu.memory_space<vmem>>, vector<512x256xf32>
    %sub3A = arith.subf %get3A_31, %add3A_19 : vector<512x256xf32>
    %eq3A = arith.constant 0 : i32
    %eq3A_32 = arith.cmpi eq, %arg0, %eq3A : i32
    %convert_element_type3A = arith.extui %eq3A_32 : i1 to i32
    %cond3A = arith.constant 0 : i32
    %cond3A_33 = arith.cmpi ne, %convert_element_type3A, %cond3A : i32
    scf.if %cond3A_33 {
      %broadcast_in_dim3A_65 = arith.constant 0.000000e+00 : f32
      %broadcast_in_dim3A_66 = vector.broadcast %broadcast_in_dim3A_65 : f32 to vector<1x1xf32>
      %swap3A_67 = arith.constant 0 : index
      %swap3A_68 = arith.constant 0 : index
      %swap3A_69 = vector.load %arg10[%swap3A_67, %swap3A_68] : memref<1x1xf32, #tpu.memory_space<vmem>>, vector<1x1xf32>
      tpu.vector_store %arg10[%swap3A_67, %swap3A_68], %broadcast_in_dim3A_66 {strides = array<i32>} : memref<1x1xf32, #tpu.memory_space<vmem>>, vector<1x1xf32>,
      %broadcast_in_dim3A_70 = arith.constant 0.000000e+00 : f32
      %broadcast_in_dim3A_71 = vector.broadcast %broadcast_in_dim3A_70 : f32 to vector<1x256xf32>
      %swap3A_72 = arith.constant 0 : index
      %swap3A_73 = arith.constant 0 : index
      %swap3A_74 = vector.load %arg11[%swap3A_72, %swap3A_73] : memref<1x256xf32, #tpu.memory_space<vmem>>, vector<1x256xf32>
      tpu.vector_store %arg11[%swap3A_72, %swap3A_73], %broadcast_in_dim3A_71 {strides = array<i32>} : memref<1x256xf32, #tpu.memory_space<vmem>>, vector<1x256xf32>,
      %broadcast_in_dim3A_75 = arith.constant 0.000000e+00 : f32
      %broadcast_in_dim3A_76 = vector.broadcast %broadcast_in_dim3A_75 : f32 to vector<256x256xf32>
      %swap3A_77 = arith.constant 0 : index
      %swap3A_78 = arith.constant 0 : index
      %swap3A_79 = vector.load %arg12[%swap3A_77, %swap3A_78] : memref<256x256xf32, #tpu.memory_space<vmem>>, vector<256x256xf32>
      tpu.vector_store %arg12[%swap3A_77, %swap3A_78], %broadcast_in_dim3A_76 {strides = array<i32>} : memref<256x256xf32, #tpu.memory_space<vmem>>, vector<256x256xf32>,
    } else {
    }
    %get3A_34 = arith.constant 0 : index
    %get3A_35 = arith.constant 0 : index
    %get3A_36 = vector.load %arg10[%get3A_34, %get3A_35] : memref<1x1xf32, #tpu.memory_space<vmem>>, vector<1x1xf32>
    %mul3A_37 = arith.mulf %sub3A, %sub3A : vector<512x256xf32>
    %reduce_sum3A = vector.shape_cast %mul3A_37 : vector<512x256xf32> to vector<1x512x256xf32>
    %reduce_sum3A_38 = arith.constant dense<0.000000e+00> : vector<1xf32>
    %reduce_sum3A_39 = vector.multi_reduction <add>, %reduce_sum3A, %reduce_sum3A_38 [1, 2] : vector<1x512x256xf32> to vector<1xf32>
    %reduce_sum3A_40 = vector.shape_cast %reduce_sum3A_39 : vector<1xf32> to vector<1x1x1xf32>
    %reduce_sum3A_41 = vector.extract %reduce_sum3A_40[0, 0, 0] : f32 from vector<1x1x1xf32>
    %add3A_42 = vector.broadcast %reduce_sum3A_41 : f32 to vector<1x1xf32>
    %add3A_43 = arith.addf %get3A_36, %add3A_42 : vector<1x1xf32>
    %swap3A_44 = arith.constant 0 : index
    %swap3A_45 = arith.constant 0 : index
    %swap3A_46 = vector.load %arg10[%swap3A_44, %swap3A_45] : memref<1x1xf32, #tpu.memory_space<vmem>>, vector<1x1xf32>
    tpu.vector_store %arg10[%swap3A_44, %swap3A_45], %add3A_43 {strides = array<i32>} : memref<1x1xf32, #tpu.memory_space<vmem>>, vector<1x1xf32>,
    %get3A_47 = arith.constant 0 : index
    %get3A_48 = arith.constant 0 : index
    %get3A_49 = vector.load %arg11[%get3A_47, %get3A_48] : memref<1x256xf32, #tpu.memory_space<vmem>>, vector<1x256xf32>
    %reduce_sum3A_50 = arith.constant dense<0.000000e+00> : vector<256xf32>
    %reduce_sum3A_51 = vector.multi_reduction <add>, %add3A_9, %reduce_sum3A_50 [0] : vector<512x256xf32> to vector<256xf32>
    %broadcast_in_dim3A = vector.shape_cast %reduce_sum3A_51 : vector<256xf32> to vector<1x256xf32>
    %add3A_52 = arith.addf %get3A_49, %broadcast_in_dim3A : vector<1x256xf32>
    %swap3A_53 = arith.constant 0 : index
    %swap3A_54 = arith.constant 0 : index
    %swap3A_55 = vector.load %arg11[%swap3A_53, %swap3A_54] : memref<1x256xf32, #tpu.memory_space<vmem>>, vector<1x256xf32>
    tpu.vector_store %arg11[%swap3A_53, %swap3A_54], %add3A_52 {strides = array<i32>} : memref<1x256xf32, #tpu.memory_space<vmem>>, vector<1x256xf32>,
    %get3A_56 = arith.constant 0 : index
    %get3A_57 = arith.constant 0 : index
    %get3A_58 = vector.load %arg12[%get3A_56, %get3A_57] : memref<256x256xf32, #tpu.memory_space<vmem>>, vector<256x256xf32>
    %dot_general3A_59 = arith.constant dense<0.000000e+00> : vector<256x256xf32>
    %dot_general3A_60 = tpu.matmul %add3A_9, %add3A_9, %dot_general3A_59 {dimension_numbers = #tpu.dot_dimension_numbers<[0], [0], [1], [1], [0, 1, 1, 1], [], []>, transpose_lhs_hint = false} : vector<512x256xf32>, vector<512x256xf32>, vector<256x256xf32> -> vector<256x256xf32>
    %add3A_61 = arith.addf %get3A_58, %dot_general3A_60 : vector<256x256xf32>
    %swap3A_62 = arith.constant 0 : index
    %swap3A_63 = arith.constant 0 : index
    %swap3A_64 = vector.load %arg12[%swap3A_62, %swap3A_63] : memref<256x256xf32, #tpu.memory_space<vmem>>, vector<256x256xf32>
    tpu.vector_store %arg12[%swap3A_62, %swap3A_63], %add3A_61 {strides = array<i32>} : memref<256x256xf32, #tpu.memory_space<vmem>>, vector<256x256xf32>,
    return
  }
  func.func @transform_0(%arg0: i32) -> (i32, i32) {
    %c0_i32 = arith.constant 0 : i32
    %c0_i32_0 = arith.constant 0 : i32
    return %arg0, %c0_i32 : i32, i32
  }
  func.func @transform_1(%arg0: i32) -> (i32, i32) {
    %c0_i32 = arith.constant 0 : i32
    %c0_i32_0 = arith.constant 0 : i32
    return %arg0, %c0_i32 : i32, i32
  }
  func.func @transform_2(%arg0: i32) -> (i32, i32) {
    %c0_i32 = arith.constant 0 : i32
    %c0_i32_0 = arith.constant 0 : i32
    return %arg0, %c0_i32 : i32, i32
  }
  func.func @transform_3(%arg0: i32) -> (i32, i32) {
    %c0_i32 = arith.constant 0 : i32
    %c0_i32_0 = arith.constant 0 : i32
    %c0_i32_1 = arith.constant 0 : i32
    return %c0_i32, %c0_i32_0 : i32, i32
  }
  func.func @transform_4(%arg0: i32) -> (i32, i32) {
    %c0_i32 = arith.constant 0 : i32
    %c0_i32_0 = arith.constant 0 : i32
    %c0_i32_1 = arith.constant 0 : i32
    return %c0_i32, %c0_i32_0 : i32, i32
  }
  func.func @transform_5(%arg0: i32) -> (i32, i32) {
    %c0_i32 = arith.constant 0 : i32
    %c0_i32_0 = arith.constant 0 : i32
    %c0_i32_1 = arith.constant 0 : i32
    return %c0_i32, %c0_i32_0 : i32, i32
  }
  func.func @transform_6(%arg0: i32) -> (i32, i32) {
    %c0_i32 = arith.constant 0 : i32
    %c0_i32_0 = arith.constant 0 : i32
    %c0_i32_1 = arith.constant 0 : i32
    return %c0_i32, %c0_i32_0 : i32, i32
  }
  func.func @transform_7(%arg0: i32) -> (i32, i32) {
    %c0_i32 = arith.constant 0 : i32
    %c0_i32_0 = arith.constant 0 : i32
    return %arg0, %c0_i32 : i32, i32
  }
  func.func @transform_8(%arg0: i32) -> (i32, i32) {
    %c0_i32 = arith.constant 0 : i32
    %c0_i32_0 = arith.constant 0 : i32
    return %arg0, %c0_i32 : i32, i32
  }
  func.func @transform_9(%arg0: i32) -> (i32, i32) {
    %c0_i32 = arith.constant 0 : i32
    %c0_i32_0 = arith.constant 0 : i32
    %c0_i32_1 = arith.constant 0 : i32
    return %c0_i32, %c0_i32_0 : i32, i32
  }
  func.func @transform_10(%arg0: i32) -> (i32, i32) {
    %c0_i32 = arith.constant 0 : i32
    %c0_i32_0 = arith.constant 0 : i32
    %c0_i32_1 = arith.constant 0 : i32
    return %c0_i32, %c0_i32_0 : i32, i32
  }
  func.func @transform_11(%arg0: i32) -> (i32, i32) {
    %c0_i32 = arith.constant 0 : i32
    %c0_i32_0 = arith.constant 0 : i32
    %c0_i32_1 = arith.constant 0 : i32
    return %c0_i32, %c0_i32_0 : i32, i32
  }
}

module attributes {stable_mosaic.version = 14 : i64} {
  func.func @_keys_body(%arg0: memref<2x131072xi32, #tpu.memory_space<vmem>>, %arg1: memref<1x131072xi32, #tpu.memory_space<vmem>>) attributes {dimension_semantics = [], scalar_prefetch = 0 : i64, scratch_operands = 0 : i64, tpu.core_type = #tpu.core_type<tc>} {
    %get3A = arith.constant 0 : index
    %get3A_0 = arith.constant 0 : index
    %get3A_1 = vector.load %arg0[%get3A, %get3A_0] : memref<2x131072xi32, #tpu.memory_space<vmem>>, vector<1x131072xi32>
    %mul3A = arith.constant 8192 : i32
    %mul3A_2 = vector.broadcast %mul3A : i32 to vector<1x131072xi32>
    %mul3A_3 = arith.muli %get3A_1, %mul3A_2 : vector<1x131072xi32>
    %get3A_4 = arith.constant 1 : index
    %get3A_5 = arith.constant 0 : index
    %get3A_6 = vector.load %arg0[%get3A_4, %get3A_5] : memref<2x131072xi32, #tpu.memory_space<vmem>>, vector<1x131072xi32>
    %add3A = arith.addi %mul3A_3, %get3A_6 : vector<1x131072xi32>
    %swap3A = arith.constant 0 : index
    %swap3A_7 = arith.constant 0 : index
    %swap3A_8 = vector.load %arg1[%swap3A, %swap3A_7] : memref<1x131072xi32, #tpu.memory_space<vmem>>, vector<1x131072xi32>
    tpu.vector_store %arg1[%swap3A, %swap3A_7], %add3A {strides = array<i32>} : memref<1x131072xi32, #tpu.memory_space<vmem>>, vector<1x131072xi32>,
    return
  }
}

module attributes {stable_mosaic.version = 14 : i64} {
  func.func @_mask_body(%arg0: memref<1024x128xi32, #tpu.memory_space<vmem>>, %arg1: memref<1024x128xi32, #tpu.memory_space<vmem>>, %arg2: memref<1024x128xi32, #tpu.memory_space<vmem>>, %arg3: memref<1024x128xi32, #tpu.memory_space<vmem>>, %arg4: memref<1x1xf32, #tpu.memory_space<vmem>>) attributes {dimension_semantics = [], scalar_prefetch = 0 : i64, scratch_operands = 0 : i64, tpu.core_type = #tpu.core_type<tc>} {
    %get3A = arith.constant 0 : index
    %get3A_0 = arith.constant 0 : index
    %get3A_1 = vector.load %arg0[%get3A, %get3A_0] : memref<1024x128xi32, #tpu.memory_space<vmem>>, vector<1024x128xi32>
    %get3A_2 = arith.constant 0 : index
    %get3A_3 = arith.constant 0 : index
    %get3A_4 = vector.load %arg1[%get3A_2, %get3A_3] : memref<1024x128xi32, #tpu.memory_space<vmem>>, vector<1024x128xi32>
    %ne3A = arith.cmpi ne, %get3A_1, %get3A_4 : vector<1024x128xi32>
    %shift_right_logical3A = arith.constant 13 : i32
    %shift_right_logical3A_5 = vector.broadcast %shift_right_logical3A : i32 to vector<1024x128xi32>
    %shift_right_logical3A_6 = arith.shrui %get3A_1, %shift_right_logical3A_5 : vector<1024x128xi32>
    %swap3A = arith.constant 0 : index
    %swap3A_7 = arith.constant 0 : index
    %swap3A_8 = vector.load %arg2[%swap3A, %swap3A_7] : memref<1024x128xi32, #tpu.memory_space<vmem>>, vector<1024x128xi32>
    tpu.vector_store %arg2[%swap3A, %swap3A_7], %shift_right_logical3A_6 {strides = array<i32>} : memref<1024x128xi32, #tpu.memory_space<vmem>>, vector<1024x128xi32>,
    %and3A = arith.constant 8191 : i32
    %and3A_9 = vector.broadcast %and3A : i32 to vector<1024x128xi32>
    %and3A_10 = arith.andi %get3A_1, %and3A_9 : vector<1024x128xi32>
    %jit3A = arith.constant 1048576 : i32
    %broadcast_in_dim3A = vector.broadcast %jit3A : i32 to vector<1024x128xi32>
    %select_n3A = arith.select %ne3A, %and3A_10, %broadcast_in_dim3A : vector<1024x128xi1>, vector<1024x128xi32>
    %swap3A_11 = arith.constant 0 : index
    %swap3A_12 = arith.constant 0 : index
    %swap3A_13 = vector.load %arg3[%swap3A_11, %swap3A_12] : memref<1024x128xi32, #tpu.memory_space<vmem>>, vector<1024x128xi32>
    tpu.vector_store %arg3[%swap3A_11, %swap3A_12], %select_n3A {strides = array<i32>} : memref<1024x128xi32, #tpu.memory_space<vmem>>, vector<1024x128xi32>,
    %convert_element_type3A = arith.extui %ne3A : vector<1024x128xi1> to vector<1024x128xi32>
    %convert_element_type3A_14 = arith.sitofp %convert_element_type3A : vector<1024x128xi32> to vector<1024x128xf32>
    %reduce_sum3A = vector.shape_cast %convert_element_type3A_14 : vector<1024x128xf32> to vector<1x1024x128xf32>
    %reduce_sum3A_15 = arith.constant dense<0.000000e+00> : vector<1xf32>
    %reduce_sum3A_16 = vector.multi_reduction <add>, %reduce_sum3A, %reduce_sum3A_15 [1, 2] : vector<1x1024x128xf32> to vector<1xf32>
    %reduce_sum3A_17 = vector.shape_cast %reduce_sum3A_16 : vector<1xf32> to vector<1x1x1xf32>
    %reduce_sum3A_18 = vector.extract %reduce_sum3A_17[0, 0, 0] : f32 from vector<1x1x1xf32>
    %reshape3A = vector.broadcast %reduce_sum3A_18 : f32 to vector<1x1xf32>
    %swap3A_19 = arith.constant 0 : index
    %swap3A_20 = arith.constant 0 : index
    %swap3A_21 = vector.load %arg4[%swap3A_19, %swap3A_20] : memref<1x1xf32, #tpu.memory_space<vmem>>, vector<1x1xf32>
    tpu.vector_store %arg4[%swap3A_19, %swap3A_20], %reshape3A {strides = array<i32>} : memref<1x1xf32, #tpu.memory_space<vmem>>, vector<1x1xf32>,
    return
  }
}

module attributes {stable_mosaic.version = 14 : i64} {
  func.func @_mm_body(%arg0: i32, %arg1: i32, %arg2: memref<512x256xf32, #tpu.memory_space<vmem>>, %arg3: memref<512x256xf32, #tpu.memory_space<vmem>>, %arg4: memref<1x1xf32, #tpu.memory_space<vmem>>, %arg5: memref<1x1xf32, #tpu.memory_space<vmem>>) attributes {dimension_semantics = [#tpu.dimension_semantics<arbitrary>, #tpu.dimension_semantics<arbitrary>], iteration_bounds = array<i64: 16, 16>, scalar_prefetch = 0 : i64, scratch_operands = 0 : i64, tpu.core_type = #tpu.core_type<tc>, window_params = [{transform_indices = @transform_0, window_bounds = array<i64: 512, 256>}, {transform_indices = @transform_1, window_bounds = array<i64: 512, 256>}, {pipeline_mode = #tpu.pipeline_mode<synchronous>, transform_indices = @transform_2, window_bounds = array<i64: 1, 1>}, {pipeline_mode = #tpu.pipeline_mode<synchronous>, transform_indices = @transform_3, window_bounds = array<i64: 1, 1>}]} {
    %get3A = arith.constant 0 : index
    %get3A_0 = arith.constant 0 : index
    %get3A_1 = vector.load %arg2[%get3A, %get3A_0] : memref<512x256xf32, #tpu.memory_space<vmem>>, vector<512x256xf32>
    %get3A_2 = arith.constant 0 : index
    %get3A_3 = arith.constant 0 : index
    %get3A_4 = vector.load %arg3[%get3A_2, %get3A_3] : memref<512x256xf32, #tpu.memory_space<vmem>>, vector<512x256xf32>
    %dot_general3A = arith.constant dense<0.000000e+00> : vector<512x512xf32>
    %dot_general3A_5 = tpu.matmul %get3A_1, %get3A_4, %dot_general3A {dimension_numbers = #tpu.dot_dimension_numbers<[1], [1], [0], [0], [0, 0, 1, 0], [], []>, transpose_lhs_hint = false} : vector<512x256xf32>, vector<512x256xf32>, vector<512x512xf32> -> vector<512x512xf32>
    %eq3A = arith.constant 0 : i32
    %eq3A_6 = arith.cmpi eq, %arg0, %eq3A : i32
    %eq3A_7 = arith.constant 0 : i32
    %eq3A_8 = arith.cmpi eq, %arg1, %eq3A_7 : i32
    %and3A = arith.andi %eq3A_6, %eq3A_8 : i1
    %convert_element_type3A = arith.extui %and3A : i1 to i32
    %cond3A = arith.constant 0 : i32
    %cond3A_9 = arith.cmpi ne, %convert_element_type3A, %cond3A : i32
    scf.if %cond3A_9 {
      %broadcast_in_dim3A = arith.constant 0x7F800000 : f32
      %broadcast_in_dim3A_31 = vector.broadcast %broadcast_in_dim3A : f32 to vector<1x1xf32>
      %swap3A_32 = arith.constant 0 : index
      %swap3A_33 = arith.constant 0 : index
      %swap3A_34 = vector.load %arg4[%swap3A_32, %swap3A_33] : memref<1x1xf32, #tpu.memory_space<vmem>>, vector<1x1xf32>
      tpu.vector_store %arg4[%swap3A_32, %swap3A_33], %broadcast_in_dim3A_31 {strides = array<i32>} : memref<1x1xf32, #tpu.memory_space<vmem>>, vector<1x1xf32>,
      %broadcast_in_dim3A_35 = arith.constant 0xFF800000 : f32
      %broadcast_in_dim3A_36 = vector.broadcast %broadcast_in_dim3A_35 : f32 to vector<1x1xf32>
      %swap3A_37 = arith.constant 0 : index
      %swap3A_38 = arith.constant 0 : index
      %swap3A_39 = vector.load %arg5[%swap3A_37, %swap3A_38] : memref<1x1xf32, #tpu.memory_space<vmem>>, vector<1x1xf32>
      tpu.vector_store %arg5[%swap3A_37, %swap3A_38], %broadcast_in_dim3A_36 {strides = array<i32>} : memref<1x1xf32, #tpu.memory_space<vmem>>, vector<1x1xf32>,
    } else {
    }
    %get3A_10 = arith.constant 0 : index
    %get3A_11 = arith.constant 0 : index
    %get3A_12 = vector.load %arg4[%get3A_10, %get3A_11] : memref<1x1xf32, #tpu.memory_space<vmem>>, vector<1x1xf32>
    %reduce_min3A = vector.shape_cast %dot_general3A_5 : vector<512x512xf32> to vector<1x512x512xf32>
    %reduce_min3A_13 = arith.constant dense<0x7F800000> : vector<1xf32>
    %reduce_min3A_14 = vector.multi_reduction <minimumf>, %reduce_min3A, %reduce_min3A_13 [1, 2] : vector<1x512x512xf32> to vector<1xf32>
    %reduce_min3A_15 = vector.shape_cast %reduce_min3A_14 : vector<1xf32> to vector<1x1x1xf32>
    %reduce_min3A_16 = vector.extract %reduce_min3A_15[0, 0, 0] : f32 from vector<1x1x1xf32>
    %min3A = vector.broadcast %reduce_min3A_16 : f32 to vector<1x1xf32>
    %min3A_17 = arith.minimumf %get3A_12, %min3A : vector<1x1xf32>
    %swap3A = arith.constant 0 : index
    %swap3A_18 = arith.constant 0 : index
    %swap3A_19 = vector.load %arg4[%swap3A, %swap3A_18] : memref<1x1xf32, #tpu.memory_space<vmem>>, vector<1x1xf32>
    tpu.vector_store %arg4[%swap3A, %swap3A_18], %min3A_17 {strides = array<i32>} : memref<1x1xf32, #tpu.memory_space<vmem>>, vector<1x1xf32>,
    %get3A_20 = arith.constant 0 : index
    %get3A_21 = arith.constant 0 : index
    %get3A_22 = vector.load %arg5[%get3A_20, %get3A_21] : memref<1x1xf32, #tpu.memory_space<vmem>>, vector<1x1xf32>
    %reduce_max3A = vector.shape_cast %dot_general3A_5 : vector<512x512xf32> to vector<1x512x512xf32>
    %reduce_max3A_23 = arith.constant dense<0xFF800000> : vector<1xf32>
    %reduce_max3A_24 = vector.multi_reduction <maximumf>, %reduce_max3A, %reduce_max3A_23 [1, 2] : vector<1x512x512xf32> to vector<1xf32>
    %reduce_max3A_25 = vector.shape_cast %reduce_max3A_24 : vector<1xf32> to vector<1x1x1xf32>
    %reduce_max3A_26 = vector.extract %reduce_max3A_25[0, 0, 0] : f32 from vector<1x1x1xf32>
    %max3A = vector.broadcast %reduce_max3A_26 : f32 to vector<1x1xf32>
    %max3A_27 = arith.maximumf %get3A_22, %max3A : vector<1x1xf32>
    %swap3A_28 = arith.constant 0 : index
    %swap3A_29 = arith.constant 0 : index
    %swap3A_30 = vector.load %arg5[%swap3A_28, %swap3A_29] : memref<1x1xf32, #tpu.memory_space<vmem>>, vector<1x1xf32>
    tpu.vector_store %arg5[%swap3A_28, %swap3A_29], %max3A_27 {strides = array<i32>} : memref<1x1xf32, #tpu.memory_space<vmem>>, vector<1x1xf32>,
    return
  }
  func.func @transform_0(%arg0: i32, %arg1: i32) -> (i32, i32) {
    %c0_i32 = arith.constant 0 : i32
    %c0_i32_0 = arith.constant 0 : i32
    return %arg0, %c0_i32 : i32, i32
  }
  func.func @transform_1(%arg0: i32, %arg1: i32) -> (i32, i32) {
    %c0_i32 = arith.constant 0 : i32
    %c0_i32_0 = arith.constant 0 : i32
    return %arg1, %c0_i32 : i32, i32
  }
  func.func @transform_2(%arg0: i32, %arg1: i32) -> (i32, i32) {
    %c0_i32 = arith.constant 0 : i32
    %c0_i32_0 = arith.constant 0 : i32
    %c0_i32_1 = arith.constant 0 : i32
    return %c0_i32, %c0_i32_0 : i32, i32
  }
  func.func @transform_3(%arg0: i32, %arg1: i32) -> (i32, i32) {
    %c0_i32 = arith.constant 0 : i32
    %c0_i32_0 = arith.constant 0 : i32
    %c0_i32_1 = arith.constant 0 : i32
    return %c0_i32, %c0_i32_0 : i32, i32
  }
}

module attributes {stable_mosaic.version = 14 : i64} {
  func.func @_pc2_body(%arg0: i32, %arg1: memref<512x256xf32, #tpu.memory_space<vmem>>, %arg2: memref<512x1xf32, #tpu.memory_space<vmem>>, %arg3: memref<256x256xf32, #tpu.memory_space<vmem>>, %arg4: memref<1x256xf32, #tpu.memory_space<vmem>>, %arg5: memref<256x128xf32, #tpu.memory_space<vmem>>, %arg6: memref<1x128xf32, #tpu.memory_space<vmem>>, %arg7: memref<512x256xf32, #tpu.memory_space<vmem>>, %arg8: memref<512x256xf32, #tpu.memory_space<vmem>>, %arg9: memref<512x128xf32, #tpu.memory_space<vmem>>, %arg10: memref<1x1xf32, #tpu.memory_space<vmem>>) attributes {dimension_semantics = [#tpu.dimension_semantics<arbitrary>], iteration_bounds = array<i64: 16>, scalar_prefetch = 0 : i64, scratch_operands = 0 : i64, tpu.core_type = #tpu.core_type<tc>, window_params = [{transform_indices = @transform_0, window_bounds = array<i64: 512, 256>}, {transform_indices = @transform_1, window_bounds = array<i64: 512, 1>}, {pipeline_mode = #tpu.pipeline_mode<synchronous>, transform_indices = @transform_2, window_bounds = array<i64: 256, 256>}, {pipeline_mode = #tpu.pipeline_mode<synchronous>, transform_indices = @transform_3, window_bounds = array<i64: 1, 256>}, {pipeline_mode = #tpu.pipeline_mode<synchronous>, transform_indices = @transform_4, window_bounds = array<i64: 256, 128>}, {pipeline_mode = #tpu.pipeline_mode<synchronous>, transform_indices = @transform_5, window_bounds = array<i64: 1, 128>}, {transform_indices = @transform_6, window_bounds = array<i64: 512, 256>}, {transform_indices = @transform_7, window_bounds = array<i64: 512, 256>}, {transform_indices = @transform_8, window_bounds = array<i64: 512, 128>}, {pipeline_mode = #tpu.pipeline_mode<synchronous>, transform_indices = @transform_9, window_bounds = array<i64: 1, 1>}]} {
    %get3A = arith.constant 0 : index
    %get3A_0 = arith.constant 0 : index
    %get3A_1 = vector.load %arg1[%get3A, %get3A_0] : memref<512x256xf32, #tpu.memory_space<vmem>>, vector<512x256xf32>
    %get3A_2 = arith.constant 0 : index
    %get3A_3 = arith.constant 0 : index
    %get3A_4 = vector.load %arg2[%get3A_2, %get3A_3] : memref<512x1xf32, #tpu.memory_space<vmem>>, vector<512x1xf32>
    %mul3A = vector.broadcast %get3A_4 : vector<512x1xf32> to vector<512x256xf32>
    %mul3A_5 = arith.mulf %get3A_1, %mul3A : vector<512x256xf32>
    %get3A_6 = arith.constant 0 : index
    %get3A_7 = arith.constant 0 : index
    %get3A_8 = vector.load %arg3[%get3A_6, %get3A_7] : memref<256x256xf32, #tpu.memory_space<vmem>>, vector<256x256xf32>
    %dot_general3A = arith.constant dense<0.000000e+00> : vector<512x256xf32>
    %dot_general3A_9 = tpu.matmul %mul3A_5, %get3A_8, %dot_general3A {dimension_numbers = #tpu.dot_dimension_numbers<[1], [0], [0], [1], [0, 0, 1, 1], [], []>, transpose_lhs_hint = false} : vector<512x256xf32>, vector<256x256xf32>, vector<512x256xf32> -> vector<512x256xf32>
    %get3A_10 = arith.constant 0 : index
    %get3A_11 = arith.constant 0 : index
    %get3A_12 = vector.load %arg4[%get3A_10, %get3A_11] : memref<1x256xf32, #tpu.memory_space<vmem>>, vector<1x256xf32>
    %add3A = vector.broadcast %get3A_12 : vector<1x256xf32> to vector<512x256xf32>
    %add3A_13 = arith.addf %dot_general3A_9, %add3A : vector<512x256xf32>
    %max3A = arith.constant 0.000000e+00 : f32
    %max3A_14 = vector.broadcast %max3A : f32 to vector<512x256xf32>
    %max3A_15 = arith.maximumf %add3A_13, %max3A_14 : vector<512x256xf32>
    %get3A_16 = arith.constant 0 : index
    %get3A_17 = arith.constant 0 : index
    %get3A_18 = vector.load %arg5[%get3A_16, %get3A_17] : memref<256x128xf32, #tpu.memory_space<vmem>>, vector<256x128xf32>
    %dot_general3A_19 = arith.constant dense<0.000000e+00> : vector<512x128xf32>
    %dot_general3A_20 = tpu.matmul %max3A_15, %get3A_18, %dot_general3A_19 {dimension_numbers = #tpu.dot_dimension_numbers<[1], [0], [0], [1], [0, 0, 1, 1], [], []>, transpose_lhs_hint = false} : vector<512x256xf32>, vector<256x128xf32>, vector<512x128xf32> -> vector<512x128xf32>
    %get3A_21 = arith.constant 0 : index
    %get3A_22 = arith.constant 0 : index
    %get3A_23 = vector.load %arg6[%get3A_21, %get3A_22] : memref<1x128xf32, #tpu.memory_space<vmem>>, vector<1x128xf32>
    %add3A_24 = vector.broadcast %get3A_23 : vector<1x128xf32> to vector<512x128xf32>
    %add3A_25 = arith.addf %dot_general3A_20, %add3A_24 : vector<512x128xf32>
    %swap3A = arith.constant 0 : index
    %swap3A_26 = arith.constant 0 : index
    %swap3A_27 = vector.load %arg9[%swap3A, %swap3A_26] : memref<512x128xf32, #tpu.memory_space<vmem>>, vector<512x128xf32>
    tpu.vector_store %arg9[%swap3A, %swap3A_26], %add3A_25 {strides = array<i32>} : memref<512x128xf32, #tpu.memory_space<vmem>>, vector<512x128xf32>,
    %eq3A = arith.constant 0 : i32
    %eq3A_28 = arith.cmpi eq, %arg0, %eq3A : i32
    %convert_element_type3A = arith.extui %eq3A_28 : i1 to i32
    %cond3A = arith.constant 0 : i32
    %cond3A_29 = arith.cmpi ne, %convert_element_type3A, %cond3A : i32
    scf.if %cond3A_29 {
      %broadcast_in_dim3A = arith.constant 0.000000e+00 : f32
      %broadcast_in_dim3A_49 = vector.broadcast %broadcast_in_dim3A : f32 to vector<1x1xf32>
      %swap3A_50 = arith.constant 0 : index
      %swap3A_51 = arith.constant 0 : index
      %swap3A_52 = vector.load %arg10[%swap3A_50, %swap3A_51] : memref<1x1xf32, #tpu.memory_space<vmem>>, vector<1x1xf32>
      tpu.vector_store %arg10[%swap3A_50, %swap3A_51], %broadcast_in_dim3A_49 {strides = array<i32>} : memref<1x1xf32, #tpu.memory_space<vmem>>, vector<1x1xf32>,
    } else {
    }
    %get3A_30 = arith.constant 0 : index
    %get3A_31 = arith.constant 0 : index
    %get3A_32 = vector.load %arg10[%get3A_30, %get3A_31] : memref<1x1xf32, #tpu.memory_space<vmem>>, vector<1x1xf32>
    %get3A_33 = arith.constant 0 : index
    %get3A_34 = arith.constant 0 : index
    %get3A_35 = vector.load %arg7[%get3A_33, %get3A_34] : memref<512x256xf32, #tpu.memory_space<vmem>>, vector<512x256xf32>
    %get3A_36 = arith.constant 0 : index
    %get3A_37 = arith.constant 0 : index
    %get3A_38 = vector.load %arg8[%get3A_36, %get3A_37] : memref<512x256xf32, #tpu.memory_space<vmem>>, vector<512x256xf32>
    %mul3A_39 = arith.mulf %get3A_35, %get3A_38 : vector<512x256xf32>
    %reduce_sum3A = vector.shape_cast %mul3A_39 : vector<512x256xf32> to vector<1x512x256xf32>
    %reduce_sum3A_40 = arith.constant dense<0.000000e+00> : vector<1xf32>
    %reduce_sum3A_41 = vector.multi_reduction <add>, %reduce_sum3A, %reduce_sum3A_40 [1, 2] : vector<1x512x256xf32> to vector<1xf32>
    %reduce_sum3A_42 = vector.shape_cast %reduce_sum3A_41 : vector<1xf32> to vector<1x1x1xf32>
    %reduce_sum3A_43 = vector.extract %reduce_sum3A_42[0, 0, 0] : f32 from vector<1x1x1xf32>
    %add3A_44 = vector.broadcast %reduce_sum3A_43 : f32 to vector<1x1xf32>
    %add3A_45 = arith.addf %get3A_32, %add3A_44 : vector<1x1xf32>
    %swap3A_46 = arith.constant 0 : index
    %swap3A_47 = arith.constant 0 : index
    %swap3A_48 = vector.load %arg10[%swap3A_46, %swap3A_47] : memref<1x1xf32, #tpu.memory_space<vmem>>, vector<1x1xf32>
    tpu.vector_store %arg10[%swap3A_46, %swap3A_47], %add3A_45 {strides = array<i32>} : memref<1x1xf32, #tpu.memory_space<vmem>>, vector<1x1xf32>,
    return
  }
  func.func @transform_0(%arg0: i32) -> (i32, i32) {
    %c0_i32 = arith.constant 0 : i32
    %c0_i32_0 = arith.constant 0 : i32
    return %arg0, %c0_i32 : i32, i32
  }
  func.func @transform_1(%arg0: i32) -> (i32, i32) {
    %c0_i32 = arith.constant 0 : i32
    %c0_i32_0 = arith.constant 0 : i32
    return %arg0, %c0_i32 : i32, i32
  }
  func.func @transform_2(%arg0: i32) -> (i32, i32) {
    %c0_i32 = arith.constant 0 : i32
    %c0_i32_0 = arith.constant 0 : i32
    %c0_i32_1 = arith.constant 0 : i32
    return %c0_i32, %c0_i32_0 : i32, i32
  }
  func.func @transform_3(%arg0: i32) -> (i32, i32) {
    %c0_i32 = arith.constant 0 : i32
    %c0_i32_0 = arith.constant 0 : i32
    %c0_i32_1 = arith.constant 0 : i32
    return %c0_i32, %c0_i32_0 : i32, i32
  }
  func.func @transform_4(%arg0: i32) -> (i32, i32) {
    %c0_i32 = arith.constant 0 : i32
    %c0_i32_0 = arith.constant 0 : i32
    %c0_i32_1 = arith.constant 0 : i32
    return %c0_i32, %c0_i32_0 : i32, i32
  }
  func.func @transform_5(%arg0: i32) -> (i32, i32) {
    %c0_i32 = arith.constant 0 : i32
    %c0_i32_0 = arith.constant 0 : i32
    %c0_i32_1 = arith.constant 0 : i32
    return %c0_i32, %c0_i32_0 : i32, i32
  }
  func.func @transform_6(%arg0: i32) -> (i32, i32) {
    %c0_i32 = arith.constant 0 : i32
    %c0_i32_0 = arith.constant 0 : i32
    return %arg0, %c0_i32 : i32, i32
  }
  func.func @transform_7(%arg0: i32) -> (i32, i32) {
    %c0_i32 = arith.constant 0 : i32
    %c0_i32_0 = arith.constant 0 : i32
    return %arg0, %c0_i32 : i32, i32
  }
  func.func @transform_8(%arg0: i32) -> (i32, i32) {
    %c0_i32 = arith.constant 0 : i32
    %c0_i32_0 = arith.constant 0 : i32
    return %arg0, %c0_i32 : i32, i32
  }
  func.func @transform_9(%arg0: i32) -> (i32, i32) {
    %c0_i32 = arith.constant 0 : i32
    %c0_i32_0 = arith.constant 0 : i32
    %c0_i32_1 = arith.constant 0 : i32
    return %c0_i32, %c0_i32_0 : i32, i32
  }
}

module attributes {stable_mosaic.version = 14 : i64} {
  func.func @_fin_body(%arg0: memref<1x1xf32, #tpu.memory_space<vmem>>, %arg1: memref<1x1xf32, #tpu.memory_space<vmem>>, %arg2: memref<256x256xf32, #tpu.memory_space<vmem>>, %arg3: memref<1x256xf32, #tpu.memory_space<vmem>>, %arg4: memref<1x1xf32, #tpu.memory_space<vmem>>, %arg5: memref<1x1xf32, #tpu.memory_space<vmem>>, %arg6: memref<1x1xf32, #tpu.memory_space<vmem>>, %arg7: memref<1x1xf32, #tpu.memory_space<vmem>>, %arg8: memref<1x1xf32, #tpu.memory_space<vmem>>, %arg9: memref<1x1xf32, #tpu.memory_space<vmem>>, %arg10: memref<1x1xf32, #tpu.memory_space<vmem>>, %arg11: memref<1x1xf32, #tpu.memory_space<vmem>>) attributes {dimension_semantics = [], scalar_prefetch = 0 : i64, scratch_operands = 0 : i64, tpu.core_type = #tpu.core_type<tc>} {
    %get3A = arith.constant 0 : index
    %get3A_0 = arith.constant 0 : index
    %get3A_1 = vector.load %arg2[%get3A, %get3A_0] : memref<256x256xf32, #tpu.memory_space<vmem>>, vector<256x256xf32>
    %mul3A = arith.mulf %get3A_1, %get3A_1 : vector<256x256xf32>
    %reduce_sum3A = vector.shape_cast %mul3A : vector<256x256xf32> to vector<1x256x256xf32>
    %reduce_sum3A_2 = arith.constant dense<0.000000e+00> : vector<1xf32>
    %reduce_sum3A_3 = vector.multi_reduction <add>, %reduce_sum3A, %reduce_sum3A_2 [1, 2] : vector<1x256x256xf32> to vector<1xf32>
    %reduce_sum3A_4 = vector.shape_cast %reduce_sum3A_3 : vector<1xf32> to vector<1x1x1xf32>
    %reduce_sum3A_5 = vector.extract %reduce_sum3A_4[0, 0, 0] : f32 from vector<1x1x1xf32>
    %get3A_6 = arith.constant 0 : index
    %get3A_7 = arith.constant 0 : index
    %get3A_8 = vector.load %arg3[%get3A_6, %get3A_7] : memref<1x256xf32, #tpu.memory_space<vmem>>, vector<1x256xf32>
    %mul3A_9 = arith.mulf %get3A_8, %get3A_8 : vector<1x256xf32>
    %reduce_sum3A_10 = vector.shape_cast %mul3A_9 : vector<1x256xf32> to vector<1x1x256xf32>
    %reduce_sum3A_11 = arith.constant dense<0.000000e+00> : vector<1xf32>
    %reduce_sum3A_12 = vector.multi_reduction <add>, %reduce_sum3A_10, %reduce_sum3A_11 [1, 2] : vector<1x1x256xf32> to vector<1xf32>
    %reduce_sum3A_13 = vector.shape_cast %reduce_sum3A_12 : vector<1xf32> to vector<1x1x1xf32>
    %reduce_sum3A_14 = vector.extract %reduce_sum3A_13[0, 0, 0] : f32 from vector<1x1x1xf32>
    %get3A_15 = arith.constant 0 : index
    %get3A_16 = arith.constant 0 : index
    %get3A_17 = vector.load %arg4[%get3A_15, %get3A_16] : memref<1x1xf32, #tpu.memory_space<vmem>>, vector<1x1xf32>
    %get3A_18 = vector.extract %get3A_17[0, 0] : f32 from vector<1x1xf32>
    %get3A_19 = arith.constant 0 : index
    %get3A_20 = arith.constant 0 : index
    %get3A_21 = vector.load %arg5[%get3A_19, %get3A_20] : memref<1x1xf32, #tpu.memory_space<vmem>>, vector<1x1xf32>
    %get3A_22 = vector.extract %get3A_21[0, 0] : f32 from vector<1x1xf32>
    %get3A_23 = arith.constant 0 : index
    %get3A_24 = arith.constant 0 : index
    %get3A_25 = vector.load %arg6[%get3A_23, %get3A_24] : memref<1x1xf32, #tpu.memory_space<vmem>>, vector<1x1xf32>
    %get3A_26 = vector.extract %get3A_25[0, 0] : f32 from vector<1x1xf32>
    %get3A_27 = arith.constant 0 : index
    %get3A_28 = arith.constant 0 : index
    %get3A_29 = vector.load %arg7[%get3A_27, %get3A_28] : memref<1x1xf32, #tpu.memory_space<vmem>>, vector<1x1xf32>
    %get3A_30 = vector.extract %get3A_29[0, 0] : f32 from vector<1x1xf32>
    %sub3A = arith.subf %get3A_22, %get3A_18 : f32
    %mul3A_31 = arith.constant 8.192000e+03 : f32
    %mul3A_32 = arith.constant 8.192000e+03 : f32
    %mul3A_33 = arith.mulf %mul3A_31, %mul3A_32 : f32
    %mul3A_34 = arith.constant 8.192000e+03 : f32
    %mul3A_35 = arith.constant 2.560000e+02 : f32
    %mul3A_36 = arith.mulf %mul3A_34, %mul3A_35 : f32
    %mul3A_37 = arith.constant 2.000000e+00 : f32
    %mul3A_38 = arith.mulf %mul3A_37, %get3A_18 : f32
    %mul3A_39 = arith.mulf %mul3A_38, %reduce_sum3A_14 : f32
    %sub3A_40 = arith.subf %reduce_sum3A_5, %mul3A_39 : f32
    %mul3A_41 = arith.mulf %mul3A_33, %get3A_18 : f32
    %mul3A_42 = arith.mulf %mul3A_41, %get3A_18 : f32
    %add3A = arith.addf %sub3A_40, %mul3A_42 : f32
    %mul3A_43 = arith.mulf %sub3A, %sub3A : f32
    %div3A = arith.divf %add3A, %mul3A_43 : f32
    %mul3A_44 = arith.mulf %get3A_30, %get3A_18 : f32
    %sub3A_45 = arith.subf %get3A_26, %mul3A_44 : f32
    %div3A_46 = arith.divf %sub3A_45, %sub3A : f32
    %mul3A_47 = arith.constant 2.000000e+00 : f32
    %mul3A_48 = arith.mulf %mul3A_47, %div3A_46 : f32
    %sub3A_49 = arith.subf %div3A, %mul3A_48 : f32
    %add3A_50 = arith.addf %sub3A_49, %get3A_30 : f32
    %div3A_51 = arith.divf %add3A_50, %mul3A_33 : f32
    %sqrt3A = math.sqrt %div3A_51 : f32
    %mul3A_52 = arith.constant 3.000000e-01 : f32
    %mul3A_53 = arith.mulf %mul3A_52, %sqrt3A : f32
    %get3A_54 = arith.constant 0 : index
    %get3A_55 = arith.constant 0 : index
    %get3A_56 = vector.load %arg1[%get3A_54, %get3A_55] : memref<1x1xf32, #tpu.memory_space<vmem>>, vector<1x1xf32>
    %get3A_57 = vector.extract %get3A_56[0, 0] : f32 from vector<1x1xf32>
    %mul3A_58 = arith.constant 0.699999988 : f32
    %mul3A_59 = arith.mulf %mul3A_58, %get3A_57 : f32
    %div3A_60 = arith.divf %mul3A_59, %mul3A_36 : f32
    %get3A_61 = arith.constant 0 : index
    %get3A_62 = arith.constant 0 : index
    %get3A_63 = vector.load %arg0[%get3A_61, %get3A_62] : memref<1x1xf32, #tpu.memory_space<vmem>>, vector<1x1xf32>
    %get3A_64 = vector.extract %get3A_63[0, 0] : f32 from vector<1x1xf32>
    %mul3A_65 = arith.constant 2.500000e-01 : f32
    %mul3A_66 = arith.mulf %mul3A_65, %get3A_64 : f32
    %div3A_67 = arith.divf %mul3A_66, %mul3A_36 : f32
    %broadcast_in_dim3A = vector.broadcast %div3A_60 : f32 to vector<1x1xf32>
    %swap3A = arith.constant 0 : index
    %swap3A_68 = arith.constant 0 : index
    %swap3A_69 = vector.load %arg9[%swap3A, %swap3A_68] : memref<1x1xf32, #tpu.memory_space<vmem>>, vector<1x1xf32>
    tpu.vector_store %arg9[%swap3A, %swap3A_68], %broadcast_in_dim3A {strides = array<i32>} : memref<1x1xf32, #tpu.memory_space<vmem>>, vector<1x1xf32>,
    %broadcast_in_dim3A_70 = vector.broadcast %mul3A_53 : f32 to vector<1x1xf32>
    %swap3A_71 = arith.constant 0 : index
    %swap3A_72 = arith.constant 0 : index
    %swap3A_73 = vector.load %arg10[%swap3A_71, %swap3A_72] : memref<1x1xf32, #tpu.memory_space<vmem>>, vector<1x1xf32>
    tpu.vector_store %arg10[%swap3A_71, %swap3A_72], %broadcast_in_dim3A_70 {strides = array<i32>} : memref<1x1xf32, #tpu.memory_space<vmem>>, vector<1x1xf32>,
    %broadcast_in_dim3A_74 = vector.broadcast %div3A_67 : f32 to vector<1x1xf32>
    %swap3A_75 = arith.constant 0 : index
    %swap3A_76 = arith.constant 0 : index
    %swap3A_77 = vector.load %arg11[%swap3A_75, %swap3A_76] : memref<1x1xf32, #tpu.memory_space<vmem>>, vector<1x1xf32>
    tpu.vector_store %arg11[%swap3A_75, %swap3A_76], %broadcast_in_dim3A_74 {strides = array<i32>} : memref<1x1xf32, #tpu.memory_space<vmem>>, vector<1x1xf32>,
    %add3A_78 = arith.addf %div3A_60, %mul3A_53 : f32
    %add3A_79 = arith.addf %add3A_78, %div3A_67 : f32
    %broadcast_in_dim3A_80 = vector.broadcast %add3A_79 : f32 to vector<1x1xf32>
    %swap3A_81 = arith.constant 0 : index
    %swap3A_82 = arith.constant 0 : index
    %swap3A_83 = vector.load %arg8[%swap3A_81, %swap3A_82] : memref<1x1xf32, #tpu.memory_space<vmem>>, vector<1x1xf32>
    tpu.vector_store %arg8[%swap3A_81, %swap3A_82], %broadcast_in_dim3A_80 {strides = array<i32>} : memref<1x1xf32, #tpu.memory_space<vmem>>, vector<1x1xf32>,
    return
  }
}

</mosaic_0001>

<sc_bundles>
// kernel: scatter_offload_async_start.1
scs
__scs_entry_jumppad:
0x0: {  	(pc) =	sbr.rel $0x88, $3  }
0x1: {  	(tag) =	ssettag $0x0;
	lr =	simm.s32 $0x1  }
0x2: {  	[smem:$0x3F94] =	sst lr;
	_ =	strace $0xD0000000  }
0x3: {  	_ = 	snop  }
0x4: {  	_ = 	snop  }
0x5: {  	_ = 	snop  }
0x6: {  	_ = 	snop  }
0x7: {  	_ = 	snop  }
__scs_overlays_trampoline_lowered:
0x8: {  	[smem:$0x3FA3] =	sst s0  }
0x9: {  	[smem:$0x3FA4] =	sst s1  }
0xa: {  	[smem:$0x3FA5] =	sst s2  }
0xb: {  	[smem:$0x3FA6] =	sst s3  }
0xc: {  	[smem:$0x3FA7] =	sst s4  }
0xd: {  	[smem:$0x3FA8] =	sst s5  }
0xe: {  	[smem:$0x3FA9] =	sst s6  }
0xf: {  	[smem:$0x3FAA] =	sst s7  }
0x10: {  	[smem:$0x3FAB] =	sst s8  }
0x11: {  	[smem:$0x3FAC] =	sst s9;
	s0 =	simm.s32 @!p0 $0x0  }
0x12: {  	s1 =	sld [smem:$0x3F92];
	s0 =	simm.s32 @p0 $0x1  }
0x13: {  	[smem:$0x3FAD] =	sst s0;
	s0 =	simm.s32 @!p1 $0x0  }
0x14: {  	s2 =	sld [smem:$0x3F91];
	s0 =	simm.s32 @p1 $0x1  }
0x15: {  	[smem:$0x3FAE] =	sst s0;
	s0 =	simm.s32 @!p2 $0x0  }
0x16: {  	s3 =	sld [smem:$0x3FDB];
	s0 =	simm.s32 @p2 $0x1  }
0x17: {  	s4 =	simm.s32 $0x1BF5;
	[smem:$0x3FB0] =	sst s0  }
0x18: {  	s0 =	sld [smem:$0x3F93];
	_ =	swait.ge [sflag:s4], $0x0  }
0x19: {  	s7 =	sld [smem:$0x3F94]  }
0x1a: {  	s8 =	sadd.s32 $0xFFFFE003, lr  }
0x1b: {  	s9 =	sadd.s32 $0xFFFFFEF7, lr;
	s5 =	simm.s32 $0xFFFFFFFF;
	p2 =	slt.u32 s8, $0xFFFFF086  }
0x1c: {  	p1 =	slt.u32 s9, $0xF7A;
	s5 =	simm.s32 @!p2 $0x0  }
0x1d: {  	s5 =	simm.s32 @p1 $0x1;
	p0 =	seq.s32 s7, s2  }
0x1e: {  	s7 =	smul.u32 @!p0 $0xF7A, s2;
	p2 =	seq.s32 @!p0 s5, $0x0  }
0x1f: {  	s9 =	smul.u32 $0xF7A, s1;
	s8 =	simm.s32 @!p0 $0x1BF5;
	p2 =	por !p2, p0  }
0x20: {  	[sflag:s8] =	ssyncset.s32 @!p0 $0xFFFFF086;
	s6 =	sadd.s32 @!p0 s3, s7;
	s7 =	simm.s32 @!p0 $0x108  }
0x21: {  	s3 =	sadd.s32 s3, s9;
	s6 =	sadd.s32 @!p0 $0x88, s6;
	s7 =	simm.s32 @p2 $0x1082  }
0x22: {  	[simem:s7], [sflag:s8] =	dma.local @!p0 [hbm:s6], $0xF7A  }
0x23: {  	s9 =	sor.u32 $0xD0000000, s2;
	s6 =	simm.s32 $0x108;
	_ =	swait.ge @!p0 [sflag:s8], $0x0  }
0x24: {  	s3 =	sadd.s32 $0x88, s3;
	s6 =	simm.s32 @!p1 $0x1082;
	[sflag:s4] =	ssyncset.s32 $0xFFFFF086  }
0x25: {  	[simem:s6], [sflag:s4] =	dma.local [hbm:s3], $0xF7A  }
0x26: {  	[smem:$0x3F94] =	sst s1;
	(tag) =	ssettag s2;
	_ =	strace s9  }
0x27: {  	s1 =	sld [smem:$0x3FA4]  }
0x28: {  	s2 =	sld [smem:$0x3FA5]  }
0x29: {  	s4 =	sld [smem:$0x3FA7]  }
0x2a: {  	p0 =	seq.s32 s5, $0x0;
	s5 =	sld [smem:$0x3FA8]  }
0x2b: {  	s6 =	sld [smem:$0x3FA9]  }
0x2c: {  	s7 =	sld [smem:$0x3FAA]  }
0x2d: {  	s3 =	simm.s32 $0x108;
	s8 =	sld [smem:$0x3FAB]  }
0x2e: {  	s3 =	simm.s32 @!p0 $0x1082;
	s9 =	sld [smem:$0x3FAC]  }
0x2f: {  	lr =	sadd.s32 s0, s3;
	s0 =	sld [smem:$0x3FA3]  }
0x30: {  	s3 =	sld [smem:$0x3FA6]  }
0x31: {  	[smem:$0x3FAF] =	sst s10  }
0x32: {  	s10 =	sld [smem:$0x3FAD];
	_ =	sdelay $0x3  }
0x33: {  	p0 =	seq.s32 s10, $0x1;
	s10 =	sld [smem:$0x3FAF];
	_ =	sdelay $0x3  }
0x34: {  	[smem:$0x3FAF] =	sst s10  }
0x35: {  	s10 =	sld [smem:$0x3FAE];
	_ =	sdelay $0x3  }
0x36: {  	p1 =	seq.s32 s10, $0x1;
	s10 =	sld [smem:$0x3FAF];
	_ =	sdelay $0x3  }
0x37: {  	[smem:$0x3FAF] =	sst s10  }
0x38: {  	s10 =	sld [smem:$0x3FB0]  }
0x39: {  	_ = 	snop;
	(pc) =	sbr.ind lr, $3  }
0x3a: {  	_ = 	snop  }
0x3b: {  	_ = 	snop  }
0x3c: {  	p2 =	seq.s32 s10, $0x1;
	s10 =	sld [smem:$0x3FAF]  }
0x3d: {  	_ =	shalt  }
0x3e: {  	_ =	shalt  }
0x3f: {  	_ =	shalt  }
0x40: {  	_ =	shalt  }
0x41: {  	_ =	shalt  }
0x42: {  	_ =	shalt  }
0x43: {  	_ =	shalt  }
0x44: {  	_ =	shalt  }
0x45: {  	_ =	shalt  }
0x46: {  	_ =	shalt  }
0x47: {  	_ =	shalt  }
0x48: {  	_ =	shalt  }
0x49: {  	_ =	shalt  }
0x4a: {  	_ =	shalt  }
0x4b: {  	_ =	shalt  }
0x4c: {  	_ =	shalt  }
0x4d: {  	_ =	shalt  }
0x4e: {  	_ =	shalt  }
0x4f: {  	_ =	shalt  }
0x50: {  	_ =	shalt  }
0x51: {  	_ =	shalt  }
0x52: {  	_ =	shalt  }
0x53: {  	_ =	shalt  }
0x54: {  	_ =	shalt  }
0x55: {  	_ =	shalt  }
0x56: {  	_ =	shalt  }
0x57: {  	_ =	shalt  }
0x58: {  	_ =	shalt  }
0x59: {  	_ =	shalt  }
0x5a: {  	_ =	shalt  }
0x5b: {  	_ =	shalt  }
0x5c: {  	_ =	shalt  }
0x5d: {  	_ =	shalt  }
0x5e: {  	_ =	shalt  }
0x5f: {  	_ =	shalt  }
0x60: {  	_ =	shalt  }
0x61: {  	_ =	shalt  }
0x62: {  	_ =	shalt  }
0x63: {  	_ =	shalt  }
0x64: {  	_ =	shalt  }
0x65: {  	_ =	shalt  }
0x66: {  	_ =	shalt  }
0x67: {  	_ =	shalt  }
0x68: {  	_ =	shalt  }
0x69: {  	_ =	shalt  }
0x6a: {  	_ =	shalt  }
0x6b: {  	_ =	shalt  }
0x6c: {  	_ =	shalt  }
0x6d: {  	_ =	shalt  }
0x6e: {  	_ =	shalt  }
0x6f: {  	_ =	shalt  }
0x70: {  	_ =	shalt  }
0x71: {  	_ =	shalt  }
0x72: {  	_ =	shalt  }
0x73: {  	_ =	shalt  }
0x74: {  	_ =	shalt  }
0x75: {  	_ =	shalt  }
0x76: {  	_ =	shalt  }
0x77: {  	_ =	shalt  }
0x78: {  	_ =	shalt  }
0x79: {  	_ =	shalt  }
0x7a: {  	_ =	shalt  }
0x7b: {  	_ =	shalt  }
0x7c: {  	_ =	shalt  }
0x7d: {  	_ =	shalt  }
0x7e: {  	_ =	shalt  }
0x7f: {  	_ =	shalt  }
0x80: {  	_ =	shalt  }
0x81: {  	_ =	shalt  }
0x82: {  	_ =	shalt  }
0x83: {  	_ =	shalt  }
0x84: {  	_ =	shalt  }
0x85: {  	_ =	shalt  }
0x86: {  	_ =	shalt  }
0x87: {  	_ =	shalt  }
.Lfunc_end0:
.L_simem_size_0:
called_computation.1_lowered:
.L_overlay_start_0:
0x88: {  	s0 =	sld [smem:$0x3FD9]  }
0x89: {  	s1 =	sld [smem:$0x3FFE];
	_ =	sdelay $0x3  }
0x8a: {  	s0 =	sadd.s32 s1, s0  }
0x8b: {  	[smem:$0x3FBB] =	sst s0  }
0x8c: {  	_ = 	snop  }
0x8d: {  	(tm) =	ssettm $0x1  }
0x8e: {  	s14 =	sld [smem:$0x3FFB];
	_ =	sdelay $0x3  }
0x8f: {  	_ =	strace s14  }
0x90: {  	s0 =	sld [smem:$0x3FFC];
	_ =	sdelay $0x3  }
0x91: {  	_ =	strace s0  }
0x92: {  	s0 =	sld [smem:$0x3FFD];
	_ =	sdelay $0x3  }
0x93: {  	_ =	strace s0  }
0x94: {  	_ =	strace $0x8FFFFFFF  }
0x95: {  	s15 =	sld [smem:$0x3FDB];
	_ =	sdelay $0x1  }
0x96: {  	s16 =	simm.s32 $_scs_section_size  }
0x97: {  	s2 =	simm.s32 $_size__tile_overlayer_lowered;
	s3 =	simm.s32 $_tile_overlayer_lowered  }
0x98: {  	s4 =	simm.s32 $0x1BFF;
	s17 =	sshll.u32 s3, $0x1;
	s1 =	sadd.s32 s16, s15  }
0x99: {  	s18 =	simm.s32 $0x0;
	s2 =	sshll.u32 s2, $0x1;
	s3 =	sadd.s32 s17, s1  }
0x9a: {  	[timem:s18], [sflag:s4] =	dma.local [hbm:s3], s2  }
0x9b: {  	_ =	swait.ge [sflag:s4], s2  }
0x9c: {  	s2 =	ssub.s32 $0x0, s2;
	[sflag:s4] =	ssyncset.done $0x0  }
0x9d: {  	[sflag:s4] =	ssyncadd.s32 s2;
	_ =	sdelay $0x1  }
0x9e: {  	s19 =	simm.s32 $0x1B8B  }
0x9f: {  	_ =	swait.ge [sflag:s19], $0x1  }
0xa0: {  	[sflag:s19] =	ssyncset.done $0x0  }
0xa1: {  	s21 =	simm.s32 $0x1B8E;
	s20 =	sld [smem:$0x3FFE];
	[sflag:s19] =	ssyncadd.s32 $0xFFFFFFFF  }
0xa2: {  	s22 =	simm.s32 $execute0_lowered;
	[smem:$0x3FD2] =	sst s21  }
0xa3: {  	s3 =	sshll.u32 s22, $0x1;
	_ =	strace $0x8000004C;
	[dreg:$0x1] =	wrdreg $0xFFFFFFFF  }
0xa4: {  	s23 =	simm.s32 $_size_execute0_lowered;
	s3 =	sadd.s32 s1, s3;
	[dreg:$0x0] =	wrdreg $0x0  }
0xa5: {  	s4 =	sshll.u32 s23, $0x1;
	[dreg:$0x2] =	wrdreg s3  }
0xa6: {  	[dreg:$0x3] =	wrdreg s4  }
0xa7: {  	[dreg:$0x4] =	wrdreg $0xC0  }
0xa8: {  	s24 =	simm.s32 $execute1_lowered;
	_ =	task [dreg:s18], $0x5FFFF  }
0xa9: {  	s3 =	sshll.u32 s24, $0x1;
	[dreg:$0x1] =	wrdreg $0xFFFFFFFF  }
0xaa: {  	s1 =	sadd.s32 s1, s3;
	[dreg:$0x0] =	wrdreg $0x60  }
0xab: {  	[dreg:$0x2] =	wrdreg s1  }
0xac: {  	[dreg:$0x3] =	wrdreg s20  }
0xad: {  	[dreg:$0x4] =	wrdreg $0xB  }
0xae: {  	_ =	task.clear_ibuf [dreg:s18], $0x5FFFF;
	_ =	strace $0x9000004C  }
0xaf: {  	s25 =	simm.s32 $0xB;
	_ =	strace $0x8000004E  }
0xb0: {  	_ =	swait.ge [sflag:s25], $0x1  }
0xb1: {  	[sflag:s25] =	ssyncadd.s32 $0xFFFFFFFF  }
0xb2: {  	_ =	strace $0x9000004E  }
0xb3: {  	_ =	strace $0x8000004F;
	[dreg:$0x1] =	wrdreg $0xFFFFFFFF  }
0xb4: {  	[dreg:$0x0] =	wrdreg $0x2030  }
0xb5: {  	[dreg:$0x2] =	wrdreg s20  }
0xb6: {  	[dreg:$0x3] =	wrdreg $0xC  }
0xb7: {  	_ =	task.clear_ibuf [dreg:s18], $0x4FFFF;
	_ =	strace $0x9000004F  }
0xb8: {  	s26 =	simm.s32 $0xC;
	_ =	strace $0x80000051  }
0xb9: {  	_ =	swait.ge [sflag:s26], $0x1  }
0xba: {  	[sflag:s26] =	ssyncadd.s32 $0xFFFFFFFF  }
0xbb: {  	_ =	strace $0x90000051  }
0xbc: {  	_ =	sfence  }
0xbd: {  	s28 =	sld [smem:$0x0];
	_ =	sdelay $0x1  }
0xbe: {  	s29 =	srdreg.scid  }
0xbf: {  	s30 =	sshll.u32 s29, $0xD;
	s31 =	sshrl.u32 s29, $0x2  }
0xc0: {  	s2 =	sand.u32 $0x1, s29;
	s3 =	sand.u32 $0x4000, s30;
	s1 =	sadd.s32 s31, s28  }
0xc1: {  	s2 =	sor.u32 s3, s2;
	s1 =	sshll.u32 s1, $0x11  }
0xc2: {  	s1 =	sor.u32 s1, s2  }
0xc3: {  	s1 =	sadd.s32 $0x8F2B, s1  }
0xc4: {  	[sflag:s1] =	ssyncadd.remote.s32 $0x1  }
0xc5: {  	_ =	sfence.sel $0xFFFF  }
0xc6: {  	[dreg:$0x0] =	wrdreg $0xFFFFFFFF;
	(pc) =	sbr.abs _section_cstart, $3  }
0xc7: {  	[dreg:$0x1] =	wrdreg $0xFFFFFFFF  }
0xc8: {  	_ =	task.clear_ibuf [dreg:s18], $0x2FFFF;
	_ =	strace $0x9FFFFFFF  }
0xc9: {  	(tm) =	ssettm $0x7FFFFFFF  }
tec
execute0_lowered:
.L_overlay_start_1:
0x0: {  	(tag) =	ssettag $0x1  }
0x1: {  	s2 =	rddreg [dreg:$0x0]  }
0x2: {  	s4 =	rddreg [dreg:$0x1]  }
0x3: {  	s0 =	rddreg [dreg:$0x2]  }
0x4: {  	s3 =	stileid.u32;
	[bflag:$0x3] =	sbarrier.arrive $0xFFFF;
	s1 =	simm.s32 $_size_execute1_lowered  }
0x5: {  	s8 =	simm.s32 $0x2;
	s9 =	simm.s32 $0x0;
	p0 =	sne.s32 s3, $0x0  }
0x6: {  	s1 =	sshll.u32 s1, $0x1;
	s5 =	simm.s32 @!p0 $0x1C3F;
	s6 =	simm.s32 @!p0 $0x4060  }
0x7: {  	[timem:s6], [sflag:s5] =	dma.local @!p0 [hbm:s2], s1  }
0x8: {  	s11 =	simm.s32 $0x0;
	s10 =	simm.s32 $0x0;
	s2 =	sshll.u32 s3, $0x9  }
0x9: {  	s3 =	sshll.u32 s3, $0x6;
	_ =	strace $0x8000004D;
	s30 =	ssub.s32 $0x2000, s2  }
.Ltmp0:
0xa: {  	s31 =	sadd.s32 s3, s4;
	s7 =	sand.u32 $0x1E00, s30;
	(pc) =	sbr.rel .LBB2_1-.Ltmp0, $4  }
0xb: {  	s3 =	simm.s32 $0x1;
	p1 =	sne.s32 s7, $0x0;
	s7 =	simm.s32 $0x1  }
0xc: {  	s4 =	sadd.s32 $0x5800, s4;
	s5 =	sshrl.u32 s30, $0xD;
	s7 =	simm.s32 @!p1 $0x0  }
0xd: {  	[sflag:s3] =	ssyncpa.u1 $0x0;
	s6 =	sadd.s32 $0x9800, s31;
	s5 =	sadd.s32 s7, s5  }
0xe: {  	[sflag:s8] =	ssyncpa.u1 $0x0;
	s8 =	simm.s32 $0x0;
	s7 =	sadd.s32 $0x1, s5  }
.LBB2_3:
0xf: {  	p2 =	sne.s32 s10, s7  }
.Ltmp1:
0x10: {  	p1 =	slt.u32 s10, $0x2;
	(pc) =	sbr.rel @!p2 .LBB2_4-.Ltmp1, $4  }
0x11: {  	s11 =	simm.s32 @!p1 $0x2  }
0x12: {  	_ =	swait.ge @!p1 [sflag:s11], $0x200  }
0x13: {  	s9 =	sadd.s32 $0x200, s9;
	[sflag:s11] =	ssyncset.done @!p1 $0x0  }
0x14: {  	s10 =	sadd.s32 $0x1, s10;
	[sflag:s11] =	ssyncadd.s32 @!p1 $0xFFFFFE00;
	s11 =	smov.u32 s2  }
.LBB2_1:
0x15: {  	p1 =	sge.u32 s10, s5  }
0x16: {  	s12 =	sxor.u32 @!p1 $0xFFFFFFFF, s9  }
0x17: {  	s31 =	sadd.s32 $0xFFFFFFFF, s10;
	s13 =	simm.s32 @!p1 $0x0;
	s12 =	sand.u32 @!p1 $0x200, s12  }
0x18: {  	[tilespmem:s12], [sflag:$0x1] =	stream.linear.gather @!p1 [hbm4b:s6+s13], $0x200, $0x38;
	[tilespmem:$0x800] =	vst v63  }
0x19: {  	p1 =	sge.u32 s31, s5  }
.Ltmp2:
0x1a: {  	_ = 	snop;
	(pc) =	sbr.rel @p1 .LBB2_3-.Ltmp2, $1  }
0x1b: {  	_ =	sdelay $0x3  }
0x1c: {  	_ =	swait.ge [sflag:s3], $0x200  }
0x1d: {  	[sflag:s3] =	ssyncset.done $0x0  }
0x1e: {  	s12 =	sand.u32 $0x200, s9;
	[sflag:s3] =	ssyncadd.s32 $0xFFFFFE00  }
0x1f: {  	v0 =	vld [tilespmem:s12+$0x0]  }
0x20: {  	v1 =	vld [tilespmem:s12+$0x10]  }
0x21: {  	v2 =	vld [tilespmem:s12+$0x20]  }
0x22: {  	v3 =	vld [tilespmem:s12+$0x30]  }
0x23: {  	v4 =	vld [tilespmem:s12+$0x40]  }
0x24: {  	v37 =	vld [tilespmem:s12+$0x50];
	[tilespmem:s12+$0x400] =	vst v0  }
0x25: {  	v38 =	vld [tilespmem:s12+$0x60];
	[tilespmem:s12+$0x410] =	vst v1  }
0x26: {  	v39 =	vld [tilespmem:s12+$0x70];
	[tilespmem:s12+$0x420] =	vst v2  }
0x27: {  	v40 =	vld [tilespmem:s12+$0x80];
	[tilespmem:s12+$0x430] =	vst v3  }
0x28: {  	v41 =	vld [tilespmem:s12+$0x90];
	[tilespmem:s12+$0x440] =	vst v4  }
0x29: {  	v42 =	vld [tilespmem:s12+$0xA0];
	[tilespmem:s12+$0x450] =	vst v37  }
0x2a: {  	v43 =	vld [tilespmem:s12+$0xB0];
	[tilespmem:s12+$0x460] =	vst v38  }
0x2b: {  	v44 =	vld [tilespmem:s12+$0xC0];
	[tilespmem:s12+$0x470] =	vst v39  }
0x2c: {  	v45 =	vld [tilespmem:s12+$0xD0];
	[tilespmem:s12+$0x480] =	vst v40  }
0x2d: {  	v46 =	vld [tilespmem:s12+$0xE0];
	[tilespmem:s12+$0x490] =	vst v41  }
0x2e: {  	v47 =	vld [tilespmem:s12+$0xF0];
	[tilespmem:s12+$0x4A0] =	vst v42  }
0x2f: {  	v48 =	vld [tilespmem:s12+$0x100];
	[tilespmem:s12+$0x4B0] =	vst v43  }
0x30: {  	v49 =	vld [tilespmem:s12+$0x110];
	[tilespmem:s12+$0x4C0] =	vst v44  }
0x31: {  	v50 =	vld [tilespmem:s12+$0x120];
	[tilespmem:s12+$0x4D0] =	vst v45  }
0x32: {  	v51 =	vld [tilespmem:s12+$0x130];
	[tilespmem:s12+$0x4E0] =	vst v46  }
0x33: {  	v52 =	vld [tilespmem:s12+$0x140];
	[tilespmem:s12+$0x4F0] =	vst v47  }
0x34: {  	v53 =	vld [tilespmem:s12+$0x150];
	[tilespmem:s12+$0x500] =	vst v48  }
0x35: {  	v54 =	vld [tilespmem:s12+$0x160];
	[tilespmem:s12+$0x510] =	vst v49  }
0x36: {  	v55 =	vld [tilespmem:s12+$0x170];
	[tilespmem:s12+$0x520] =	vst v50  }
0x37: {  	v56 =	vld [tilespmem:s12+$0x180];
	[tilespmem:s12+$0x530] =	vst v51  }
0x38: {  	v57 =	vld [tilespmem:s12+$0x190];
	[tilespmem:s12+$0x540] =	vst v52  }
0x39: {  	v58 =	vld [tilespmem:s12+$0x1A0];
	[tilespmem:s12+$0x550] =	vst v53  }
0x3a: {  	v59 =	vld [tilespmem:s12+$0x1B0];
	[tilespmem:s12+$0x560] =	vst v54  }
0x3b: {  	v60 =	vld [tilespmem:s12+$0x1C0];
	[tilespmem:s12+$0x570] =	vst v55  }
0x3c: {  	v61 =	vld [tilespmem:s12+$0x1D0];
	[tilespmem:s12+$0x580] =	vst v56  }
0x3d: {  	v62 =	vld [tilespmem:s12+$0x1E0];
	[tilespmem:s12+$0x590] =	vst v57  }
0x3e: {  	v63 =	vld [tilespmem:s12+$0x1F0];
	[tilespmem:s12+$0x5A0] =	vst v58  }
0x3f: {  	[tilespmem:s12+$0x5B0] =	vst v59  }
.Ltmp3:
0x40: {  	[tilespmem:s12+$0x5C0] =	vst v60;
	(pc) =	sbr.rel .LBB2_3-.Ltmp3, $4  }
0x41: {  	[tilespmem:s12+$0x5D0] =	vst v61  }
0x42: {  	s11 =	sshrl.u32 s11, $0x3;
	[tilespmem:s12+$0x5E0] =	vst v62  }
0x43: {  	s13 =	sor.u32 $0x400, s12;
	s11 =	sadd.s32 s4, s11;
	[tilespmem:s12+$0x5F0] =	vst v63  }
0x44: {  	[hbm4b:s11+s8] =	stream.linear.scatter [tilespmem:s13], [sflag:$0x2], $0x200, $0x38;
	[tilespmem:$0x800] =	vst v63  }
.LBB2_4:
0x45: {  	_ =	sfence.sel $0x180000  }
0x46: {  	s2 =	simm.s32 $0x1;
	[bflag:$0x0] =	sbarrier.arrive $0xFFFF  }
0x47: {  	s31 =	simm.s32 $0x2;
	[sflag:s2] =	ssyncpa.u1 $0x1  }
0x48: {  	[sflag:s31] =	ssyncpa.u1 $0x1  }
0x49: {  	_ =	strace $0x9000004D  }
0x4a: {  	s0 =	sadd.s32 @!p0 $0x100000, s0;
	[bflag:$0x2] =	sbarrier.arrive $0xFFFF  }
0x4b: {  	[sflag:s0] =	ssyncadd.tile.s32 @!p0 $0x1;
	s0 =	simm.s32 @!p0 $0x3F  }
0x4c: {  	_ =	swait.ge @!p0 [sflag:s0], s1  }
0x4d: {  	s1 =	ssub.s32 @!p0 $0x0, s1;
	[sflag:s0] =	ssyncset.done @!p0 $0x0  }
0x4e: {  	[sflag:s0] =	ssyncadd.s32 @!p0 s1  }
0x4f: {  	[bflag:$0x3] =	sbarrier.arrive $0xFFFF  }
0x50: {  	_ =	shalt  }
.Lfunc_end2:
execute1_lowered:
.L_overlay_start_2:
0x51: {  	(tag) =	ssettag $0x2  }
0x52: {  	s0 =	rddreg [dreg:$0x0];
	_ =	strace $0x80000050;
	s3 =	simm.s32 $0x1  }
0x53: {  	v1 =	vimm.s32 $0xFFFFFFFF;
	[sflag:s3] =	ssyncpa.u1 $0x0  }
0x54: {  	[tilespmem:$0x10] =	vst v1  }
0x55: {  	v0 =	vimm.f32 $0.0e+00;
	[tilespmem:$0x20] =	vst v1  }
0x56: {  	[tilespmem:$0x30] =	vst v0  }
0x57: {  	s2 =	simm.s32 $0x2;
	s6 =	simm.s32 $0x7;
	s26 =	stileid.u32;
	[tilespmem:$0x40] =	vst v0  }
0x58: {  	s7 =	simm.s32 $0x8;
	s31 =	simm.s32 $0x9;
	s14 =	simm.s32 $0x0;
	[tilespmem:$0x50] =	vst v0  }
0x59: {  	s15 =	simm.s32 $0x100;
	s18 =	simm.s32 $0x10;
	s19 =	simm.s32 $0x12100;
	[tilespmem:$0x60] =	vst v1  }
0x5a: {  	s20 =	simm.s32 $0xF;
	s21 =	simm.s32 $0x50;
	s22 =	simm.s32 $0x80FF;
	[tilespmem:$0x70] =	vst v1  }
0x5b: {  	s23 =	simm.s32 $0x20;
	s24 =	simm.s32 $0x30;
	s25 =	simm.s32 $0x100FF;
	[tilespmem:$0x80] =	vst v1  }
0x5c: {  	s30 =	simm.s32 $0x0;
	s29 =	simm.s32 $0x0;
	s1 =	sadd.s32 $0x5800, s0;
	v1 =	vimm.s32 $0x0;
	[tilespmem:$0xB0] =	vst v0  }
.Ltmp4:
0x5d: {  	s4 =	sadd.s32 $0xA000, s0;
	s5 =	sadd.s32 $0xE000, s0;
	[tilespmem:$0x90] =	vst v1;
	(pc) =	sbr.rel .LBB3_1-.Ltmp4, $4  }
0x5e: {  	s8 =	sshll.u32 s26, $0xD;
	s10 =	sshll.u32 s26, $0x1;
	[tilespmem:$0xA0] =	vst v1;
	[sflag:s2] =	ssyncpa.u1 $0x0  }
0x5f: {  	s12 =	sshllo.u32 s26, $0x1;
	s26 =	simm.s32 $0x80;
	[sflag:s6] =	ssyncpa.u1 $0x0  }
0x60: {  	vm0 =	vmmov $0xffff;
	v2 =	vlaneseq.u32;
	s9 =	sadd.s32 $0x2000, s8;
	s11 =	sor.u32 $0x81, s10;
	[sflag:s7] =	ssyncpa.u1 $0x0  }
0x61: {  	vm1 =	vmxor vm1, vm1;
	vm2 =	vmmov $0x1;
	vm3 =	vcmask $0x3F3C;
	s13 =	sor.u32 $0x80, s10;
	s28 =	smov.u32 s8;
	[sflag:s31] =	ssyncpa.u1 $0x0  }
.LBB3_3:
0x62: {  	s0 =	sshrl.u32 s28, $0x3  }
0x63: {  	s2 =	sand.u32 $0x7, s28;
	s0 =	sadd.s32 s4, s0  }
0x64: {  	[tilespmem:s15], [sflag:$0x7] =	stream.linear.gather [hbm4b:s0+s2], $0x2000, $0x38;
	[tilespmem:$0x12120] =	vst v63  }
.LBB3_4:
0x65: {  	s0 =	sadd.s32 $0x2000, s28  }
0x66: {  	s2 =	smov.u32 s8;
	s29 =	sadd.s32 $0x1, s29;
	p0 =	slt.s32 s0, s9  }
0x67: {  	s2 =	smov.u32 @p0 s0;
	p0 =	sne.s32 s29, $0x4  }
.Ltmp5:
0x68: {  	_ = 	snop;
	(pc) =	sbr.rel @!p0 .LBB3_13-.Ltmp5, $2  }
0x69: {  	_ =	sdelay $0x2  }
0x6a: {  	s30 =	smov.u32 s28;
	s28 =	smov.u32 s2  }
.LBB3_1:
0x6b: {  	p0 =	sgt.s32 s29, $0x1  }
.Ltmp6:
0x6c: {  	_ = 	snop;
	(pc) =	sbr.rel @p0 .LBB3_11-.Ltmp6, $1  }
0x6d: {  	_ =	sdelay $0x3  }
0x6e: {  	p0 =	seq.s32 s29, $0x0  }
.Ltmp7:
0x6f: {  	_ = 	snop;
	(pc) =	sbr.rel @p0 .LBB3_3-.Ltmp7, $1  }
0x70: {  	_ =	sdelay $0x3  }
0x71: {  	_ =	swait.ge [sflag:s6], $0x2000  }
0x72: {  	[sflag:s6] =	ssyncset.done $0x0  }
0x73: {  	[sflag:s6] =	ssyncadd.s32 $0xFFFFE000;
	(ifvalue) =	ssetifvalue $0xFFFFFFFF;
	v3 =	vld.msk [tilespmem:s15+$0x0 ss:$0x1], $0xffff;
	_ =	sdelay $0x4  }
0x74: {  	v4 =	vperm.xlane v3, v1  }
0x75: {  	vm4 =	vlt.u32 v3, $0x2000  }
0x76: {  	v3 =	vnsel vm4, $0xFFFFFFFE, v3;
	vm4 =	vlt.u32 v4, $0x2000  }
0x77: {  	[tilespmem:$0x70] =	vst v3;
	v3 =	vnsel vm4, $0xFFFFFFFE, v4  }
0x78: {  	s17 =	simm.s32 $0x20F0;
	[tilespmem:$0x80] =	vst v3  }
0x79: {  	v3 =	vld.msk [tilespmem:s17+$0x0 ss:$0x1], $0xffff;
	_ =	sdelay $0x4  }
0x7a: {  	(xrf1) =	vunique.msk.u32 $0xffff, v3;
	_ =	sdelay $0xd  }
0x7b: {  	v4 =	vimm.s32 $0xFFFFFFFF;
	v5, _, _ =	vpop (xrf1)  }
0x7c: {  	vm5 =	vne.s32 v3, v4;
	vm4 =	veq.s32 v5, v2  }
0x7d: {  	vm6 =	vlt.u32 v3, $0x2000;
	vm4 =	vmand vm5, vm4  }
0x7e: {  	vm4 =	vmand vm6, vm4  }
0x7f: {  	v4 =	vnsel vm4, $0xFFFFFFFF, v3;
	_ =	sdelay $0x3  }
0x80: {  	s0 =	simm.s32 $0x80F0;
	(ifvalue) =	ssetifvalue $0xFFFFFFFF  }
0x81: {  	v3 =	vperm.xlane v3, v1;
	[tilespmem:s0], [sflag:$0x8] =	stream.indirect_vreg.gather [hbm4b:s1+s14], $0x1, v4, vm0, $0x4038;
	v4 =	vnsel vm6, $0xFFFFFFFE, v4;
	[tilespmem:$0x12120] =	vst v63  }
0x82: {  	s2 =	simm.s32 $0x0;
	s16 =	simm.s32 $0x20E0;
	[tilespmem:s17+$0x0] =	vst v4  }
.LBB3_6:
0x83: {  	v4 =	vld.msk [tilespmem:s16+$0x0 ss:$0x1], $0xffff;
	s2 =	sadd.s32 $0x10, s2;
	v5 =	vmov v3;
	s17 =	smov.u32 s16  }
0x84: {  	p0 =	slt.u32 s2, $0x1FF0;
	_ =	sdelay $0x4  }
0x85: {  	v3 =	vperm.xlane v4, v1;
	(xrf1) =	vunique.msk.u32 $0xffff, v4;
	_ =	sdelay $0xd  }
0x86: {  	v6, _, _ =	vpop (xrf1)  }
0x87: {  	vm5 =	vne.s32 v4, v5;
	vm4 =	veq.s32 v6, v2  }
0x88: {  	vm6 =	vlt.u32 v4, $0x2000;
	vm4 =	vmand vm5, vm4  }
0x89: {  	vm4 =	vmand vm6, vm4  }
0x8a: {  	v4 =	vnsel vm4, $0xFFFFFFFF, v4  }
.Ltmp8:
0x8b: {  	v5 =	vnsel vm6, $0xFFFFFFFE, v4;
	(pc) =	sbr.rel @p0 .LBB3_6-.Ltmp8, $3  }
0x8c: {  	_ =	sdelay $0x1  }
0x8d: {  	s16 =	sadd.s32 $0xFFFFFFF0, s16;
	s0 =	sadd.s32 $0xFFFFFFF0, s0;
	(ifvalue) =	ssetifvalue $0xFFFFFFFF  }
0x8e: {  	[tilespmem:s0], [sflag:$0x8] =	stream.indirect_vreg.gather [hbm4b:s1+s14], $0x1, v4, vm0, $0x4038;
	[tilespmem:s17+$0x0] =	vst v5  }
.Ltmp9:
0x8f: {  	(pc) =	sbr.rel .LBB3_4-.Ltmp9, $4  }
0x90: {  	_ = 	snop  }
0x91: {  	s0 =	sshrl.u32 s30, $0x3  }
0x92: {  	s2 =	simm.s32 $0xA100;
	s0 =	sadd.s32 s5, s0  }
0x93: {  	[tilespmem:s2], [sflag:$0x8] =	stream.linear.gather [hbm:s0], $0x2000, $0x38;
	[tilespmem:$0x12120] =	vst v63  }
.LBB3_11:
0x94: {  	p0 =	seq.s32 s29, $0x2  }
.Ltmp10:
0x95: {  	_ = 	snop;
	(pc) =	sbr.rel @!p0 .LBB3_12-.Ltmp10, $1  }
0x96: {  	_ =	sdelay $0x3  }
0x97: {  	_ =	swait.ge [sflag:s7], $0x4000  }
0x98: {  	[sflag:s7] =	ssyncset.done $0x0  }
0x99: {  	s0 =	simm.s32 $0x20FF;
	[sflag:s7] =	ssyncadd.s32 $0xFFFFC000  }
0x9a: {  	[spmem:s11] =	stream.linear.scatter [tilespmem:s0], [sflag:$0x1], $0x1, $0x38;
	[tilespmem:$0x12120] =	vst v63  }
0x9b: {  	_ =	swait.ge [sflag:s3], $0x1  }
0x9c: {  	[sflag:s3] =	ssyncset.done $0x0  }
0x9d: {  	[sflag:s3] =	ssyncadd.s32 $0xFFFFFFFF  }
0x9e: {  	v4 =	vld [tilespmem:$0x10]  }
0x9f: {  	v5 =	vld [tilespmem:$0x70]  }
0xa0: {  	v3 =	vld [tilespmem:$0x80];
	_ =	sdelay $0x2  }
0xa1: {  	(v2sf) =	vpush v4, $0x0  }
0xa2: {  	(v2sf) =	vpush v5, $0x0  }
0xa3: {  	(v2sf) =	vpush v3, $0x0;
	_ =	sdelay $0xc  }
0xa4: {  	s16 =	spop (v2sf)  }
0xa5: {  	s2 =	spop (v2sf)  }
0xa6: {  	s30 =	spop (v2sf)  }
0xa7: {  	p0 =	seq.s32 s16, s2;
	p1 =	seq.s32 s30, s16  }
0xa8: {  	p1 =	por p0, p1  }
0xa9: {  	v4 =	vpsel p1, $0xFFFFFFFF, v4  }
0xaa: {  	[tilespmem:s18+$0x0] =	vst.msk $0x1, v4  }
0xab: {  	v4 =	vld [tilespmem:$0x30]  }
0xac: {  	v5 =	vld [tilespmem:$0xA100]  }
0xad: {  	v6 =	vld [tilespmem:$0x40];
	_ =	sdelay $0x3  }
0xae: {  	vm4 =	vmmov vm1;
	v5 =	vadd.f32 v5, v4  }
0xaf: {  	vm5 =	vmmov vm2;
	s31 =	simm.s32 $0xA100;
	vm4 =	vmmov @p0 vm2;
	v4 =	vadd.f32 v6, v4  }
0xb0: {  	vm5 =	vmmov @p1 vm1;
	[tilespmem:s31+$0x0] =	vst.msk vm4, v5  }
0xb1: {  	[tilespmem:s19+$0x0] =	vst.msk vm5, v4  }
0xb2: {  	v4 =	vld [tilespmem:$0x80F0];
	_ =	sdelay $0x3  }
0xb3: {  	v5 =	vimm.f32 $0.0e+00  }
0xb4: {  	v4 =	vshift.insert v4, v5, s20;
	_ =	sdelay $0x1  }
0xb5: {  	[tilespmem:s21+$0x0] =	vst.msk $0x1, v4  }
0xb6: {  	[tilespmem:s22+$0x0] =	vst.msk $0x1, v5  }
0xb7: {  	v4 =	vld [tilespmem:$0x20F0];
	_ =	sdelay $0x4  }
0xb8: {  	v4 =	vshift.insert v4, v1, s20;
	_ =	sdelay $0x1  }
0xb9: {  	[tilespmem:s23+$0x0] =	vst.msk $0x1, v4  }
0xba: {  	s17 =	simm.s32 $0x100;
	v6 =	vld [tilespmem:s31+$0x0]  }
0xbb: {  	v7 =	vld [tilespmem:s17+$0x0];
	_ =	sdelay $0x3  }
0xbc: {  	v5 =	vadd.f32 v6, v5  }
0xbd: {  	vm4 =	vne.s32 v7, $0xFFFFFFFF  }
0xbe: {  	(xrf2) =	vadd.seg.scan.f32 vm4, v5;
	_ =	sdelay $0x3  }
0xbf: {  	s0 =	simm.s32 $0x6100;
	v5 =	vperm.xlane v4, v1  }
0xc0: {  	v6 =	vld [tilespmem:s0+$0x0]  }
0xc1: {  	vm5 =	veq.s32 v7, v3;
	vm6 =	veq.s32 v7, v5  }
0xc2: {  	vm7 =	vgt.u32 v7, $0xFFFFFFFD;
	vm6 =	vmor vm6, vm5  }
0xc3: {  	vm6 =	vmor vm6, vm7  }
0xc4: {  	v9 =	vld [tilespmem:$0xA0];
	v7 =	vsel vm6, $0xFFFFFFFF, v7  }
0xc5: {  	v10 =	vld [tilespmem:$0x90];
	v6 =	vsel vm5, $0x0, v6;
	v8, _, _ =	vpop (xrf2)  }
0xc6: {  	v6 =	vadd.f32 v8, v6  }
0xc7: {  	s2 =	simm.s32 $0xE100  }
0xc8: {  	vm4 =	vmand vm4, vm3;
	[tilespmem:s2+$0x0] =	vst v6;
	(ifvalue) =	ssetifvalue $0xFFFFFFFF  }
0xc9: {  	vm6 =	veq.s32 v9, $0x1;
	[hbm4b:s1+s14] =	stream.indirect_vreg.scatter [tilespmem:s2], [sflag:$0x2], $0x1, v7, vm0, $0x4038;
	v7 =	vsel vm4, $0x0, v8;
	[tilespmem:$0x12120] =	vst v63  }
0xca: {  	s16 =	simm.s32 $0x0;
	s17 =	simm.s32 $0x110;
	vm4 =	vmor vm6, vm5;
	v6 =	vsel vm5, v8, v10;
	v7 =	vshift.insert v7, v0, s20  }
.LBB3_9:
0xcb: {  	v8 =	vld [tilespmem:s17+$0x0];
	s31 =	sadd.s32 $0x10, s31  }
0xcc: {  	s0 =	sadd.s32 $0x10, s0;
	v9 =	vld [tilespmem:s31+$0x0]  }
0xcd: {  	s16 =	sadd.s32 $0x10, s16;
	v10 =	vld [tilespmem:s0+$0x0]  }
0xce: {  	p0 =	slt.u32 s16, $0x1FF0;
	_ =	sdelay $0x2  }
0xcf: {  	v7 =	vadd.f32 v9, v7  }
0xd0: {  	vm5 =	vne.s32 v8, $0xFFFFFFFF  }
0xd1: {  	vm6 =	vmand vm5, vm3;
	(xrf2) =	vadd.seg.scan.f32 vm5, v7;
	_ =	sdelay $0x5  }
0xd2: {  	vm7 =	veq.s32 v8, v5;
	vm5 =	veq.s32 v8, v3  }
0xd3: {  	vm8 =	vgt.u32 v8, $0xFFFFFFFD;
	vm4 =	vmor vm4, vm5;
	vm7 =	vmor vm7, vm5  }
0xd4: {  	vm7 =	vmor vm7, vm8  }
0xd5: {  	v8 =	vsel vm7, $0xFFFFFFFF, v8  }
.Ltmp11:
0xd6: {  	v7 =	vsel vm5, $0x0, v10;
	v9, _, _ =	vpop (xrf2);
	(pc) =	sbr.rel @p0 .LBB3_9-.Ltmp11, $4  }
0xd7: {  	v6 =	vsel vm5, v9, v6;
	v10 =	vadd.f32 v9, v7;
	v7 =	vsel vm6, $0x0, v9  }
0xd8: {  	s2 =	sadd.s32 $0x10, s2;
	v7 =	vshift.insert v7, v0, s20  }
0xd9: {  	s17 =	sadd.s32 $0x10, s17;
	[tilespmem:s2+$0x0] =	vst v10;
	(ifvalue) =	ssetifvalue $0xFFFFFFFF  }
0xda: {  	[hbm4b:s1+s14] =	stream.indirect_vreg.scatter [tilespmem:s2], [sflag:$0x2], $0x1, v8, vm0, $0x4038;
	[tilespmem:$0x12120] =	vst v63  }
0xdb: {  	v3 =	vld [tilespmem:$0x100F0];
	_ =	sdelay $0x4  }
0xdc: {  	v3 =	vshift.insert v3, v0, s20;
	_ =	sdelay $0x1  }
0xdd: {  	[tilespmem:s24+$0x0] =	vst.msk $0x1, v3  }
0xde: {  	v3 =	vsel vm4, $0x1, v1;
	[tilespmem:$0x90] =	vst v6  }
0xdf: {  	[tilespmem:$0xA0] =	vst v3  }
0xe0: {  	[spmem:s12] =	stream.linear.scatter [tilespmem:s25], [sflag:$0x1], $0x1, $0x38;
	[tilespmem:$0x12120] =	vst v63  }
0xe1: {  	v3 =	vmctz.xlane vm4;
	_ =	swait.ge [sflag:s3], $0x1  }
0xe2: {  	(v2sf) =	vpush v4, $0x0  }
0xe3: {  	(v2sf) =	vpush v3, $0x0;
	_ =	sdelay $0xd  }
0xe4: {  	s0 =	spop (v2sf)  }
0xe5: {  	s2 =	spop (v2sf)  }
0xe6: {  	[sflag:s3] =	ssyncset.done $0x0;
	p0 =	sne.s32 s30, s0;
	p1 =	slt.s32 s2, $0xF  }
0xe7: {  	[sflag:s3] =	ssyncadd.s32 $0xFFFFFFFF;
	v3 =	vimm.s32 @!p0 $0xFFFFFFFF;
	s2 =	simm.s32 @!p1 $0xF  }
0xe8: {  	[tilespmem:$0x80] =	vst @!p0 v3;
	s31 =	sadd.s32 $0x90, s2  }
0xe9: {  	[spmem:s10] =	stream.linear.scatter [tilespmem:s31], [sflag:$0x1], $0x1, $0x38;
	[tilespmem:$0x12120] =	vst v63  }
0xea: {  	_ =	swait.ge [sflag:s3], $0x1  }
0xeb: {  	[sflag:s3] =	ssyncset.done $0x0  }
0xec: {  	[sflag:s3] =	ssyncadd.s32 $0xFFFFFFFF  }
0xed: {  	[spmem:s13] =	stream.linear.scatter [tilespmem:s26], [sflag:$0x1], $0x1, $0x38;
	[tilespmem:$0x12120] =	vst v63  }
0xee: {  	_ =	swait.ge [sflag:s3], $0x1  }
0xef: {  	[sflag:s3] =	ssyncset.done $0x0  }
0xf0: {  	[sflag:s3] =	ssyncadd.s32 $0xFFFFFFFF;
	(ifvalue) =	ssetifvalue $0xFFFFFFFF;
	v3 =	vld [tilespmem:$0x10];
	_ =	sdelay $0x3  }
.Ltmp12:
0xf1: {  	_ = 	snop;
	(pc) =	sbr.rel .LBB3_4-.Ltmp12, $3  }
0xf2: {  	_ =	sdelay $0x1  }
0xf3: {  	(ifvalue) =	ssetifvalue $0xFFFFFFFF  }
0xf4: {  	[hbm4b:s1+s14] =	stream.indirect_vreg.scatter [tilespmem:s19], [sflag:$0x9], $0x1, v3, vm0, $0x4038;
	[tilespmem:$0x12120] =	vst v63  }
.LBB3_12:
0xf5: {  	s0 =	simm.s32 $0x2  }
0xf6: {  	_ =	swait.ge [sflag:s0], $0x2000  }
0xf7: {  	[sflag:s0] =	ssyncset.done $0x0  }
0xf8: {  	s31 =	simm.s32 $0x9;
	[sflag:s0] =	ssyncadd.s32 $0xFFFFE000  }
0xf9: {  	_ =	swait.ge [sflag:s31], $0x10  }
0xfa: {  	[sflag:s31] =	ssyncset.done $0x0  }
0xfb: {  	[sflag:s31] =	ssyncadd.s32 $0xFFFFFFF0  }
.LBB3_13:
0xfc: {  	_ =	sfence.sel $0x180000  }
0xfd: {  	s0 =	simm.s32 $0x7;
	[bflag:$0x0] =	sbarrier.arrive $0xFFFF  }
0xfe: {  	s26 =	simm.s32 $0x8;
	[sflag:s0] =	ssyncpa.u1 $0x1  }
0xff: {  	s28 =	simm.s32 $0x9;
	[sflag:s26] =	ssyncpa.u1 $0x1  }
0x100: {  	[sflag:s28] =	ssyncpa.u1 $0x1  }
0x101: {  	_ =	sfence.stream.spmem  }
0x102: {  	s29 =	simm.s32 $0x3;
	[bflag:$0x0] =	sbarrier.arrive $0xFFFF  }
0x103: {  	s30 =	simm.s32 $0x4;
	[sflag:s29] =	ssyncpa.u1 $0x1  }
0x104: {  	s31 =	simm.s32 $0x3C;
	s2 =	stileid.u32;
	[sflag:s30] =	ssyncpa.u1 $0x1  }
0x105: {  	p0 =	sne.s32 s2, $0x0;
	[sflag:s31] =	ssyncpa.u1 $0x1  }
0x106: {  	s0 =	simm.s32 @p0 $0x1;
	_ =	sfence @p0  }
0x107: {  	[sflag:s0] =	ssyncpa.u1 @p0 $0x1;
	s0 =	simm.s32 @p0 $0x2  }
0x108: {  	[sflag:s0] =	ssyncpa.u1 @p0 $0x1  }
0x109: {  	_ =	strace @p0 $0x90000050  }
0x10a: {  	[bflag:$0x2] =	sbarrier.arrive @p0 $0xFFFF  }
0x10b: {  	_ =	shalt @p0  }
.LBB3_14:
0x10c: {  	_ =	sfence.stream.spmem;
	s0 =	simm.s32 $0x5  }
0x10d: {  	s2 =	simm.s32 $0x80;
	s3 =	simm.s32 $0xC0;
	[sflag:s0] =	ssyncpa.u1 $0x0  }
0x10e: {  	[tilespmem:s3], [sflag:$0x5] =	stream.linear.gather [spmem:s2], $0x20, $0x38;
	[tilespmem:$0x12120] =	vst v63  }
0x10f: {  	s2 =	simm.s32 $0x0;
	s3 =	simm.s32 $0xE0  }
0x110: {  	[tilespmem:s3], [sflag:$0x5] =	stream.linear.gather [spmem:s2], $0x20, $0x38;
	[tilespmem:$0x12120] =	vst v63  }
.Ltmp13:
0x111: {  	_ = 	snop;
	(pc) =	sbr.rel .LBB3_15-.Ltmp13, $4  }
0x112: {  	_ =	swait.ge [sflag:s0], $0x40  }
0x113: {  	[sflag:s0] =	ssyncset.done $0x0  }
0x114: {  	s31 =	simm.s32 $0x6;
	[sflag:s0] =	ssyncadd.s32 $0xFFFFFFC0  }
0x115: {  	s4 =	simm.s32 $0x0;
	[sflag:s31] =	ssyncpa.u1 $0x0  }
.LBB3_20:
0x116: {  	p0 =	sgt.u32 s0, $0x1FFF  }
0x117: {  	s5 =	sshrl.u32 @!p0 s0, $0x3  }
0x118: {  	s0 =	sand.u32 @!p0 $0x7, s0;
	s6 =	simm.s32 @!p0 $0xB0;
	s5 =	sadd.s32 @!p0 s1, s5  }
0x119: {  	[tilespmem:s6], [sflag:$0x6] =	stream.linear.gather @!p0 [hbm4b:s5+s0], $0x1, $0x38;
	[tilespmem:$0x12120] =	vst v63  }
0x11a: {  	s0 =	simm.s32 @!p0 $0x6  }
0x11b: {  	_ =	swait.ge @!p0 [sflag:s0], $0x1  }
0x11c: {  	[sflag:s0] =	ssyncset.done @!p0 $0x0  }
0x11d: {  	[sflag:s0] =	ssyncadd.s32 @!p0 $0xFFFFFFFF  }
0x11e: {  	v2 =	vmov @!p0 s4;
	v1 =	vld.msk @!p0 [tilespmem:$0xB0], $0x1;
	_ =	sdelay $0x3  }
0x11f: {  	s0 =	simm.s32 @!p0 $0xE0  }
0x120: {  	[tilespmem:v2+s0+$0x0], v1 =	vst.idx.ret.add.f32.msk @!p0 $0x1, v1  }
0x121: {  	[tilespmem:s2+$0xC0] =	vst.msk $0x1, v0  }
0x122: {  	v0 =	vld.msk [tilespmem:s4+$0xE0], $0x1;
	_ =	sdelay $0x4  }
0x123: {  	[tilespmem:s2+$0xE0] =	vst.msk $0x1, v0;
	s2 =	sadd.s32 $0x1, s2  }
.LBB3_22:
0x124: {  	s4 =	sadd.s32 $0x1, s4  }
0x125: {  	p0 =	sne.s32 s4, $0x20  }
.Ltmp14:
0x126: {  	_ = 	snop;
	(pc) =	sbr.rel @!p0 .LBB3_23-.Ltmp14, $1  }
0x127: {  	_ =	sdelay $0x3  }
.LBB3_15:
0x128: {  	v0 =	vld.msk [tilespmem:s4+$0xC0], $0x1;
	_ =	sdelay $0x4  }
0x129: {  	(v2sf) =	vpush v0, $0x0;
	_ =	sdelay $0xe  }
0x12a: {  	s0 =	spop (v2sf)  }
0x12b: {  	p0 =	seq.s32 s0, $0xFFFFFFFF  }
.Ltmp15:
0x12c: {  	_ = 	snop;
	(pc) =	sbr.rel @p0 .LBB3_22-.Ltmp15, $1  }
0x12d: {  	_ =	sdelay $0x3  }
0x12e: {  	p0 =	slt.s32 s2, $0x1  }
.Ltmp16:
0x12f: {  	_ = 	snop;
	(pc) =	sbr.rel @p0 .LBB3_20-.Ltmp16, $1  }
0x130: {  	_ =	sdelay $0x3  }
0x131: {  	s5 =	simm.s32 $0xC0;
	p0 =	por $0x0, $0x0  }
0x132: {  	v1 =	vld.msk @!p0 [tilespmem:s5+$0x0], $0x1;
	_ =	sdelay $0x4  }
0x133: {  	(v2sf) =	vpush @!p0 v1, $0x0;
	_ =	sdelay $0xd  }
0x134: {  	p2 =	sne.s32 s2, $0x1  }
.Ltmp17:
0x135: {  	s6 =	spop @!p0 (v2sf);
	(pc) =	sbr.rel @!p2 .LBB3_19-.Ltmp17, $4  }
0x136: {  	p1 =	seq.s32 @!p0 s0, s6  }
0x137: {  	s6 =	simm.s32 $0x0;
	p1 =	por !p1, p0  }
0x138: {  	s8 =	simm.s32 $0xFFFFFFFF;
	s6 =	simm.s32 @p1 $0xFFFFFFFF  }
0x139: {  	s7 =	simm.s32 $0x1;
	s6 =	smov.u32 @p0 s8  }
.LBB3_18:
0x13a: {  	s8 =	smov.u32 s6;
	p0 =	sne.s32 s6, $0xFFFFFFFF  }
0x13b: {  	s5 =	sadd.s32 $0x1, s5;
	s6 =	smov.u32 s7;
	s7 =	sadd.s32 $0x1, s7  }
0x13c: {  	p1 =	sne.s32 s2, s7;
	v1 =	vld.msk @!p0 [tilespmem:s5+$0x0], $0x1;
	_ =	sdelay $0x4  }
0x13d: {  	(v2sf) =	vpush @!p0 v1, $0x0;
	_ =	sdelay $0xe  }
.Ltmp18:
0x13e: {  	s9 =	spop @!p0 (v2sf);
	(pc) =	sbr.rel @p1 .LBB3_18-.Ltmp18, $4  }
0x13f: {  	p2 =	seq.s32 @!p0 s0, s9  }
0x140: {  	p2 =	por !p2, p0  }
0x141: {  	s6 =	simm.s32 @p2 $0xFFFFFFFF  }
0x142: {  	s6 =	smov.u32 @p0 s8  }
.LBB3_19:
0x143: {  	p0 =	sne.s32 s6, $0xFFFFFFFF  }
.Ltmp19:
0x144: {  	_ = 	snop;
	(pc) =	sbr.rel @!p0 .LBB3_20-.Ltmp19, $1  }
0x145: {  	_ =	sdelay $0x3  }
0x146: {  	v0 =	vld.msk [tilespmem:s4+$0xE0], $0x1;
	v1 =	vmov s6  }
.Ltmp20:
0x147: {  	_ = 	snop;
	(pc) =	sbr.rel .LBB3_22-.Ltmp20, $2  }
0x148: {  	_ =	sdelay $0x2  }
0x149: {  	[tilespmem:v1+s3+$0x0], v0 =	vst.idx.ret.add.f32.msk $0x1, v0  }
.LBB3_23:
0x14a: {  	p0 =	slt.s32 s2, $0x1  }
.Ltmp21:
0x14b: {  	_ = 	snop;
	(pc) =	sbr.rel @p0 .LBB3_27-.Ltmp21, $3  }
0x14c: {  	_ =	sdelay $0x1  }
0x14d: {  	s0 =	simm.s32 $0x6  }
0x14e: {  	[sflag:s0] =	ssyncpa.u1 $0x1;
	s0 =	simm.s32 $0x0  }
0x14f: {  	s3 =	simm.s32 $0xC0  }
0x150: {  	v0 =	vld.msk [tilespmem:s3+$0x0], $0x1;
	_ =	sdelay $0x4  }
0x151: {  	(v2sf) =	vpush v0, $0x0;
	_ =	sdelay $0xe  }
0x152: {  	s2 =	sadd.s32 $0xFFFFFFFF, s2;
	s4 =	spop (v2sf)  }
0x153: {  	p1 =	sne.s32 s2, $0x0;
	p0 =	sgt.u32 s4, $0x1FFF  }
.Ltmp22:
0x154: {  	s5 =	sshrl.u32 @!p0 s4, $0x3;
	(pc) =	sbr.rel @!p1 .LBB3_26-.Ltmp22, $4  }
0x155: {  	s3 =	simm.s32 $0xE0;
	s4 =	sand.u32 @!p0 $0x7, s4;
	s5 =	sadd.s32 @!p0 s1, s5  }
0x156: {  	[hbm4b:s5+s4] =	stream.linear.scatter @!p0 [tilespmem:s3], [sflag:$0x5], $0x1, $0x38;
	[tilespmem:$0x12120] =	vst v63  }
0x157: {  	s5 =	simm.s32 $0x0  }
0x158: {  	s4 =	simm.s32 $0xC1;
	s5 =	simm.s32 @!p0 $0x4  }
.LBB3_25:
0x159: {  	v0 =	vld.msk [tilespmem:s4+$0x0], $0x1;
	s2 =	sadd.s32 $0xFFFFFFFF, s2;
	s0 =	sadd.s32 s0, s5  }
0x15a: {  	p0 =	sne.s32 s2, $0x0;
	_ =	sdelay $0x3  }
0x15b: {  	(v2sf) =	vpush v0, $0x0;
	_ =	sdelay $0xe  }
.Ltmp23:
0x15c: {  	s6 =	spop (v2sf);
	(pc) =	sbr.rel @p0 .LBB3_25-.Ltmp23, $4  }
0x15d: {  	s5 =	simm.s32 $0x0;
	p1 =	sgt.u32 s6, $0x1FFF  }
0x15e: {  	s3 =	sadd.s32 $0x1, s3;
	s5 =	simm.s32 @!p1 $0x4;
	s7 =	sshrl.u32 @!p1 s6, $0x3  }
0x15f: {  	s4 =	sadd.s32 $0x1, s4;
	s6 =	sand.u32 @!p1 $0x7, s6;
	s7 =	sadd.s32 @!p1 s1, s7  }
0x160: {  	[hbm4b:s7+s6] =	stream.linear.scatter @!p1 [tilespmem:s3], [sflag:$0x5], $0x1, $0x38;
	[tilespmem:$0x12120] =	vst v63  }
.LBB3_26:
0x161: {  	s0 =	sadd.s32 s0, s5  }
0x162: {  	s0 =	sshrl.u32 s0, $0x2  }
.LBB3_27:
0x163: {  	s1 =	simm.s32 $0x5  }
0x164: {  	_ =	swait.ge [sflag:s1], s0  }
0x165: {  	s28 =	ssub.s32 $0x0, s0;
	[sflag:s1] =	ssyncset.done $0x0  }
0x166: {  	[sflag:s1] =	ssyncadd.s32 s28  }
0x167: {  	[sflag:s1] =	ssyncpa.u1 $0x1  }
0x168: {  	s29 =	simm.s32 $0x1;
	_ =	sfence  }
0x169: {  	s30 =	simm.s32 $0x2;
	[sflag:s29] =	ssyncpa.u1 $0x1  }
0x16a: {  	[sflag:s30] =	ssyncpa.u1 $0x1  }
0x16b: {  	_ =	strace $0x90000050  }
0x16c: {  	[bflag:$0x2] =	sbarrier.arrive $0xFFFF  }
0x16d: {  	s31 =	rddreg [dreg:$0x1]  }
0x16e: {  	s0 =	sadd.s32 $0x100000, s31  }
0x16f: {  	[sflag:s0] =	ssyncadd.tile.s32 $0x1;
	_ =	shalt  }
.Lfunc_end3:
_tile_overlayer_lowered:
.L_overlay_start_3:
0x170: {  	(tag) =	ssettag $0x3  }
0x171: {  	s0 =	rddreg [dreg:$0x0];
	s2 =	stileid.u32  }
0x172: {  	s1 =	rddreg [dreg:$0x1];
	p0 =	sne.s32 s2, $0x0  }
0x173: {  	s3 =	rddreg [dreg:$0x2];
	[bflag:$0x3] =	sbarrier.arrive $0xFFFF;
	s2 =	simm.s32 @!p0 $0x1C01  }
0x174: {  	[timem:s3], [sflag:s2] =	dma.local @!p0 [hbm:s0], s1  }
0x175: {  	s0 =	simm.s32 @!p0 $0x1  }
0x176: {  	_ =	swait.ge @!p0 [sflag:s0], s1  }
0x177: {  	s1 =	ssub.s32 @!p0 $0x0, s1;
	[sflag:s0] =	ssyncset.done @!p0 $0x0  }
0x178: {  	[sflag:s0] =	ssyncadd.s32 @!p0 s1  }
0x179: {  	[bflag:$0x3] =	sbarrier.arrive $0xFFFF  }
0x17a: {  	_ =	shalt  }

// kernel: scatter_offload_async_start.2
scs
__scs_entry_jumppad:
0x0: {  	(pc) =	sbr.rel $0x88, $3  }
0x1: {  	(tag) =	ssettag $0x0;
	lr =	simm.s32 $0x1  }
0x2: {  	[smem:$0x3F94] =	sst lr;
	_ =	strace $0xD0000000  }
0x3: {  	_ = 	snop  }
0x4: {  	_ = 	snop  }
0x5: {  	_ = 	snop  }
0x6: {  	_ = 	snop  }
0x7: {  	_ = 	snop  }
__scs_overlays_trampoline_lowered:
0x8: {  	[smem:$0x3FA3] =	sst s0  }
0x9: {  	[smem:$0x3FA4] =	sst s1  }
0xa: {  	[smem:$0x3FA5] =	sst s2  }
0xb: {  	[smem:$0x3FA6] =	sst s3  }
0xc: {  	[smem:$0x3FA7] =	sst s4  }
0xd: {  	[smem:$0x3FA8] =	sst s5  }
0xe: {  	[smem:$0x3FA9] =	sst s6  }
0xf: {  	[smem:$0x3FAA] =	sst s7  }
0x10: {  	[smem:$0x3FAB] =	sst s8  }
0x11: {  	[smem:$0x3FAC] =	sst s9;
	s0 =	simm.s32 @!p0 $0x0  }
0x12: {  	s1 =	sld [smem:$0x3F92];
	s0 =	simm.s32 @p0 $0x1  }
0x13: {  	[smem:$0x3FAD] =	sst s0;
	s0 =	simm.s32 @!p1 $0x0  }
0x14: {  	s2 =	sld [smem:$0x3F91];
	s0 =	simm.s32 @p1 $0x1  }
0x15: {  	[smem:$0x3FAE] =	sst s0;
	s0 =	simm.s32 @!p2 $0x0  }
0x16: {  	s3 =	sld [smem:$0x3FDB];
	s0 =	simm.s32 @p2 $0x1  }
0x17: {  	s4 =	simm.s32 $0x1BF5;
	[smem:$0x3FB0] =	sst s0  }
0x18: {  	s0 =	sld [smem:$0x3F93];
	_ =	swait.ge [sflag:s4], $0x0  }
0x19: {  	s7 =	sld [smem:$0x3F94]  }
0x1a: {  	s8 =	sadd.s32 $0xFFFFE003, lr  }
0x1b: {  	s9 =	sadd.s32 $0xFFFFFEF7, lr;
	s5 =	simm.s32 $0xFFFFFFFF;
	p2 =	slt.u32 s8, $0xFFFFF086  }
0x1c: {  	p1 =	slt.u32 s9, $0xF7A;
	s5 =	simm.s32 @!p2 $0x0  }
0x1d: {  	s5 =	simm.s32 @p1 $0x1;
	p0 =	seq.s32 s7, s2  }
0x1e: {  	s7 =	smul.u32 @!p0 $0xF7A, s2;
	p2 =	seq.s32 @!p0 s5, $0x0  }
0x1f: {  	s9 =	smul.u32 $0xF7A, s1;
	s8 =	simm.s32 @!p0 $0x1BF5;
	p2 =	por !p2, p0  }
0x20: {  	[sflag:s8] =	ssyncset.s32 @!p0 $0xFFFFF086;
	s6 =	sadd.s32 @!p0 s3, s7;
	s7 =	simm.s32 @!p0 $0x108  }
0x21: {  	s3 =	sadd.s32 s3, s9;
	s6 =	sadd.s32 @!p0 $0x88, s6;
	s7 =	simm.s32 @p2 $0x1082  }
0x22: {  	[simem:s7], [sflag:s8] =	dma.local @!p0 [hbm:s6], $0xF7A  }
0x23: {  	s9 =	sor.u32 $0xD0000000, s2;
	s6 =	simm.s32 $0x108;
	_ =	swait.ge @!p0 [sflag:s8], $0x0  }
0x24: {  	s3 =	sadd.s32 $0x88, s3;
	s6 =	simm.s32 @!p1 $0x1082;
	[sflag:s4] =	ssyncset.s32 $0xFFFFF086  }
0x25: {  	[simem:s6], [sflag:s4] =	dma.local [hbm:s3], $0xF7A  }
0x26: {  	[smem:$0x3F94] =	sst s1;
	(tag) =	ssettag s2;
	_ =	strace s9  }
0x27: {  	s1 =	sld [smem:$0x3FA4]  }
0x28: {  	s2 =	sld [smem:$0x3FA5]  }
0x29: {  	s4 =	sld [smem:$0x3FA7]  }
0x2a: {  	p0 =	seq.s32 s5, $0x0;
	s5 =	sld [smem:$0x3FA8]  }
0x2b: {  	s6 =	sld [smem:$0x3FA9]  }
0x2c: {  	s7 =	sld [smem:$0x3FAA]  }
0x2d: {  	s3 =	simm.s32 $0x108;
	s8 =	sld [smem:$0x3FAB]  }
0x2e: {  	s3 =	simm.s32 @!p0 $0x1082;
	s9 =	sld [smem:$0x3FAC]  }
0x2f: {  	lr =	sadd.s32 s0, s3;
	s0 =	sld [smem:$0x3FA3]  }
0x30: {  	s3 =	sld [smem:$0x3FA6]  }
0x31: {  	[smem:$0x3FAF] =	sst s10  }
0x32: {  	s10 =	sld [smem:$0x3FAD];
	_ =	sdelay $0x3  }
0x33: {  	p0 =	seq.s32 s10, $0x1;
	s10 =	sld [smem:$0x3FAF];
	_ =	sdelay $0x3  }
0x34: {  	[smem:$0x3FAF] =	sst s10  }
0x35: {  	s10 =	sld [smem:$0x3FAE];
	_ =	sdelay $0x3  }
0x36: {  	p1 =	seq.s32 s10, $0x1;
	s10 =	sld [smem:$0x3FAF];
	_ =	sdelay $0x3  }
0x37: {  	[smem:$0x3FAF] =	sst s10  }
0x38: {  	s10 =	sld [smem:$0x3FB0]  }
0x39: {  	_ = 	snop;
	(pc) =	sbr.ind lr, $3  }
0x3a: {  	_ = 	snop  }
0x3b: {  	_ = 	snop  }
0x3c: {  	p2 =	seq.s32 s10, $0x1;
	s10 =	sld [smem:$0x3FAF]  }
0x3d: {  	_ =	shalt  }
0x3e: {  	_ =	shalt  }
0x3f: {  	_ =	shalt  }
0x40: {  	_ =	shalt  }
0x41: {  	_ =	shalt  }
0x42: {  	_ =	shalt  }
0x43: {  	_ =	shalt  }
0x44: {  	_ =	shalt  }
0x45: {  	_ =	shalt  }
0x46: {  	_ =	shalt  }
0x47: {  	_ =	shalt  }
0x48: {  	_ =	shalt  }
0x49: {  	_ =	shalt  }
0x4a: {  	_ =	shalt  }
0x4b: {  	_ =	shalt  }
0x4c: {  	_ =	shalt  }
0x4d: {  	_ =	shalt  }
0x4e: {  	_ =	shalt  }
0x4f: {  	_ =	shalt  }
0x50: {  	_ =	shalt  }
0x51: {  	_ =	shalt  }
0x52: {  	_ =	shalt  }
0x53: {  	_ =	shalt  }
0x54: {  	_ =	shalt  }
0x55: {  	_ =	shalt  }
0x56: {  	_ =	shalt  }
0x57: {  	_ =	shalt  }
0x58: {  	_ =	shalt  }
0x59: {  	_ =	shalt  }
0x5a: {  	_ =	shalt  }
0x5b: {  	_ =	shalt  }
0x5c: {  	_ =	shalt  }
0x5d: {  	_ =	shalt  }
0x5e: {  	_ =	shalt  }
0x5f: {  	_ =	shalt  }
0x60: {  	_ =	shalt  }
0x61: {  	_ =	shalt  }
0x62: {  	_ =	shalt  }
0x63: {  	_ =	shalt  }
0x64: {  	_ =	shalt  }
0x65: {  	_ =	shalt  }
0x66: {  	_ =	shalt  }
0x67: {  	_ =	shalt  }
0x68: {  	_ =	shalt  }
0x69: {  	_ =	shalt  }
0x6a: {  	_ =	shalt  }
0x6b: {  	_ =	shalt  }
0x6c: {  	_ =	shalt  }
0x6d: {  	_ =	shalt  }
0x6e: {  	_ =	shalt  }
0x6f: {  	_ =	shalt  }
0x70: {  	_ =	shalt  }
0x71: {  	_ =	shalt  }
0x72: {  	_ =	shalt  }
0x73: {  	_ =	shalt  }
0x74: {  	_ =	shalt  }
0x75: {  	_ =	shalt  }
0x76: {  	_ =	shalt  }
0x77: {  	_ =	shalt  }
0x78: {  	_ =	shalt  }
0x79: {  	_ =	shalt  }
0x7a: {  	_ =	shalt  }
0x7b: {  	_ =	shalt  }
0x7c: {  	_ =	shalt  }
0x7d: {  	_ =	shalt  }
0x7e: {  	_ =	shalt  }
0x7f: {  	_ =	shalt  }
0x80: {  	_ =	shalt  }
0x81: {  	_ =	shalt  }
0x82: {  	_ =	shalt  }
0x83: {  	_ =	shalt  }
0x84: {  	_ =	shalt  }
0x85: {  	_ =	shalt  }
0x86: {  	_ =	shalt  }
0x87: {  	_ =	shalt  }
.Lfunc_end0:
.L_simem_size_0:
called_computation.2_lowered:
.L_overlay_start_0:
0x88: {  	s2 =	sld [smem:$0x3FD9]  }
0x89: {  	s3 =	sld [smem:$0x3FFE];
	_ =	sdelay $0x1  }
0x8a: {  	s1 =	srdreg.scid  }
0x8b: {  	s0 =	sand.u32 $0x1, s1  }
0x8c: {  	s13 =	sshll.u32 s0, $0xA;
	s2 =	sadd.s32 s3, s2  }
0x8d: {  	s2 =	sadd.s32 s2, s13  }
0x8e: {  	[smem:$0x3FBB] =	sst s2  }
0x8f: {  	_ = 	snop  }
0x90: {  	s2 =	sld [smem:$0x3FD0];
	_ =	sdelay $0x2  }
0x91: {  	s14 =	simm.s32 $0xD;
	s4 =	simm.s32 $0x10  }
0x92: {  	[smem:s4], [sflag:s14] =	dma.local [hbm:s2], $0x1  }
0x93: {  	_ =	swait.eq [sflag:s14], $0x1  }
0x94: {  	[sflag:s14] =	ssyncset.done $0x0  }
0x95: {  	[sflag:s14] =	ssyncadd.s32 $0xFFFFFFFF  }
0x96: {  	s15 =	sld [smem:$0x12];
	(tm) =	ssettm $0x1  }
0x97: {  	s16 =	sld [smem:$0x3FFB];
	_ =	sdelay $0x3  }
0x98: {  	_ =	strace s16  }
0x99: {  	s2 =	sld [smem:$0x3FFC];
	_ =	sdelay $0x3  }
0x9a: {  	_ =	strace s2  }
0x9b: {  	s2 =	sld [smem:$0x3FFD];
	_ =	sdelay $0x3  }
0x9c: {  	_ =	strace s2  }
0x9d: {  	_ =	strace $0x8FFFFFFF  }
0x9e: {  	s17 =	sld [smem:$0x3FDB];
	_ =	sdelay $0x1  }
0x9f: {  	s18 =	simm.s32 $_scs_section_size  }
0xa0: {  	s5 =	simm.s32 $_size__tile_overlayer_lowered;
	s6 =	simm.s32 $_tile_overlayer_lowered  }
0xa1: {  	s7 =	simm.s32 $0x1BFF;
	s19 =	sshll.u32 s6, $0x1;
	s4 =	sadd.s32 s18, s17  }
0xa2: {  	s20 =	simm.s32 $0x0;
	s5 =	sshll.u32 s5, $0x1;
	s6 =	sadd.s32 s19, s4  }
0xa3: {  	[timem:s20], [sflag:s7] =	dma.local [hbm:s6], s5  }
0xa4: {  	_ =	swait.ge [sflag:s7], s5  }
0xa5: {  	s5 =	ssub.s32 $0x0, s5;
	[sflag:s7] =	ssyncset.done $0x0  }
0xa6: {  	[sflag:s7] =	ssyncadd.s32 s5;
	_ =	sdelay $0x1  }
0xa7: {  	s21 =	simm.s32 $0x1B8B  }
0xa8: {  	_ =	swait.ge [sflag:s21], $0x1  }
0xa9: {  	[sflag:s21] =	ssyncset.done $0x0  }
0xaa: {  	s22 =	sld [smem:$0x3FFE];
	[sflag:s21] =	ssyncadd.s32 $0xFFFFFFFF  }
0xab: {  	s24 =	simm.s32 $0x1B8E;
	s23 =	sld [smem:$0x0]  }
0xac: {  	s25 =	simm.s32 $execute0_lowered;
	[smem:$0x3FD2] =	sst s24  }
0xad: {  	s7 =	sshll.u32 s25, $0x1;
	_ =	strace $0x80000052;
	[dreg:$0x1] =	wrdreg $0xFFFFFFFF  }
0xae: {  	s8 =	simm.s32 $_size_execute0_lowered;
	s7 =	sadd.s32 s4, s7;
	[dreg:$0x0] =	wrdreg $0x0  }
0xaf: {  	s8 =	sshll.u32 s8, $0x1;
	[dreg:$0x2] =	wrdreg s7  }
0xb0: {  	[dreg:$0x3] =	wrdreg s8  }
0xb1: {  	[dreg:$0x4] =	wrdreg $0xC0  }
0xb2: {  	s26 =	simm.s32 $execute1_lowered;
	_ =	task [dreg:s20], $0x5FFFF  }
0xb3: {  	s7 =	sshll.u32 s26, $0x1;
	[dreg:$0x1] =	wrdreg $0xFFFFFFFF  }
0xb4: {  	s4 =	sadd.s32 s4, s7;
	[dreg:$0x0] =	wrdreg $0x60  }
0xb5: {  	[dreg:$0x2] =	wrdreg s4  }
0xb6: {  	[dreg:$0x3] =	wrdreg s22  }
0xb7: {  	[dreg:$0x4] =	wrdreg s15  }
0xb8: {  	[dreg:$0x5] =	wrdreg $0x9  }
0xb9: {  	_ =	task.clear_ibuf [dreg:s20], $0x6FFFF;
	_ =	strace $0x90000052  }
0xba: {  	s28 =	simm.s32 $0x9;
	_ =	strace $0x80000054  }
0xbb: {  	_ =	swait.ge [sflag:s28], $0x1  }
0xbc: {  	[sflag:s28] =	ssyncadd.s32 $0xFFFFFFFF  }
0xbd: {  	_ =	strace $0x90000054  }
0xbe: {  	s4 =	sld [smem:$0x0]  }
0xbf: {  	s7 =	sand.u32 $0xFFFFFFFE, s1  }
0xc0: {  	p0 =	sne.s32 s1, s7  }
0xc1: {  	s7 =	sshll.u32 @p0 s7, $0xE  }
0xc2: {  	s7 =	sadd.s32 @p0 $0x11BF3, s7;
	s8 =	sshll.u32 @p0 s4, $0x11  }
0xc3: {  	s7 =	sor.u32 @p0 s8, s7  }
0xc4: {  	[sflag:s7] =	ssyncadd.remote.s32 @p0 $0x1;
	_ =	sdelay $0x1  }
0xc5: {  	s7 =	simm.s32 @p0 $0x1BF3  }
0xc6: {  	_ =	swait.eq @p0 [sflag:s7], $0x1  }
0xc7: {  	[sflag:s7] =	ssyncadd.s32 @p0 $0xFFFFFFFF  }
0xc8: {  	s8 =	sshll.u32 @!p0 s1, $0xE  }
0xc9: {  	s8 =	sor.u32 @!p0 $0x4000, s8;
	s7 =	simm.s32 @!p0 $0x1BF3  }
0xca: {  	s4 =	sshll.u32 @!p0 s4, $0x11;
	s8 =	sadd.s32 @!p0 $0x11BF3, s8;
	_ =	swait.eq @!p0 [sflag:s7], $0x1  }
0xcb: {  	s4 =	sor.u32 @!p0 s4, s8;
	[sflag:s7] =	ssyncadd.s32 @!p0 $0xFFFFFFFF  }
0xcc: {  	[sflag:s4] =	ssyncadd.remote.s32 @!p0 $0x1  }
0xcd: {  	_ =	strace $0x80000055;
	[dreg:$0x1] =	wrdreg $0xFFFFFFFF  }
0xce: {  	[dreg:$0x0] =	wrdreg $0x2030  }
0xcf: {  	[dreg:$0x2] =	wrdreg s15  }
0xd0: {  	[dreg:$0x3] =	wrdreg s22  }
0xd1: {  	[dreg:$0x4] =	wrdreg s1  }
0xd2: {  	[dreg:$0x5] =	wrdreg s23  }
0xd3: {  	[dreg:$0x6] =	wrdreg $0xA  }
0xd4: {  	_ =	task.clear_ibuf [dreg:s20], $0x7FFFF;
	_ =	strace $0x90000055  }
0xd5: {  	s29 =	simm.s32 $0xA;
	_ =	strace $0x80000057  }
0xd6: {  	_ =	swait.ge [sflag:s29], $0x1  }
0xd7: {  	[sflag:s29] =	ssyncadd.s32 $0xFFFFFFFF  }
0xd8: {  	_ =	strace $0x90000057  }
0xd9: {  	_ =	sfence  }
0xda: {  	s30 =	sld [smem:$0x0];
	_ =	sdelay $0x2  }
0xdb: {  	s31 =	sshll.u32 s1, $0xD;
	s1 =	sshrl.u32 s1, $0x2  }
0xdc: {  	s4 =	sand.u32 $0x4000, s31;
	s1 =	sadd.s32 s1, s30  }
0xdd: {  	s0 =	sor.u32 s4, s0;
	s1 =	sshll.u32 s1, $0x11  }
0xde: {  	s0 =	sor.u32 s1, s0  }
0xdf: {  	s0 =	sadd.s32 $0x8F2B, s0  }
0xe0: {  	[sflag:s0] =	ssyncadd.remote.s32 $0x1  }
0xe1: {  	_ =	sfence.sel $0xFFFF  }
0xe2: {  	[dreg:$0x0] =	wrdreg $0xFFFFFFFF;
	(pc) =	sbr.abs _section_cstart, $3  }
0xe3: {  	[dreg:$0x1] =	wrdreg $0xFFFFFFFF  }
0xe4: {  	_ =	task.clear_ibuf [dreg:s20], $0x2FFFF;
	_ =	strace $0x9FFFFFFF  }
0xe5: {  	(tm) =	ssettm $0x7FFFFFFF  }
tec
execute0_lowered:
.L_overlay_start_1:
0x0: {  	(tag) =	ssettag $0x1  }
0x1: {  	s3 =	rddreg [dreg:$0x0]  }
0x2: {  	s6 =	rddreg [dreg:$0x1]  }
0x3: {  	s4 =	stileid.u32;
	[bflag:$0x3] =	sbarrier.arrive $0xFFFF;
	s1 =	simm.s32 $_size_execute1_lowered  }
0x4: {  	s29 =	srdreg.scid;
	p0 =	sne.s32 s4, $0x0;
	s0 =	sshll.u32 s1, $0x1  }
0x5: {  	s5 =	simm.s32 @!p0 $0x1C3F;
	s7 =	simm.s32 @!p0 $0x4060;
	[dreg:$0x4] =	wrdreg s0  }
0x6: {  	[timem:s7], [sflag:s5] =	dma.local @!p0 [hbm:s3], s0  }
0x7: {  	s3 =	sshll.u32 s29, $0x6  }
0x8: {  	s4 =	sshll.u32 s4, $0x7;
	s3 =	sand.u32 $0x40, s3  }
0x9: {  	s8 =	simm.s32 $0x2;
	s3 =	sor.u32 s4, s3  }
0xa: {  	s11 =	simm.s32 $0x0;
	s10 =	simm.s32 $0x0;
	s30 =	ssub.s32 $0x2000, s3  }
.Ltmp0:
0xb: {  	s6 =	sadd.s32 $0x43A000, s6;
	s31 =	sand.u32 $0x7C0, s30;
	(pc) =	sbr.rel .LBB2_1-.Ltmp0, $4  }
0xc: {  	s7 =	simm.s32 $0x1;
	_ =	strace $0x80000053;
	p1 =	sne.s32 s31, $0x0  }
0xd: {  	s4 =	simm.s32 $0x1;
	s5 =	sshrl.u32 s30, $0xB;
	s7 =	simm.s32 @!p1 $0x0  }
0xe: {  	[sflag:s4] =	ssyncpa.u1 $0x0;
	s9 =	smov.u32 s3;
	s5 =	sadd.s32 s7, s5  }
0xf: {  	[sflag:s8] =	ssyncpa.u1 $0x0;
	s8 =	simm.s32 $0x0;
	s7 =	sadd.s32 $0x1, s5  }
.LBB2_4:
0x10: {  	_ =	sdelay $0x3  }
0x11: {  	[tilespmem:v1+s22+$0x0 ss:$0x1] =	vst.idx.msk $0xffff, v7  }
0x12: {  	s0 =	sor.u32 s24, s23;
	v46 =	vld.idx.msk [tilespmem:v0+s14+$0x0 ss:$0x1], $0xffff;
	[tilespmem:v1+s20+$0x0 ss:$0x1] =	vst.idx.msk $0xffff, v6  }
0x13: {  	v47 =	vld.idx.msk [tilespmem:v0+s13+$0x0 ss:$0x1], $0xffff;
	[tilespmem:v1+s15+$0x0 ss:$0x1] =	vst.idx.msk $0xffff, v4;
	s30 =	sor.u32 $0x410, s0  }
0x14: {  	[tilespmem:v1+s19+$0x0 ss:$0x1] =	vst.idx.msk $0xffff, v3;
	s23 =	sor.u32 $0x420, s0;
	v48 =	vld.idx.msk [tilespmem:v0+s30+$0x0 ss:$0x1], $0xffff  }
0x15: {  	[tilespmem:v1+s17+$0x0 ss:$0x1] =	vst.idx.msk $0xffff, v2;
	s24 =	sor.u32 $0x430, s0;
	v58 =	vld.idx.msk [tilespmem:v0+s23+$0x0 ss:$0x1], $0xffff  }
0x16: {  	[tilespmem:v1+s16+$0x0 ss:$0x1] =	vst.idx.msk $0xffff, v5;
	s25 =	sor.u32 $0x440, s0;
	v59 =	vld.idx.msk [tilespmem:v0+s24+$0x0 ss:$0x1], $0xffff  }
0x17: {  	s26 =	sor.u32 $0x450, s0;
	v60 =	vld.idx.msk [tilespmem:v0+s25+$0x0 ss:$0x1], $0xffff;
	[tilespmem:v1+s14+$0x0 ss:$0x1] =	vst.idx.msk $0xffff, v46  }
0x18: {  	s1 =	sand.u32 $0x80, s18;
	s2 =	sand.u32 $0x3B00, s0;
	s28 =	sor.u32 $0x460, s0;
	v61 =	vld.idx.msk [tilespmem:v0+s26+$0x0 ss:$0x1], $0xffff;
	[tilespmem:v1+s13+$0x0 ss:$0x1] =	vst.idx.msk $0xffff, v47  }
0x19: {  	s1 =	sor.u32 s1, s2;
	v62 =	vld.idx.msk [tilespmem:v0+s28+$0x0 ss:$0x1], $0xffff;
	[tilespmem:v1+s30+$0x0 ss:$0x1] =	vst.idx.msk $0xffff, v48  }
0x1a: {  	s0 =	sor.u32 $0x470, s0;
	v49 =	vld.idx.msk [tilespmem:v0+s1+$0x0 ss:$0x1], $0xffff;
	[tilespmem:v1+s23+$0x0 ss:$0x1] =	vst.idx.msk $0xffff, v58  }
0x1b: {  	v63 =	vld.idx.msk [tilespmem:v0+s0+$0x0 ss:$0x1], $0xffff;
	s2 =	sor.u32 $0x400, s1;
	[tilespmem:v1+s24+$0x0 ss:$0x1] =	vst.idx.msk $0xffff, v59  }
0x1c: {  	s31 =	sor.u32 $0x10, s1;
	v50 =	vld.idx.msk [tilespmem:v0+s2+$0x0 ss:$0x1], $0xffff;
	[tilespmem:v1+s25+$0x0 ss:$0x1] =	vst.idx.msk $0xffff, v60  }
0x1d: {  	s17 =	sor.u32 $0x20, s1;
	v51 =	vld.idx.msk [tilespmem:v0+s31+$0x0 ss:$0x1], $0xffff;
	[tilespmem:v1+s26+$0x0 ss:$0x1] =	vst.idx.msk $0xffff, v61  }
0x1e: {  	s19 =	sor.u32 $0x30, s1;
	s20 =	sor.u32 $0x40, s1;
	v52 =	vld.idx.msk [tilespmem:v0+s17+$0x0 ss:$0x1], $0xffff;
	[tilespmem:v1+s28+$0x0 ss:$0x1] =	vst.idx.msk $0xffff, v62  }
0x1f: {  	s21 =	sor.u32 $0x50, s1;
	s22 =	sor.u32 $0x60, s1;
	v53 =	vld.idx.msk [tilespmem:v0+s19+$0x0 ss:$0x1], $0xffff;
	[tilespmem:v1+s1+$0x0 ss:$0x1] =	vst.idx.msk $0xffff, v49;
	s1 =	sor.u32 $0x70, s1  }
0x20: {  	[tilespmem:v1+s0+$0x0 ss:$0x1] =	vst.idx.msk $0xffff, v63;
	v57 =	vld.idx.msk [tilespmem:v0+s1+$0x0 ss:$0x1], $0xffff  }
0x21: {  	v54 =	vld.idx.msk [tilespmem:v0+s20+$0x0 ss:$0x1], $0xffff;
	[tilespmem:v1+s2+$0x0 ss:$0x1] =	vst.idx.msk $0xffff, v50  }
0x22: {  	v55 =	vld.idx.msk [tilespmem:v0+s21+$0x0 ss:$0x1], $0xffff;
	[tilespmem:v1+s31+$0x0 ss:$0x1] =	vst.idx.msk $0xffff, v51  }
0x23: {  	v56 =	vld.idx.msk [tilespmem:v0+s22+$0x0 ss:$0x1], $0xffff;
	[tilespmem:v1+s17+$0x0 ss:$0x1] =	vst.idx.msk $0xffff, v52  }
0x24: {  	s29 =	sshll.u32 s11, $0x8;
	s30 =	sshll.u32 s11, $0x7;
	[tilespmem:v1+s19+$0x0 ss:$0x1] =	vst.idx.msk $0xffff, v53  }
0x25: {  	s2 =	sand.u32 $0x380, s30;
	[tilespmem:v1+s1+$0x0 ss:$0x1] =	vst.idx.msk $0xffff, v57;
	s1 =	sand.u32 $0x1FF800, s29  }
0x26: {  	[tilespmem:v1+s20+$0x0 ss:$0x1] =	vst.idx.msk $0xffff, v54;
	s1 =	sor.u32 s2, s1  }
0x27: {  	[tilespmem:v1+s21+$0x0 ss:$0x1] =	vst.idx.msk $0xffff, v55;
	s31 =	rddreg [dreg:$0x2];
	s1 =	sshrl.u32 s1, $0x3  }
0x28: {  	[tilespmem:v1+s22+$0x0 ss:$0x1] =	vst.idx.msk $0xffff, v56;
	s0 =	sadd.s32 s31, s1  }
0x29: {  	[hbm4b:s0+s8] =	stream.linear.scatter [tilespmem:s12], [sflag:$0x2], $0x4000, $0x38;
	[tilespmem:$0x10000] =	vst v63  }
.LBB2_5:
0x2a: {  	s1 =	sadd.s32 $0x800, s9  }
0x2b: {  	p2 =	sgt.s32 s1, $0x1FFF  }
0x2c: {  	s1 =	smov.u32 @p2 s3;
	p2 =	sne.s32 s10, s7  }
.Ltmp1:
0x2d: {  	p1 =	slt.u32 s10, $0x2;
	(pc) =	sbr.rel @!p2 .LBB2_6-.Ltmp1, $4  }
0x2e: {  	s0 =	simm.s32 @!p1 $0x2  }
0x2f: {  	_ =	swait.ge @!p1 [sflag:s0], $0x4000  }
0x30: {  	s2 =	sadd.s32 $0x1, s10;
	s11 =	smov.u32 s9;
	[sflag:s0] =	ssyncset.done @!p1 $0x0  }
0x31: {  	s10 =	smov.u32 s2;
	s9 =	smov.u32 s1;
	[sflag:s0] =	ssyncadd.s32 @!p1 $0xFFFFC000  }
.LBB2_1:
0x32: {  	p1 =	sge.u32 s10, s5  }
0x33: {  	s12 =	sshll.u32 @!p1 s9, $0x8;
	s13 =	sshll.u32 @!p1 s9, $0x7  }
0x34: {  	s12 =	sand.u32 @!p1 $0x1FF800, s12;
	s13 =	sand.u32 @!p1 $0x380, s13  }
0x35: {  	s14 =	sxor.u32 @!p1 $0xFFFFFFFF, s10;
	s12 =	sor.u32 @!p1 s13, s12  }
0x36: {  	s31 =	sadd.s32 $0xFFFFFFFF, s10;
	s13 =	sshll.u32 @!p1 s14, $0xE;
	s12 =	sshrl.u32 @!p1 s12, $0x3  }
0x37: {  	s14 =	simm.s32 @!p1 $0x0;
	s13 =	sand.u32 @!p1 $0x4000, s13;
	s12 =	sadd.s32 @!p1 s6, s12  }
0x38: {  	[tilespmem:s13], [sflag:$0x1] =	stream.linear.gather @!p1 [hbm4b:s12+s14], $0x4000, $0x38;
	[tilespmem:$0x10000] =	vst v63  }
0x39: {  	p1 =	sge.u32 s31, s5  }
.Ltmp2:
0x3a: {  	_ = 	snop;
	(pc) =	sbr.rel @p1 .LBB2_5-.Ltmp2, $1  }
0x3b: {  	_ =	sdelay $0x3  }
0x3c: {  	s12 =	sshll.u32 s10, $0xE  }
0x3d: {  	s12 =	sand.u32 $0x4000, s12  }
0x3e: {  	v0 =	vmov s12  }
0x3f: {  	s13 =	simm.s32 $0x0  }
0x40: {  	_ =	swait.ge [sflag:s4], $0x4000;
	s14 =	sand.u32 $0x3800, s13;
	s15 =	sand.u32 $0x380, s13  }
0x41: {  	[sflag:s4] =	ssyncset.done $0x0;
	s13 =	sand.u32 $0x80, s13;
	s18 =	sor.u32 s15, s14  }
0x42: {  	[sflag:s4] =	ssyncadd.s32 $0xFFFFC000;
	s14 =	sand.u32 $0x3B00, s18;
	s15 =	sor.u32 $0x410, s18  }
0x43: {  	s12 =	sor.u32 $0x8000, s12;
	s13 =	sor.u32 s13, s14;
	v2 =	vld.idx.msk [tilespmem:v0+s15+$0x0 ss:$0x1], $0xffff  }
0x44: {  	v1 =	vmov s12;
	s14 =	sor.u32 $0x400, s13;
	v3 =	vld.idx.msk [tilespmem:v0+s13+$0x0 ss:$0x1], $0xffff  }
0x45: {  	s16 =	sor.u32 $0x10, s13;
	v4 =	vld.idx.msk [tilespmem:v0+s14+$0x0 ss:$0x1], $0xffff  }
0x46: {  	s17 =	sor.u32 $0x20, s13;
	v5 =	vld.idx.msk [tilespmem:v0+s16+$0x0 ss:$0x1], $0xffff  }
0x47: {  	s21 =	sor.u32 $0x30, s13;
	v8 =	vld.idx.msk [tilespmem:v0+s17+$0x0 ss:$0x1], $0xffff  }
0x48: {  	s23 =	sor.u32 $0x40, s13;
	v9 =	vld.idx.msk [tilespmem:v0+s21+$0x0 ss:$0x1], $0xffff  }
0x49: {  	s25 =	sor.u32 $0x50, s13;
	v10 =	vld.idx.msk [tilespmem:v0+s23+$0x0 ss:$0x1], $0xffff;
	[tilespmem:v1+s15+$0x0 ss:$0x1] =	vst.idx.msk $0xffff, v2  }
0x4a: {  	s22 =	sor.u32 $0x60, s13;
	v11 =	vld.idx.msk [tilespmem:v0+s25+$0x0 ss:$0x1], $0xffff;
	[tilespmem:v1+s13+$0x0 ss:$0x1] =	vst.idx.msk $0xffff, v3  }
0x4b: {  	s20 =	sor.u32 $0x70, s13;
	v7 =	vld.idx.msk [tilespmem:v0+s22+$0x0 ss:$0x1], $0xffff;
	[tilespmem:v1+s14+$0x0 ss:$0x1] =	vst.idx.msk $0xffff, v4  }
0x4c: {  	s19 =	sor.u32 $0x430, s18;
	v6 =	vld.idx.msk [tilespmem:v0+s20+$0x0 ss:$0x1], $0xffff;
	[tilespmem:v1+s16+$0x0 ss:$0x1] =	vst.idx.msk $0xffff, v5  }
0x4d: {  	s15 =	sor.u32 $0x420, s18;
	[tilespmem:v1+s17+$0x0 ss:$0x1] =	vst.idx.msk $0xffff, v8;
	v3 =	vld.idx.msk [tilespmem:v0+s19+$0x0 ss:$0x1], $0xffff  }
0x4e: {  	s24 =	simm.s32 $0x100;
	s17 =	sor.u32 $0x440, s18;
	s16 =	sor.u32 $0x450, s18;
	[tilespmem:v1+s21+$0x0 ss:$0x1] =	vst.idx.msk $0xffff, v9;
	v4 =	vld.idx.msk [tilespmem:v0+s15+$0x0 ss:$0x1], $0xffff  }
0x4f: {  	s14 =	sor.u32 $0x460, s18;
	s13 =	sor.u32 $0x470, s18;
	[tilespmem:v1+s23+$0x0 ss:$0x1] =	vst.idx.msk $0xffff, v10;
	s18 =	simm.s32 $0x80;
	v2 =	vld.idx.msk [tilespmem:v0+s17+$0x0 ss:$0x1], $0xffff  }
0x50: {  	s23 =	sand.u32 $0x3800, s24;
	s21 =	simm.s32 $0x200;
	[tilespmem:v1+s25+$0x0 ss:$0x1] =	vst.idx.msk $0xffff, v11;
	s24 =	sand.u32 $0x380, s18;
	v5 =	vld.idx.msk [tilespmem:v0+s16+$0x0 ss:$0x1], $0xffff  }
.LBB2_3:
0x51: {  	p1 =	sne.s32 s21, $0x3F00;
	s23 =	sor.u32 s24, s23;
	[tilespmem:v1+s22+$0x0 ss:$0x1] =	vst.idx.msk $0xffff, v7;
	v7 =	vld.idx.msk [tilespmem:v0+s14+$0x0 ss:$0x1], $0xffff  }
0x52: {  	s22 =	sand.u32 $0x80, s18;
	s24 =	sand.u32 $0x3B00, s23;
	s25 =	sor.u32 $0x410, s23;
	[tilespmem:v1+s20+$0x0 ss:$0x1] =	vst.idx.msk $0xffff, v6;
	v6 =	vld.idx.msk [tilespmem:v0+s13+$0x0 ss:$0x1], $0xffff  }
0x53: {  	s26 =	sor.u32 $0x430, s23;
	s24 =	sor.u32 s22, s24;
	v8 =	vld.idx.msk [tilespmem:v0+s25+$0x0 ss:$0x1], $0xffff;
	[tilespmem:v1+s15+$0x0 ss:$0x1] =	vst.idx.msk $0xffff, v4;
	s15 =	sor.u32 $0x420, s23  }
0x54: {  	v4 =	vld.idx.msk [tilespmem:v0+s24+$0x0 ss:$0x1], $0xffff;
	s28 =	sor.u32 $0x10, s24;
	s29 =	sor.u32 $0x20, s24;
	s30 =	sor.u32 $0x400, s24;
	[tilespmem:v1+s19+$0x0 ss:$0x1] =	vst.idx.msk $0xffff, v3  }
0x55: {  	s31 =	sor.u32 $0x30, s24;
	s0 =	sor.u32 $0x40, s24;
	s1 =	sor.u32 $0x50, s24;
	v3 =	vld.idx.msk [tilespmem:v0+s30+$0x0 ss:$0x1], $0xffff;
	[tilespmem:v1+s17+$0x0 ss:$0x1] =	vst.idx.msk $0xffff, v2  }
0x56: {  	s22 =	sor.u32 $0x60, s24;
	s20 =	sor.u32 $0x70, s24;
	s17 =	sor.u32 $0x440, s23;
	v2 =	vld.idx.msk [tilespmem:v0+s28+$0x0 ss:$0x1], $0xffff;
	[tilespmem:v1+s16+$0x0 ss:$0x1] =	vst.idx.msk $0xffff, v5  }
0x57: {  	s2 =	sor.u32 $0x470, s23;
	s16 =	sor.u32 $0x450, s23;
	v5 =	vld.idx.msk [tilespmem:v0+s29+$0x0 ss:$0x1], $0xffff;
	[tilespmem:v1+s14+$0x0 ss:$0x1] =	vst.idx.msk $0xffff, v7;
	s14 =	sor.u32 $0x460, s23  }
0x58: {  	s19 =	smov.u32 s26;
	v9 =	vld.idx.msk [tilespmem:v0+s31+$0x0 ss:$0x1], $0xffff;
	[tilespmem:v1+s13+$0x0 ss:$0x1] =	vst.idx.msk $0xffff, v6;
	s13 =	smov.u32 s2  }
0x59: {  	v10 =	vld.idx.msk [tilespmem:v0+s0+$0x0 ss:$0x1], $0xffff;
	[tilespmem:v1+s25+$0x0 ss:$0x1] =	vst.idx.msk $0xffff, v8  }
0x5a: {  	[tilespmem:v1+s24+$0x0 ss:$0x1] =	vst.idx.msk $0xffff, v4;
	v8 =	vld.idx.msk [tilespmem:v0+s1+$0x0 ss:$0x1], $0xffff  }
0x5b: {  	v7 =	vld.idx.msk [tilespmem:v0+s22+$0x0 ss:$0x1], $0xffff;
	[tilespmem:v1+s30+$0x0 ss:$0x1] =	vst.idx.msk $0xffff, v3  }
.Ltmp3:
0x5c: {  	[tilespmem:v1+s28+$0x0 ss:$0x1] =	vst.idx.msk $0xffff, v2;
	v6 =	vld.idx.msk [tilespmem:v0+s20+$0x0 ss:$0x1], $0xffff;
	(pc) =	sbr.rel @p1 .LBB2_3-.Ltmp3, $4  }
0x5d: {  	[tilespmem:v1+s29+$0x0 ss:$0x1] =	vst.idx.msk $0xffff, v5;
	v4 =	vld.idx.msk [tilespmem:v0+s15+$0x0 ss:$0x1], $0xffff  }
0x5e: {  	[tilespmem:v1+s31+$0x0 ss:$0x1] =	vst.idx.msk $0xffff, v9;
	v3 =	vld.idx.msk [tilespmem:v0+s19+$0x0 ss:$0x1], $0xffff  }
0x5f: {  	s18 =	sadd.s32 $0x80, s18;
	[tilespmem:v1+s0+$0x0 ss:$0x1] =	vst.idx.msk $0xffff, v10;
	v2 =	vld.idx.msk [tilespmem:v0+s17+$0x0 ss:$0x1], $0xffff  }
0x60: {  	s23 =	sand.u32 $0x3800, s21;
	s21 =	sadd.s32 $0x100, s21;
	s24 =	sand.u32 $0x380, s18;
	[tilespmem:v1+s1+$0x0 ss:$0x1] =	vst.idx.msk $0xffff, v8;
	v5 =	vld.idx.msk [tilespmem:v0+s16+$0x0 ss:$0x1], $0xffff  }
.Ltmp4:
0x61: {  	_ = 	snop;
	(pc) =	sbr.rel .LBB2_4-.Ltmp4, $1  }
0x62: {  	_ =	sdelay $0x3  }
.LBB2_6:
0x63: {  	_ =	sfence.sel $0x180000  }
0x64: {  	s0 =	simm.s32 $0x1;
	[bflag:$0x0] =	sbarrier.arrive $0xFFFF  }
0x65: {  	s31 =	simm.s32 $0x2;
	[sflag:s0] =	ssyncpa.u1 $0x1  }
0x66: {  	[sflag:s31] =	ssyncpa.u1 $0x1  }
0x67: {  	_ =	strace $0x90000053  }
0x68: {  	[bflag:$0x2] =	sbarrier.arrive $0xFFFF  }
0x69: {  	s0 =	rddreg [dreg:$0x3]  }
0x6a: {  	s0 =	sadd.s32 @!p0 $0x100000, s0  }
0x6b: {  	s1 =	rddreg [dreg:$0x4];
	[sflag:s0] =	ssyncadd.tile.s32 @!p0 $0x1;
	s0 =	simm.s32 @!p0 $0x3F  }
0x6c: {  	_ =	swait.ge @!p0 [sflag:s0], s1  }
0x6d: {  	s1 =	ssub.s32 @!p0 $0x0, s1;
	[sflag:s0] =	ssyncset.done @!p0 $0x0  }
0x6e: {  	[sflag:s0] =	ssyncadd.s32 @!p0 s1  }
0x6f: {  	[bflag:$0x3] =	sbarrier.arrive $0xFFFF  }
0x70: {  	_ =	shalt  }
.Lfunc_end2:
execute1_lowered:
.L_overlay_start_2:
0x71: {  	(tag) =	ssettag $0x2  }
0x72: {  	s1 =	rddreg [dreg:$0x0]  }
0x73: {  	s2 =	rddreg [dreg:$0x1]  }
0x74: {  	s3 =	rddreg [dreg:$0x2];
	_ =	strace $0x80000056;
	s0 =	simm.s32 $0x1  }
0x75: {  	s9 =	simm.s32 $0x208;
	v0 =	vimm.s32 $0x0;
	[sflag:s0] =	ssyncpa.u1 $0x0  }
0x76: {  	[tilespmem:s9+$0x70] =	vst v0  }
0x77: {  	[tilespmem:s9+$0x60] =	vst v0  }
0x78: {  	[tilespmem:s9+$0x50] =	vst v0  }
0x79: {  	[tilespmem:s9+$0x40] =	vst v0  }
0x7a: {  	s0 =	sadd.s32 $0x12000, s2;
	[tilespmem:s9+$0x30] =	vst v0  }
0x7b: {  	s6 =	sadd.s32 $0x3A000, s2;
	s3 =	sand.u32 $0x1, s3;
	s4 =	sadd.s32 $0x16000, s2;
	[tilespmem:s9+$0x20] =	vst v0  }
0x7c: {  	s2 =	simm.s32 $0x40;
	[dreg:$0x5] =	wrdreg s3;
	s5 =	sshll.u32 s3, $0xD;
	[tilespmem:s9+$0x10] =	vst v0  }
.LBB3_1:
0x7d: {  	s2 =	sadd.s32 $0x40, s2;
	[tilespmem:s9+$0x0] =	vst v0;
	s9 =	sadd.s32 $0x80, s9  }
0x7e: {  	p0 =	slt.u32 s2, $0x3880;
	[tilespmem:s9+$0x70] =	vst v0  }
0x7f: {  	[tilespmem:s9+$0x60] =	vst v0  }
.Ltmp5:
0x80: {  	[tilespmem:s9+$0x50] =	vst v0;
	(pc) =	sbr.rel @p0 .LBB3_1-.Ltmp5, $4  }
0x81: {  	[tilespmem:s9+$0x40] =	vst v0  }
0x82: {  	[tilespmem:s9+$0x30] =	vst v0  }
0x83: {  	[tilespmem:s9+$0x20] =	vst v0  }
0x84: {  	[tilespmem:s9+$0x10] =	vst v0  }
0x85: {  	s11 =	stileid.u32  }
0x86: {  	s2 =	smul.u32 $0x24, s11  }
0x87: {  	s3 =	smin.u32 s11, $0xA  }
0x88: {  	s2 =	sadd.s32 s3, s2  }
0x89: {  	p0 =	slt.u32 s11, $0xA;
	s20 =	smul.u32 $0x70, s2;
	s2 =	simm.s32 $0x1030  }
0x8a: {  	s2 =	simm.s32 @!p0 $0xFC0  }
0x8b: {  	s2 =	sadd.s32 s2, s20  }
0x8c: {  	s8 =	smin.u32 s2, $0x10000  }
0x8d: {  	s2 =	ssub.s32 s8, s20  }
0x8e: {  	s28 =	simm.s32 $0x2;
	p0 =	sgt.s32 s2, $0x0  }
0x8f: {  	s10 =	simm.s32 $0x9;
	s30 =	simm.s32 $0xA;
	s2 =	simm.s32 @!p0 $0x0  }
0x90: {  	s31 =	simm.s32 $0xB;
	s12 =	simm.s32 $0x1;
	s26 =	smulhi.u32 $0x92492493, s2  }
0x91: {  	s14 =	sadd.s32 s5, s4;
	s15 =	sadd.s32 s5, s0;
	s24 =	simm.s32 $0x0  }
0x92: {  	p1 =	por $0x0, $0x0;
	s18 =	simm.s32 $0x80;
	s3 =	sshrl.u32 s26, $0x6  }
0x93: {  	s19 =	simm.s32 $0x400;
	s17 =	simm.s32 $0xC;
	s29 =	smul.u32 $0x70, s3  }
.Ltmp6:
0x94: {  	[tilespmem:s9+$0x0] =	vst v0;
	v0 =	vimm.s32 $0xFFFFFFFF;
	s21 =	simm.s32 $0x0;
	[sflag:s28] =	ssyncpa.u1 $0x0;
	(pc) =	sbr.rel .LBB3_3-.Ltmp6, $4  }
0x95: {  	[tilespmem:$0xE408] =	vst v0;
	[sflag:s10] =	ssyncpa.u1 $0x0;
	p0 =	sne.s32 s2, s29;
	s2 =	simm.s32 $0x1  }
0x96: {  	s23 =	simm.s32 $0x0;
	[sflag:s30] =	ssyncpa.u1 $0x0;
	s2 =	simm.s32 @!p0 $0x0  }
0x97: {  	s16 =	sshll.u32 s11, $0x9;
	[sflag:s31] =	ssyncpa.u1 $0x0;
	s13 =	sadd.s32 s2, s3  }
0x98: {  	v0 =	vlaneseq.u32;
	s22 =	smov.u32 s20;
	p0 =	por $0x1, $0x1;
	s11 =	sadd.s32 $0x1, s13  }
.LBB3_24:
0x99: {  	s2 =	sshrl.u32 s4, $0x2  }
.LBB3_26:
0x9a: {  	_ =	swait.ge [sflag:s17], s2  }
0x9b: {  	s31 =	ssub.s32 $0x0, s2;
	v1 =	vmov s26;
	vm0 =	veq.s32 v0, $0x0;
	[sflag:s17] =	ssyncset.done $0x0  }
0x9c: {  	vm15 =	veq.s32 v0, $0x2;
	v1 =	vsel vm0, s0, v1;
	[sflag:s17] =	ssyncadd.s32 s31  }
0x9d: {  	v1 =	vsel vm15, s24, v1;
	[sflag:s17] =	ssyncpa.u1 $0x1  }
0x9e: {  	[tilespmem:$0xE408] =	vst v1  }
.LBB3_27:
0x9f: {  	s0 =	sadd.s32 $0x70, s22  }
0xa0: {  	s2 =	smov.u32 s20;
	p2 =	slt.s32 s0, s8  }
0xa1: {  	s2 =	smov.u32 @p2 s0;
	p2 =	sne.s32 s23, s11  }
.Ltmp7:
0xa2: {  	_ = 	snop;
	(pc) =	sbr.rel @!p2 .LBB3_28-.Ltmp7, $4  }
0xa3: {  	_ = 	snop  }
0xa4: {  	s24 =	smov.u32 s21  }
0xa5: {  	s31 =	sadd.s32 $0x1, s23;
	s21 =	smov.u32 s22;
	p0 =	por !p0, !p0  }
0xa6: {  	p1 =	por !p1, !p1;
	s23 =	smov.u32 s31;
	s22 =	smov.u32 s2  }
.LBB3_3:
0xa7: {  	p2 =	sge.u32 s23, s13  }
0xa8: {  	s0 =	smulhi.u32 @!p2 $0xAAAAAAAB, s23  }
0xa9: {  	s2 =	smov.u32 s22;
	p3 =	sgt.s32 @!p2 s22, $0xFF90  }
0xaa: {  	s3 =	sshra.s32 @!p2 s22, $0x1F;
	p3 =	por !p3, p2;
	s0 =	sshrl.u32 @!p2 s0, $0x1  }
0xab: {  	s3 =	sand.u32 @!p2 s3, s22;
	s2 =	simm.s32 @p3 $0xFF90;
	s0 =	smul.u32 @!p2 $0x3, s0  }
0xac: {  	s2 =	ssub.s32 @!p2 s2, s3  }
0xad: {  	s2 =	sadd.s32 @!p2 $0xFFFF0070, s2;
	s0 =	ssub.s32 @!p2 s23, s0  }
0xae: {  	s3 =	sshll.u32 @!p2 s2, $0x2;
	p3 =	sgt.s32 @!p2 s2, $0x6F;
	s0 =	smul.u32 @!p2 $0x1C0, s0  }
0xaf: {  	s4 =	sand.u32 @!p2 $0x7, s22;
	s2 =	ssub.s32 @!p2 $0x1C0, s3;
	p3 =	por !p3, p2  }
0xb0: {  	s3 =	sshrl.u32 @!p2 s22, $0x3;
	s2 =	sshrl.u32 @!p2 s2, $0x2;
	s0 =	sshrl.u32 @!p2 s0, $0x2  }
0xb1: {  	s3 =	sadd.s32 @!p2 s3, s14;
	s2 =	simm.s32 @!p3 $0x0;
	s0 =	sadd.s32 @!p2 $0x10448, s0  }
0xb2: {  	[tilespmem:s0], [sflag:$0xA] =	stream.linear.gather @!p2 [hbm4b:s3+s4], s2, $0x38;
	[tilespmem:$0x1E678] =	vst v63  }
0xb3: {  	s2 =	sadd.s32 $0xFFFFFFFF, s23  }
0xb4: {  	p2 =	sge.u32 s2, s13  }
0xb5: {  	p3 =	sgt.s32 @!p2 s21, $0xFF90  }
0xb6: {  	s0 =	smov.u32 s21;
	s3 =	sshra.s32 @!p2 s21, $0x1F;
	p3 =	por !p3, p2  }
0xb7: {  	s3 =	sand.u32 @!p2 s3, s21;
	s0 =	simm.s32 @p3 $0xFF90  }
0xb8: {  	s0 =	ssub.s32 @!p2 s0, s3  }
0xb9: {  	s0 =	sadd.s32 @!p2 $0xFFFF0070, s0  }
0xba: {  	s3 =	sshll.u32 @!p2 s0, $0x2  }
0xbb: {  	p3 =	sgt.s32 @!p2 s0, $0x6F;
	s0 =	ssub.s32 @!p2 $0x1C0, s3  }
0xbc: {  	p3 =	por !p3, p2;
	s0 =	sshrl.u32 @!p2 s0, $0x2  }
0xbd: {  	s4 =	simm.s32 @!p2 $0xA;
	s3 =	sand.u32 @!p2 $0x1, s2;
	s0 =	simm.s32 @!p3 $0x0  }
0xbe: {  	s3 =	smul.u32 @!p2 $0x1C0, s3;
	_ =	swait.ge @!p2 [sflag:s4], s0  }
0xbf: {  	s5 =	ssub.s32 @!p2 $0x0, s0;
	[sflag:s4] =	ssyncset.done @!p2 $0x0  }
0xc0: {  	s3 =	sshrl.u32 @!p2 s3, $0x2;
	[sflag:s4] =	ssyncadd.s32 @!p2 s5;
	s4 =	sshrl.u32 @!p2 s21, $0x3  }
0xc1: {  	s3 =	sadd.s32 @!p2 $0x10598, s3;
	s5 =	sand.u32 @!p2 $0x7, s21;
	s4 =	sadd.s32 @!p2 s4, s15  }
0xc2: {  	[tilespmem:s3], [sflag:$0xB] =	stream.linear.gather @!p2 [hbm4b:s4+s5], s0, $0x38;
	[tilespmem:$0x1E678] =	vst v63  }
0xc3: {  	s0 =	ssub.s32 @!p2 $0x10000, s21  }
0xc4: {  	p3 =	slt.s32 @!p2 s0, $0x1  }
0xc5: {  	p3 =	por p2, p3  }
.Ltmp8:
0xc6: {  	_ = 	snop;
	(pc) =	sbr.rel @p3 .LBB3_9-.Ltmp8, $1  }
0xc7: {  	_ =	sdelay $0x3  }
0xc8: {  	s3 =	smulhi.u32 $0xAAAAAAAB, s2;
	_ =	sdelay $0x1  }
0xc9: {  	s3 =	sshrl.u32 s3, $0x1  }
0xca: {  	s3 =	smul.u32 $0x3, s3;
	_ =	sdelay $0x1  }
0xcb: {  	s30 =	ssub.s32 s2, s3  }
0xcc: {  	s4 =	simm.s32 $0x1;
	s2 =	smul.u32 $0x1C0, s30  }
.Ltmp9:
0xcd: {  	s4 =	simm.s32 @!p0 $0x0;
	(pc) =	sbr.rel .LBB3_6-.Ltmp9, $4  }
0xce: {  	s31 =	smul.u32 $0x1C000, s4  }
0xcf: {  	p3 =	slt.s32 @!p2 s0, $0x70;
	s2 =	sshrl.u32 s2, $0x2  }
0xd0: {  	p2 =	por !p3, p2;
	s3 =	sshrl.u32 s31, $0x2;
	s5 =	sadd.s32 $0x10448, s2  }
0xd1: {  	s0 =	simm.s32 @p2 $0x70;
	s4 =	sor.u32 $0x10678, s3;
	s2 =	simm.s32 $0x0;
	v1 =	vmov s5  }
.LBB3_5:
0xd2: {  	p2 =	sge.s32 s2, s0  }
.Ltmp10:
0xd3: {  	_ = 	snop;
	(pc) =	sbr.rel @p2 .LBB3_9-.Ltmp10, $2  }
0xd4: {  	_ =	sdelay $0x2  }
0xd5: {  	s4 =	sadd.s32 $0x1000, s4  }
.LBB3_6:
0xd6: {  	p2 =	sle.s32 s0, s2  }
.Ltmp11:
0xd7: {  	_ = 	snop;
	(pc) =	sbr.rel @p2 .LBB3_5-.Ltmp11, $2  }
0xd8: {  	_ =	sdelay $0x2  }
0xd9: {  	s5 =	smov.u32 s2;
	s2 =	sadd.s32 $0x10, s2  }
0xda: {  	s3 =	ssub.s32 s0, s5  }
0xdb: {  	p2 =	slt.s32 s3, $0x10  }
0xdc: {  	s3 =	simm.s32 @!p2 $0x10  }
0xdd: {  	v2 =	vmov s3  }
0xde: {  	vm0 =	vgt.s32 v2, v0;
	_ =	sdelay $0x5  }
0xdf: {  	v2 =	vld.idx.msk [tilespmem:v1+s5+$0x0 ss:$0x1], vm0;
	_ =	sdelay $0x2  }
0xe0: {  	p2 =	slt.s32 s2, s0;
	s3 =	smov.u32 s0  }
0xe1: {  	s9 =	smov.u32 s4;
	s25 =	simm.s32 $0x0;
	s3 =	smov.u32 @p2 s2  }
.LBB3_8:
0xe2: {  	(v2sf) =	vpush v2, s25;
	_ =	sdelay $0xe  }
0xe3: {  	s25 =	sadd.s32 $0x1, s25;
	s10 =	spop (v2sf)  }
0xe4: {  	s31 =	sadd.s32 s25, s5;
	s26 =	sshll.u32 s10, $0x8;
	s10 =	sshll.u32 s10, $0x7  }
0xe5: {  	p2 =	slt.s32 s31, s3;
	s26 =	sand.u32 $0xFFFFF800, s26;
	s10 =	sand.u32 $0x380, s10  }
.Ltmp12:
0xe6: {  	s10 =	sor.u32 s10, s26;
	(pc) =	sbr.rel @p2 .LBB3_8-.Ltmp12, $4  }
0xe7: {  	s10 =	sshrl.u32 s10, $0x3  }
0xe8: {  	s10 =	sadd.s32 s6, s10  }
0xe9: {  	[tilespmem:s9], [sflag:$0x9] =	stream.strided.gather [hbm4b:s10+s18], $0x100, s19, s18, $0x38;
	[tilespmem:$0x1E678] =	vst v63  }
0xea: {  	s9 =	sadd.s32 $0x100, s9  }
.Ltmp13:
0xeb: {  	_ = 	snop;
	(pc) =	sbr.rel .LBB3_5-.Ltmp13, $1  }
0xec: {  	_ =	sdelay $0x3  }
.LBB3_9:
0xed: {  	p2 =	slt.u32 s23, $0x2  }
.Ltmp14:
0xee: {  	_ = 	snop;
	(pc) =	sbr.rel @p2 .LBB3_27-.Ltmp14, $1  }
0xef: {  	_ =	sdelay $0x3  }
0xf0: {  	p2 =	sgt.s32 s24, $0xFF90  }
0xf1: {  	s0 =	smov.u32 s24;
	s2 =	sshra.s32 s24, $0x1F;
	s3 =	ssub.s32 $0x10000, s24  }
0xf2: {  	s0 =	simm.s32 @!p2 $0xFF90;
	s2 =	sand.u32 s2, s24;
	p2 =	slt.s32 s3, $0x70  }
0xf3: {  	s0 =	ssub.s32 s0, s2;
	s3 =	simm.s32 @!p2 $0x70  }
0xf4: {  	s0 =	sadd.s32 $0xFFFF0070, s0;
	s9 =	sshll.u32 s3, $0x8  }
0xf5: {  	s26 =	simm.s32 $0x9;
	s10 =	sshll.u32 s0, $0x2;
	s2 =	sand.u32 $0x3FFFFF00, s9  }
0xf6: {  	p2 =	sgt.s32 s0, $0x6F;
	s25 =	ssub.s32 $0x1C0, s10;
	_ =	swait.ge [sflag:s26], s2  }
0xf7: {  	s2 =	ssub.s32 $0x0, s2;
	[sflag:s26] =	ssyncset.done $0x0;
	s0 =	sshrl.u32 s25, $0x2  }
0xf8: {  	s29 =	simm.s32 $0xB;
	[sflag:s26] =	ssyncadd.s32 s2;
	s0 =	simm.s32 @p2 $0x0  }
0xf9: {  	_ =	swait.ge [sflag:s29], s0  }
0xfa: {  	s0 =	ssub.s32 $0x0, s0;
	[sflag:s29] =	ssyncset.done $0x0  }
0xfb: {  	[sflag:s29] =	ssyncadd.s32 s0  }
0xfc: {  	v1 =	vld [tilespmem:$0xE408];
	_ =	sdelay $0x4  }
0xfd: {  	(v2sf) =	vpush v1, $0x0  }
0xfe: {  	(v2sf) =	vpush v1, $0x1  }
0xff: {  	(v2sf) =	vpush v1, $0x2;
	_ =	sdelay $0x3  }
0x100: {  	s0 =	sadd.s32 $0x70, s24  }
0x101: {  	s2 =	ssub.s32 $0x20000, s24;
	p2 =	slt.s32 s8, s0  }
0x102: {  	s0 =	smov.u32 @p2 s8;
	p2 =	sgt.s32 s2, $0x0  }
0x103: {  	s0 =	ssub.s32 s0, s24;
	s2 =	simm.s32 @!p2 $0x0  }
0x104: {  	p2 =	slt.s32 s2, s0  }
0x105: {  	s0 =	smov.u32 @p2 s2  }
0x106: {  	s4 =	simm.s32 $0x1;
	p2 =	slt.s32 s0, $0x1  }
.Ltmp15:
0x107: {  	s4 =	simm.s32 @!p1 $0x0;
	(pc) =	sbr.rel @p2 .LBB3_14-.Ltmp15, $4  }
0x108: {  	s30 =	smul.u32 $0x1C0, s4  }
0x109: {  	s5 =	spop (v2sf)  }
0x10a: {  	s31 =	sshrl.u32 s30, $0x2;
	s28 =	spop (v2sf)  }
0x10b: {  	s25 =	sadd.s32 $0x10598, s31;
	s24 =	spop (v2sf)  }
0x10c: {  	s2 =	smin.u32 s0, $0x10  }
0x10d: {  	v1 =	vmov s2  }
0x10e: {  	vm1 =	vgt.u32 v1, v0  }
0x10f: {  	p3 =	sgt.s32 s0, $0x10  }
.Ltmp16:
0x110: {  	_ = 	snop;
	(pc) =	sbr.rel @!p3 .LBB3_13-.Ltmp16, $2  }
0x111: {  	_ =	sdelay $0x2  }
0x112: {  	s26 =	simm.s32 $0x10;
	s29 =	sadd.s32 $0xFFFFFFF0, s0;
	s2 =	smov.u32 s25;
	vm0 =	vmmov vm1;
	v1 =	vld.msk [tilespmem:s25+$0x0 ss:$0x1], vm1  }
.LBB3_12:
0x113: {  	s3 =	smin.u32 s29, $0x10;
	s26 =	sadd.s32 $0x10, s26  }
0x114: {  	v2 =	vmov s3;
	p3 =	slt.s32 s26, s0  }
0x115: {  	vm1 =	vgt.u32 v2, v0;
	_ =	sdelay $0x1  }
0x116: {  	v2 =	vshll.u32 v1, $0x5;
	v1 =	vshll.u32 v1, $0x4  }
.Ltmp17:
0x117: {  	v2 =	vand.u32 $0xFFFFFF00, v2;
	v1 =	vand.u32 $0x70, v1;
	(pc) =	sbr.rel @p3 .LBB3_12-.Ltmp17, $4  }
0x118: {  	v1 =	vor.u32 v1, v2  }
0x119: {  	[tilespmem:s2+$0x0] =	vst.msk vm0, v1;
	s2 =	sadd.s32 $0x10, s2;
	vm0 =	vmmov vm1  }
0x11a: {  	v1 =	vld.msk [tilespmem:s2+$0x0 ss:$0x1], vm1  }
0x11b: {  	s29 =	sadd.s32 $0xFFFFFFF0, s29  }
.LBB3_13:
0x11c: {  	_ =	sdelay $0x3  }
0x11d: {  	v2 =	vshll.u32 v1, $0x5;
	v1 =	vshll.u32 v1, $0x4  }
0x11e: {  	v2 =	vand.u32 $0xFFFFFF00, v2;
	v1 =	vand.u32 $0x70, v1  }
0x11f: {  	v1 =	vor.u32 v1, v2  }
0x120: {  	[tilespmem:s2+$0x0] =	vst.msk vm0, v1  }
.LBB3_14:
0x121: {  	s2 =	sand.u32 $0x1, s23  }
0x122: {  	s2 =	smul.u32 $0x70, s2  }
0x123: {  	p3 =	sne.s32 s28, $0xFFFFFFFF  }
0x124: {  	v1 =	vld.msk @!p3 [tilespmem:s2+$0x10598], $0x1;
	_ =	sdelay $0x4  }
0x125: {  	(v2sf) =	vpush @!p3 v1, $0x0;
	_ =	sdelay $0xc  }
.Ltmp18:
0x126: {  	_ = 	snop;
	(pc) =	sbr.rel @p2 .LBB3_25-.Ltmp18, $4  }
0x127: {  	_ = 	snop  }
0x128: {  	s31 =	spop @!p3 (v2sf)  }
0x129: {  	s24 =	simm.s32 @!p3 $0x0;
	s26 =	smov.u32 s31  }
0x12a: {  	[sflag:s17] =	ssyncpa.u1 $0x0;
	s31 =	smov.u32 @p3 s5;
	s26 =	smov.u32 @p3 s28  }
0x12b: {  	v1 =	vld.msk [tilespmem:s25+$0x0], $0x1;
	_ =	sdelay $0x4  }
0x12c: {  	(v2sf) =	vpush v1, $0x0;
	_ =	sdelay $0xe  }
0x12d: {  	s7 =	smov.u32 s11;
	s5 =	spop (v2sf)  }
0x12e: {  	s17 =	smov.u32 s15;
	s2 =	smul.u32 $0x1C000, s4;
	p2 =	seq.s32 s31, s5  }
0x12f: {  	s3 =	smov.u32 s31;
	s29 =	ssub.s32 $0x0, s0;
	p3 =	sgt.s32 @!p2 s31, $0x0  }
0x130: {  	s30 =	simm.s32 $0x0;
	s2 =	sshrl.u32 s2, $0x2;
	p3 =	por !p3, p2  }
0x131: {  	s0 =	sadd.s32 $0x1, s29;
	s28 =	sor.u32 $0x106F8, s2;
	s3 =	simm.s32 @p3 $0x0  }
0x132: {  	s2 =	simm.s32 @!p2 $0x1;
	p3 =	seq.s32 s0, $0x0;
	s3 =	smin.u32 @!p2 s3, $0x3FF70  }
.Ltmp19:
0x133: {  	s4 =	simm.s32 @!p2 $0x7308;
	s9 =	sand.u32 @!p2 $0x3FFF8, s3;
	(pc) =	sbr.rel @p3 .LBB3_17-.Ltmp19, $4  }
0x134: {  	s10 =	sadd.s32 @!p2 $0x80, s3;
	s11 =	sadd.s32 @!p2 s1, s9;
	s9 =	sand.u32 @!p2 $0x7, s3  }
0x135: {  	[tilespmem:s4], [sflag:$0x2] =	stream.linear.gather @!p2 [hbm4b:s11+s9], $0x80, $0x38;
	[tilespmem:$0x1E678] =	vst v63  }
0x136: {  	s15 =	smov.u32 s14;
	s2 =	smov.u32 @p2 s30;
	s4 =	sand.u32 @!p2 $0x7FFF8, s10  }
0x137: {  	s3 =	simm.s32 @!p2 $0x7388;
	s10 =	sadd.s32 @!p2 s1, s4;
	s4 =	sadd.s32 $0x1, s25  }
.LBB3_16:
0x138: {  	s11 =	smov.u32 s2  }
0x139: {  	[tilespmem:s3], [sflag:$0x2] =	stream.linear.gather @!p2 [hbm4b:s10+s9], $0x80, $0x38;
	[tilespmem:$0x1E678] =	vst v63  }
0x13a: {  	s0 =	sadd.s32 $0x1, s0;
	s9 =	smov.u32 s5;
	v1 =	vld.msk [tilespmem:s4+$0x0], $0x1  }
0x13b: {  	p3 =	seq.s32 s0, $0x0;
	_ =	sdelay $0x3  }
0x13c: {  	(v2sf) =	vpush v1, $0x0;
	_ =	sdelay $0xe  }
0x13d: {  	s5 =	spop (v2sf)  }
0x13e: {  	p2 =	seq.s32 s9, s5  }
0x13f: {  	p4 =	sgt.s32 @!p2 s9, $0x0;
	s3 =	sshll.u32 @!p2 s2, $0xA;
	s2 =	sadd.s32 @!p2 $0x1, s2  }
0x140: {  	p4 =	por !p4, p2;
	s3 =	sshra.s32 @!p2 s3, $0x2;
	s2 =	smov.u32 @p2 s11  }
0x141: {  	s9 =	simm.s32 @p4 $0x0;
	s10 =	sadd.s32 @!p2 $0x7308, s3;
	s3 =	sadd.s32 @!p2 $0x7388, s3  }
.Ltmp20:
0x142: {  	s9 =	smin.u32 @!p2 s9, $0x3FF70;
	(pc) =	sbr.rel @!p3 .LBB3_16-.Ltmp20, $4  }
0x143: {  	s11 =	sand.u32 @!p2 $0x3FFF8, s9;
	s14 =	sadd.s32 @!p2 $0x80, s9  }
0x144: {  	s9 =	sand.u32 @!p2 $0x7, s9;
	s11 =	sadd.s32 @!p2 s1, s11;
	s14 =	sand.u32 @!p2 $0x7FFF8, s14  }
0x145: {  	[tilespmem:s10], [sflag:$0x2] =	stream.linear.gather @!p2 [hbm4b:s11+s9], $0x80, $0x38;
	[tilespmem:$0x1E678] =	vst v63  }
0x146: {  	s4 =	sadd.s32 $0x1, s4;
	s10 =	sadd.s32 @!p2 s1, s14  }
.LBB3_17:
0x147: {  	[tilespmem:s3], [sflag:$0x2] =	stream.linear.gather @!p2 [hbm4b:s10+s9], $0x80, $0x38;
	[tilespmem:$0x1E678] =	vst v63  }
0x148: {  	s0 =	sshll.u32 s2, $0x8  }
.Ltmp21:
0x149: {  	s14 =	simm.s32 $0x2;
	s0 =	sand.u32 $0x3FFFFF00, s0;
	(pc) =	sbr.rel .LBB3_18-.Ltmp21, $4  }
0x14a: {  	_ =	swait.ge [sflag:s14], s0  }
0x14b: {  	s0 =	ssub.s32 $0x0, s0;
	[sflag:s14] =	ssyncset.done $0x0  }
0x14c: {  	s4 =	simm.s32 $0x0;
	s11 =	smov.u32 s7;
	[sflag:s14] =	ssyncadd.s32 s0  }
0x14d: {  	s14 =	smov.u32 s15;
	s15 =	smov.u32 s17;
	s17 =	simm.s32 $0xC  }
.LBB3_19:
0x14e: {  	v1 =	vld [tilespmem:s28+$0xFFFFFF80];
	_ =	sdelay $0x4  }
0x14f: {  	[tilespmem:s5+$0x208] =	vst.add.f32.msk $0xffff, v1  }
0x150: {  	v1 =	vld [tilespmem:s28+$0xFFFFFF90];
	_ =	sdelay $0x4  }
0x151: {  	[tilespmem:s5+$0x218] =	vst.add.f32.msk $0xffff, v1  }
0x152: {  	v1 =	vld [tilespmem:s28+$0xFFFFFFA0];
	_ =	sdelay $0x4  }
0x153: {  	[tilespmem:s5+$0x228] =	vst.add.f32.msk $0xffff, v1  }
0x154: {  	v1 =	vld [tilespmem:s28+$0xFFFFFFB0];
	_ =	sdelay $0x4  }
0x155: {  	[tilespmem:s5+$0x238] =	vst.add.f32.msk $0xffff, v1  }
0x156: {  	v1 =	vld [tilespmem:s28+$0xFFFFFFC0];
	_ =	sdelay $0x4  }
0x157: {  	[tilespmem:s5+$0x248] =	vst.add.f32.msk $0xffff, v1  }
0x158: {  	v1 =	vld [tilespmem:s28+$0xFFFFFFD0];
	_ =	sdelay $0x4  }
0x159: {  	[tilespmem:s5+$0x258] =	vst.add.f32.msk $0xffff, v1  }
0x15a: {  	v1 =	vld [tilespmem:s28+$0xFFFFFFE0];
	_ =	sdelay $0x4  }
0x15b: {  	[tilespmem:s5+$0x268] =	vst.add.f32.msk $0xffff, v1  }
0x15c: {  	v1 =	vld [tilespmem:s28+$0xFFFFFFF0];
	_ =	sdelay $0x4  }
0x15d: {  	[tilespmem:s5+$0x278] =	vst.add.f32.msk $0xffff, v1  }
0x15e: {  	v1 =	vld [tilespmem:s28+$0x0];
	_ =	sdelay $0x4  }
0x15f: {  	[tilespmem:s5+$0x288] =	vst.add.f32.msk $0xffff, v1  }
0x160: {  	v1 =	vld [tilespmem:s28+$0x10];
	_ =	sdelay $0x4  }
0x161: {  	[tilespmem:s5+$0x298] =	vst.add.f32.msk $0xffff, v1  }
0x162: {  	v1 =	vld [tilespmem:s28+$0x20];
	_ =	sdelay $0x4  }
0x163: {  	[tilespmem:s5+$0x2A8] =	vst.add.f32.msk $0xffff, v1  }
0x164: {  	v1 =	vld [tilespmem:s28+$0x30];
	_ =	sdelay $0x4  }
0x165: {  	[tilespmem:s5+$0x2B8] =	vst.add.f32.msk $0xffff, v1  }
0x166: {  	v1 =	vld [tilespmem:s28+$0x40];
	_ =	sdelay $0x4  }
0x167: {  	[tilespmem:s5+$0x2C8] =	vst.add.f32.msk $0xffff, v1  }
0x168: {  	v1 =	vld [tilespmem:s28+$0x50];
	_ =	sdelay $0x4  }
0x169: {  	[tilespmem:s5+$0x2D8] =	vst.add.f32.msk $0xffff, v1  }
0x16a: {  	v1 =	vld [tilespmem:s28+$0x60];
	_ =	sdelay $0x4  }
0x16b: {  	[tilespmem:s5+$0x2E8] =	vst.add.f32.msk $0xffff, v1  }
0x16c: {  	v1 =	vld [tilespmem:s28+$0x70];
	_ =	sdelay $0x4  }
0x16d: {  	[tilespmem:s5+$0x2F8] =	vst.add.f32.msk $0xffff, v1  }
.LBB3_23:
0x16e: {  	s29 =	sadd.s32 $0x1, s29  }
0x16f: {  	p2 =	seq.s32 s29, $0x0  }
.Ltmp22:
0x170: {  	_ = 	snop;
	(pc) =	sbr.rel @p2 .LBB3_24-.Ltmp22, $2  }
0x171: {  	_ =	sdelay $0x2  }
0x172: {  	s25 =	sadd.s32 $0x1, s25;
	s28 =	sadd.s32 $0x100, s28;
	s31 =	smov.u32 s0  }
.LBB3_18:
0x173: {  	v1 =	vld.msk [tilespmem:s25+$0x0], $0x1;
	_ =	sdelay $0x4  }
0x174: {  	(v2sf) =	vpush v1, $0x0;
	_ =	sdelay $0xe  }
0x175: {  	s0 =	spop (v2sf)  }
0x176: {  	p2 =	sne.s32 s31, s0  }
.Ltmp23:
0x177: {  	_ = 	snop;
	(pc) =	sbr.rel @!p2 .LBB3_19-.Ltmp23, $3  }
0x178: {  	_ =	sdelay $0x1  }
0x179: {  	s2 =	sshll.u32 s24, $0xA  }
0x17a: {  	s5 =	sshra.s32 s2, $0x2  }
0x17b: {  	p2 =	seq.s32 s31, s26  }
.Ltmp24:
0x17c: {  	_ = 	snop;
	(pc) =	sbr.rel @!p2 .LBB3_21-.Ltmp24, $1  }
0x17d: {  	_ =	sdelay $0x3  }
.Ltmp25:
0x17e: {  	s2 =	sadd.s32 $0x208, s5;
	(pc) =	sbr.rel .LBB3_22-.Ltmp25, $4  }
0x17f: {  	[spmem:s16] =	stream.linear.scatter [tilespmem:s2], [sflag:$0x1], $0x100, $0x38;
	[tilespmem:$0x1E678] =	vst v63  }
0x180: {  	_ =	swait.ge [sflag:s12], $0x100  }
0x181: {  	[sflag:s12] =	ssyncset.done $0x0  }
0x182: {  	[sflag:s12] =	ssyncadd.s32 $0xFFFFFF00  }
.LBB3_21:
0x183: {  	s2 =	sshll.u32 s30, $0xA  }
0x184: {  	s2 =	sshra.s32 s2, $0x2  }
0x185: {  	v1 =	vld [tilespmem:s2+$0x7308];
	_ =	sdelay $0x4  }
0x186: {  	[tilespmem:s5+$0x208] =	vst.add.f32.msk $0xffff, v1  }
0x187: {  	v1 =	vld [tilespmem:s2+$0x7318];
	_ =	sdelay $0x4  }
0x188: {  	[tilespmem:s5+$0x218] =	vst.add.f32.msk $0xffff, v1  }
0x189: {  	v1 =	vld [tilespmem:s2+$0x7328];
	_ =	sdelay $0x4  }
0x18a: {  	[tilespmem:s5+$0x228] =	vst.add.f32.msk $0xffff, v1  }
0x18b: {  	v1 =	vld [tilespmem:s2+$0x7338];
	_ =	sdelay $0x4  }
0x18c: {  	[tilespmem:s5+$0x238] =	vst.add.f32.msk $0xffff, v1  }
0x18d: {  	v1 =	vld [tilespmem:s2+$0x7348];
	_ =	sdelay $0x4  }
0x18e: {  	[tilespmem:s5+$0x248] =	vst.add.f32.msk $0xffff, v1  }
0x18f: {  	v1 =	vld [tilespmem:s2+$0x7358];
	_ =	sdelay $0x4  }
0x190: {  	[tilespmem:s5+$0x258] =	vst.add.f32.msk $0xffff, v1  }
0x191: {  	v1 =	vld [tilespmem:s2+$0x7368];
	_ =	sdelay $0x4  }
0x192: {  	[tilespmem:s5+$0x268] =	vst.add.f32.msk $0xffff, v1  }
0x193: {  	v1 =	vld [tilespmem:s2+$0x7378];
	_ =	sdelay $0x4  }
0x194: {  	[tilespmem:s5+$0x278] =	vst.add.f32.msk $0xffff, v1  }
0x195: {  	v1 =	vld [tilespmem:s2+$0x7388];
	_ =	sdelay $0x4  }
0x196: {  	[tilespmem:s5+$0x288] =	vst.add.f32.msk $0xffff, v1  }
0x197: {  	v1 =	vld [tilespmem:s2+$0x7398];
	_ =	sdelay $0x4  }
0x198: {  	[tilespmem:s5+$0x298] =	vst.add.f32.msk $0xffff, v1  }
0x199: {  	v1 =	vld [tilespmem:s2+$0x73A8];
	_ =	sdelay $0x4  }
0x19a: {  	[tilespmem:s5+$0x2A8] =	vst.add.f32.msk $0xffff, v1  }
0x19b: {  	v1 =	vld [tilespmem:s2+$0x73B8];
	_ =	sdelay $0x4  }
0x19c: {  	[tilespmem:s5+$0x2B8] =	vst.add.f32.msk $0xffff, v1  }
0x19d: {  	v1 =	vld [tilespmem:s2+$0x73C8];
	_ =	sdelay $0x4  }
0x19e: {  	[tilespmem:s5+$0x2C8] =	vst.add.f32.msk $0xffff, v1  }
0x19f: {  	v1 =	vld [tilespmem:s2+$0x73D8];
	_ =	sdelay $0x4  }
0x1a0: {  	[tilespmem:s5+$0x2D8] =	vst.add.f32.msk $0xffff, v1  }
0x1a1: {  	v1 =	vld [tilespmem:s2+$0x73E8];
	_ =	sdelay $0x4  }
0x1a2: {  	[tilespmem:s5+$0x2E8] =	vst.add.f32.msk $0xffff, v1  }
0x1a3: {  	v1 =	vld [tilespmem:s2+$0x73F8];
	_ =	sdelay $0x2  }
0x1a4: {  	p2 =	sgt.u32 s31, $0x3FF70  }
0x1a5: {  	s2 =	sand.u32 @!p2 $0x3FFF8, s31  }
0x1a6: {  	s3 =	sadd.s32 $0x208, s5;
	s9 =	sand.u32 @!p2 $0x7, s31;
	s2 =	sadd.s32 @!p2 s1, s2;
	[tilespmem:s5+$0x2F8] =	vst.add.f32.msk $0xffff, v1  }
0x1a7: {  	[hbm4b:s2+s9] =	stream.linear.scatter @!p2 [tilespmem:s3], [sflag:$0xC], $0x80, $0x38;
	[tilespmem:$0x1E678] =	vst v63  }
0x1a8: {  	s2 =	sadd.s32 @!p2 $0x80, s31  }
0x1a9: {  	s2 =	sand.u32 @!p2 $0x7FFF8, s2  }
0x1aa: {  	s3 =	sadd.s32 $0x288, s5;
	s2 =	sadd.s32 @!p2 s1, s2  }
0x1ab: {  	[hbm4b:s2+s9] =	stream.linear.scatter @!p2 [tilespmem:s3], [sflag:$0xC], $0x80, $0x38;
	[tilespmem:$0x1E678] =	vst v63  }
0x1ac: {  	s2 =	simm.s32 $0x0  }
0x1ad: {  	s2 =	simm.s32 @!p2 $0x400  }
0x1ae: {  	s4 =	sadd.s32 s2, s4  }
.LBB3_22:
0x1af: {  	s2 =	sadd.s32 $0x1, s24  }
0x1b0: {  	s3 =	sshrl.u32 s2, $0x4  }
0x1b1: {  	s3 =	smulhi.u32 $0x24924925, s3  }
0x1b2: {  	v1 =	vld [tilespmem:s28+$0xFFFFFF80]  }
0x1b3: {  	s3 =	smul.u32 $0x70, s3;
	_ =	sdelay $0x1  }
0x1b4: {  	s24 =	ssub.s32 s2, s3  }
0x1b5: {  	s2 =	sshll.u32 s24, $0x8  }
0x1b6: {  	[tilespmem:s2+$0x208] =	vst v1  }
0x1b7: {  	v1 =	vld [tilespmem:s28+$0xFFFFFF90];
	_ =	sdelay $0x4  }
0x1b8: {  	[tilespmem:s2+$0x218] =	vst v1  }
0x1b9: {  	v1 =	vld [tilespmem:s28+$0xFFFFFFA0];
	_ =	sdelay $0x4  }
0x1ba: {  	[tilespmem:s2+$0x228] =	vst v1  }
0x1bb: {  	v1 =	vld [tilespmem:s28+$0xFFFFFFB0];
	_ =	sdelay $0x4  }
0x1bc: {  	[tilespmem:s2+$0x238] =	vst v1  }
0x1bd: {  	v1 =	vld [tilespmem:s28+$0xFFFFFFC0];
	_ =	sdelay $0x4  }
0x1be: {  	[tilespmem:s2+$0x248] =	vst v1  }
0x1bf: {  	v1 =	vld [tilespmem:s28+$0xFFFFFFD0];
	_ =	sdelay $0x4  }
0x1c0: {  	[tilespmem:s2+$0x258] =	vst v1  }
0x1c1: {  	v1 =	vld [tilespmem:s28+$0xFFFFFFE0];
	_ =	sdelay $0x4  }
0x1c2: {  	[tilespmem:s2+$0x268] =	vst v1  }
0x1c3: {  	v1 =	vld [tilespmem:s28+$0xFFFFFFF0];
	_ =	sdelay $0x4  }
0x1c4: {  	[tilespmem:s2+$0x278] =	vst v1  }
0x1c5: {  	v1 =	vld [tilespmem:s28+$0x0];
	_ =	sdelay $0x4  }
0x1c6: {  	[tilespmem:s2+$0x288] =	vst v1  }
0x1c7: {  	v1 =	vld [tilespmem:s28+$0x10];
	_ =	sdelay $0x4  }
0x1c8: {  	[tilespmem:s2+$0x298] =	vst v1  }
0x1c9: {  	v1 =	vld [tilespmem:s28+$0x20];
	_ =	sdelay $0x4  }
0x1ca: {  	[tilespmem:s2+$0x2A8] =	vst v1  }
0x1cb: {  	v1 =	vld [tilespmem:s28+$0x30];
	_ =	sdelay $0x4  }
0x1cc: {  	[tilespmem:s2+$0x2B8] =	vst v1  }
0x1cd: {  	v1 =	vld [tilespmem:s28+$0x40];
	_ =	sdelay $0x4  }
0x1ce: {  	[tilespmem:s2+$0x2C8] =	vst v1  }
0x1cf: {  	v1 =	vld [tilespmem:s28+$0x50];
	_ =	sdelay $0x4  }
0x1d0: {  	[tilespmem:s2+$0x2D8] =	vst v1  }
0x1d1: {  	v1 =	vld [tilespmem:s28+$0x60];
	_ =	sdelay $0x4  }
0x1d2: {  	[tilespmem:s2+$0x2E8] =	vst v1  }
0x1d3: {  	v1 =	vld [tilespmem:s28+$0x70]  }
.Ltmp26:
0x1d4: {  	_ = 	snop;
	(pc) =	sbr.rel .LBB3_23-.Ltmp26, $2  }
0x1d5: {  	_ =	sdelay $0x2  }
0x1d6: {  	s30 =	sadd.s32 $0x1, s30;
	[tilespmem:s2+$0x2F8] =	vst v1  }
.LBB3_25:
.Ltmp27:
0x1d7: {  	(pc) =	sbr.rel .LBB3_26-.Ltmp27, $4  }
0x1d8: {  	_ = 	snop  }
0x1d9: {  	s0 =	simm.s32 $0x2  }
0x1da: {  	_ =	swait.ge [sflag:s0], $0x0  }
0x1db: {  	s2 =	simm.s32 $0x0;
	[sflag:s0] =	ssyncset.done $0x0;
	s0 =	smov.u32 s31  }
.LBB3_28:
0x1dc: {  	_ =	sfence.sel $0x180000  }
0x1dd: {  	s0 =	simm.s32 $0x9;
	[bflag:$0x0] =	sbarrier.arrive $0xFFFF  }
0x1de: {  	s24 =	simm.s32 $0xA;
	[sflag:s0] =	ssyncpa.u1 $0x1  }
0x1df: {  	s25 =	simm.s32 $0xB;
	[sflag:s24] =	ssyncpa.u1 $0x1  }
0x1e0: {  	s26 =	simm.s32 $0x2;
	[sflag:s25] =	ssyncpa.u1 $0x1  }
0x1e1: {  	[sflag:s26] =	ssyncpa.u1 $0x1  }
0x1e2: {  	v0 =	vld [tilespmem:$0xE408];
	_ =	sdelay $0x4  }
0x1e3: {  	(v2sf) =	vpush v0, $0x0  }
0x1e4: {  	(v2sf) =	vpush v0, $0x1;
	_ =	sdelay $0x1  }
0x1e5: {  	(v2sf) =	vpush v0, $0x2;
	_ =	sdelay $0xb  }
0x1e6: {  	s0 =	spop (v2sf)  }
0x1e7: {  	s2 =	spop (v2sf)  }
0x1e8: {  	s3 =	smov.u32 s0;
	p0 =	sne.s32 s0, s2  }
0x1e9: {  	s4 =	spop (v2sf);
	s3 =	simm.s32 @!p0 $0xFFFFFFFF  }
0x1ea: {  	v2 =	vimm.s32 $0x1;
	v3 =	vlaneseq.u32;
	p0 =	seq.s32 s4, $0xFFFFFFFF;
	v1 =	vmov s3  }
0x1eb: {  	s15 =	stileid.u32;
	v0 =	vperm.xlane v0, v2;
	p1 =	sne.s32 @!p0 s0, s2;
	v1 =	vperm.xlane v1, v3  }
0x1ec: {  	vm0 =	vcmask $0x3F04;
	s6 =	simm.s32 $0xE408;
	s0 =	simm.s32 @!p0 $0x1;
	p1 =	por !p1, p0  }
0x1ed: {  	s3 =	sshll.u32 s15, $0x1;
	s2 =	sshll.u32 @!p0 s4, $0xA;
	s0 =	simm.s32 @p1 $0x0;
	v0 =	vsel vm0, v1, v0  }
0x1ee: {  	s5 =	sor.u32 $0x2000, s3;
	s2 =	sshra.s32 @!p0 s2, $0x2;
	s0 =	sor.u32 @!p0 s0, s3;
	[tilespmem:$0xE408] =	vst v0  }
0x1ef: {  	[spmem:s5] =	stream.linear.scatter [tilespmem:s6], [sflag:$0x1], $0x2, $0x38;
	[tilespmem:$0x1E678] =	vst v63  }
0x1f0: {  	s2 =	sadd.s32 @!p0 $0x208, s2;
	s0 =	sshll.u32 @!p0 s0, $0x8  }
0x1f1: {  	[spmem:s0] =	stream.linear.scatter @!p0 [tilespmem:s2], [sflag:$0x1], $0x100, $0x38;
	[tilespmem:$0x1E678] =	vst v63  }
0x1f2: {  	s0 =	simm.s32 @!p0 $0x102  }
0x1f3: {  	s28 =	simm.s32 $0x1;
	s0 =	simm.s32 @p0 $0x2  }
0x1f4: {  	_ =	swait.ge [sflag:s28], s0  }
0x1f5: {  	s0 =	ssub.s32 $0x0, s0;
	[sflag:s28] =	ssyncset.done $0x0  }
0x1f6: {  	p0 =	sne.s32 s15, $0x0;
	[sflag:s28] =	ssyncadd.s32 s0  }
.Ltmp28:
0x1f7: {  	_ =	sfence.stream.spmem;
	(pc) =	sbr.rel @p0 .LBB3_45-.Ltmp28, $4  }
0x1f8: {  	s29 =	simm.s32 $0x3;
	[bflag:$0x0] =	sbarrier.arrive $0xFFFF  }
0x1f9: {  	s30 =	simm.s32 $0x4;
	[sflag:s29] =	ssyncpa.u1 $0x1  }
0x1fa: {  	s31 =	simm.s32 $0x3C;
	[sflag:s30] =	ssyncpa.u1 $0x1  }
0x1fb: {  	s14 =	rddreg [dreg:$0x5];
	[sflag:s31] =	ssyncpa.u1 $0x1  }
0x1fc: {  	_ =	sfence.stream.spmem;
	s0 =	simm.s32 $0x5  }
0x1fd: {  	s2 =	simm.s32 $0x2000;
	s3 =	simm.s32 $0xE418;
	[sflag:s0] =	ssyncpa.u1 $0x0  }
0x1fe: {  	[tilespmem:s3], [sflag:$0x5] =	stream.linear.gather [spmem:s2], $0x20, $0x38;
	[tilespmem:$0x1E678] =	vst v63  }
0x1ff: {  	s26 =	simm.s32 $0x0;
	s28 =	simm.s32 $0xE438  }
0x200: {  	[tilespmem:s28], [sflag:$0x5] =	stream.linear.gather [spmem:s26], $0x2000, $0x38;
	[tilespmem:$0x1E678] =	vst v63  }
0x201: {  	_ =	swait.ge [sflag:s0], $0x2020  }
0x202: {  	[sflag:s0] =	ssyncset.done $0x0  }
0x203: {  	s29 =	simm.s32 $0x0;
	[sflag:s0] =	ssyncadd.s32 $0xFFFFDFE0  }
0x204: {  	v0 =	vld.msk [tilespmem:s29+$0xE418], $0x1;
	_ =	sdelay $0x1  }
0x205: {  	s30 =	simm.s32 $0x1  }
0x206: {  	v1 =	vld.msk [tilespmem:s30+$0xE418], $0x1;
	_ =	sdelay $0x1  }
0x207: {  	(v2sf) =	vpush v0, $0x0;
	_ =	sdelay $0x2  }
0x208: {  	(v2sf) =	vpush v1, $0x0;
	_ =	sdelay $0x2  }
0x209: {  	s31 =	simm.s32 $0x2  }
0x20a: {  	v0 =	vld.msk [tilespmem:s31+$0xE418], $0x1;
	_ =	sdelay $0x2  }
0x20b: {  	s2 =	simm.s32 $0xFFFFFFFF;
	s3 =	simm.s32 $0xFFFFFFFF;
	s0 =	simm.s32 $0xC  }
.LBB3_30:
0x20c: {  	s4 =	smov.u32 s3;
	s5 =	smov.u32 s2  }
0x20d: {  	s2 =	sshra.s32 s0, $0x2;
	p1 =	sne.s32 s0, $0x7C;
	s0 =	sadd.s32 $0x4, s0;
	(v2sf) =	vpush v0, $0x0  }
0x20e: {  	v0 =	vld.msk [tilespmem:s2+$0xE418], $0x1  }
.Ltmp29:
0x20f: {  	(pc) =	sbr.rel @p1 .LBB3_30-.Ltmp29, $4  }
0x210: {  	s3 =	spop (v2sf)  }
0x211: {  	p2 =	sne.s32 s5, $0xFFFFFFFF;
	s2 =	smov.u32 s3  }
0x212: {  	p3 =	seq.s32 s3, $0xFFFFFFFF;
	s2 =	smov.u32 @p2 s5  }
0x213: {  	s3 =	smov.u32 @p3 s4;
	s2 =	smov.u32 @p3 s5  }
0x214: {  	(v2sf) =	vpush v0, $0x0;
	_ =	sdelay $0x8  }
0x215: {  	s0 =	spop (v2sf)  }
0x216: {  	p1 =	sne.s32 s2, $0xFFFFFFFF;
	s9 =	simm.s32 $0x6;
	s4 =	smov.u32 s0  }
0x217: {  	s6 =	simm.s32 $0x0;
	p2 =	seq.s32 s0, $0xFFFFFFFF;
	s4 =	smov.u32 @p1 s2  }
0x218: {  	s10 =	simm.s32 $0xE308;
	s4 =	smov.u32 @p2 s2;
	s2 =	spop (v2sf)  }
0x219: {  	s0 =	smov.u32 @p2 s3;
	p1 =	sne.s32 s4, $0xFFFFFFFF;
	s5 =	smov.u32 s2  }
.Ltmp30:
0x21a: {  	p2 =	seq.s32 s2, $0xFFFFFFFF;
	s5 =	smov.u32 @p1 s4;
	(pc) =	sbr.rel .LBB3_32-.Ltmp30, $4  }
0x21b: {  	s11 =	simm.s32 $0xE388;
	s5 =	smov.u32 @p2 s4;
	s7 =	spop (v2sf)  }
0x21c: {  	s12 =	simm.s32 $0x0;
	p1 =	sne.s32 s5, $0xFFFFFFFF;
	s8 =	smov.u32 s7  }
0x21d: {  	s2 =	smov.u32 @p2 s0;
	p2 =	seq.s32 s7, $0xFFFFFFFF;
	s8 =	smov.u32 @p1 s5  }
0x21e: {  	[sflag:s9] =	ssyncpa.u1 $0x0;
	s7 =	smov.u32 @p2 s2;
	s8 =	smov.u32 @p2 s5  }
.LBB3_38:
0x21f: {  	p1 =	sgt.u32 s0, $0x3FF70  }
0x220: {  	p2 =	seq.s32 @!p1 s0, s8  }
0x221: {  	p1 =	por p1, p2  }
0x222: {  	p2 =	sne.s32 @!p1 s0, s7  }
0x223: {  	p1 =	por p1, !p2  }
0x224: {  	s0 =	sshll.u32 @p1 s12, $0xA  }
0x225: {  	s2 =	sand.u32 @!p1 $0x3FFF8, s0;
	s3 =	sand.u32 @!p1 $0x7, s0;
	s0 =	sadd.s32 @!p1 $0x80, s0  }
0x226: {  	s2 =	sadd.s32 @!p1 s1, s2;
	s0 =	sand.u32 @!p1 $0x7FFF8, s0  }
0x227: {  	[tilespmem:s10], [sflag:$0x6] =	stream.linear.gather @!p1 [hbm4b:s2+s3], $0x80, $0x38;
	[tilespmem:$0x1E678] =	vst v63  }
0x228: {  	s0 =	sadd.s32 @!p1 s1, s0  }
0x229: {  	[tilespmem:s11], [sflag:$0x6] =	stream.linear.gather @!p1 [hbm4b:s0+s3], $0x80, $0x38;
	[tilespmem:$0x1E678] =	vst v63  }
0x22a: {  	_ =	swait.ge @!p1 [sflag:s9], $0x100  }
0x22b: {  	[sflag:s9] =	ssyncset.done @!p1 $0x0  }
0x22c: {  	[sflag:s9] =	ssyncadd.s32 @!p1 $0xFFFFFF00  }
0x22d: {  	v1 =	vld @!p1 [tilespmem:$0xE308];
	_ =	sdelay $0x2  }
0x22e: {  	s0 =	sshll.u32 @!p1 s12, $0xA  }
0x22f: {  	s2 =	sshrl.u32 @!p1 s0, $0x2  }
0x230: {  	[tilespmem:s2+$0xE438] =	vst.add.f32.msk @!p1 $0xffff, v1  }
0x231: {  	v1 =	vld @!p1 [tilespmem:$0xE318];
	_ =	sdelay $0x4  }
0x232: {  	[tilespmem:s2+$0xE448] =	vst.add.f32.msk @!p1 $0xffff, v1  }
0x233: {  	v1 =	vld @!p1 [tilespmem:$0xE328];
	_ =	sdelay $0x4  }
0x234: {  	[tilespmem:s2+$0xE458] =	vst.add.f32.msk @!p1 $0xffff, v1  }
0x235: {  	v1 =	vld @!p1 [tilespmem:$0xE338];
	_ =	sdelay $0x4  }
0x236: {  	[tilespmem:s2+$0xE468] =	vst.add.f32.msk @!p1 $0xffff, v1  }
0x237: {  	v1 =	vld @!p1 [tilespmem:$0xE348];
	_ =	sdelay $0x4  }
0x238: {  	[tilespmem:s2+$0xE478] =	vst.add.f32.msk @!p1 $0xffff, v1  }
0x239: {  	v1 =	vld @!p1 [tilespmem:$0xE358];
	_ =	sdelay $0x4  }
0x23a: {  	[tilespmem:s2+$0xE488] =	vst.add.f32.msk @!p1 $0xffff, v1  }
0x23b: {  	v1 =	vld @!p1 [tilespmem:$0xE368];
	_ =	sdelay $0x4  }
0x23c: {  	[tilespmem:s2+$0xE498] =	vst.add.f32.msk @!p1 $0xffff, v1  }
0x23d: {  	v1 =	vld @!p1 [tilespmem:$0xE378];
	_ =	sdelay $0x4  }
0x23e: {  	[tilespmem:s2+$0xE4A8] =	vst.add.f32.msk @!p1 $0xffff, v1  }
0x23f: {  	v1 =	vld @!p1 [tilespmem:$0xE388];
	_ =	sdelay $0x4  }
0x240: {  	[tilespmem:s2+$0xE4B8] =	vst.add.f32.msk @!p1 $0xffff, v1  }
0x241: {  	v1 =	vld @!p1 [tilespmem:$0xE398];
	_ =	sdelay $0x4  }
0x242: {  	[tilespmem:s2+$0xE4C8] =	vst.add.f32.msk @!p1 $0xffff, v1  }
0x243: {  	v1 =	vld @!p1 [tilespmem:$0xE3A8];
	_ =	sdelay $0x4  }
0x244: {  	[tilespmem:s2+$0xE4D8] =	vst.add.f32.msk @!p1 $0xffff, v1  }
0x245: {  	v1 =	vld @!p1 [tilespmem:$0xE3B8];
	_ =	sdelay $0x4  }
0x246: {  	[tilespmem:s2+$0xE4E8] =	vst.add.f32.msk @!p1 $0xffff, v1  }
0x247: {  	v1 =	vld @!p1 [tilespmem:$0xE3C8];
	_ =	sdelay $0x4  }
0x248: {  	[tilespmem:s2+$0xE4F8] =	vst.add.f32.msk @!p1 $0xffff, v1  }
0x249: {  	v1 =	vld @!p1 [tilespmem:$0xE3D8];
	_ =	sdelay $0x4  }
0x24a: {  	[tilespmem:s2+$0xE508] =	vst.add.f32.msk @!p1 $0xffff, v1  }
0x24b: {  	v1 =	vld @!p1 [tilespmem:$0xE3E8];
	_ =	sdelay $0x4  }
0x24c: {  	[tilespmem:s2+$0xE518] =	vst.add.f32.msk @!p1 $0xffff, v1  }
0x24d: {  	v1 =	vld @!p1 [tilespmem:$0xE3F8];
	_ =	sdelay $0x4  }
0x24e: {  	[tilespmem:s2+$0xE528] =	vst.add.f32.msk @!p1 $0xffff, v1  }
0x24f: {  	s0 =	sshrl.u32 s0, $0x2;
	[tilespmem:s6+$0xE418] =	vst.msk $0x1, v0  }
0x250: {  	v0 =	vld [tilespmem:s0+$0xE438];
	_ =	sdelay $0x2  }
0x251: {  	s31 =	sshll.u32 s6, $0xA  }
0x252: {  	s2 =	sshra.s32 s31, $0x2  }
0x253: {  	[tilespmem:s2+$0xE438] =	vst v0  }
0x254: {  	v0 =	vld [tilespmem:s0+$0xE448];
	_ =	sdelay $0x4  }
0x255: {  	[tilespmem:s2+$0xE448] =	vst v0  }
0x256: {  	v0 =	vld [tilespmem:s0+$0xE458];
	_ =	sdelay $0x4  }
0x257: {  	[tilespmem:s2+$0xE458] =	vst v0  }
0x258: {  	v0 =	vld [tilespmem:s0+$0xE468];
	_ =	sdelay $0x4  }
0x259: {  	[tilespmem:s2+$0xE468] =	vst v0  }
0x25a: {  	v0 =	vld [tilespmem:s0+$0xE478];
	_ =	sdelay $0x4  }
0x25b: {  	[tilespmem:s2+$0xE478] =	vst v0  }
0x25c: {  	v0 =	vld [tilespmem:s0+$0xE488];
	_ =	sdelay $0x4  }
0x25d: {  	[tilespmem:s2+$0xE488] =	vst v0  }
0x25e: {  	v0 =	vld [tilespmem:s0+$0xE498];
	_ =	sdelay $0x4  }
0x25f: {  	[tilespmem:s2+$0xE498] =	vst v0  }
0x260: {  	v0 =	vld [tilespmem:s0+$0xE4A8];
	_ =	sdelay $0x4  }
0x261: {  	[tilespmem:s2+$0xE4A8] =	vst v0  }
0x262: {  	v0 =	vld [tilespmem:s0+$0xE4B8];
	_ =	sdelay $0x4  }
0x263: {  	[tilespmem:s2+$0xE4B8] =	vst v0  }
0x264: {  	v0 =	vld [tilespmem:s0+$0xE4C8];
	_ =	sdelay $0x4  }
0x265: {  	[tilespmem:s2+$0xE4C8] =	vst v0  }
0x266: {  	v0 =	vld [tilespmem:s0+$0xE4D8];
	_ =	sdelay $0x4  }
0x267: {  	[tilespmem:s2+$0xE4D8] =	vst v0  }
0x268: {  	v0 =	vld [tilespmem:s0+$0xE4E8];
	_ =	sdelay $0x4  }
0x269: {  	[tilespmem:s2+$0xE4E8] =	vst v0  }
0x26a: {  	v0 =	vld [tilespmem:s0+$0xE4F8];
	_ =	sdelay $0x4  }
0x26b: {  	[tilespmem:s2+$0xE4F8] =	vst v0  }
0x26c: {  	v0 =	vld [tilespmem:s0+$0xE508];
	_ =	sdelay $0x4  }
0x26d: {  	[tilespmem:s2+$0xE508] =	vst v0  }
0x26e: {  	v0 =	vld [tilespmem:s0+$0xE518];
	_ =	sdelay $0x4  }
0x26f: {  	[tilespmem:s2+$0xE518] =	vst v0  }
0x270: {  	v0 =	vld [tilespmem:s0+$0xE528];
	_ =	sdelay $0x4  }
0x271: {  	s6 =	sadd.s32 $0x1, s6;
	[tilespmem:s2+$0xE528] =	vst v0  }
.LBB3_39:
0x272: {  	s12 =	sadd.s32 $0x1, s12  }
0x273: {  	p1 =	sne.s32 s12, $0x20  }
.Ltmp31:
0x274: {  	_ = 	snop;
	(pc) =	sbr.rel @!p1 .LBB3_40-.Ltmp31, $1  }
0x275: {  	_ =	sdelay $0x3  }
.LBB3_32:
0x276: {  	v0 =	vld.msk [tilespmem:s12+$0xE418], $0x1;
	_ =	sdelay $0x4  }
0x277: {  	(v2sf) =	vpush v0, $0x0;
	_ =	sdelay $0xe  }
0x278: {  	s0 =	spop (v2sf)  }
0x279: {  	p1 =	seq.s32 s0, $0xFFFFFFFF  }
.Ltmp32:
0x27a: {  	_ = 	snop;
	(pc) =	sbr.rel @p1 .LBB3_39-.Ltmp32, $1  }
0x27b: {  	_ =	sdelay $0x3  }
0x27c: {  	p1 =	slt.s32 s6, $0x1  }
.Ltmp33:
0x27d: {  	_ = 	snop;
	(pc) =	sbr.rel @p1 .LBB3_38-.Ltmp33, $1  }
0x27e: {  	_ =	sdelay $0x3  }
0x27f: {  	s4 =	simm.s32 $0xE418;
	p1 =	por $0x0, $0x0  }
0x280: {  	v1 =	vld.msk @!p1 [tilespmem:s4+$0x0], $0x1;
	_ =	sdelay $0x4  }
0x281: {  	(v2sf) =	vpush @!p1 v1, $0x0;
	_ =	sdelay $0xd  }
0x282: {  	p3 =	sne.s32 s6, $0x1  }
.Ltmp34:
0x283: {  	s2 =	spop @!p1 (v2sf);
	(pc) =	sbr.rel @!p3 .LBB3_36-.Ltmp34, $4  }
0x284: {  	p2 =	seq.s32 @!p1 s0, s2  }
0x285: {  	s5 =	simm.s32 $0x0;
	p2 =	por !p2, p1  }
0x286: {  	s2 =	simm.s32 $0xFFFFFFFF;
	s5 =	simm.s32 @p2 $0xFFFFFFFF  }
0x287: {  	s13 =	simm.s32 $0x1;
	s5 =	smov.u32 @p1 s2  }
.LBB3_35:
0x288: {  	s2 =	smov.u32 s5;
	p1 =	sne.s32 s5, $0xFFFFFFFF  }
0x289: {  	s4 =	sadd.s32 $0x1, s4;
	s5 =	smov.u32 s13;
	s13 =	sadd.s32 $0x1, s13  }
0x28a: {  	p2 =	sne.s32 s6, s13;
	v1 =	vld.msk @!p1 [tilespmem:s4+$0x0], $0x1;
	_ =	sdelay $0x4  }
0x28b: {  	(v2sf) =	vpush @!p1 v1, $0x0;
	_ =	sdelay $0xe  }
.Ltmp35:
0x28c: {  	s3 =	spop @!p1 (v2sf);
	(pc) =	sbr.rel @p2 .LBB3_35-.Ltmp35, $4  }
0x28d: {  	p3 =	seq.s32 @!p1 s0, s3  }
0x28e: {  	p3 =	por !p3, p1  }
0x28f: {  	s5 =	simm.s32 @p3 $0xFFFFFFFF  }
0x290: {  	s5 =	smov.u32 @p1 s2  }
.LBB3_36:
0x291: {  	p1 =	seq.s32 s5, $0xFFFFFFFF  }
.Ltmp36:
0x292: {  	_ = 	snop;
	(pc) =	sbr.rel @p1 .LBB3_38-.Ltmp36, $1  }
0x293: {  	_ =	sdelay $0x3  }
0x294: {  	s0 =	sshll.u32 s12, $0x8  }
0x295: {  	s0 =	sand.u32 $0x3FFFFF00, s0  }
0x296: {  	v0 =	vld [tilespmem:s0+$0xE438];
	_ =	sdelay $0x2  }
0x297: {  	s2 =	sshll.u32 s5, $0xA  }
0x298: {  	s2 =	sshra.s32 s2, $0x2  }
0x299: {  	[tilespmem:s2+$0xE438] =	vst.add.f32.msk $0xffff, v0  }
0x29a: {  	v0 =	vld [tilespmem:s0+$0xE448];
	_ =	sdelay $0x4  }
0x29b: {  	[tilespmem:s2+$0xE448] =	vst.add.f32.msk $0xffff, v0  }
0x29c: {  	v0 =	vld [tilespmem:s0+$0xE458];
	_ =	sdelay $0x4  }
0x29d: {  	[tilespmem:s2+$0xE458] =	vst.add.f32.msk $0xffff, v0  }
0x29e: {  	v0 =	vld [tilespmem:s0+$0xE468];
	_ =	sdelay $0x4  }
0x29f: {  	[tilespmem:s2+$0xE468] =	vst.add.f32.msk $0xffff, v0  }
0x2a0: {  	v0 =	vld [tilespmem:s0+$0xE478];
	_ =	sdelay $0x4  }
0x2a1: {  	[tilespmem:s2+$0xE478] =	vst.add.f32.msk $0xffff, v0  }
0x2a2: {  	v0 =	vld [tilespmem:s0+$0xE488];
	_ =	sdelay $0x4  }
0x2a3: {  	[tilespmem:s2+$0xE488] =	vst.add.f32.msk $0xffff, v0  }
0x2a4: {  	v0 =	vld [tilespmem:s0+$0xE498];
	_ =	sdelay $0x4  }
0x2a5: {  	[tilespmem:s2+$0xE498] =	vst.add.f32.msk $0xffff, v0  }
0x2a6: {  	v0 =	vld [tilespmem:s0+$0xE4A8];
	_ =	sdelay $0x4  }
0x2a7: {  	[tilespmem:s2+$0xE4A8] =	vst.add.f32.msk $0xffff, v0  }
0x2a8: {  	v0 =	vld [tilespmem:s0+$0xE4B8];
	_ =	sdelay $0x4  }
0x2a9: {  	[tilespmem:s2+$0xE4B8] =	vst.add.f32.msk $0xffff, v0  }
0x2aa: {  	v0 =	vld [tilespmem:s0+$0xE4C8];
	_ =	sdelay $0x4  }
0x2ab: {  	[tilespmem:s2+$0xE4C8] =	vst.add.f32.msk $0xffff, v0  }
0x2ac: {  	v0 =	vld [tilespmem:s0+$0xE4D8];
	_ =	sdelay $0x4  }
0x2ad: {  	[tilespmem:s2+$0xE4D8] =	vst.add.f32.msk $0xffff, v0  }
0x2ae: {  	v0 =	vld [tilespmem:s0+$0xE4E8];
	_ =	sdelay $0x4  }
0x2af: {  	[tilespmem:s2+$0xE4E8] =	vst.add.f32.msk $0xffff, v0  }
0x2b0: {  	v0 =	vld [tilespmem:s0+$0xE4F8];
	_ =	sdelay $0x4  }
0x2b1: {  	[tilespmem:s2+$0xE4F8] =	vst.add.f32.msk $0xffff, v0  }
0x2b2: {  	v0 =	vld [tilespmem:s0+$0xE508];
	_ =	sdelay $0x4  }
0x2b3: {  	[tilespmem:s2+$0xE508] =	vst.add.f32.msk $0xffff, v0  }
0x2b4: {  	v0 =	vld [tilespmem:s0+$0xE518];
	_ =	sdelay $0x4  }
0x2b5: {  	[tilespmem:s2+$0xE518] =	vst.add.f32.msk $0xffff, v0  }
0x2b6: {  	v0 =	vld [tilespmem:s0+$0xE528]  }
.Ltmp37:
0x2b7: {  	_ = 	snop;
	(pc) =	sbr.rel .LBB3_39-.Ltmp37, $2  }
0x2b8: {  	_ =	sdelay $0x2  }
0x2b9: {  	[tilespmem:s2+$0xE528] =	vst.add.f32.msk $0xffff, v0  }
.LBB3_40:
0x2ba: {  	s0 =	simm.s32 $0x6;
	p1 =	seq.s32 s6, $0x0  }
0x2bb: {  	[sflag:s0] =	ssyncpa.u1 $0x1;
	v0 =	vimm.s32 @p1 $0xFFFFFFFF  }
0x2bc: {  	s0 =	sadd.s32 $0xFFFFFFFF, s6;
	[tilespmem:$0x10438] =	vst @p1 v0  }
0x2bd: {  	v0 =	vld.msk @!p1 [tilespmem:s0+$0xE418], $0x1;
	_ =	sdelay $0x1  }
0x2be: {  	v1 =	vld.msk @!p1 [tilespmem:$0xE418], $0x1;
	_ =	sdelay $0x2  }
0x2bf: {  	p2 =	seq.s32 @!p1 s0, $0x0;
	v0 =	vbroadcast @!p1 v0, $0x0  }
0x2c0: {  	vm0 =	vmmov @!p1 $0x1;
	p2 =	por !p2, p1  }
0x2c1: {  	v1 =	vnsel @!p1 vm0, $0xFFFFFFFF, v1;
	vm0 =	vcmask @!p1 $0x308;
	v0 =	vpsel !p2, $0xFFFFFFFF, v0  }
0x2c2: {  	p2 =	sne.s32 @!p1 s8, s7;
	v0 =	vsel @!p1 vm0, v1, v0  }
0x2c3: {  	s2 =	simm.s32 @!p1 $0xE438;
	s3 =	simm.s32 @!p1 $0x0;
	p3 =	por !p2, p1;
	[tilespmem:$0x10438] =	vst @!p1 v0  }
0x2c4: {  	[spmem:s3] =	stream.linear.scatter @!p1 [tilespmem:s2], [sflag:$0x1], $0x100, $0x38;
	[tilespmem:$0x1E678] =	vst v63  }
0x2c5: {  	s2 =	sshll.u32 @!p3 s0, $0xA  }
0x2c6: {  	s2 =	sshra.s32 @!p3 s2, $0x2  }
0x2c7: {  	s3 =	simm.s32 @!p3 $0x100;
	s2 =	sadd.s32 @!p3 $0xE438, s2  }
0x2c8: {  	[spmem:s3] =	stream.linear.scatter @!p3 [tilespmem:s2], [sflag:$0x1], $0x100, $0x38;
	[tilespmem:$0x1E678] =	vst v63  }
0x2c9: {  	s2 =	simm.s32 @!p3 $0x1  }
0x2ca: {  	_ =	swait.ge @!p3 [sflag:s2], $0x200  }
0x2cb: {  	p1 =	por p2, p1;
	[sflag:s2] =	ssyncset.done @!p3 $0x0  }
0x2cc: {  	[sflag:s2] =	ssyncadd.s32 @!p3 $0xFFFFFE00;
	s2 =	simm.s32 @!p1 $0x1  }
0x2cd: {  	_ =	swait.ge @!p1 [sflag:s2], $0x100  }
0x2ce: {  	s29 =	simm.s32 $0x10438;
	[sflag:s2] =	ssyncset.done @!p1 $0x0  }
0x2cf: {  	s30 =	simm.s32 $0x2000;
	s31 =	simm.s32 $0x1;
	[sflag:s2] =	ssyncadd.s32 @!p1 $0xFFFFFF00  }
0x2d0: {  	[spmem:s30] =	stream.linear.scatter [tilespmem:s29], [sflag:$0x1], $0x10, $0x38;
	[tilespmem:$0x1E678] =	vst v63  }
0x2d1: {  	_ =	swait.ge [sflag:s31], $0x10  }
0x2d2: {  	[sflag:s31] =	ssyncset.done $0x0  }
0x2d3: {  	p1 =	seq.s32 s14, $0x0;
	s9 =	rddreg [dreg:$0x2];
	[sflag:s31] =	ssyncadd.s32 $0xFFFFFFF0  }
0x2d4: {  	s3 =	sshll.u32 @p1 s9, $0xE;
	s8 =	rddreg [dreg:$0x3]  }
0x2d5: {  	s2 =	sadd.s32 @p1 $0x15C3C, s3;
	s3 =	sshll.u32 @p1 s8, $0x11  }
0x2d6: {  	_ =	sfence.stream.spmem;
	s2 =	sor.u32 @p1 s3, s2  }
0x2d7: {  	[sflag:s2] =	ssyncadd.remote.s32 @p1 $0x1;
	s2 =	simm.s32 @p1 $0x4  }
0x2d8: {  	s4 =	simm.s32 @!p1 $0x3C;
	s3 =	sand.u32 $0xFFFFFFFE, s9;
	_ =	swait.ge @p1 [sflag:s2], $0x42  }
0x2d9: {  	s5 =	simm.s32 @!p1 $0x0;
	s3 =	sadd.s32 @!p1 $0x4, s3;
	[sflag:s2] =	ssyncset.done @p1 $0x0  }
0x2da: {  	s7 =	simm.s32 @!p1 $0x200;
	[sflag:s2] =	ssyncadd.s32 @p1 $0xFFFFFFBE;
	s2 =	sshll.u32 @!p1 s3, $0x1A  }
0x2db: {  	s3 =	sshll.u32 @!p1 s3, $0xD;
	s2 =	sor.u32 @!p1 s2, s8;
	_ =	swait.eq @!p1 [sflag:s4], $0x1  }
0x2dc: {  	s3 =	sor.u32 @!p1 $0x1C04, s3;
	s4 =	simm.s32 @!p1 $0x1C03;
	s2 =	sor.u32 @!p1 $0x80004000, s2  }
0x2dd: {  	[spmem:s7], [sflag:s3] =	dma.general @!p1 [spmem:s5], [sflag:s4], length:$0x40, [dreg:$0x0], stride_count:$0x0, ici_dest:s2, dma_misc:DstOpCode:WRITE  }
0x2de: {  	p2 =	slt.s32 s0, $0x2;
	s5 =	simm.s32 @!p1 $0x400;
	s7 =	simm.s32 @!p1 $0x402  }
0x2df: {  	[spmem:s7], [sflag:s3] =	dma.general @!p1 [spmem:s5], [sflag:s4], length:$0x2, [dreg:$0x0], stride_count:$0x0, ici_dest:s2, dma_misc:DstOpCode:WRITE  }
.Ltmp38:
0x2e0: {  	s2 =	simm.s32 @!p1 $0x3;
	(pc) =	sbr.rel @p2 .LBB3_44-.Ltmp38, $4  }
0x2e1: {  	s3 =	sshll.u32 @!p1 s9, $0xE;
	_ =	swait.ge @!p1 [sflag:s2], $0x42  }
0x2e2: {  	s4 =	sshll.u32 @!p1 s8, $0x11;
	s3 =	sadd.s32 @!p1 $0x11C3C, s3;
	[sflag:s2] =	ssyncset.done @!p1 $0x0  }
0x2e3: {  	[sflag:s2] =	ssyncadd.s32 @!p1 $0xFFFFFFBE;
	s2 =	sor.u32 @!p1 s4, s3  }
0x2e4: {  	s0 =	simm.s32 $0x0;
	[sflag:s2] =	ssyncadd.remote.s32 @!p1 $0xFFFFFFFF  }
0x2e5: {  	s0 =	simm.s32 $0xE419  }
0x2e6: {  	v0 =	vld.msk [tilespmem:s0+$0x0], $0x1;
	_ =	sdelay $0x4  }
0x2e7: {  	(v2sf) =	vpush v0, $0x0;
	_ =	sdelay $0xd  }
0x2e8: {  	s31 =	sadd.s32 $0xFFFFFFFE, s6  }
0x2e9: {  	s6 =	simm.s32 $0x0;
	s0 =	sadd.s32 $0xFFFFFFFF, s31;
	s2 =	spop (v2sf)  }
0x2ea: {  	s3 =	simm.s32 $0xE538;
	p1 =	sne.s32 s0, $0x0;
	p2 =	sgt.u32 s2, $0x3FF70  }
.Ltmp39:
0x2eb: {  	s4 =	simm.s32 $0xE638;
	s5 =	sand.u32 @!p2 $0x3FFF8, s2;
	(pc) =	sbr.rel @!p1 .LBB3_43-.Ltmp39, $4  }
0x2ec: {  	s7 =	sadd.s32 @!p2 $0x80, s2;
	s2 =	sand.u32 @!p2 $0x7, s2;
	s6 =	simm.s32 @!p2 $0x400  }
0x2ed: {  	s5 =	sadd.s32 @!p2 s1, s5;
	s7 =	sand.u32 @!p2 $0x7FFF8, s7;
	s6 =	sadd.s32 $0x0, s6  }
0x2ee: {  	[hbm4b:s5+s2] =	stream.linear.scatter @!p2 [tilespmem:s3], [sflag:$0x5], $0x80, $0x38;
	[tilespmem:$0x1E678] =	vst v63  }
0x2ef: {  	s5 =	simm.s32 $0xE41A;
	s3 =	simm.s32 @!p2 $0xE5B8;
	s7 =	sadd.s32 @!p2 s1, s7  }
.LBB3_42:
0x2f0: {  	[hbm4b:s7+s2] =	stream.linear.scatter @!p2 [tilespmem:s3], [sflag:$0x5], $0x80, $0x38;
	[tilespmem:$0x1E678] =	vst v63  }
0x2f1: {  	s0 =	sadd.s32 $0xFFFFFFFF, s0;
	s3 =	smov.u32 s4;
	v0 =	vld.msk [tilespmem:s5+$0x0], $0x1  }
0x2f2: {  	p1 =	sne.s32 s0, $0x0;
	_ =	sdelay $0x3  }
0x2f3: {  	(v2sf) =	vpush v0, $0x0;
	_ =	sdelay $0xe  }
0x2f4: {  	s4 =	sadd.s32 $0x100, s4;
	s8 =	simm.s32 $0x0;
	s2 =	spop (v2sf)  }
.Ltmp40:
0x2f5: {  	s5 =	sadd.s32 $0x1, s5;
	p2 =	sgt.u32 s2, $0x3FF70;
	(pc) =	sbr.rel @p1 .LBB3_42-.Ltmp40, $4  }
0x2f6: {  	s8 =	simm.s32 @!p2 $0x400;
	s7 =	sand.u32 @!p2 $0x3FFF8, s2;
	s9 =	sadd.s32 @!p2 $0x80, s2  }
0x2f7: {  	s2 =	sand.u32 @!p2 $0x7, s2;
	s7 =	sadd.s32 @!p2 s1, s7;
	s9 =	sand.u32 @!p2 $0x7FFF8, s9  }
0x2f8: {  	[hbm4b:s7+s2] =	stream.linear.scatter @!p2 [tilespmem:s3], [sflag:$0x5], $0x80, $0x38;
	[tilespmem:$0x1E678] =	vst v63  }
0x2f9: {  	s6 =	sadd.s32 s6, s8;
	s3 =	sadd.s32 @!p2 $0x80, s3;
	s7 =	sadd.s32 @!p2 s1, s9  }
.LBB3_43:
0x2fa: {  	[hbm4b:s7+s2] =	stream.linear.scatter @!p2 [tilespmem:s3], [sflag:$0x5], $0x80, $0x38;
	[tilespmem:$0x1E678] =	vst v63  }
0x2fb: {  	s0 =	sshrl.u32 s6, $0x2  }
.LBB3_44:
0x2fc: {  	s2 =	simm.s32 $0x5  }
0x2fd: {  	_ =	swait.ge [sflag:s2], s0  }
0x2fe: {  	s31 =	ssub.s32 $0x0, s0;
	[sflag:s2] =	ssyncset.done $0x0  }
0x2ff: {  	[sflag:s2] =	ssyncadd.s32 s31  }
0x300: {  	[sflag:s2] =	ssyncpa.u1 $0x1  }
.LBB3_45:
0x301: {  	s0 =	sor.u32 s14, s15  }
0x302: {  	p1 =	sne.s32 s0, $0x0  }
.Ltmp41:
0x303: {  	_ = 	snop;
	(pc) =	sbr.rel @p1 .LBB3_60-.Ltmp41, $3  }
0x304: {  	_ =	sdelay $0x1  }
0x305: {  	[bflag:$0x0] =	sbarrier.arrive $0xFFFF  }
0x306: {  	_ =	sfence  }
0x307: {  	s0 =	simm.s32 $0x7  }
0x308: {  	s2 =	simm.s32 $0x2000;
	s3 =	simm.s32 $0xE418;
	[sflag:s0] =	ssyncpa.u1 $0x0  }
0x309: {  	[tilespmem:s3], [sflag:$0x7] =	stream.linear.gather [spmem:s2], $0x20, $0x38;
	[tilespmem:$0x1E678] =	vst v63  }
0x30a: {  	s30 =	simm.s32 $0xE438;
	s2 =	simm.s32 $0x0  }
0x30b: {  	[tilespmem:s30], [sflag:$0x7] =	stream.linear.gather [spmem:s2], $0x2000, $0x38;
	[tilespmem:$0x1E678] =	vst v63  }
.Ltmp42:
0x30c: {  	_ = 	snop;
	(pc) =	sbr.rel .LBB3_47-.Ltmp42, $4  }
0x30d: {  	_ =	swait.ge [sflag:s0], $0x2020  }
0x30e: {  	[sflag:s0] =	ssyncset.done $0x0  }
0x30f: {  	s31 =	simm.s32 $0x8;
	[sflag:s0] =	ssyncadd.s32 $0xFFFFDFE0  }
0x310: {  	s3 =	simm.s32 $0x0;
	[sflag:s31] =	ssyncpa.u1 $0x0  }
.LBB3_53:
0x311: {  	p1 =	slt.u32 s0, $0x3FF71  }
0x312: {  	s4 =	sand.u32 @p1 $0x3FFF8, s0;
	s5 =	sand.u32 @p1 $0x7, s0;
	s0 =	sadd.s32 @p1 $0x80, s0  }
0x313: {  	s6 =	simm.s32 @p1 $0xE308;
	s4 =	sadd.s32 @p1 s1, s4;
	s0 =	sand.u32 @p1 $0x7FFF8, s0  }
0x314: {  	[tilespmem:s6], [sflag:$0x8] =	stream.linear.gather @p1 [hbm4b:s4+s5], $0x80, $0x38;
	[tilespmem:$0x1E678] =	vst v63  }
0x315: {  	s0 =	sadd.s32 @p1 s1, s0;
	s4 =	simm.s32 @p1 $0xE388  }
0x316: {  	[tilespmem:s4], [sflag:$0x8] =	stream.linear.gather @p1 [hbm4b:s0+s5], $0x80, $0x38;
	[tilespmem:$0x1E678] =	vst v63  }
0x317: {  	s0 =	simm.s32 @p1 $0x8  }
0x318: {  	_ =	swait.ge @p1 [sflag:s0], $0x100  }
0x319: {  	[sflag:s0] =	ssyncset.done @p1 $0x0  }
0x31a: {  	[sflag:s0] =	ssyncadd.s32 @p1 $0xFFFFFF00  }
0x31b: {  	v1 =	vld @p1 [tilespmem:$0xE308];
	_ =	sdelay $0x2  }
0x31c: {  	s0 =	sshll.u32 @p1 s3, $0xA  }
0x31d: {  	s4 =	sshrl.u32 @p1 s0, $0x2  }
0x31e: {  	[tilespmem:s4+$0xE438] =	vst.add.f32.msk @p1 $0xffff, v1  }
0x31f: {  	v1 =	vld @p1 [tilespmem:$0xE318];
	_ =	sdelay $0x4  }
0x320: {  	[tilespmem:s4+$0xE448] =	vst.add.f32.msk @p1 $0xffff, v1  }
0x321: {  	v1 =	vld @p1 [tilespmem:$0xE328];
	_ =	sdelay $0x4  }
0x322: {  	[tilespmem:s4+$0xE458] =	vst.add.f32.msk @p1 $0xffff, v1  }
0x323: {  	v1 =	vld @p1 [tilespmem:$0xE338];
	_ =	sdelay $0x4  }
0x324: {  	[tilespmem:s4+$0xE468] =	vst.add.f32.msk @p1 $0xffff, v1  }
0x325: {  	v1 =	vld @p1 [tilespmem:$0xE348];
	_ =	sdelay $0x4  }
0x326: {  	[tilespmem:s4+$0xE478] =	vst.add.f32.msk @p1 $0xffff, v1  }
0x327: {  	v1 =	vld @p1 [tilespmem:$0xE358];
	_ =	sdelay $0x4  }
0x328: {  	[tilespmem:s4+$0xE488] =	vst.add.f32.msk @p1 $0xffff, v1  }
0x329: {  	v1 =	vld @p1 [tilespmem:$0xE368];
	_ =	sdelay $0x4  }
0x32a: {  	[tilespmem:s4+$0xE498] =	vst.add.f32.msk @p1 $0xffff, v1  }
0x32b: {  	v1 =	vld @p1 [tilespmem:$0xE378];
	_ =	sdelay $0x4  }
0x32c: {  	[tilespmem:s4+$0xE4A8] =	vst.add.f32.msk @p1 $0xffff, v1  }
0x32d: {  	v1 =	vld @p1 [tilespmem:$0xE388];
	_ =	sdelay $0x4  }
0x32e: {  	[tilespmem:s4+$0xE4B8] =	vst.add.f32.msk @p1 $0xffff, v1  }
0x32f: {  	v1 =	vld @p1 [tilespmem:$0xE398];
	_ =	sdelay $0x4  }
0x330: {  	[tilespmem:s4+$0xE4C8] =	vst.add.f32.msk @p1 $0xffff, v1  }
0x331: {  	v1 =	vld @p1 [tilespmem:$0xE3A8];
	_ =	sdelay $0x4  }
0x332: {  	[tilespmem:s4+$0xE4D8] =	vst.add.f32.msk @p1 $0xffff, v1  }
0x333: {  	v1 =	vld @p1 [tilespmem:$0xE3B8];
	_ =	sdelay $0x4  }
0x334: {  	[tilespmem:s4+$0xE4E8] =	vst.add.f32.msk @p1 $0xffff, v1  }
0x335: {  	v1 =	vld @p1 [tilespmem:$0xE3C8];
	_ =	sdelay $0x4  }
0x336: {  	[tilespmem:s4+$0xE4F8] =	vst.add.f32.msk @p1 $0xffff, v1  }
0x337: {  	v1 =	vld @p1 [tilespmem:$0xE3D8];
	_ =	sdelay $0x4  }
0x338: {  	[tilespmem:s4+$0xE508] =	vst.add.f32.msk @p1 $0xffff, v1  }
0x339: {  	v1 =	vld @p1 [tilespmem:$0xE3E8];
	_ =	sdelay $0x4  }
0x33a: {  	[tilespmem:s4+$0xE518] =	vst.add.f32.msk @p1 $0xffff, v1  }
0x33b: {  	v1 =	vld @p1 [tilespmem:$0xE3F8];
	_ =	sdelay $0x3  }
0x33c: {  	s5 =	sshll.u32 @!p1 s3, $0xA  }
0x33d: {  	s5 =	smov.u32 @p1 s0;
	[tilespmem:s4+$0xE528] =	vst.add.f32.msk @p1 $0xffff, v1  }
0x33e: {  	s0 =	sshrl.u32 s5, $0x2;
	[tilespmem:s2+$0xE418] =	vst.msk $0x1, v0  }
0x33f: {  	v0 =	vld [tilespmem:s0+$0xE438];
	_ =	sdelay $0x2  }
0x340: {  	s31 =	sshll.u32 s2, $0xA  }
0x341: {  	s4 =	sshra.s32 s31, $0x2  }
0x342: {  	[tilespmem:s4+$0xE438] =	vst v0  }
0x343: {  	v0 =	vld [tilespmem:s0+$0xE448];
	_ =	sdelay $0x4  }
0x344: {  	[tilespmem:s4+$0xE448] =	vst v0  }
0x345: {  	v0 =	vld [tilespmem:s0+$0xE458];
	_ =	sdelay $0x4  }
0x346: {  	[tilespmem:s4+$0xE458] =	vst v0  }
0x347: {  	v0 =	vld [tilespmem:s0+$0xE468];
	_ =	sdelay $0x4  }
0x348: {  	[tilespmem:s4+$0xE468] =	vst v0  }
0x349: {  	v0 =	vld [tilespmem:s0+$0xE478];
	_ =	sdelay $0x4  }
0x34a: {  	[tilespmem:s4+$0xE478] =	vst v0  }
0x34b: {  	v0 =	vld [tilespmem:s0+$0xE488];
	_ =	sdelay $0x4  }
0x34c: {  	[tilespmem:s4+$0xE488] =	vst v0  }
0x34d: {  	v0 =	vld [tilespmem:s0+$0xE498];
	_ =	sdelay $0x4  }
0x34e: {  	[tilespmem:s4+$0xE498] =	vst v0  }
0x34f: {  	v0 =	vld [tilespmem:s0+$0xE4A8];
	_ =	sdelay $0x4  }
0x350: {  	[tilespmem:s4+$0xE4A8] =	vst v0  }
0x351: {  	v0 =	vld [tilespmem:s0+$0xE4B8];
	_ =	sdelay $0x4  }
0x352: {  	[tilespmem:s4+$0xE4B8] =	vst v0  }
0x353: {  	v0 =	vld [tilespmem:s0+$0xE4C8];
	_ =	sdelay $0x4  }
0x354: {  	[tilespmem:s4+$0xE4C8] =	vst v0  }
0x355: {  	v0 =	vld [tilespmem:s0+$0xE4D8];
	_ =	sdelay $0x4  }
0x356: {  	[tilespmem:s4+$0xE4D8] =	vst v0  }
0x357: {  	v0 =	vld [tilespmem:s0+$0xE4E8];
	_ =	sdelay $0x4  }
0x358: {  	[tilespmem:s4+$0xE4E8] =	vst v0  }
0x359: {  	v0 =	vld [tilespmem:s0+$0xE4F8];
	_ =	sdelay $0x4  }
0x35a: {  	[tilespmem:s4+$0xE4F8] =	vst v0  }
0x35b: {  	v0 =	vld [tilespmem:s0+$0xE508];
	_ =	sdelay $0x4  }
0x35c: {  	[tilespmem:s4+$0xE508] =	vst v0  }
0x35d: {  	v0 =	vld [tilespmem:s0+$0xE518];
	_ =	sdelay $0x4  }
0x35e: {  	[tilespmem:s4+$0xE518] =	vst v0  }
0x35f: {  	v0 =	vld [tilespmem:s0+$0xE528];
	_ =	sdelay $0x4  }
0x360: {  	s2 =	sadd.s32 $0x1, s2;
	[tilespmem:s4+$0xE528] =	vst v0  }
.LBB3_54:
0x361: {  	s3 =	sadd.s32 $0x1, s3  }
0x362: {  	p1 =	sne.s32 s3, $0x20  }
.Ltmp43:
0x363: {  	_ = 	snop;
	(pc) =	sbr.rel @!p1 .LBB3_55-.Ltmp43, $1  }
0x364: {  	_ =	sdelay $0x3  }
.LBB3_47:
0x365: {  	v0 =	vld.msk [tilespmem:s3+$0xE418], $0x1;
	_ =	sdelay $0x4  }
0x366: {  	(v2sf) =	vpush v0, $0x0;
	_ =	sdelay $0xe  }
0x367: {  	s0 =	spop (v2sf)  }
0x368: {  	p1 =	seq.s32 s0, $0xFFFFFFFF  }
.Ltmp44:
0x369: {  	_ = 	snop;
	(pc) =	sbr.rel @p1 .LBB3_54-.Ltmp44, $1  }
0x36a: {  	_ =	sdelay $0x3  }
0x36b: {  	p1 =	slt.s32 s2, $0x1  }
.Ltmp45:
0x36c: {  	_ = 	snop;
	(pc) =	sbr.rel @p1 .LBB3_53-.Ltmp45, $1  }
0x36d: {  	_ =	sdelay $0x3  }
0x36e: {  	s4 =	simm.s32 $0xE418;
	p1 =	por $0x0, $0x0  }
0x36f: {  	v1 =	vld.msk @!p1 [tilespmem:s4+$0x0], $0x1;
	_ =	sdelay $0x4  }
0x370: {  	(v2sf) =	vpush @!p1 v1, $0x0;
	_ =	sdelay $0xd  }
0x371: {  	p3 =	sne.s32 s2, $0x1  }
.Ltmp46:
0x372: {  	s5 =	spop @!p1 (v2sf);
	(pc) =	sbr.rel @!p3 .LBB3_51-.Ltmp46, $4  }
0x373: {  	p2 =	seq.s32 @!p1 s0, s5  }
0x374: {  	s5 =	simm.s32 $0x0;
	p2 =	por !p2, p1  }
0x375: {  	s7 =	simm.s32 $0xFFFFFFFF;
	s5 =	simm.s32 @p2 $0xFFFFFFFF  }
0x376: {  	s6 =	simm.s32 $0x1;
	s5 =	smov.u32 @p1 s7  }
.LBB3_50:
0x377: {  	s7 =	smov.u32 s5;
	p1 =	sne.s32 s5, $0xFFFFFFFF  }
0x378: {  	s4 =	sadd.s32 $0x1, s4;
	s5 =	smov.u32 s6;
	s6 =	sadd.s32 $0x1, s6  }
0x379: {  	p2 =	sne.s32 s2, s6;
	v1 =	vld.msk @!p1 [tilespmem:s4+$0x0], $0x1;
	_ =	sdelay $0x4  }
0x37a: {  	(v2sf) =	vpush @!p1 v1, $0x0;
	_ =	sdelay $0xe  }
.Ltmp47:
0x37b: {  	s8 =	spop @!p1 (v2sf);
	(pc) =	sbr.rel @p2 .LBB3_50-.Ltmp47, $4  }
0x37c: {  	p3 =	seq.s32 @!p1 s0, s8  }
0x37d: {  	p3 =	por !p3, p1  }
0x37e: {  	s5 =	simm.s32 @p3 $0xFFFFFFFF  }
0x37f: {  	s5 =	smov.u32 @p1 s7  }
.LBB3_51:
0x380: {  	p1 =	seq.s32 s5, $0xFFFFFFFF  }
.Ltmp48:
0x381: {  	_ = 	snop;
	(pc) =	sbr.rel @p1 .LBB3_53-.Ltmp48, $1  }
0x382: {  	_ =	sdelay $0x3  }
0x383: {  	s0 =	sshll.u32 s3, $0x8  }
0x384: {  	s0 =	sand.u32 $0x3FFFFF00, s0  }
0x385: {  	v0 =	vld [tilespmem:s0+$0xE438];
	_ =	sdelay $0x2  }
0x386: {  	s4 =	sshll.u32 s5, $0xA  }
0x387: {  	s4 =	sshra.s32 s4, $0x2  }
0x388: {  	[tilespmem:s4+$0xE438] =	vst.add.f32.msk $0xffff, v0  }
0x389: {  	v0 =	vld [tilespmem:s0+$0xE448];
	_ =	sdelay $0x4  }
0x38a: {  	[tilespmem:s4+$0xE448] =	vst.add.f32.msk $0xffff, v0  }
0x38b: {  	v0 =	vld [tilespmem:s0+$0xE458];
	_ =	sdelay $0x4  }
0x38c: {  	[tilespmem:s4+$0xE458] =	vst.add.f32.msk $0xffff, v0  }
0x38d: {  	v0 =	vld [tilespmem:s0+$0xE468];
	_ =	sdelay $0x4  }
0x38e: {  	[tilespmem:s4+$0xE468] =	vst.add.f32.msk $0xffff, v0  }
0x38f: {  	v0 =	vld [tilespmem:s0+$0xE478];
	_ =	sdelay $0x4  }
0x390: {  	[tilespmem:s4+$0xE478] =	vst.add.f32.msk $0xffff, v0  }
0x391: {  	v0 =	vld [tilespmem:s0+$0xE488];
	_ =	sdelay $0x4  }
0x392: {  	[tilespmem:s4+$0xE488] =	vst.add.f32.msk $0xffff, v0  }
0x393: {  	v0 =	vld [tilespmem:s0+$0xE498];
	_ =	sdelay $0x4  }
0x394: {  	[tilespmem:s4+$0xE498] =	vst.add.f32.msk $0xffff, v0  }
0x395: {  	v0 =	vld [tilespmem:s0+$0xE4A8];
	_ =	sdelay $0x4  }
0x396: {  	[tilespmem:s4+$0xE4A8] =	vst.add.f32.msk $0xffff, v0  }
0x397: {  	v0 =	vld [tilespmem:s0+$0xE4B8];
	_ =	sdelay $0x4  }
0x398: {  	[tilespmem:s4+$0xE4B8] =	vst.add.f32.msk $0xffff, v0  }
0x399: {  	v0 =	vld [tilespmem:s0+$0xE4C8];
	_ =	sdelay $0x4  }
0x39a: {  	[tilespmem:s4+$0xE4C8] =	vst.add.f32.msk $0xffff, v0  }
0x39b: {  	v0 =	vld [tilespmem:s0+$0xE4D8];
	_ =	sdelay $0x4  }
0x39c: {  	[tilespmem:s4+$0xE4D8] =	vst.add.f32.msk $0xffff, v0  }
0x39d: {  	v0 =	vld [tilespmem:s0+$0xE4E8];
	_ =	sdelay $0x4  }
0x39e: {  	[tilespmem:s4+$0xE4E8] =	vst.add.f32.msk $0xffff, v0  }
0x39f: {  	v0 =	vld [tilespmem:s0+$0xE4F8];
	_ =	sdelay $0x4  }
0x3a0: {  	[tilespmem:s4+$0xE4F8] =	vst.add.f32.msk $0xffff, v0  }
0x3a1: {  	v0 =	vld [tilespmem:s0+$0xE508];
	_ =	sdelay $0x4  }
0x3a2: {  	[tilespmem:s4+$0xE508] =	vst.add.f32.msk $0xffff, v0  }
0x3a3: {  	v0 =	vld [tilespmem:s0+$0xE518];
	_ =	sdelay $0x4  }
0x3a4: {  	[tilespmem:s4+$0xE518] =	vst.add.f32.msk $0xffff, v0  }
0x3a5: {  	v0 =	vld [tilespmem:s0+$0xE528]  }
.Ltmp49:
0x3a6: {  	_ = 	snop;
	(pc) =	sbr.rel .LBB3_54-.Ltmp49, $2  }
0x3a7: {  	_ =	sdelay $0x2  }
0x3a8: {  	[tilespmem:s4+$0xE528] =	vst.add.f32.msk $0xffff, v0  }
.LBB3_55:
0x3a9: {  	p1 =	slt.s32 s2, $0x1  }
.Ltmp50:
0x3aa: {  	_ = 	snop;
	(pc) =	sbr.rel @p1 .LBB3_59-.Ltmp50, $3  }
0x3ab: {  	_ =	sdelay $0x1  }
0x3ac: {  	s0 =	simm.s32 $0x8  }
0x3ad: {  	s4 =	simm.s32 $0x0;
	[sflag:s0] =	ssyncpa.u1 $0x1  }
0x3ae: {  	s0 =	simm.s32 $0xE418  }
0x3af: {  	v0 =	vld.msk [tilespmem:s0+$0x0], $0x1;
	_ =	sdelay $0x4  }
0x3b0: {  	(v2sf) =	vpush v0, $0x0;
	_ =	sdelay $0xe  }
0x3b1: {  	s0 =	sadd.s32 $0xFFFFFFFF, s2;
	s3 =	spop (v2sf)  }
0x3b2: {  	s6 =	simm.s32 $0xE438;
	p1 =	sne.s32 s0, $0x0;
	p2 =	sgt.u32 s3, $0x3FF70  }
.Ltmp51:
0x3b3: {  	s2 =	simm.s32 $0xE538;
	s5 =	sand.u32 @!p2 $0x3FFF8, s3;
	(pc) =	sbr.rel @!p1 .LBB3_58-.Ltmp51, $4  }
0x3b4: {  	s7 =	sadd.s32 @!p2 $0x80, s3;
	s4 =	simm.s32 @!p2 $0x400;
	s8 =	sadd.s32 @!p2 s1, s5  }
0x3b5: {  	s5 =	sand.u32 @!p2 $0x7, s3;
	s3 =	simm.s32 $0xE419;
	s7 =	sand.u32 @!p2 $0x7FFF8, s7  }
0x3b6: {  	[hbm4b:s8+s5] =	stream.linear.scatter @!p2 [tilespmem:s6], [sflag:$0x7], $0x80, $0x38;
	[tilespmem:$0x1E678] =	vst v63  }
0x3b7: {  	s4 =	sadd.s32 $0x0, s4;
	s6 =	simm.s32 @!p2 $0xE4B8;
	s7 =	sadd.s32 @!p2 s1, s7  }
.LBB3_57:
0x3b8: {  	[hbm4b:s7+s5] =	stream.linear.scatter @!p2 [tilespmem:s6], [sflag:$0x7], $0x80, $0x38;
	[tilespmem:$0x1E678] =	vst v63  }
0x3b9: {  	s0 =	sadd.s32 $0xFFFFFFFF, s0;
	s6 =	smov.u32 s2;
	v0 =	vld.msk [tilespmem:s3+$0x0], $0x1  }
0x3ba: {  	p1 =	sne.s32 s0, $0x0;
	_ =	sdelay $0x3  }
0x3bb: {  	(v2sf) =	vpush v0, $0x0;
	_ =	sdelay $0xe  }
0x3bc: {  	s2 =	sadd.s32 $0x100, s2;
	s8 =	simm.s32 $0x0;
	s5 =	spop (v2sf)  }
.Ltmp52:
0x3bd: {  	s3 =	sadd.s32 $0x1, s3;
	p2 =	sgt.u32 s5, $0x3FF70;
	(pc) =	sbr.rel @p1 .LBB3_57-.Ltmp52, $4  }
0x3be: {  	s8 =	simm.s32 @!p2 $0x400;
	s7 =	sand.u32 @!p2 $0x3FFF8, s5;
	s9 =	sadd.s32 @!p2 $0x80, s5  }
0x3bf: {  	s5 =	sand.u32 @!p2 $0x7, s5;
	s7 =	sadd.s32 @!p2 s1, s7;
	s9 =	sand.u32 @!p2 $0x7FFF8, s9  }
0x3c0: {  	[hbm4b:s7+s5] =	stream.linear.scatter @!p2 [tilespmem:s6], [sflag:$0x7], $0x80, $0x38;
	[tilespmem:$0x1E678] =	vst v63  }
0x3c1: {  	s4 =	sadd.s32 s4, s8;
	s6 =	sadd.s32 @!p2 $0x80, s6;
	s7 =	sadd.s32 @!p2 s1, s9  }
.LBB3_58:
0x3c2: {  	[hbm4b:s7+s5] =	stream.linear.scatter @!p2 [tilespmem:s6], [sflag:$0x7], $0x80, $0x38;
	[tilespmem:$0x1E678] =	vst v63  }
0x3c3: {  	s4 =	sshrl.u32 s4, $0x2  }
.LBB3_59:
0x3c4: {  	s0 =	simm.s32 $0x7  }
0x3c5: {  	_ =	swait.ge [sflag:s0], s4  }
0x3c6: {  	s1 =	ssub.s32 $0x0, s4;
	[sflag:s0] =	ssyncset.done $0x0  }
0x3c7: {  	[sflag:s0] =	ssyncadd.s32 s1  }
0x3c8: {  	[sflag:s0] =	ssyncpa.u1 $0x1  }
.LBB3_60:
0x3c9: {  	_ =	sfence;
	s0 =	simm.s32 $0x1  }
0x3ca: {  	[sflag:s0] =	ssyncpa.u1 $0x1  }
0x3cb: {  	_ =	strace $0x90000056  }
0x3cc: {  	[bflag:$0x2] =	sbarrier.arrive $0xFFFF  }
0x3cd: {  	s0 =	rddreg [dreg:$0x4]  }
0x3ce: {  	s0 =	sadd.s32 @!p0 $0x100000, s0  }
0x3cf: {  	[sflag:s0] =	ssyncadd.tile.s32 @!p0 $0x1;
	_ =	shalt  }
.Lfunc_end3:
_tile_overlayer_lowered:
.L_overlay_start_3:
0x3d0: {  	(tag) =	ssettag $0x3  }
0x3d1: {  	s0 =	rddreg [dreg:$0x0];
	s2 =	stileid.u32  }
0x3d2: {  	s1 =	rddreg [dreg:$0x1];
	p0 =	sne.s32 s2, $0x0  }
0x3d3: {  	s3 =	rddreg [dreg:$0x2];
	[bflag:$0x3] =	sbarrier.arrive $0xFFFF;
	s2 =	simm.s32 @!p0 $0x1C01  }
0x3d4: {  	[timem:s3], [sflag:s2] =	dma.local @!p0 [hbm:s0], s1  }
0x3d5: {  	s0 =	simm.s32 @!p0 $0x1  }
0x3d6: {  	_ =	swait.ge @!p0 [sflag:s0], s1  }
0x3d7: {  	s1 =	ssub.s32 @!p0 $0x0, s1;
	[sflag:s0] =	ssyncset.done @!p0 $0x0  }
0x3d8: {  	[sflag:s0] =	ssyncadd.s32 @!p0 s1  }
0x3d9: {  	[bflag:$0x3] =	sbarrier.arrive $0xFFFF  }
0x3da: {  	_ =	shalt  }

// kernel: scatter_offload_async_start.3
scs
__scs_entry_jumppad:
0x0: {  	(pc) =	sbr.rel $0x88, $3  }
0x1: {  	(tag) =	ssettag $0x0;
	lr =	simm.s32 $0x1  }
0x2: {  	[smem:$0x3F94] =	sst lr;
	_ =	strace $0xD0000000  }
0x3: {  	_ = 	snop  }
0x4: {  	_ = 	snop  }
0x5: {  	_ = 	snop  }
0x6: {  	_ = 	snop  }
0x7: {  	_ = 	snop  }
__scs_overlays_trampoline_lowered:
0x8: {  	[smem:$0x3FA3] =	sst s0  }
0x9: {  	[smem:$0x3FA4] =	sst s1  }
0xa: {  	[smem:$0x3FA5] =	sst s2  }
0xb: {  	[smem:$0x3FA6] =	sst s3  }
0xc: {  	[smem:$0x3FA7] =	sst s4  }
0xd: {  	[smem:$0x3FA8] =	sst s5  }
0xe: {  	[smem:$0x3FA9] =	sst s6  }
0xf: {  	[smem:$0x3FAA] =	sst s7  }
0x10: {  	[smem:$0x3FAB] =	sst s8  }
0x11: {  	[smem:$0x3FAC] =	sst s9;
	s0 =	simm.s32 @!p0 $0x0  }
0x12: {  	s1 =	sld [smem:$0x3F92];
	s0 =	simm.s32 @p0 $0x1  }
0x13: {  	[smem:$0x3FAD] =	sst s0;
	s0 =	simm.s32 @!p1 $0x0  }
0x14: {  	s2 =	sld [smem:$0x3F91];
	s0 =	simm.s32 @p1 $0x1  }
0x15: {  	[smem:$0x3FAE] =	sst s0;
	s0 =	simm.s32 @!p2 $0x0  }
0x16: {  	s3 =	sld [smem:$0x3FDB];
	s0 =	simm.s32 @p2 $0x1  }
0x17: {  	s4 =	simm.s32 $0x1BF5;
	[smem:$0x3FB0] =	sst s0  }
0x18: {  	s0 =	sld [smem:$0x3F93];
	_ =	swait.ge [sflag:s4], $0x0  }
0x19: {  	s7 =	sld [smem:$0x3F94]  }
0x1a: {  	s8 =	sadd.s32 $0xFFFFE003, lr  }
0x1b: {  	s9 =	sadd.s32 $0xFFFFFEF7, lr;
	s5 =	simm.s32 $0xFFFFFFFF;
	p2 =	slt.u32 s8, $0xFFFFF086  }
0x1c: {  	p1 =	slt.u32 s9, $0xF7A;
	s5 =	simm.s32 @!p2 $0x0  }
0x1d: {  	s5 =	simm.s32 @p1 $0x1;
	p0 =	seq.s32 s7, s2  }
0x1e: {  	s7 =	smul.u32 @!p0 $0xF7A, s2;
	p2 =	seq.s32 @!p0 s5, $0x0  }
0x1f: {  	s9 =	smul.u32 $0xF7A, s1;
	s8 =	simm.s32 @!p0 $0x1BF5;
	p2 =	por !p2, p0  }
0x20: {  	[sflag:s8] =	ssyncset.s32 @!p0 $0xFFFFF086;
	s6 =	sadd.s32 @!p0 s3, s7;
	s7 =	simm.s32 @!p0 $0x108  }
0x21: {  	s3 =	sadd.s32 s3, s9;
	s6 =	sadd.s32 @!p0 $0x88, s6;
	s7 =	simm.s32 @p2 $0x1082  }
0x22: {  	[simem:s7], [sflag:s8] =	dma.local @!p0 [hbm:s6], $0xF7A  }
0x23: {  	s9 =	sor.u32 $0xD0000000, s2;
	s6 =	simm.s32 $0x108;
	_ =	swait.ge @!p0 [sflag:s8], $0x0  }
0x24: {  	s3 =	sadd.s32 $0x88, s3;
	s6 =	simm.s32 @!p1 $0x1082;
	[sflag:s4] =	ssyncset.s32 $0xFFFFF086  }
0x25: {  	[simem:s6], [sflag:s4] =	dma.local [hbm:s3], $0xF7A  }
0x26: {  	[smem:$0x3F94] =	sst s1;
	(tag) =	ssettag s2;
	_ =	strace s9  }
0x27: {  	s1 =	sld [smem:$0x3FA4]  }
0x28: {  	s2 =	sld [smem:$0x3FA5]  }
0x29: {  	s4 =	sld [smem:$0x3FA7]  }
0x2a: {  	p0 =	seq.s32 s5, $0x0;
	s5 =	sld [smem:$0x3FA8]  }
0x2b: {  	s6 =	sld [smem:$0x3FA9]  }
0x2c: {  	s7 =	sld [smem:$0x3FAA]  }
0x2d: {  	s3 =	simm.s32 $0x108;
	s8 =	sld [smem:$0x3FAB]  }
0x2e: {  	s3 =	simm.s32 @!p0 $0x1082;
	s9 =	sld [smem:$0x3FAC]  }
0x2f: {  	lr =	sadd.s32 s0, s3;
	s0 =	sld [smem:$0x3FA3]  }
0x30: {  	s3 =	sld [smem:$0x3FA6]  }
0x31: {  	[smem:$0x3FAF] =	sst s10  }
0x32: {  	s10 =	sld [smem:$0x3FAD];
	_ =	sdelay $0x3  }
0x33: {  	p0 =	seq.s32 s10, $0x1;
	s10 =	sld [smem:$0x3FAF];
	_ =	sdelay $0x3  }
0x34: {  	[smem:$0x3FAF] =	sst s10  }
0x35: {  	s10 =	sld [smem:$0x3FAE];
	_ =	sdelay $0x3  }
0x36: {  	p1 =	seq.s32 s10, $0x1;
	s10 =	sld [smem:$0x3FAF];
	_ =	sdelay $0x3  }
0x37: {  	[smem:$0x3FAF] =	sst s10  }
0x38: {  	s10 =	sld [smem:$0x3FB0]  }
0x39: {  	_ = 	snop;
	(pc) =	sbr.ind lr, $3  }
0x3a: {  	_ = 	snop  }
0x3b: {  	_ = 	snop  }
0x3c: {  	p2 =	seq.s32 s10, $0x1;
	s10 =	sld [smem:$0x3FAF]  }
0x3d: {  	_ =	shalt  }
0x3e: {  	_ =	shalt  }
0x3f: {  	_ =	shalt  }
0x40: {  	_ =	shalt  }
0x41: {  	_ =	shalt  }
0x42: {  	_ =	shalt  }
0x43: {  	_ =	shalt  }
0x44: {  	_ =	shalt  }
0x45: {  	_ =	shalt  }
0x46: {  	_ =	shalt  }
0x47: {  	_ =	shalt  }
0x48: {  	_ =	shalt  }
0x49: {  	_ =	shalt  }
0x4a: {  	_ =	shalt  }
0x4b: {  	_ =	shalt  }
0x4c: {  	_ =	shalt  }
0x4d: {  	_ =	shalt  }
0x4e: {  	_ =	shalt  }
0x4f: {  	_ =	shalt  }
0x50: {  	_ =	shalt  }
0x51: {  	_ =	shalt  }
0x52: {  	_ =	shalt  }
0x53: {  	_ =	shalt  }
0x54: {  	_ =	shalt  }
0x55: {  	_ =	shalt  }
0x56: {  	_ =	shalt  }
0x57: {  	_ =	shalt  }
0x58: {  	_ =	shalt  }
0x59: {  	_ =	shalt  }
0x5a: {  	_ =	shalt  }
0x5b: {  	_ =	shalt  }
0x5c: {  	_ =	shalt  }
0x5d: {  	_ =	shalt  }
0x5e: {  	_ =	shalt  }
0x5f: {  	_ =	shalt  }
0x60: {  	_ =	shalt  }
0x61: {  	_ =	shalt  }
0x62: {  	_ =	shalt  }
0x63: {  	_ =	shalt  }
0x64: {  	_ =	shalt  }
0x65: {  	_ =	shalt  }
0x66: {  	_ =	shalt  }
0x67: {  	_ =	shalt  }
0x68: {  	_ =	shalt  }
0x69: {  	_ =	shalt  }
0x6a: {  	_ =	shalt  }
0x6b: {  	_ =	shalt  }
0x6c: {  	_ =	shalt  }
0x6d: {  	_ =	shalt  }
0x6e: {  	_ =	shalt  }
0x6f: {  	_ =	shalt  }
0x70: {  	_ =	shalt  }
0x71: {  	_ =	shalt  }
0x72: {  	_ =	shalt  }
0x73: {  	_ =	shalt  }
0x74: {  	_ =	shalt  }
0x75: {  	_ =	shalt  }
0x76: {  	_ =	shalt  }
0x77: {  	_ =	shalt  }
0x78: {  	_ =	shalt  }
0x79: {  	_ =	shalt  }
0x7a: {  	_ =	shalt  }
0x7b: {  	_ =	shalt  }
0x7c: {  	_ =	shalt  }
0x7d: {  	_ =	shalt  }
0x7e: {  	_ =	shalt  }
0x7f: {  	_ =	shalt  }
0x80: {  	_ =	shalt  }
0x81: {  	_ =	shalt  }
0x82: {  	_ =	shalt  }
0x83: {  	_ =	shalt  }
0x84: {  	_ =	shalt  }
0x85: {  	_ =	shalt  }
0x86: {  	_ =	shalt  }
0x87: {  	_ =	shalt  }
.Lfunc_end0:
.L_simem_size_0:
called_computation.3_lowered:
.L_overlay_start_0:
0x88: {  	s2 =	sld [smem:$0x3FD9]  }
0x89: {  	s3 =	sld [smem:$0x3FFE];
	_ =	sdelay $0x1  }
0x8a: {  	s1 =	srdreg.scid  }
0x8b: {  	s0 =	sand.u32 $0x1, s1  }
0x8c: {  	s15 =	sshll.u32 s0, $0xA;
	s2 =	sadd.s32 s3, s2  }
0x8d: {  	s2 =	sadd.s32 s2, s15  }
0x8e: {  	[smem:$0x3FBB] =	sst s2  }
0x8f: {  	_ = 	snop  }
0x90: {  	(tm) =	ssettm $0x1  }
0x91: {  	s16 =	sld [smem:$0x3FFB];
	_ =	sdelay $0x3  }
0x92: {  	_ =	strace s16  }
0x93: {  	s2 =	sld [smem:$0x3FFC];
	_ =	sdelay $0x3  }
0x94: {  	_ =	strace s2  }
0x95: {  	s2 =	sld [smem:$0x3FFD];
	_ =	sdelay $0x3  }
0x96: {  	_ =	strace s2  }
0x97: {  	_ =	strace $0x8FFFFFFF  }
0x98: {  	s17 =	sld [smem:$0x3FDB];
	_ =	sdelay $0x1  }
0x99: {  	s18 =	simm.s32 $_scs_section_size  }
0x9a: {  	s4 =	simm.s32 $_size__tile_overlayer_lowered;
	s5 =	simm.s32 $_tile_overlayer_lowered  }
0x9b: {  	s6 =	simm.s32 $0x1BFF;
	s19 =	sshll.u32 s5, $0x1;
	s3 =	sadd.s32 s18, s17  }
0x9c: {  	s20 =	simm.s32 $0x0;
	s4 =	sshll.u32 s4, $0x1;
	s5 =	sadd.s32 s19, s3  }
0x9d: {  	[timem:s20], [sflag:s6] =	dma.local [hbm:s5], s4  }
0x9e: {  	_ =	swait.ge [sflag:s6], s4  }
0x9f: {  	s4 =	ssub.s32 $0x0, s4;
	[sflag:s6] =	ssyncset.done $0x0  }
0xa0: {  	[sflag:s6] =	ssyncadd.s32 s4;
	_ =	sdelay $0x1  }
0xa1: {  	s21 =	simm.s32 $0x1B8B  }
0xa2: {  	_ =	swait.ge [sflag:s21], $0x1  }
0xa3: {  	[sflag:s21] =	ssyncset.done $0x0  }
0xa4: {  	s22 =	sld [smem:$0x3FFE];
	[sflag:s21] =	ssyncadd.s32 $0xFFFFFFFF  }
0xa5: {  	s24 =	simm.s32 $0x1B8E;
	s23 =	sld [smem:$0x0]  }
0xa6: {  	s25 =	simm.s32 $execute0_lowered;
	[smem:$0x3FD2] =	sst s24  }
0xa7: {  	s6 =	sshll.u32 s25, $0x1;
	_ =	strace $0x80000058;
	[dreg:$0x1] =	wrdreg $0xFFFFFFFF  }
0xa8: {  	s7 =	simm.s32 $_size_execute0_lowered;
	s6 =	sadd.s32 s3, s6;
	[dreg:$0x0] =	wrdreg $0x0  }
0xa9: {  	s7 =	sshll.u32 s7, $0x1;
	[dreg:$0x2] =	wrdreg s6  }
0xaa: {  	[dreg:$0x3] =	wrdreg s7  }
0xab: {  	[dreg:$0x4] =	wrdreg $0xC0  }
0xac: {  	s26 =	simm.s32 $execute1_lowered;
	_ =	task [dreg:s20], $0x5FFFF  }
0xad: {  	s6 =	sshll.u32 s26, $0x1;
	[dreg:$0x1] =	wrdreg $0xFFFFFFFF  }
0xae: {  	s3 =	sadd.s32 s3, s6;
	[dreg:$0x0] =	wrdreg $0x60  }
0xaf: {  	[dreg:$0x2] =	wrdreg s3  }
0xb0: {  	[dreg:$0x3] =	wrdreg s22  }
0xb1: {  	[dreg:$0x4] =	wrdreg $0x9  }
0xb2: {  	_ =	task.clear_ibuf [dreg:s20], $0x5FFFF;
	_ =	strace $0x90000058  }
0xb3: {  	s28 =	simm.s32 $0x9;
	_ =	strace $0x8000005A  }
0xb4: {  	_ =	swait.ge [sflag:s28], $0x1  }
0xb5: {  	[sflag:s28] =	ssyncadd.s32 $0xFFFFFFFF  }
0xb6: {  	_ =	strace $0x9000005A  }
0xb7: {  	s3 =	sld [smem:$0x0]  }
0xb8: {  	s6 =	sand.u32 $0xFFFFFFFE, s1  }
0xb9: {  	p0 =	sne.s32 s1, s6  }
0xba: {  	s6 =	sshll.u32 @p0 s6, $0xE  }
0xbb: {  	s6 =	sadd.s32 @p0 $0x11BF3, s6;
	s7 =	sshll.u32 @p0 s3, $0x11  }
0xbc: {  	s6 =	sor.u32 @p0 s7, s6  }
0xbd: {  	[sflag:s6] =	ssyncadd.remote.s32 @p0 $0x1;
	_ =	sdelay $0x1  }
0xbe: {  	s6 =	simm.s32 @p0 $0x1BF3  }
0xbf: {  	_ =	swait.eq @p0 [sflag:s6], $0x1  }
0xc0: {  	[sflag:s6] =	ssyncadd.s32 @p0 $0xFFFFFFFF  }
0xc1: {  	s7 =	sshll.u32 @!p0 s1, $0xE  }
0xc2: {  	s7 =	sor.u32 @!p0 $0x4000, s7;
	s6 =	simm.s32 @!p0 $0x1BF3  }
0xc3: {  	s3 =	sshll.u32 @!p0 s3, $0x11;
	s7 =	sadd.s32 @!p0 $0x11BF3, s7;
	_ =	swait.eq @!p0 [sflag:s6], $0x1  }
0xc4: {  	s3 =	sor.u32 @!p0 s3, s7;
	[sflag:s6] =	ssyncadd.s32 @!p0 $0xFFFFFFFF  }
0xc5: {  	[sflag:s3] =	ssyncadd.remote.s32 @!p0 $0x1  }
0xc6: {  	_ =	strace $0x8000005B;
	[dreg:$0x1] =	wrdreg $0xFFFFFFFF  }
0xc7: {  	[dreg:$0x0] =	wrdreg $0x2030  }
0xc8: {  	[dreg:$0x2] =	wrdreg s22  }
0xc9: {  	[dreg:$0x3] =	wrdreg s1  }
0xca: {  	[dreg:$0x4] =	wrdreg s23  }
0xcb: {  	[dreg:$0x5] =	wrdreg $0xA  }
0xcc: {  	_ =	task.clear_ibuf [dreg:s20], $0x6FFFF;
	_ =	strace $0x9000005B  }
0xcd: {  	s29 =	simm.s32 $0xA;
	_ =	strace $0x8000005D  }
0xce: {  	_ =	swait.ge [sflag:s29], $0x1  }
0xcf: {  	[sflag:s29] =	ssyncadd.s32 $0xFFFFFFFF  }
0xd0: {  	_ =	strace $0x9000005D  }
0xd1: {  	_ =	sfence  }
0xd2: {  	s30 =	sld [smem:$0x0];
	_ =	sdelay $0x2  }
0xd3: {  	s31 =	sshll.u32 s1, $0xD;
	s1 =	sshrl.u32 s1, $0x2  }
0xd4: {  	s4 =	sand.u32 $0x4000, s31;
	s1 =	sadd.s32 s1, s30  }
0xd5: {  	s0 =	sor.u32 s4, s0;
	s1 =	sshll.u32 s1, $0x11  }
0xd6: {  	s0 =	sor.u32 s1, s0  }
0xd7: {  	s0 =	sadd.s32 $0x8F2B, s0  }
0xd8: {  	[sflag:s0] =	ssyncadd.remote.s32 $0x1  }
0xd9: {  	_ =	sfence.sel $0xFFFF  }
0xda: {  	[dreg:$0x0] =	wrdreg $0xFFFFFFFF;
	(pc) =	sbr.abs _section_cstart, $3  }
0xdb: {  	[dreg:$0x1] =	wrdreg $0xFFFFFFFF  }
0xdc: {  	_ =	task.clear_ibuf [dreg:s20], $0x2FFFF;
	_ =	strace $0x9FFFFFFF  }
0xdd: {  	(tm) =	ssettm $0x7FFFFFFF  }
tec
execute0_lowered:
.L_overlay_start_1:
0x0: {  	(tag) =	ssettag $0x1  }
0x1: {  	s2 =	rddreg [dreg:$0x0]  }
0x2: {  	s6 =	rddreg [dreg:$0x1]  }
0x3: {  	s3 =	stileid.u32;
	[bflag:$0x3] =	sbarrier.arrive $0xFFFF;
	s1 =	simm.s32 $_size_execute1_lowered  }
0x4: {  	s29 =	srdreg.scid;
	p0 =	sne.s32 s3, $0x0;
	s0 =	sshll.u32 s1, $0x1  }
0x5: {  	s4 =	simm.s32 @!p0 $0x1C3F;
	s5 =	simm.s32 @!p0 $0x4060;
	[dreg:$0x3] =	wrdreg s0  }
0x6: {  	[timem:s5], [sflag:s4] =	dma.local @!p0 [hbm:s2], s0  }
0x7: {  	s2 =	sshll.u32 s29, $0x6  }
0x8: {  	s3 =	sshll.u32 s3, $0x7;
	s2 =	sand.u32 $0x40, s2  }
0x9: {  	s7 =	simm.s32 $0x1;
	s2 =	sor.u32 s3, s2  }
0xa: {  	s8 =	simm.s32 $0x2;
	s11 =	simm.s32 $0x0;
	s30 =	ssub.s32 $0x2000, s2  }
.Ltmp0:
0xb: {  	s10 =	simm.s32 $0x0;
	s31 =	sand.u32 $0x7C0, s30;
	(pc) =	sbr.rel .LBB2_1-.Ltmp0, $4  }
0xc: {  	s4 =	simm.s32 $0x1;
	_ =	strace $0x80000059;
	p1 =	sne.s32 s31, $0x0  }
0xd: {  	s3 =	sadd.s32 $0x43A000, s6;
	s5 =	sshrl.u32 s30, $0xB;
	s7 =	simm.s32 @!p1 $0x0  }
0xe: {  	[sflag:s4] =	ssyncpa.u1 $0x0;
	s6 =	sadd.s32 $0x5A000, s6;
	s5 =	sadd.s32 s7, s5  }
0xf: {  	[sflag:s8] =	ssyncpa.u1 $0x0;
	s9 =	smov.u32 s2;
	s7 =	sadd.s32 $0x1, s5  }
.LBB2_4:
0x10: {  	_ =	sdelay $0x3  }
0x11: {  	[tilespmem:v1+s22+$0x0 ss:$0x1] =	vst.idx.msk $0xffff, v7  }
0x12: {  	s0 =	sor.u32 s24, s23;
	v46 =	vld.idx.msk [tilespmem:v0+s14+$0x0 ss:$0x1], $0xffff;
	[tilespmem:v1+s20+$0x0 ss:$0x1] =	vst.idx.msk $0xffff, v6  }
0x13: {  	v47 =	vld.idx.msk [tilespmem:v0+s13+$0x0 ss:$0x1], $0xffff;
	[tilespmem:v1+s15+$0x0 ss:$0x1] =	vst.idx.msk $0xffff, v4;
	s29 =	sor.u32 $0x410, s0  }
0x14: {  	[tilespmem:v1+s19+$0x0 ss:$0x1] =	vst.idx.msk $0xffff, v3;
	s22 =	sor.u32 $0x420, s0;
	v48 =	vld.idx.msk [tilespmem:v0+s29+$0x0 ss:$0x1], $0xffff  }
0x15: {  	[tilespmem:v1+s17+$0x0 ss:$0x1] =	vst.idx.msk $0xffff, v2;
	s23 =	sor.u32 $0x430, s0;
	v58 =	vld.idx.msk [tilespmem:v0+s22+$0x0 ss:$0x1], $0xffff  }
0x16: {  	[tilespmem:v1+s16+$0x0 ss:$0x1] =	vst.idx.msk $0xffff, v5;
	s24 =	sor.u32 $0x440, s0;
	v59 =	vld.idx.msk [tilespmem:v0+s23+$0x0 ss:$0x1], $0xffff  }
0x17: {  	s25 =	sor.u32 $0x450, s0;
	v60 =	vld.idx.msk [tilespmem:v0+s24+$0x0 ss:$0x1], $0xffff;
	[tilespmem:v1+s14+$0x0 ss:$0x1] =	vst.idx.msk $0xffff, v46  }
0x18: {  	s1 =	sand.u32 $0x80, s18;
	s8 =	sand.u32 $0x3B00, s0;
	s26 =	sor.u32 $0x460, s0;
	v61 =	vld.idx.msk [tilespmem:v0+s25+$0x0 ss:$0x1], $0xffff;
	[tilespmem:v1+s13+$0x0 ss:$0x1] =	vst.idx.msk $0xffff, v47  }
0x19: {  	s1 =	sor.u32 s1, s8;
	v62 =	vld.idx.msk [tilespmem:v0+s26+$0x0 ss:$0x1], $0xffff;
	[tilespmem:v1+s29+$0x0 ss:$0x1] =	vst.idx.msk $0xffff, v48  }
0x1a: {  	s0 =	sor.u32 $0x470, s0;
	v49 =	vld.idx.msk [tilespmem:v0+s1+$0x0 ss:$0x1], $0xffff;
	[tilespmem:v1+s22+$0x0 ss:$0x1] =	vst.idx.msk $0xffff, v58  }
0x1b: {  	v63 =	vld.idx.msk [tilespmem:v0+s0+$0x0 ss:$0x1], $0xffff;
	s8 =	sor.u32 $0x400, s1;
	[tilespmem:v1+s23+$0x0 ss:$0x1] =	vst.idx.msk $0xffff, v59  }
0x1c: {  	s30 =	sor.u32 $0x10, s1;
	v50 =	vld.idx.msk [tilespmem:v0+s8+$0x0 ss:$0x1], $0xffff;
	[tilespmem:v1+s24+$0x0 ss:$0x1] =	vst.idx.msk $0xffff, v60  }
0x1d: {  	s31 =	sor.u32 $0x20, s1;
	v51 =	vld.idx.msk [tilespmem:v0+s30+$0x0 ss:$0x1], $0xffff;
	[tilespmem:v1+s25+$0x0 ss:$0x1] =	vst.idx.msk $0xffff, v61  }
0x1e: {  	s17 =	sor.u32 $0x30, s1;
	s19 =	sor.u32 $0x40, s1;
	v52 =	vld.idx.msk [tilespmem:v0+s31+$0x0 ss:$0x1], $0xffff;
	[tilespmem:v1+s26+$0x0 ss:$0x1] =	vst.idx.msk $0xffff, v62  }
0x1f: {  	s20 =	sor.u32 $0x50, s1;
	s21 =	sor.u32 $0x60, s1;
	v53 =	vld.idx.msk [tilespmem:v0+s17+$0x0 ss:$0x1], $0xffff;
	[tilespmem:v1+s1+$0x0 ss:$0x1] =	vst.idx.msk $0xffff, v49;
	s1 =	sor.u32 $0x70, s1  }
0x20: {  	[tilespmem:v1+s0+$0x0 ss:$0x1] =	vst.idx.msk $0xffff, v63;
	v57 =	vld.idx.msk [tilespmem:v0+s1+$0x0 ss:$0x1], $0xffff  }
0x21: {  	v54 =	vld.idx.msk [tilespmem:v0+s19+$0x0 ss:$0x1], $0xffff;
	[tilespmem:v1+s8+$0x0 ss:$0x1] =	vst.idx.msk $0xffff, v50  }
0x22: {  	v55 =	vld.idx.msk [tilespmem:v0+s20+$0x0 ss:$0x1], $0xffff;
	[tilespmem:v1+s30+$0x0 ss:$0x1] =	vst.idx.msk $0xffff, v51  }
0x23: {  	v56 =	vld.idx.msk [tilespmem:v0+s21+$0x0 ss:$0x1], $0xffff;
	[tilespmem:v1+s31+$0x0 ss:$0x1] =	vst.idx.msk $0xffff, v52  }
0x24: {  	s28 =	sshll.u32 s11, $0x8;
	s29 =	sshll.u32 s11, $0x7;
	[tilespmem:v1+s17+$0x0 ss:$0x1] =	vst.idx.msk $0xffff, v53  }
0x25: {  	s8 =	sand.u32 $0x380, s29;
	[tilespmem:v1+s1+$0x0 ss:$0x1] =	vst.idx.msk $0xffff, v57;
	s1 =	sand.u32 $0x1FF800, s28  }
0x26: {  	[tilespmem:v1+s19+$0x0 ss:$0x1] =	vst.idx.msk $0xffff, v54;
	s1 =	sor.u32 s8, s1  }
0x27: {  	[tilespmem:v1+s20+$0x0 ss:$0x1] =	vst.idx.msk $0xffff, v55;
	s1 =	sshrl.u32 s1, $0x3  }
0x28: {  	[tilespmem:v1+s21+$0x0 ss:$0x1] =	vst.idx.msk $0xffff, v56;
	s31 =	simm.s32 $0x0;
	s30 =	sadd.s32 s6, s1  }
0x29: {  	[hbm4b:s30+s31] =	stream.linear.scatter [tilespmem:s12], [sflag:$0x2], $0x4000, $0x38;
	[tilespmem:$0x10000] =	vst v63  }
.LBB2_5:
0x2a: {  	s1 =	sadd.s32 $0x800, s9  }
0x2b: {  	p2 =	sgt.s32 s1, $0x1FFF  }
0x2c: {  	s1 =	smov.u32 @p2 s2;
	p2 =	sne.s32 s10, s7  }
.Ltmp1:
0x2d: {  	p1 =	slt.u32 s10, $0x2;
	(pc) =	sbr.rel @!p2 .LBB2_6-.Ltmp1, $4  }
0x2e: {  	s0 =	simm.s32 @!p1 $0x2  }
0x2f: {  	_ =	swait.ge @!p1 [sflag:s0], $0x4000  }
0x30: {  	s8 =	sadd.s32 $0x1, s10;
	s11 =	smov.u32 s9;
	[sflag:s0] =	ssyncset.done @!p1 $0x0  }
0x31: {  	s10 =	smov.u32 s8;
	s9 =	smov.u32 s1;
	[sflag:s0] =	ssyncadd.s32 @!p1 $0xFFFFC000  }
.LBB2_1:
0x32: {  	p1 =	sge.u32 s10, s5  }
0x33: {  	s12 =	sshll.u32 @!p1 s9, $0x8;
	s13 =	sshll.u32 @!p1 s9, $0x7  }
0x34: {  	s12 =	sand.u32 @!p1 $0x1FF800, s12;
	s13 =	sand.u32 @!p1 $0x380, s13  }
0x35: {  	s14 =	sxor.u32 @!p1 $0xFFFFFFFF, s10;
	s12 =	sor.u32 @!p1 s13, s12  }
0x36: {  	s31 =	sadd.s32 $0xFFFFFFFF, s10;
	s13 =	sshll.u32 @!p1 s14, $0xE;
	s12 =	sshrl.u32 @!p1 s12, $0x3  }
0x37: {  	s14 =	simm.s32 @!p1 $0x0;
	s13 =	sand.u32 @!p1 $0x4000, s13;
	s12 =	sadd.s32 @!p1 s3, s12  }
0x38: {  	[tilespmem:s13], [sflag:$0x1] =	stream.linear.gather @!p1 [hbm4b:s12+s14], $0x4000, $0x38;
	[tilespmem:$0x10000] =	vst v63  }
0x39: {  	p1 =	sge.u32 s31, s5  }
.Ltmp2:
0x3a: {  	_ = 	snop;
	(pc) =	sbr.rel @p1 .LBB2_5-.Ltmp2, $1  }
0x3b: {  	_ =	sdelay $0x3  }
0x3c: {  	s12 =	sshll.u32 s10, $0xE  }
0x3d: {  	s12 =	sand.u32 $0x4000, s12  }
0x3e: {  	v0 =	vmov s12  }
0x3f: {  	s13 =	simm.s32 $0x0  }
0x40: {  	_ =	swait.ge [sflag:s4], $0x4000;
	s14 =	sand.u32 $0x3800, s13;
	s15 =	sand.u32 $0x380, s13  }
0x41: {  	[sflag:s4] =	ssyncset.done $0x0;
	s13 =	sand.u32 $0x80, s13;
	s18 =	sor.u32 s15, s14  }
0x42: {  	[sflag:s4] =	ssyncadd.s32 $0xFFFFC000;
	s14 =	sand.u32 $0x3B00, s18;
	s15 =	sor.u32 $0x410, s18  }
0x43: {  	s12 =	sor.u32 $0x8000, s12;
	s13 =	sor.u32 s13, s14;
	v2 =	vld.idx.msk [tilespmem:v0+s15+$0x0 ss:$0x1], $0xffff  }
0x44: {  	v1 =	vmov s12;
	s14 =	sor.u32 $0x400, s13;
	v3 =	vld.idx.msk [tilespmem:v0+s13+$0x0 ss:$0x1], $0xffff  }
0x45: {  	s16 =	sor.u32 $0x10, s13;
	v4 =	vld.idx.msk [tilespmem:v0+s14+$0x0 ss:$0x1], $0xffff  }
0x46: {  	s17 =	sor.u32 $0x20, s13;
	v5 =	vld.idx.msk [tilespmem:v0+s16+$0x0 ss:$0x1], $0xffff  }
0x47: {  	s21 =	sor.u32 $0x30, s13;
	v8 =	vld.idx.msk [tilespmem:v0+s17+$0x0 ss:$0x1], $0xffff  }
0x48: {  	s23 =	sor.u32 $0x40, s13;
	v9 =	vld.idx.msk [tilespmem:v0+s21+$0x0 ss:$0x1], $0xffff  }
0x49: {  	s25 =	sor.u32 $0x50, s13;
	v10 =	vld.idx.msk [tilespmem:v0+s23+$0x0 ss:$0x1], $0xffff;
	[tilespmem:v1+s15+$0x0 ss:$0x1] =	vst.idx.msk $0xffff, v2  }
0x4a: {  	s22 =	sor.u32 $0x60, s13;
	v11 =	vld.idx.msk [tilespmem:v0+s25+$0x0 ss:$0x1], $0xffff;
	[tilespmem:v1+s13+$0x0 ss:$0x1] =	vst.idx.msk $0xffff, v3  }
0x4b: {  	s20 =	sor.u32 $0x70, s13;
	v7 =	vld.idx.msk [tilespmem:v0+s22+$0x0 ss:$0x1], $0xffff;
	[tilespmem:v1+s14+$0x0 ss:$0x1] =	vst.idx.msk $0xffff, v4  }
0x4c: {  	s19 =	sor.u32 $0x430, s18;
	v6 =	vld.idx.msk [tilespmem:v0+s20+$0x0 ss:$0x1], $0xffff;
	[tilespmem:v1+s16+$0x0 ss:$0x1] =	vst.idx.msk $0xffff, v5  }
0x4d: {  	s15 =	sor.u32 $0x420, s18;
	[tilespmem:v1+s17+$0x0 ss:$0x1] =	vst.idx.msk $0xffff, v8;
	v3 =	vld.idx.msk [tilespmem:v0+s19+$0x0 ss:$0x1], $0xffff  }
0x4e: {  	s24 =	simm.s32 $0x100;
	s17 =	sor.u32 $0x440, s18;
	s16 =	sor.u32 $0x450, s18;
	[tilespmem:v1+s21+$0x0 ss:$0x1] =	vst.idx.msk $0xffff, v9;
	v4 =	vld.idx.msk [tilespmem:v0+s15+$0x0 ss:$0x1], $0xffff  }
0x4f: {  	s14 =	sor.u32 $0x460, s18;
	s13 =	sor.u32 $0x470, s18;
	[tilespmem:v1+s23+$0x0 ss:$0x1] =	vst.idx.msk $0xffff, v10;
	s18 =	simm.s32 $0x80;
	v2 =	vld.idx.msk [tilespmem:v0+s17+$0x0 ss:$0x1], $0xffff  }
0x50: {  	s23 =	sand.u32 $0x3800, s24;
	s21 =	simm.s32 $0x200;
	[tilespmem:v1+s25+$0x0 ss:$0x1] =	vst.idx.msk $0xffff, v11;
	s24 =	sand.u32 $0x380, s18;
	v5 =	vld.idx.msk [tilespmem:v0+s16+$0x0 ss:$0x1], $0xffff  }
.LBB2_3:
0x51: {  	p1 =	sne.s32 s21, $0x3F00;
	s23 =	sor.u32 s24, s23;
	[tilespmem:v1+s22+$0x0 ss:$0x1] =	vst.idx.msk $0xffff, v7;
	v7 =	vld.idx.msk [tilespmem:v0+s14+$0x0 ss:$0x1], $0xffff  }
0x52: {  	s22 =	sand.u32 $0x80, s18;
	s24 =	sand.u32 $0x3B00, s23;
	s25 =	sor.u32 $0x410, s23;
	[tilespmem:v1+s20+$0x0 ss:$0x1] =	vst.idx.msk $0xffff, v6;
	v6 =	vld.idx.msk [tilespmem:v0+s13+$0x0 ss:$0x1], $0xffff  }
0x53: {  	s26 =	sor.u32 $0x430, s23;
	s24 =	sor.u32 s22, s24;
	v8 =	vld.idx.msk [tilespmem:v0+s25+$0x0 ss:$0x1], $0xffff;
	[tilespmem:v1+s15+$0x0 ss:$0x1] =	vst.idx.msk $0xffff, v4;
	s15 =	sor.u32 $0x420, s23  }
0x54: {  	v4 =	vld.idx.msk [tilespmem:v0+s24+$0x0 ss:$0x1], $0xffff;
	s28 =	sor.u32 $0x10, s24;
	s29 =	sor.u32 $0x20, s24;
	s30 =	sor.u32 $0x400, s24;
	[tilespmem:v1+s19+$0x0 ss:$0x1] =	vst.idx.msk $0xffff, v3  }
0x55: {  	s31 =	sor.u32 $0x30, s24;
	s0 =	sor.u32 $0x40, s24;
	s1 =	sor.u32 $0x50, s24;
	v3 =	vld.idx.msk [tilespmem:v0+s30+$0x0 ss:$0x1], $0xffff;
	[tilespmem:v1+s17+$0x0 ss:$0x1] =	vst.idx.msk $0xffff, v2  }
0x56: {  	s22 =	sor.u32 $0x60, s24;
	s20 =	sor.u32 $0x70, s24;
	s17 =	sor.u32 $0x440, s23;
	v2 =	vld.idx.msk [tilespmem:v0+s28+$0x0 ss:$0x1], $0xffff;
	[tilespmem:v1+s16+$0x0 ss:$0x1] =	vst.idx.msk $0xffff, v5  }
0x57: {  	s8 =	sor.u32 $0x470, s23;
	s16 =	sor.u32 $0x450, s23;
	v5 =	vld.idx.msk [tilespmem:v0+s29+$0x0 ss:$0x1], $0xffff;
	[tilespmem:v1+s14+$0x0 ss:$0x1] =	vst.idx.msk $0xffff, v7;
	s14 =	sor.u32 $0x460, s23  }
0x58: {  	s19 =	smov.u32 s26;
	v9 =	vld.idx.msk [tilespmem:v0+s31+$0x0 ss:$0x1], $0xffff;
	[tilespmem:v1+s13+$0x0 ss:$0x1] =	vst.idx.msk $0xffff, v6;
	s13 =	smov.u32 s8  }
0x59: {  	v10 =	vld.idx.msk [tilespmem:v0+s0+$0x0 ss:$0x1], $0xffff;
	[tilespmem:v1+s25+$0x0 ss:$0x1] =	vst.idx.msk $0xffff, v8  }
0x5a: {  	[tilespmem:v1+s24+$0x0 ss:$0x1] =	vst.idx.msk $0xffff, v4;
	v8 =	vld.idx.msk [tilespmem:v0+s1+$0x0 ss:$0x1], $0xffff  }
0x5b: {  	v7 =	vld.idx.msk [tilespmem:v0+s22+$0x0 ss:$0x1], $0xffff;
	[tilespmem:v1+s30+$0x0 ss:$0x1] =	vst.idx.msk $0xffff, v3  }
.Ltmp3:
0x5c: {  	[tilespmem:v1+s28+$0x0 ss:$0x1] =	vst.idx.msk $0xffff, v2;
	v6 =	vld.idx.msk [tilespmem:v0+s20+$0x0 ss:$0x1], $0xffff;
	(pc) =	sbr.rel @p1 .LBB2_3-.Ltmp3, $4  }
0x5d: {  	[tilespmem:v1+s29+$0x0 ss:$0x1] =	vst.idx.msk $0xffff, v5;
	v4 =	vld.idx.msk [tilespmem:v0+s15+$0x0 ss:$0x1], $0xffff  }
0x5e: {  	[tilespmem:v1+s31+$0x0 ss:$0x1] =	vst.idx.msk $0xffff, v9;
	v3 =	vld.idx.msk [tilespmem:v0+s19+$0x0 ss:$0x1], $0xffff  }
0x5f: {  	s18 =	sadd.s32 $0x80, s18;
	[tilespmem:v1+s0+$0x0 ss:$0x1] =	vst.idx.msk $0xffff, v10;
	v2 =	vld.idx.msk [tilespmem:v0+s17+$0x0 ss:$0x1], $0xffff  }
0x60: {  	s23 =	sand.u32 $0x3800, s21;
	s21 =	sadd.s32 $0x100, s21;
	s24 =	sand.u32 $0x380, s18;
	[tilespmem:v1+s1+$0x0 ss:$0x1] =	vst.idx.msk $0xffff, v8;
	v5 =	vld.idx.msk [tilespmem:v0+s16+$0x0 ss:$0x1], $0xffff  }
.Ltmp4:
0x61: {  	_ = 	snop;
	(pc) =	sbr.rel .LBB2_4-.Ltmp4, $1  }
0x62: {  	_ =	sdelay $0x3  }
.LBB2_6:
0x63: {  	_ =	sfence.sel $0x180000  }
0x64: {  	s0 =	simm.s32 $0x1;
	[bflag:$0x0] =	sbarrier.arrive $0xFFFF  }
0x65: {  	s31 =	simm.s32 $0x2;
	[sflag:s0] =	ssyncpa.u1 $0x1  }
0x66: {  	[sflag:s31] =	ssyncpa.u1 $0x1  }
0x67: {  	_ =	strace $0x90000059  }
0x68: {  	[bflag:$0x2] =	sbarrier.arrive $0xFFFF  }
0x69: {  	s0 =	rddreg [dreg:$0x2]  }
0x6a: {  	s0 =	sadd.s32 @!p0 $0x100000, s0  }
0x6b: {  	s1 =	rddreg [dreg:$0x3];
	[sflag:s0] =	ssyncadd.tile.s32 @!p0 $0x1;
	s0 =	simm.s32 @!p0 $0x3F  }
0x6c: {  	_ =	swait.ge @!p0 [sflag:s0], s1  }
0x6d: {  	s1 =	ssub.s32 @!p0 $0x0, s1;
	[sflag:s0] =	ssyncset.done @!p0 $0x0  }
0x6e: {  	[sflag:s0] =	ssyncadd.s32 @!p0 s1  }
0x6f: {  	[bflag:$0x3] =	sbarrier.arrive $0xFFFF  }
0x70: {  	_ =	shalt  }
.Lfunc_end2:
execute1_lowered:
.L_overlay_start_2:
0x71: {  	(tag) =	ssettag $0x2  }
0x72: {  	s2 =	rddreg [dreg:$0x0]  }
0x73: {  	s3 =	rddreg [dreg:$0x1];
	_ =	strace $0x8000005C;
	s0 =	simm.s32 $0x1  }
0x74: {  	s9 =	simm.s32 $0x208;
	v0 =	vimm.s32 $0x0;
	[sflag:s0] =	ssyncpa.u1 $0x0  }
0x75: {  	[tilespmem:s9+$0x70] =	vst v0  }
0x76: {  	[tilespmem:s9+$0x60] =	vst v0  }
0x77: {  	[tilespmem:s9+$0x50] =	vst v0  }
0x78: {  	[tilespmem:s9+$0x40] =	vst v0  }
0x79: {  	s1 =	sadd.s32 $0x5A000, s2;
	s0 =	sadd.s32 $0x12000, s2;
	[tilespmem:s9+$0x30] =	vst v0  }
0x7a: {  	s6 =	sadd.s32 $0x47A000, s2;
	s3 =	sand.u32 $0x1, s3;
	s4 =	sadd.s32 $0x16000, s2;
	[tilespmem:s9+$0x20] =	vst v0  }
0x7b: {  	s2 =	simm.s32 $0x40;
	[dreg:$0x4] =	wrdreg s3;
	s5 =	sshll.u32 s3, $0xD;
	[tilespmem:s9+$0x10] =	vst v0  }
.LBB3_1:
0x7c: {  	s2 =	sadd.s32 $0x40, s2;
	[tilespmem:s9+$0x0] =	vst v0;
	s9 =	sadd.s32 $0x80, s9  }
0x7d: {  	p0 =	slt.u32 s2, $0x3880;
	[tilespmem:s9+$0x70] =	vst v0  }
0x7e: {  	[tilespmem:s9+$0x60] =	vst v0  }
.Ltmp5:
0x7f: {  	[tilespmem:s9+$0x50] =	vst v0;
	(pc) =	sbr.rel @p0 .LBB3_1-.Ltmp5, $4  }
0x80: {  	[tilespmem:s9+$0x40] =	vst v0  }
0x81: {  	[tilespmem:s9+$0x30] =	vst v0  }
0x82: {  	[tilespmem:s9+$0x20] =	vst v0  }
0x83: {  	[tilespmem:s9+$0x10] =	vst v0  }
0x84: {  	s11 =	stileid.u32  }
0x85: {  	s2 =	smul.u32 $0x24, s11  }
0x86: {  	s3 =	smin.u32 s11, $0xA  }
0x87: {  	s2 =	sadd.s32 s3, s2  }
0x88: {  	p0 =	slt.u32 s11, $0xA;
	s20 =	smul.u32 $0x70, s2;
	s2 =	simm.s32 $0x1030  }
0x89: {  	s2 =	simm.s32 @!p0 $0xFC0  }
0x8a: {  	s2 =	sadd.s32 s2, s20  }
0x8b: {  	s8 =	smin.u32 s2, $0x10000  }
0x8c: {  	s2 =	ssub.s32 s8, s20  }
0x8d: {  	s28 =	simm.s32 $0x2;
	p0 =	sgt.s32 s2, $0x0  }
0x8e: {  	s10 =	simm.s32 $0x9;
	s30 =	simm.s32 $0xA;
	s2 =	simm.s32 @!p0 $0x0  }
0x8f: {  	s31 =	simm.s32 $0xB;
	s12 =	simm.s32 $0x1;
	s26 =	smulhi.u32 $0x92492493, s2  }
0x90: {  	s14 =	sadd.s32 s5, s4;
	s15 =	sadd.s32 s5, s0;
	s24 =	simm.s32 $0x0  }
0x91: {  	p1 =	por $0x0, $0x0;
	s18 =	simm.s32 $0x80;
	s3 =	sshrl.u32 s26, $0x6  }
0x92: {  	s19 =	simm.s32 $0x400;
	s17 =	simm.s32 $0xC;
	s29 =	smul.u32 $0x70, s3  }
.Ltmp6:
0x93: {  	[tilespmem:s9+$0x0] =	vst v0;
	v0 =	vimm.s32 $0xFFFFFFFF;
	s21 =	simm.s32 $0x0;
	[sflag:s28] =	ssyncpa.u1 $0x0;
	(pc) =	sbr.rel .LBB3_3-.Ltmp6, $4  }
0x94: {  	[tilespmem:$0xE408] =	vst v0;
	[sflag:s10] =	ssyncpa.u1 $0x0;
	p0 =	sne.s32 s2, s29;
	s2 =	simm.s32 $0x1  }
0x95: {  	s23 =	simm.s32 $0x0;
	[sflag:s30] =	ssyncpa.u1 $0x0;
	s2 =	simm.s32 @!p0 $0x0  }
0x96: {  	s16 =	sshll.u32 s11, $0x9;
	[sflag:s31] =	ssyncpa.u1 $0x0;
	s13 =	sadd.s32 s2, s3  }
0x97: {  	v0 =	vlaneseq.u32;
	s22 =	smov.u32 s20;
	p0 =	por $0x1, $0x1;
	s11 =	sadd.s32 $0x1, s13  }
.LBB3_24:
0x98: {  	s2 =	sshrl.u32 s4, $0x2  }
.LBB3_26:
0x99: {  	_ =	swait.ge [sflag:s17], s2  }
0x9a: {  	s31 =	ssub.s32 $0x0, s2;
	v1 =	vmov s26;
	vm0 =	veq.s32 v0, $0x0;
	[sflag:s17] =	ssyncset.done $0x0  }
0x9b: {  	vm15 =	veq.s32 v0, $0x2;
	v1 =	vsel vm0, s0, v1;
	[sflag:s17] =	ssyncadd.s32 s31  }
0x9c: {  	v1 =	vsel vm15, s24, v1;
	[sflag:s17] =	ssyncpa.u1 $0x1  }
0x9d: {  	[tilespmem:$0xE408] =	vst v1  }
.LBB3_27:
0x9e: {  	s0 =	sadd.s32 $0x70, s22  }
0x9f: {  	s2 =	smov.u32 s20;
	p2 =	slt.s32 s0, s8  }
0xa0: {  	s2 =	smov.u32 @p2 s0;
	p2 =	sne.s32 s23, s11  }
.Ltmp7:
0xa1: {  	_ = 	snop;
	(pc) =	sbr.rel @!p2 .LBB3_28-.Ltmp7, $4  }
0xa2: {  	_ = 	snop  }
0xa3: {  	s24 =	smov.u32 s21  }
0xa4: {  	s31 =	sadd.s32 $0x1, s23;
	s21 =	smov.u32 s22;
	p0 =	por !p0, !p0  }
0xa5: {  	p1 =	por !p1, !p1;
	s23 =	smov.u32 s31;
	s22 =	smov.u32 s2  }
.LBB3_3:
0xa6: {  	p2 =	sge.u32 s23, s13  }
0xa7: {  	s0 =	smulhi.u32 @!p2 $0xAAAAAAAB, s23  }
0xa8: {  	s2 =	smov.u32 s22;
	p3 =	sgt.s32 @!p2 s22, $0xFF90  }
0xa9: {  	s3 =	sshra.s32 @!p2 s22, $0x1F;
	p3 =	por !p3, p2;
	s0 =	sshrl.u32 @!p2 s0, $0x1  }
0xaa: {  	s3 =	sand.u32 @!p2 s3, s22;
	s2 =	simm.s32 @p3 $0xFF90;
	s0 =	smul.u32 @!p2 $0x3, s0  }
0xab: {  	s2 =	ssub.s32 @!p2 s2, s3  }
0xac: {  	s2 =	sadd.s32 @!p2 $0xFFFF0070, s2;
	s0 =	ssub.s32 @!p2 s23, s0  }
0xad: {  	s3 =	sshll.u32 @!p2 s2, $0x2;
	p3 =	sgt.s32 @!p2 s2, $0x6F;
	s0 =	smul.u32 @!p2 $0x1C0, s0  }
0xae: {  	s4 =	sand.u32 @!p2 $0x7, s22;
	s2 =	ssub.s32 @!p2 $0x1C0, s3;
	p3 =	por !p3, p2  }
0xaf: {  	s3 =	sshrl.u32 @!p2 s22, $0x3;
	s2 =	sshrl.u32 @!p2 s2, $0x2;
	s0 =	sshrl.u32 @!p2 s0, $0x2  }
0xb0: {  	s3 =	sadd.s32 @!p2 s3, s14;
	s2 =	simm.s32 @!p3 $0x0;
	s0 =	sadd.s32 @!p2 $0x10448, s0  }
0xb1: {  	[tilespmem:s0], [sflag:$0xA] =	stream.linear.gather @!p2 [hbm4b:s3+s4], s2, $0x38;
	[tilespmem:$0x1E678] =	vst v63  }
0xb2: {  	s2 =	sadd.s32 $0xFFFFFFFF, s23  }
0xb3: {  	p2 =	sge.u32 s2, s13  }
0xb4: {  	p3 =	sgt.s32 @!p2 s21, $0xFF90  }
0xb5: {  	s0 =	smov.u32 s21;
	s3 =	sshra.s32 @!p2 s21, $0x1F;
	p3 =	por !p3, p2  }
0xb6: {  	s3 =	sand.u32 @!p2 s3, s21;
	s0 =	simm.s32 @p3 $0xFF90  }
0xb7: {  	s0 =	ssub.s32 @!p2 s0, s3  }
0xb8: {  	s0 =	sadd.s32 @!p2 $0xFFFF0070, s0  }
0xb9: {  	s3 =	sshll.u32 @!p2 s0, $0x2  }
0xba: {  	p3 =	sgt.s32 @!p2 s0, $0x6F;
	s0 =	ssub.s32 @!p2 $0x1C0, s3  }
0xbb: {  	p3 =	por !p3, p2;
	s0 =	sshrl.u32 @!p2 s0, $0x2  }
0xbc: {  	s4 =	simm.s32 @!p2 $0xA;
	s3 =	sand.u32 @!p2 $0x1, s2;
	s0 =	simm.s32 @!p3 $0x0  }
0xbd: {  	s3 =	smul.u32 @!p2 $0x1C0, s3;
	_ =	swait.ge @!p2 [sflag:s4], s0  }
0xbe: {  	s5 =	ssub.s32 @!p2 $0x0, s0;
	[sflag:s4] =	ssyncset.done @!p2 $0x0  }
0xbf: {  	s3 =	sshrl.u32 @!p2 s3, $0x2;
	[sflag:s4] =	ssyncadd.s32 @!p2 s5;
	s4 =	sshrl.u32 @!p2 s21, $0x3  }
0xc0: {  	s3 =	sadd.s32 @!p2 $0x10598, s3;
	s5 =	sand.u32 @!p2 $0x7, s21;
	s4 =	sadd.s32 @!p2 s4, s15  }
0xc1: {  	[tilespmem:s3], [sflag:$0xB] =	stream.linear.gather @!p2 [hbm4b:s4+s5], s0, $0x38;
	[tilespmem:$0x1E678] =	vst v63  }
0xc2: {  	s0 =	ssub.s32 @!p2 $0x10000, s21  }
0xc3: {  	p3 =	slt.s32 @!p2 s0, $0x1  }
0xc4: {  	p3 =	por p2, p3  }
.Ltmp8:
0xc5: {  	_ = 	snop;
	(pc) =	sbr.rel @p3 .LBB3_9-.Ltmp8, $1  }
0xc6: {  	_ =	sdelay $0x3  }
0xc7: {  	s3 =	smulhi.u32 $0xAAAAAAAB, s2;
	_ =	sdelay $0x1  }
0xc8: {  	s3 =	sshrl.u32 s3, $0x1  }
0xc9: {  	s3 =	smul.u32 $0x3, s3;
	_ =	sdelay $0x1  }
0xca: {  	s30 =	ssub.s32 s2, s3  }
0xcb: {  	s4 =	simm.s32 $0x1;
	s2 =	smul.u32 $0x1C0, s30  }
.Ltmp9:
0xcc: {  	s4 =	simm.s32 @!p0 $0x0;
	(pc) =	sbr.rel .LBB3_6-.Ltmp9, $4  }
0xcd: {  	s31 =	smul.u32 $0x1C000, s4  }
0xce: {  	p3 =	slt.s32 @!p2 s0, $0x70;
	s2 =	sshrl.u32 s2, $0x2  }
0xcf: {  	p2 =	por !p3, p2;
	s3 =	sshrl.u32 s31, $0x2;
	s5 =	sadd.s32 $0x10448, s2  }
0xd0: {  	s0 =	simm.s32 @p2 $0x70;
	s4 =	sor.u32 $0x10678, s3;
	s2 =	simm.s32 $0x0;
	v1 =	vmov s5  }
.LBB3_5:
0xd1: {  	p2 =	sge.s32 s2, s0  }
.Ltmp10:
0xd2: {  	_ = 	snop;
	(pc) =	sbr.rel @p2 .LBB3_9-.Ltmp10, $2  }
0xd3: {  	_ =	sdelay $0x2  }
0xd4: {  	s4 =	sadd.s32 $0x1000, s4  }
.LBB3_6:
0xd5: {  	p2 =	sle.s32 s0, s2  }
.Ltmp11:
0xd6: {  	_ = 	snop;
	(pc) =	sbr.rel @p2 .LBB3_5-.Ltmp11, $2  }
0xd7: {  	_ =	sdelay $0x2  }
0xd8: {  	s5 =	smov.u32 s2;
	s2 =	sadd.s32 $0x10, s2  }
0xd9: {  	s3 =	ssub.s32 s0, s5  }
0xda: {  	p2 =	slt.s32 s3, $0x10  }
0xdb: {  	s3 =	simm.s32 @!p2 $0x10  }
0xdc: {  	v2 =	vmov s3  }
0xdd: {  	vm0 =	vgt.s32 v2, v0;
	_ =	sdelay $0x5  }
0xde: {  	v2 =	vld.idx.msk [tilespmem:v1+s5+$0x0 ss:$0x1], vm0;
	_ =	sdelay $0x2  }
0xdf: {  	p2 =	slt.s32 s2, s0;
	s3 =	smov.u32 s0  }
0xe0: {  	s9 =	smov.u32 s4;
	s25 =	simm.s32 $0x0;
	s3 =	smov.u32 @p2 s2  }
.LBB3_8:
0xe1: {  	(v2sf) =	vpush v2, s25;
	_ =	sdelay $0xe  }
0xe2: {  	s25 =	sadd.s32 $0x1, s25;
	s10 =	spop (v2sf)  }
0xe3: {  	s31 =	sadd.s32 s25, s5;
	s26 =	sshll.u32 s10, $0x8;
	s10 =	sshll.u32 s10, $0x7  }
0xe4: {  	p2 =	slt.s32 s31, s3;
	s26 =	sand.u32 $0xFFFFF800, s26;
	s10 =	sand.u32 $0x380, s10  }
.Ltmp12:
0xe5: {  	s10 =	sor.u32 s10, s26;
	(pc) =	sbr.rel @p2 .LBB3_8-.Ltmp12, $4  }
0xe6: {  	s10 =	sshrl.u32 s10, $0x3  }
0xe7: {  	s10 =	sadd.s32 s6, s10  }
0xe8: {  	[tilespmem:s9], [sflag:$0x9] =	stream.strided.gather [hbm4b:s10+s18], $0x100, s19, s18, $0x38;
	[tilespmem:$0x1E678] =	vst v63  }
0xe9: {  	s9 =	sadd.s32 $0x100, s9  }
.Ltmp13:
0xea: {  	_ = 	snop;
	(pc) =	sbr.rel .LBB3_5-.Ltmp13, $1  }
0xeb: {  	_ =	sdelay $0x3  }
.LBB3_9:
0xec: {  	p2 =	slt.u32 s23, $0x2  }
.Ltmp14:
0xed: {  	_ = 	snop;
	(pc) =	sbr.rel @p2 .LBB3_27-.Ltmp14, $1  }
0xee: {  	_ =	sdelay $0x3  }
0xef: {  	p2 =	sgt.s32 s24, $0xFF90  }
0xf0: {  	s0 =	smov.u32 s24;
	s2 =	sshra.s32 s24, $0x1F;
	s3 =	ssub.s32 $0x10000, s24  }
0xf1: {  	s0 =	simm.s32 @!p2 $0xFF90;
	s2 =	sand.u32 s2, s24;
	p2 =	slt.s32 s3, $0x70  }
0xf2: {  	s0 =	ssub.s32 s0, s2;
	s3 =	simm.s32 @!p2 $0x70  }
0xf3: {  	s0 =	sadd.s32 $0xFFFF0070, s0;
	s9 =	sshll.u32 s3, $0x8  }
0xf4: {  	s26 =	simm.s32 $0x9;
	s10 =	sshll.u32 s0, $0x2;
	s2 =	sand.u32 $0x3FFFFF00, s9  }
0xf5: {  	p2 =	sgt.s32 s0, $0x6F;
	s25 =	ssub.s32 $0x1C0, s10;
	_ =	swait.ge [sflag:s26], s2  }
0xf6: {  	s2 =	ssub.s32 $0x0, s2;
	[sflag:s26] =	ssyncset.done $0x0;
	s0 =	sshrl.u32 s25, $0x2  }
0xf7: {  	s29 =	simm.s32 $0xB;
	[sflag:s26] =	ssyncadd.s32 s2;
	s0 =	simm.s32 @p2 $0x0  }
0xf8: {  	_ =	swait.ge [sflag:s29], s0  }
0xf9: {  	s0 =	ssub.s32 $0x0, s0;
	[sflag:s29] =	ssyncset.done $0x0  }
0xfa: {  	[sflag:s29] =	ssyncadd.s32 s0  }
0xfb: {  	v1 =	vld [tilespmem:$0xE408];
	_ =	sdelay $0x4  }
0xfc: {  	(v2sf) =	vpush v1, $0x0  }
0xfd: {  	(v2sf) =	vpush v1, $0x1  }
0xfe: {  	(v2sf) =	vpush v1, $0x2;
	_ =	sdelay $0x3  }
0xff: {  	s0 =	sadd.s32 $0x70, s24  }
0x100: {  	s2 =	ssub.s32 $0x20000, s24;
	p2 =	slt.s32 s8, s0  }
0x101: {  	s0 =	smov.u32 @p2 s8;
	p2 =	sgt.s32 s2, $0x0  }
0x102: {  	s0 =	ssub.s32 s0, s24;
	s2 =	simm.s32 @!p2 $0x0  }
0x103: {  	p2 =	slt.s32 s2, s0  }
0x104: {  	s0 =	smov.u32 @p2 s2  }
0x105: {  	s4 =	simm.s32 $0x1;
	p2 =	slt.s32 s0, $0x1  }
.Ltmp15:
0x106: {  	s4 =	simm.s32 @!p1 $0x0;
	(pc) =	sbr.rel @p2 .LBB3_14-.Ltmp15, $4  }
0x107: {  	s30 =	smul.u32 $0x1C0, s4  }
0x108: {  	s5 =	spop (v2sf)  }
0x109: {  	s31 =	sshrl.u32 s30, $0x2;
	s28 =	spop (v2sf)  }
0x10a: {  	s25 =	sadd.s32 $0x10598, s31;
	s24 =	spop (v2sf)  }
0x10b: {  	s2 =	smin.u32 s0, $0x10  }
0x10c: {  	v1 =	vmov s2  }
0x10d: {  	vm1 =	vgt.u32 v1, v0  }
0x10e: {  	p3 =	sgt.s32 s0, $0x10  }
.Ltmp16:
0x10f: {  	_ = 	snop;
	(pc) =	sbr.rel @!p3 .LBB3_13-.Ltmp16, $2  }
0x110: {  	_ =	sdelay $0x2  }
0x111: {  	s26 =	simm.s32 $0x10;
	s29 =	sadd.s32 $0xFFFFFFF0, s0;
	s2 =	smov.u32 s25;
	vm0 =	vmmov vm1;
	v1 =	vld.msk [tilespmem:s25+$0x0 ss:$0x1], vm1  }
.LBB3_12:
0x112: {  	s3 =	smin.u32 s29, $0x10;
	s26 =	sadd.s32 $0x10, s26  }
0x113: {  	v2 =	vmov s3;
	p3 =	slt.s32 s26, s0  }
0x114: {  	vm1 =	vgt.u32 v2, v0;
	_ =	sdelay $0x1  }
0x115: {  	v2 =	vshll.u32 v1, $0x5;
	v1 =	vshll.u32 v1, $0x4  }
.Ltmp17:
0x116: {  	v2 =	vand.u32 $0xFFFFFF00, v2;
	v1 =	vand.u32 $0x70, v1;
	(pc) =	sbr.rel @p3 .LBB3_12-.Ltmp17, $4  }
0x117: {  	v1 =	vor.u32 v1, v2  }
0x118: {  	[tilespmem:s2+$0x0] =	vst.msk vm0, v1;
	s2 =	sadd.s32 $0x10, s2;
	vm0 =	vmmov vm1  }
0x119: {  	v1 =	vld.msk [tilespmem:s2+$0x0 ss:$0x1], vm1  }
0x11a: {  	s29 =	sadd.s32 $0xFFFFFFF0, s29  }
.LBB3_13:
0x11b: {  	_ =	sdelay $0x3  }
0x11c: {  	v2 =	vshll.u32 v1, $0x5;
	v1 =	vshll.u32 v1, $0x4  }
0x11d: {  	v2 =	vand.u32 $0xFFFFFF00, v2;
	v1 =	vand.u32 $0x70, v1  }
0x11e: {  	v1 =	vor.u32 v1, v2  }
0x11f: {  	[tilespmem:s2+$0x0] =	vst.msk vm0, v1  }
.LBB3_14:
0x120: {  	s2 =	sand.u32 $0x1, s23  }
0x121: {  	s2 =	smul.u32 $0x70, s2  }
0x122: {  	p3 =	sne.s32 s28, $0xFFFFFFFF  }
0x123: {  	v1 =	vld.msk @!p3 [tilespmem:s2+$0x10598], $0x1;
	_ =	sdelay $0x4  }
0x124: {  	(v2sf) =	vpush @!p3 v1, $0x0;
	_ =	sdelay $0xc  }
.Ltmp18:
0x125: {  	_ = 	snop;
	(pc) =	sbr.rel @p2 .LBB3_25-.Ltmp18, $4  }
0x126: {  	_ = 	snop  }
0x127: {  	s31 =	spop @!p3 (v2sf)  }
0x128: {  	s24 =	simm.s32 @!p3 $0x0;
	s26 =	smov.u32 s31  }
0x129: {  	[sflag:s17] =	ssyncpa.u1 $0x0;
	s31 =	smov.u32 @p3 s5;
	s26 =	smov.u32 @p3 s28  }
0x12a: {  	v1 =	vld.msk [tilespmem:s25+$0x0], $0x1;
	_ =	sdelay $0x4  }
0x12b: {  	(v2sf) =	vpush v1, $0x0;
	_ =	sdelay $0xe  }
0x12c: {  	s7 =	smov.u32 s11;
	s5 =	spop (v2sf)  }
0x12d: {  	s17 =	smov.u32 s15;
	s2 =	smul.u32 $0x1C000, s4;
	p2 =	seq.s32 s31, s5  }
0x12e: {  	s3 =	smov.u32 s31;
	s29 =	ssub.s32 $0x0, s0;
	p3 =	sgt.s32 @!p2 s31, $0x0  }
0x12f: {  	s30 =	simm.s32 $0x0;
	s2 =	sshrl.u32 s2, $0x2;
	p3 =	por !p3, p2  }
0x130: {  	s0 =	sadd.s32 $0x1, s29;
	s28 =	sor.u32 $0x106F8, s2;
	s3 =	simm.s32 @p3 $0x0  }
0x131: {  	s2 =	simm.s32 @!p2 $0x1;
	p3 =	seq.s32 s0, $0x0;
	s3 =	smin.u32 @!p2 s3, $0x3FF70  }
.Ltmp19:
0x132: {  	s4 =	simm.s32 @!p2 $0x7308;
	s9 =	sand.u32 @!p2 $0x3FFF8, s3;
	(pc) =	sbr.rel @p3 .LBB3_17-.Ltmp19, $4  }
0x133: {  	s10 =	sadd.s32 @!p2 $0x80, s3;
	s11 =	sadd.s32 @!p2 s1, s9;
	s9 =	sand.u32 @!p2 $0x7, s3  }
0x134: {  	[tilespmem:s4], [sflag:$0x2] =	stream.linear.gather @!p2 [hbm4b:s11+s9], $0x80, $0x38;
	[tilespmem:$0x1E678] =	vst v63  }
0x135: {  	s15 =	smov.u32 s14;
	s2 =	smov.u32 @p2 s30;
	s4 =	sand.u32 @!p2 $0x7FFF8, s10  }
0x136: {  	s3 =	simm.s32 @!p2 $0x7388;
	s10 =	sadd.s32 @!p2 s1, s4;
	s4 =	sadd.s32 $0x1, s25  }
.LBB3_16:
0x137: {  	s11 =	smov.u32 s2  }
0x138: {  	[tilespmem:s3], [sflag:$0x2] =	stream.linear.gather @!p2 [hbm4b:s10+s9], $0x80, $0x38;
	[tilespmem:$0x1E678] =	vst v63  }
0x139: {  	s0 =	sadd.s32 $0x1, s0;
	s9 =	smov.u32 s5;
	v1 =	vld.msk [tilespmem:s4+$0x0], $0x1  }
0x13a: {  	p3 =	seq.s32 s0, $0x0;
	_ =	sdelay $0x3  }
0x13b: {  	(v2sf) =	vpush v1, $0x0;
	_ =	sdelay $0xe  }
0x13c: {  	s5 =	spop (v2sf)  }
0x13d: {  	p2 =	seq.s32 s9, s5  }
0x13e: {  	p4 =	sgt.s32 @!p2 s9, $0x0;
	s3 =	sshll.u32 @!p2 s2, $0xA;
	s2 =	sadd.s32 @!p2 $0x1, s2  }
0x13f: {  	p4 =	por !p4, p2;
	s3 =	sshra.s32 @!p2 s3, $0x2;
	s2 =	smov.u32 @p2 s11  }
0x140: {  	s9 =	simm.s32 @p4 $0x0;
	s10 =	sadd.s32 @!p2 $0x7308, s3;
	s3 =	sadd.s32 @!p2 $0x7388, s3  }
.Ltmp20:
0x141: {  	s9 =	smin.u32 @!p2 s9, $0x3FF70;
	(pc) =	sbr.rel @!p3 .LBB3_16-.Ltmp20, $4  }
0x142: {  	s11 =	sand.u32 @!p2 $0x3FFF8, s9;
	s14 =	sadd.s32 @!p2 $0x80, s9  }
0x143: {  	s9 =	sand.u32 @!p2 $0x7, s9;
	s11 =	sadd.s32 @!p2 s1, s11;
	s14 =	sand.u32 @!p2 $0x7FFF8, s14  }
0x144: {  	[tilespmem:s10], [sflag:$0x2] =	stream.linear.gather @!p2 [hbm4b:s11+s9], $0x80, $0x38;
	[tilespmem:$0x1E678] =	vst v63  }
0x145: {  	s4 =	sadd.s32 $0x1, s4;
	s10 =	sadd.s32 @!p2 s1, s14  }
.LBB3_17:
0x146: {  	[tilespmem:s3], [sflag:$0x2] =	stream.linear.gather @!p2 [hbm4b:s10+s9], $0x80, $0x38;
	[tilespmem:$0x1E678] =	vst v63  }
0x147: {  	s0 =	sshll.u32 s2, $0x8  }
.Ltmp21:
0x148: {  	s14 =	simm.s32 $0x2;
	s0 =	sand.u32 $0x3FFFFF00, s0;
	(pc) =	sbr.rel .LBB3_18-.Ltmp21, $4  }
0x149: {  	_ =	swait.ge [sflag:s14], s0  }
0x14a: {  	s0 =	ssub.s32 $0x0, s0;
	[sflag:s14] =	ssyncset.done $0x0  }
0x14b: {  	s4 =	simm.s32 $0x0;
	s11 =	smov.u32 s7;
	[sflag:s14] =	ssyncadd.s32 s0  }
0x14c: {  	s14 =	smov.u32 s15;
	s15 =	smov.u32 s17;
	s17 =	simm.s32 $0xC  }
.LBB3_19:
0x14d: {  	v1 =	vld [tilespmem:s28+$0xFFFFFF80];
	_ =	sdelay $0x4  }
0x14e: {  	[tilespmem:s5+$0x208] =	vst.add.f32.msk $0xffff, v1  }
0x14f: {  	v1 =	vld [tilespmem:s28+$0xFFFFFF90];
	_ =	sdelay $0x4  }
0x150: {  	[tilespmem:s5+$0x218] =	vst.add.f32.msk $0xffff, v1  }
0x151: {  	v1 =	vld [tilespmem:s28+$0xFFFFFFA0];
	_ =	sdelay $0x4  }
0x152: {  	[tilespmem:s5+$0x228] =	vst.add.f32.msk $0xffff, v1  }
0x153: {  	v1 =	vld [tilespmem:s28+$0xFFFFFFB0];
	_ =	sdelay $0x4  }
0x154: {  	[tilespmem:s5+$0x238] =	vst.add.f32.msk $0xffff, v1  }
0x155: {  	v1 =	vld [tilespmem:s28+$0xFFFFFFC0];
	_ =	sdelay $0x4  }
0x156: {  	[tilespmem:s5+$0x248] =	vst.add.f32.msk $0xffff, v1  }
0x157: {  	v1 =	vld [tilespmem:s28+$0xFFFFFFD0];
	_ =	sdelay $0x4  }
0x158: {  	[tilespmem:s5+$0x258] =	vst.add.f32.msk $0xffff, v1  }
0x159: {  	v1 =	vld [tilespmem:s28+$0xFFFFFFE0];
	_ =	sdelay $0x4  }
0x15a: {  	[tilespmem:s5+$0x268] =	vst.add.f32.msk $0xffff, v1  }
0x15b: {  	v1 =	vld [tilespmem:s28+$0xFFFFFFF0];
	_ =	sdelay $0x4  }
0x15c: {  	[tilespmem:s5+$0x278] =	vst.add.f32.msk $0xffff, v1  }
0x15d: {  	v1 =	vld [tilespmem:s28+$0x0];
	_ =	sdelay $0x4  }
0x15e: {  	[tilespmem:s5+$0x288] =	vst.add.f32.msk $0xffff, v1  }
0x15f: {  	v1 =	vld [tilespmem:s28+$0x10];
	_ =	sdelay $0x4  }
0x160: {  	[tilespmem:s5+$0x298] =	vst.add.f32.msk $0xffff, v1  }
0x161: {  	v1 =	vld [tilespmem:s28+$0x20];
	_ =	sdelay $0x4  }
0x162: {  	[tilespmem:s5+$0x2A8] =	vst.add.f32.msk $0xffff, v1  }
0x163: {  	v1 =	vld [tilespmem:s28+$0x30];
	_ =	sdelay $0x4  }
0x164: {  	[tilespmem:s5+$0x2B8] =	vst.add.f32.msk $0xffff, v1  }
0x165: {  	v1 =	vld [tilespmem:s28+$0x40];
	_ =	sdelay $0x4  }
0x166: {  	[tilespmem:s5+$0x2C8] =	vst.add.f32.msk $0xffff, v1  }
0x167: {  	v1 =	vld [tilespmem:s28+$0x50];
	_ =	sdelay $0x4  }
0x168: {  	[tilespmem:s5+$0x2D8] =	vst.add.f32.msk $0xffff, v1  }
0x169: {  	v1 =	vld [tilespmem:s28+$0x60];
	_ =	sdelay $0x4  }
0x16a: {  	[tilespmem:s5+$0x2E8] =	vst.add.f32.msk $0xffff, v1  }
0x16b: {  	v1 =	vld [tilespmem:s28+$0x70];
	_ =	sdelay $0x4  }
0x16c: {  	[tilespmem:s5+$0x2F8] =	vst.add.f32.msk $0xffff, v1  }
.LBB3_23:
0x16d: {  	s29 =	sadd.s32 $0x1, s29  }
0x16e: {  	p2 =	seq.s32 s29, $0x0  }
.Ltmp22:
0x16f: {  	_ = 	snop;
	(pc) =	sbr.rel @p2 .LBB3_24-.Ltmp22, $2  }
0x170: {  	_ =	sdelay $0x2  }
0x171: {  	s25 =	sadd.s32 $0x1, s25;
	s28 =	sadd.s32 $0x100, s28;
	s31 =	smov.u32 s0  }
.LBB3_18:
0x172: {  	v1 =	vld.msk [tilespmem:s25+$0x0], $0x1;
	_ =	sdelay $0x4  }
0x173: {  	(v2sf) =	vpush v1, $0x0;
	_ =	sdelay $0xe  }
0x174: {  	s0 =	spop (v2sf)  }
0x175: {  	p2 =	sne.s32 s31, s0  }
.Ltmp23:
0x176: {  	_ = 	snop;
	(pc) =	sbr.rel @!p2 .LBB3_19-.Ltmp23, $3  }
0x177: {  	_ =	sdelay $0x1  }
0x178: {  	s2 =	sshll.u32 s24, $0xA  }
0x179: {  	s5 =	sshra.s32 s2, $0x2  }
0x17a: {  	p2 =	seq.s32 s31, s26  }
.Ltmp24:
0x17b: {  	_ = 	snop;
	(pc) =	sbr.rel @!p2 .LBB3_21-.Ltmp24, $1  }
0x17c: {  	_ =	sdelay $0x3  }
.Ltmp25:
0x17d: {  	s2 =	sadd.s32 $0x208, s5;
	(pc) =	sbr.rel .LBB3_22-.Ltmp25, $4  }
0x17e: {  	[spmem:s16] =	stream.linear.scatter [tilespmem:s2], [sflag:$0x1], $0x100, $0x38;
	[tilespmem:$0x1E678] =	vst v63  }
0x17f: {  	_ =	swait.ge [sflag:s12], $0x100  }
0x180: {  	[sflag:s12] =	ssyncset.done $0x0  }
0x181: {  	[sflag:s12] =	ssyncadd.s32 $0xFFFFFF00  }
.LBB3_21:
0x182: {  	s2 =	sshll.u32 s30, $0xA  }
0x183: {  	s2 =	sshra.s32 s2, $0x2  }
0x184: {  	v1 =	vld [tilespmem:s2+$0x7308];
	_ =	sdelay $0x4  }
0x185: {  	[tilespmem:s5+$0x208] =	vst.add.f32.msk $0xffff, v1  }
0x186: {  	v1 =	vld [tilespmem:s2+$0x7318];
	_ =	sdelay $0x4  }
0x187: {  	[tilespmem:s5+$0x218] =	vst.add.f32.msk $0xffff, v1  }
0x188: {  	v1 =	vld [tilespmem:s2+$0x7328];
	_ =	sdelay $0x4  }
0x189: {  	[tilespmem:s5+$0x228] =	vst.add.f32.msk $0xffff, v1  }
0x18a: {  	v1 =	vld [tilespmem:s2+$0x7338];
	_ =	sdelay $0x4  }
0x18b: {  	[tilespmem:s5+$0x238] =	vst.add.f32.msk $0xffff, v1  }
0x18c: {  	v1 =	vld [tilespmem:s2+$0x7348];
	_ =	sdelay $0x4  }
0x18d: {  	[tilespmem:s5+$0x248] =	vst.add.f32.msk $0xffff, v1  }
0x18e: {  	v1 =	vld [tilespmem:s2+$0x7358];
	_ =	sdelay $0x4  }
0x18f: {  	[tilespmem:s5+$0x258] =	vst.add.f32.msk $0xffff, v1  }
0x190: {  	v1 =	vld [tilespmem:s2+$0x7368];
	_ =	sdelay $0x4  }
0x191: {  	[tilespmem:s5+$0x268] =	vst.add.f32.msk $0xffff, v1  }
0x192: {  	v1 =	vld [tilespmem:s2+$0x7378];
	_ =	sdelay $0x4  }
0x193: {  	[tilespmem:s5+$0x278] =	vst.add.f32.msk $0xffff, v1  }
0x194: {  	v1 =	vld [tilespmem:s2+$0x7388];
	_ =	sdelay $0x4  }
0x195: {  	[tilespmem:s5+$0x288] =	vst.add.f32.msk $0xffff, v1  }
0x196: {  	v1 =	vld [tilespmem:s2+$0x7398];
	_ =	sdelay $0x4  }
0x197: {  	[tilespmem:s5+$0x298] =	vst.add.f32.msk $0xffff, v1  }
0x198: {  	v1 =	vld [tilespmem:s2+$0x73A8];
	_ =	sdelay $0x4  }
0x199: {  	[tilespmem:s5+$0x2A8] =	vst.add.f32.msk $0xffff, v1  }
0x19a: {  	v1 =	vld [tilespmem:s2+$0x73B8];
	_ =	sdelay $0x4  }
0x19b: {  	[tilespmem:s5+$0x2B8] =	vst.add.f32.msk $0xffff, v1  }
0x19c: {  	v1 =	vld [tilespmem:s2+$0x73C8];
	_ =	sdelay $0x4  }
0x19d: {  	[tilespmem:s5+$0x2C8] =	vst.add.f32.msk $0xffff, v1  }
0x19e: {  	v1 =	vld [tilespmem:s2+$0x73D8];
	_ =	sdelay $0x4  }
0x19f: {  	[tilespmem:s5+$0x2D8] =	vst.add.f32.msk $0xffff, v1  }
0x1a0: {  	v1 =	vld [tilespmem:s2+$0x73E8];
	_ =	sdelay $0x4  }
0x1a1: {  	[tilespmem:s5+$0x2E8] =	vst.add.f32.msk $0xffff, v1  }
0x1a2: {  	v1 =	vld [tilespmem:s2+$0x73F8];
	_ =	sdelay $0x2  }
0x1a3: {  	p2 =	sgt.u32 s31, $0x3FF70  }
0x1a4: {  	s2 =	sand.u32 @!p2 $0x3FFF8, s31  }
0x1a5: {  	s3 =	sadd.s32 $0x208, s5;
	s9 =	sand.u32 @!p2 $0x7, s31;
	s2 =	sadd.s32 @!p2 s1, s2;
	[tilespmem:s5+$0x2F8] =	vst.add.f32.msk $0xffff, v1  }
0x1a6: {  	[hbm4b:s2+s9] =	stream.linear.scatter @!p2 [tilespmem:s3], [sflag:$0xC], $0x80, $0x38;
	[tilespmem:$0x1E678] =	vst v63  }
0x1a7: {  	s2 =	sadd.s32 @!p2 $0x80, s31  }
0x1a8: {  	s2 =	sand.u32 @!p2 $0x7FFF8, s2  }
0x1a9: {  	s3 =	sadd.s32 $0x288, s5;
	s2 =	sadd.s32 @!p2 s1, s2  }
0x1aa: {  	[hbm4b:s2+s9] =	stream.linear.scatter @!p2 [tilespmem:s3], [sflag:$0xC], $0x80, $0x38;
	[tilespmem:$0x1E678] =	vst v63  }
0x1ab: {  	s2 =	simm.s32 $0x0  }
0x1ac: {  	s2 =	simm.s32 @!p2 $0x400  }
0x1ad: {  	s4 =	sadd.s32 s2, s4  }
.LBB3_22:
0x1ae: {  	s2 =	sadd.s32 $0x1, s24  }
0x1af: {  	s3 =	sshrl.u32 s2, $0x4  }
0x1b0: {  	s3 =	smulhi.u32 $0x24924925, s3  }
0x1b1: {  	v1 =	vld [tilespmem:s28+$0xFFFFFF80]  }
0x1b2: {  	s3 =	smul.u32 $0x70, s3;
	_ =	sdelay $0x1  }
0x1b3: {  	s24 =	ssub.s32 s2, s3  }
0x1b4: {  	s2 =	sshll.u32 s24, $0x8  }
0x1b5: {  	[tilespmem:s2+$0x208] =	vst v1  }
0x1b6: {  	v1 =	vld [tilespmem:s28+$0xFFFFFF90];
	_ =	sdelay $0x4  }
0x1b7: {  	[tilespmem:s2+$0x218] =	vst v1  }
0x1b8: {  	v1 =	vld [tilespmem:s28+$0xFFFFFFA0];
	_ =	sdelay $0x4  }
0x1b9: {  	[tilespmem:s2+$0x228] =	vst v1  }
0x1ba: {  	v1 =	vld [tilespmem:s28+$0xFFFFFFB0];
	_ =	sdelay $0x4  }
0x1bb: {  	[tilespmem:s2+$0x238] =	vst v1  }
0x1bc: {  	v1 =	vld [tilespmem:s28+$0xFFFFFFC0];
	_ =	sdelay $0x4  }
0x1bd: {  	[tilespmem:s2+$0x248] =	vst v1  }
0x1be: {  	v1 =	vld [tilespmem:s28+$0xFFFFFFD0];
	_ =	sdelay $0x4  }
0x1bf: {  	[tilespmem:s2+$0x258] =	vst v1  }
0x1c0: {  	v1 =	vld [tilespmem:s28+$0xFFFFFFE0];
	_ =	sdelay $0x4  }
0x1c1: {  	[tilespmem:s2+$0x268] =	vst v1  }
0x1c2: {  	v1 =	vld [tilespmem:s28+$0xFFFFFFF0];
	_ =	sdelay $0x4  }
0x1c3: {  	[tilespmem:s2+$0x278] =	vst v1  }
0x1c4: {  	v1 =	vld [tilespmem:s28+$0x0];
	_ =	sdelay $0x4  }
0x1c5: {  	[tilespmem:s2+$0x288] =	vst v1  }
0x1c6: {  	v1 =	vld [tilespmem:s28+$0x10];
	_ =	sdelay $0x4  }
0x1c7: {  	[tilespmem:s2+$0x298] =	vst v1  }
0x1c8: {  	v1 =	vld [tilespmem:s28+$0x20];
	_ =	sdelay $0x4  }
0x1c9: {  	[tilespmem:s2+$0x2A8] =	vst v1  }
0x1ca: {  	v1 =	vld [tilespmem:s28+$0x30];
	_ =	sdelay $0x4  }
0x1cb: {  	[tilespmem:s2+$0x2B8] =	vst v1  }
0x1cc: {  	v1 =	vld [tilespmem:s28+$0x40];
	_ =	sdelay $0x4  }
0x1cd: {  	[tilespmem:s2+$0x2C8] =	vst v1  }
0x1ce: {  	v1 =	vld [tilespmem:s28+$0x50];
	_ =	sdelay $0x4  }
0x1cf: {  	[tilespmem:s2+$0x2D8] =	vst v1  }
0x1d0: {  	v1 =	vld [tilespmem:s28+$0x60];
	_ =	sdelay $0x4  }
0x1d1: {  	[tilespmem:s2+$0x2E8] =	vst v1  }
0x1d2: {  	v1 =	vld [tilespmem:s28+$0x70]  }
.Ltmp26:
0x1d3: {  	_ = 	snop;
	(pc) =	sbr.rel .LBB3_23-.Ltmp26, $2  }
0x1d4: {  	_ =	sdelay $0x2  }
0x1d5: {  	s30 =	sadd.s32 $0x1, s30;
	[tilespmem:s2+$0x2F8] =	vst v1  }
.LBB3_25:
.Ltmp27:
0x1d6: {  	(pc) =	sbr.rel .LBB3_26-.Ltmp27, $4  }
0x1d7: {  	_ = 	snop  }
0x1d8: {  	s0 =	simm.s32 $0x2  }
0x1d9: {  	_ =	swait.ge [sflag:s0], $0x0  }
0x1da: {  	s2 =	simm.s32 $0x0;
	[sflag:s0] =	ssyncset.done $0x0;
	s0 =	smov.u32 s31  }
.LBB3_28:
0x1db: {  	_ =	sfence.sel $0x180000  }
0x1dc: {  	s0 =	simm.s32 $0x9;
	[bflag:$0x0] =	sbarrier.arrive $0xFFFF  }
0x1dd: {  	s24 =	simm.s32 $0xA;
	[sflag:s0] =	ssyncpa.u1 $0x1  }
0x1de: {  	s25 =	simm.s32 $0xB;
	[sflag:s24] =	ssyncpa.u1 $0x1  }
0x1df: {  	s26 =	simm.s32 $0x2;
	[sflag:s25] =	ssyncpa.u1 $0x1  }
0x1e0: {  	[sflag:s26] =	ssyncpa.u1 $0x1  }
0x1e1: {  	v0 =	vld [tilespmem:$0xE408];
	_ =	sdelay $0x4  }
0x1e2: {  	(v2sf) =	vpush v0, $0x0  }
0x1e3: {  	(v2sf) =	vpush v0, $0x1;
	_ =	sdelay $0x1  }
0x1e4: {  	(v2sf) =	vpush v0, $0x2;
	_ =	sdelay $0xb  }
0x1e5: {  	s0 =	spop (v2sf)  }
0x1e6: {  	s2 =	spop (v2sf)  }
0x1e7: {  	s3 =	smov.u32 s0;
	p0 =	sne.s32 s0, s2  }
0x1e8: {  	s4 =	spop (v2sf);
	s3 =	simm.s32 @!p0 $0xFFFFFFFF  }
0x1e9: {  	v2 =	vimm.s32 $0x1;
	v3 =	vlaneseq.u32;
	p0 =	seq.s32 s4, $0xFFFFFFFF;
	v1 =	vmov s3  }
0x1ea: {  	s15 =	stileid.u32;
	v0 =	vperm.xlane v0, v2;
	p1 =	sne.s32 @!p0 s0, s2;
	v1 =	vperm.xlane v1, v3  }
0x1eb: {  	vm0 =	vcmask $0x3F04;
	s6 =	simm.s32 $0xE408;
	s0 =	simm.s32 @!p0 $0x1;
	p1 =	por !p1, p0  }
0x1ec: {  	s3 =	sshll.u32 s15, $0x1;
	s2 =	sshll.u32 @!p0 s4, $0xA;
	s0 =	simm.s32 @p1 $0x0;
	v0 =	vsel vm0, v1, v0  }
0x1ed: {  	s5 =	sor.u32 $0x2000, s3;
	s2 =	sshra.s32 @!p0 s2, $0x2;
	s0 =	sor.u32 @!p0 s0, s3;
	[tilespmem:$0xE408] =	vst v0  }
0x1ee: {  	[spmem:s5] =	stream.linear.scatter [tilespmem:s6], [sflag:$0x1], $0x2, $0x38;
	[tilespmem:$0x1E678] =	vst v63  }
0x1ef: {  	s2 =	sadd.s32 @!p0 $0x208, s2;
	s0 =	sshll.u32 @!p0 s0, $0x8  }
0x1f0: {  	[spmem:s0] =	stream.linear.scatter @!p0 [tilespmem:s2], [sflag:$0x1], $0x100, $0x38;
	[tilespmem:$0x1E678] =	vst v63  }
0x1f1: {  	s0 =	simm.s32 @!p0 $0x102  }
0x1f2: {  	s28 =	simm.s32 $0x1;
	s0 =	simm.s32 @p0 $0x2  }
0x1f3: {  	_ =	swait.ge [sflag:s28], s0  }
0x1f4: {  	s0 =	ssub.s32 $0x0, s0;
	[sflag:s28] =	ssyncset.done $0x0  }
0x1f5: {  	p0 =	sne.s32 s15, $0x0;
	[sflag:s28] =	ssyncadd.s32 s0  }
.Ltmp28:
0x1f6: {  	_ =	sfence.stream.spmem;
	(pc) =	sbr.rel @p0 .LBB3_45-.Ltmp28, $4  }
0x1f7: {  	s29 =	simm.s32 $0x3;
	[bflag:$0x0] =	sbarrier.arrive $0xFFFF  }
0x1f8: {  	s30 =	simm.s32 $0x4;
	[sflag:s29] =	ssyncpa.u1 $0x1  }
0x1f9: {  	s31 =	simm.s32 $0x3C;
	[sflag:s30] =	ssyncpa.u1 $0x1  }
0x1fa: {  	s14 =	rddreg [dreg:$0x4];
	[sflag:s31] =	ssyncpa.u1 $0x1  }
0x1fb: {  	_ =	sfence.stream.spmem;
	s0 =	simm.s32 $0x5  }
0x1fc: {  	s2 =	simm.s32 $0x2000;
	s3 =	simm.s32 $0xE418;
	[sflag:s0] =	ssyncpa.u1 $0x0  }
0x1fd: {  	[tilespmem:s3], [sflag:$0x5] =	stream.linear.gather [spmem:s2], $0x20, $0x38;
	[tilespmem:$0x1E678] =	vst v63  }
0x1fe: {  	s26 =	simm.s32 $0x0;
	s28 =	simm.s32 $0xE438  }
0x1ff: {  	[tilespmem:s28], [sflag:$0x5] =	stream.linear.gather [spmem:s26], $0x2000, $0x38;
	[tilespmem:$0x1E678] =	vst v63  }
0x200: {  	_ =	swait.ge [sflag:s0], $0x2020  }
0x201: {  	[sflag:s0] =	ssyncset.done $0x0  }
0x202: {  	s29 =	simm.s32 $0x0;
	[sflag:s0] =	ssyncadd.s32 $0xFFFFDFE0  }
0x203: {  	v0 =	vld.msk [tilespmem:s29+$0xE418], $0x1;
	_ =	sdelay $0x1  }
0x204: {  	s30 =	simm.s32 $0x1  }
0x205: {  	v1 =	vld.msk [tilespmem:s30+$0xE418], $0x1;
	_ =	sdelay $0x1  }
0x206: {  	(v2sf) =	vpush v0, $0x0;
	_ =	sdelay $0x2  }
0x207: {  	(v2sf) =	vpush v1, $0x0;
	_ =	sdelay $0x2  }
0x208: {  	s31 =	simm.s32 $0x2  }
0x209: {  	v0 =	vld.msk [tilespmem:s31+$0xE418], $0x1;
	_ =	sdelay $0x2  }
0x20a: {  	s2 =	simm.s32 $0xFFFFFFFF;
	s3 =	simm.s32 $0xFFFFFFFF;
	s0 =	simm.s32 $0xC  }
.LBB3_30:
0x20b: {  	s4 =	smov.u32 s3;
	s5 =	smov.u32 s2  }
0x20c: {  	s2 =	sshra.s32 s0, $0x2;
	p1 =	sne.s32 s0, $0x7C;
	s0 =	sadd.s32 $0x4, s0;
	(v2sf) =	vpush v0, $0x0  }
0x20d: {  	v0 =	vld.msk [tilespmem:s2+$0xE418], $0x1  }
.Ltmp29:
0x20e: {  	(pc) =	sbr.rel @p1 .LBB3_30-.Ltmp29, $4  }
0x20f: {  	s3 =	spop (v2sf)  }
0x210: {  	p2 =	sne.s32 s5, $0xFFFFFFFF;
	s2 =	smov.u32 s3  }
0x211: {  	p3 =	seq.s32 s3, $0xFFFFFFFF;
	s2 =	smov.u32 @p2 s5  }
0x212: {  	s3 =	smov.u32 @p3 s4;
	s2 =	smov.u32 @p3 s5  }
0x213: {  	(v2sf) =	vpush v0, $0x0;
	_ =	sdelay $0x8  }
0x214: {  	s0 =	spop (v2sf)  }
0x215: {  	p1 =	sne.s32 s2, $0xFFFFFFFF;
	s9 =	simm.s32 $0x6;
	s4 =	smov.u32 s0  }
0x216: {  	s6 =	simm.s32 $0x0;
	p2 =	seq.s32 s0, $0xFFFFFFFF;
	s4 =	smov.u32 @p1 s2  }
0x217: {  	s10 =	simm.s32 $0xE308;
	s4 =	smov.u32 @p2 s2;
	s2 =	spop (v2sf)  }
0x218: {  	s0 =	smov.u32 @p2 s3;
	p1 =	sne.s32 s4, $0xFFFFFFFF;
	s5 =	smov.u32 s2  }
.Ltmp30:
0x219: {  	p2 =	seq.s32 s2, $0xFFFFFFFF;
	s5 =	smov.u32 @p1 s4;
	(pc) =	sbr.rel .LBB3_32-.Ltmp30, $4  }
0x21a: {  	s11 =	simm.s32 $0xE388;
	s5 =	smov.u32 @p2 s4;
	s7 =	spop (v2sf)  }
0x21b: {  	s12 =	simm.s32 $0x0;
	p1 =	sne.s32 s5, $0xFFFFFFFF;
	s8 =	smov.u32 s7  }
0x21c: {  	s2 =	smov.u32 @p2 s0;
	p2 =	seq.s32 s7, $0xFFFFFFFF;
	s8 =	smov.u32 @p1 s5  }
0x21d: {  	[sflag:s9] =	ssyncpa.u1 $0x0;
	s7 =	smov.u32 @p2 s2;
	s8 =	smov.u32 @p2 s5  }
.LBB3_38:
0x21e: {  	p1 =	sgt.u32 s0, $0x3FF70  }
0x21f: {  	p2 =	seq.s32 @!p1 s0, s8  }
0x220: {  	p1 =	por p1, p2  }
0x221: {  	p2 =	sne.s32 @!p1 s0, s7  }
0x222: {  	p1 =	por p1, !p2  }
0x223: {  	s0 =	sshll.u32 @p1 s12, $0xA  }
0x224: {  	s2 =	sand.u32 @!p1 $0x3FFF8, s0;
	s3 =	sand.u32 @!p1 $0x7, s0;
	s0 =	sadd.s32 @!p1 $0x80, s0  }
0x225: {  	s2 =	sadd.s32 @!p1 s1, s2;
	s0 =	sand.u32 @!p1 $0x7FFF8, s0  }
0x226: {  	[tilespmem:s10], [sflag:$0x6] =	stream.linear.gather @!p1 [hbm4b:s2+s3], $0x80, $0x38;
	[tilespmem:$0x1E678] =	vst v63  }
0x227: {  	s0 =	sadd.s32 @!p1 s1, s0  }
0x228: {  	[tilespmem:s11], [sflag:$0x6] =	stream.linear.gather @!p1 [hbm4b:s0+s3], $0x80, $0x38;
	[tilespmem:$0x1E678] =	vst v63  }
0x229: {  	_ =	swait.ge @!p1 [sflag:s9], $0x100  }
0x22a: {  	[sflag:s9] =	ssyncset.done @!p1 $0x0  }
0x22b: {  	[sflag:s9] =	ssyncadd.s32 @!p1 $0xFFFFFF00  }
0x22c: {  	v1 =	vld @!p1 [tilespmem:$0xE308];
	_ =	sdelay $0x2  }
0x22d: {  	s0 =	sshll.u32 @!p1 s12, $0xA  }
0x22e: {  	s2 =	sshrl.u32 @!p1 s0, $0x2  }
0x22f: {  	[tilespmem:s2+$0xE438] =	vst.add.f32.msk @!p1 $0xffff, v1  }
0x230: {  	v1 =	vld @!p1 [tilespmem:$0xE318];
	_ =	sdelay $0x4  }
0x231: {  	[tilespmem:s2+$0xE448] =	vst.add.f32.msk @!p1 $0xffff, v1  }
0x232: {  	v1 =	vld @!p1 [tilespmem:$0xE328];
	_ =	sdelay $0x4  }
0x233: {  	[tilespmem:s2+$0xE458] =	vst.add.f32.msk @!p1 $0xffff, v1  }
0x234: {  	v1 =	vld @!p1 [tilespmem:$0xE338];
	_ =	sdelay $0x4  }
0x235: {  	[tilespmem:s2+$0xE468] =	vst.add.f32.msk @!p1 $0xffff, v1  }
0x236: {  	v1 =	vld @!p1 [tilespmem:$0xE348];
	_ =	sdelay $0x4  }
0x237: {  	[tilespmem:s2+$0xE478] =	vst.add.f32.msk @!p1 $0xffff, v1  }
0x238: {  	v1 =	vld @!p1 [tilespmem:$0xE358];
	_ =	sdelay $0x4  }
0x239: {  	[tilespmem:s2+$0xE488] =	vst.add.f32.msk @!p1 $0xffff, v1  }
0x23a: {  	v1 =	vld @!p1 [tilespmem:$0xE368];
	_ =	sdelay $0x4  }
0x23b: {  	[tilespmem:s2+$0xE498] =	vst.add.f32.msk @!p1 $0xffff, v1  }
0x23c: {  	v1 =	vld @!p1 [tilespmem:$0xE378];
	_ =	sdelay $0x4  }
0x23d: {  	[tilespmem:s2+$0xE4A8] =	vst.add.f32.msk @!p1 $0xffff, v1  }
0x23e: {  	v1 =	vld @!p1 [tilespmem:$0xE388];
	_ =	sdelay $0x4  }
0x23f: {  	[tilespmem:s2+$0xE4B8] =	vst.add.f32.msk @!p1 $0xffff, v1  }
0x240: {  	v1 =	vld @!p1 [tilespmem:$0xE398];
	_ =	sdelay $0x4  }
0x241: {  	[tilespmem:s2+$0xE4C8] =	vst.add.f32.msk @!p1 $0xffff, v1  }
0x242: {  	v1 =	vld @!p1 [tilespmem:$0xE3A8];
	_ =	sdelay $0x4  }
0x243: {  	[tilespmem:s2+$0xE4D8] =	vst.add.f32.msk @!p1 $0xffff, v1  }
0x244: {  	v1 =	vld @!p1 [tilespmem:$0xE3B8];
	_ =	sdelay $0x4  }
0x245: {  	[tilespmem:s2+$0xE4E8] =	vst.add.f32.msk @!p1 $0xffff, v1  }
0x246: {  	v1 =	vld @!p1 [tilespmem:$0xE3C8];
	_ =	sdelay $0x4  }
0x247: {  	[tilespmem:s2+$0xE4F8] =	vst.add.f32.msk @!p1 $0xffff, v1  }
0x248: {  	v1 =	vld @!p1 [tilespmem:$0xE3D8];
	_ =	sdelay $0x4  }
0x249: {  	[tilespmem:s2+$0xE508] =	vst.add.f32.msk @!p1 $0xffff, v1  }
0x24a: {  	v1 =	vld @!p1 [tilespmem:$0xE3E8];
	_ =	sdelay $0x4  }
0x24b: {  	[tilespmem:s2+$0xE518] =	vst.add.f32.msk @!p1 $0xffff, v1  }
0x24c: {  	v1 =	vld @!p1 [tilespmem:$0xE3F8];
	_ =	sdelay $0x4  }
0x24d: {  	[tilespmem:s2+$0xE528] =	vst.add.f32.msk @!p1 $0xffff, v1  }
0x24e: {  	s0 =	sshrl.u32 s0, $0x2;
	[tilespmem:s6+$0xE418] =	vst.msk $0x1, v0  }
0x24f: {  	v0 =	vld [tilespmem:s0+$0xE438];
	_ =	sdelay $0x2  }
0x250: {  	s31 =	sshll.u32 s6, $0xA  }
0x251: {  	s2 =	sshra.s32 s31, $0x2  }
0x252: {  	[tilespmem:s2+$0xE438] =	vst v0  }
0x253: {  	v0 =	vld [tilespmem:s0+$0xE448];
	_ =	sdelay $0x4  }
0x254: {  	[tilespmem:s2+$0xE448] =	vst v0  }
0x255: {  	v0 =	vld [tilespmem:s0+$0xE458];
	_ =	sdelay $0x4  }
0x256: {  	[tilespmem:s2+$0xE458] =	vst v0  }
0x257: {  	v0 =	vld [tilespmem:s0+$0xE468];
	_ =	sdelay $0x4  }
0x258: {  	[tilespmem:s2+$0xE468] =	vst v0  }
0x259: {  	v0 =	vld [tilespmem:s0+$0xE478];
	_ =	sdelay $0x4  }
0x25a: {  	[tilespmem:s2+$0xE478] =	vst v0  }
0x25b: {  	v0 =	vld [tilespmem:s0+$0xE488];
	_ =	sdelay $0x4  }
0x25c: {  	[tilespmem:s2+$0xE488] =	vst v0  }
0x25d: {  	v0 =	vld [tilespmem:s0+$0xE498];
	_ =	sdelay $0x4  }
0x25e: {  	[tilespmem:s2+$0xE498] =	vst v0  }
0x25f: {  	v0 =	vld [tilespmem:s0+$0xE4A8];
	_ =	sdelay $0x4  }
0x260: {  	[tilespmem:s2+$0xE4A8] =	vst v0  }
0x261: {  	v0 =	vld [tilespmem:s0+$0xE4B8];
	_ =	sdelay $0x4  }
0x262: {  	[tilespmem:s2+$0xE4B8] =	vst v0  }
0x263: {  	v0 =	vld [tilespmem:s0+$0xE4C8];
	_ =	sdelay $0x4  }
0x264: {  	[tilespmem:s2+$0xE4C8] =	vst v0  }
0x265: {  	v0 =	vld [tilespmem:s0+$0xE4D8];
	_ =	sdelay $0x4  }
0x266: {  	[tilespmem:s2+$0xE4D8] =	vst v0  }
0x267: {  	v0 =	vld [tilespmem:s0+$0xE4E8];
	_ =	sdelay $0x4  }
0x268: {  	[tilespmem:s2+$0xE4E8] =	vst v0  }
0x269: {  	v0 =	vld [tilespmem:s0+$0xE4F8];
	_ =	sdelay $0x4  }
0x26a: {  	[tilespmem:s2+$0xE4F8] =	vst v0  }
0x26b: {  	v0 =	vld [tilespmem:s0+$0xE508];
	_ =	sdelay $0x4  }
0x26c: {  	[tilespmem:s2+$0xE508] =	vst v0  }
0x26d: {  	v0 =	vld [tilespmem:s0+$0xE518];
	_ =	sdelay $0x4  }
0x26e: {  	[tilespmem:s2+$0xE518] =	vst v0  }
0x26f: {  	v0 =	vld [tilespmem:s0+$0xE528];
	_ =	sdelay $0x4  }
0x270: {  	s6 =	sadd.s32 $0x1, s6;
	[tilespmem:s2+$0xE528] =	vst v0  }
.LBB3_39:
0x271: {  	s12 =	sadd.s32 $0x1, s12  }
0x272: {  	p1 =	sne.s32 s12, $0x20  }
.Ltmp31:
0x273: {  	_ = 	snop;
	(pc) =	sbr.rel @!p1 .LBB3_40-.Ltmp31, $1  }
0x274: {  	_ =	sdelay $0x3  }
.LBB3_32:
0x275: {  	v0 =	vld.msk [tilespmem:s12+$0xE418], $0x1;
	_ =	sdelay $0x4  }
0x276: {  	(v2sf) =	vpush v0, $0x0;
	_ =	sdelay $0xe  }
0x277: {  	s0 =	spop (v2sf)  }
0x278: {  	p1 =	seq.s32 s0, $0xFFFFFFFF  }
.Ltmp32:
0x279: {  	_ = 	snop;
	(pc) =	sbr.rel @p1 .LBB3_39-.Ltmp32, $1  }
0x27a: {  	_ =	sdelay $0x3  }
0x27b: {  	p1 =	slt.s32 s6, $0x1  }
.Ltmp33:
0x27c: {  	_ = 	snop;
	(pc) =	sbr.rel @p1 .LBB3_38-.Ltmp33, $1  }
0x27d: {  	_ =	sdelay $0x3  }
0x27e: {  	s4 =	simm.s32 $0xE418;
	p1 =	por $0x0, $0x0  }
0x27f: {  	v1 =	vld.msk @!p1 [tilespmem:s4+$0x0], $0x1;
	_ =	sdelay $0x4  }
0x280: {  	(v2sf) =	vpush @!p1 v1, $0x0;
	_ =	sdelay $0xd  }
0x281: {  	p3 =	sne.s32 s6, $0x1  }
.Ltmp34:
0x282: {  	s2 =	spop @!p1 (v2sf);
	(pc) =	sbr.rel @!p3 .LBB3_36-.Ltmp34, $4  }
0x283: {  	p2 =	seq.s32 @!p1 s0, s2  }
0x284: {  	s5 =	simm.s32 $0x0;
	p2 =	por !p2, p1  }
0x285: {  	s2 =	simm.s32 $0xFFFFFFFF;
	s5 =	simm.s32 @p2 $0xFFFFFFFF  }
0x286: {  	s13 =	simm.s32 $0x1;
	s5 =	smov.u32 @p1 s2  }
.LBB3_35:
0x287: {  	s2 =	smov.u32 s5;
	p1 =	sne.s32 s5, $0xFFFFFFFF  }
0x288: {  	s4 =	sadd.s32 $0x1, s4;
	s5 =	smov.u32 s13;
	s13 =	sadd.s32 $0x1, s13  }
0x289: {  	p2 =	sne.s32 s6, s13;
	v1 =	vld.msk @!p1 [tilespmem:s4+$0x0], $0x1;
	_ =	sdelay $0x4  }
0x28a: {  	(v2sf) =	vpush @!p1 v1, $0x0;
	_ =	sdelay $0xe  }
.Ltmp35:
0x28b: {  	s3 =	spop @!p1 (v2sf);
	(pc) =	sbr.rel @p2 .LBB3_35-.Ltmp35, $4  }
0x28c: {  	p3 =	seq.s32 @!p1 s0, s3  }
0x28d: {  	p3 =	por !p3, p1  }
0x28e: {  	s5 =	simm.s32 @p3 $0xFFFFFFFF  }
0x28f: {  	s5 =	smov.u32 @p1 s2  }
.LBB3_36:
0x290: {  	p1 =	seq.s32 s5, $0xFFFFFFFF  }
.Ltmp36:
0x291: {  	_ = 	snop;
	(pc) =	sbr.rel @p1 .LBB3_38-.Ltmp36, $1  }
0x292: {  	_ =	sdelay $0x3  }
0x293: {  	s0 =	sshll.u32 s12, $0x8  }
0x294: {  	s0 =	sand.u32 $0x3FFFFF00, s0  }
0x295: {  	v0 =	vld [tilespmem:s0+$0xE438];
	_ =	sdelay $0x2  }
0x296: {  	s2 =	sshll.u32 s5, $0xA  }
0x297: {  	s2 =	sshra.s32 s2, $0x2  }
0x298: {  	[tilespmem:s2+$0xE438] =	vst.add.f32.msk $0xffff, v0  }
0x299: {  	v0 =	vld [tilespmem:s0+$0xE448];
	_ =	sdelay $0x4  }
0x29a: {  	[tilespmem:s2+$0xE448] =	vst.add.f32.msk $0xffff, v0  }
0x29b: {  	v0 =	vld [tilespmem:s0+$0xE458];
	_ =	sdelay $0x4  }
0x29c: {  	[tilespmem:s2+$0xE458] =	vst.add.f32.msk $0xffff, v0  }
0x29d: {  	v0 =	vld [tilespmem:s0+$0xE468];
	_ =	sdelay $0x4  }
0x29e: {  	[tilespmem:s2+$0xE468] =	vst.add.f32.msk $0xffff, v0  }
0x29f: {  	v0 =	vld [tilespmem:s0+$0xE478];
	_ =	sdelay $0x4  }
0x2a0: {  	[tilespmem:s2+$0xE478] =	vst.add.f32.msk $0xffff, v0  }
0x2a1: {  	v0 =	vld [tilespmem:s0+$0xE488];
	_ =	sdelay $0x4  }
0x2a2: {  	[tilespmem:s2+$0xE488] =	vst.add.f32.msk $0xffff, v0  }
0x2a3: {  	v0 =	vld [tilespmem:s0+$0xE498];
	_ =	sdelay $0x4  }
0x2a4: {  	[tilespmem:s2+$0xE498] =	vst.add.f32.msk $0xffff, v0  }
0x2a5: {  	v0 =	vld [tilespmem:s0+$0xE4A8];
	_ =	sdelay $0x4  }
0x2a6: {  	[tilespmem:s2+$0xE4A8] =	vst.add.f32.msk $0xffff, v0  }
0x2a7: {  	v0 =	vld [tilespmem:s0+$0xE4B8];
	_ =	sdelay $0x4  }
0x2a8: {  	[tilespmem:s2+$0xE4B8] =	vst.add.f32.msk $0xffff, v0  }
0x2a9: {  	v0 =	vld [tilespmem:s0+$0xE4C8];
	_ =	sdelay $0x4  }
0x2aa: {  	[tilespmem:s2+$0xE4C8] =	vst.add.f32.msk $0xffff, v0  }
0x2ab: {  	v0 =	vld [tilespmem:s0+$0xE4D8];
	_ =	sdelay $0x4  }
0x2ac: {  	[tilespmem:s2+$0xE4D8] =	vst.add.f32.msk $0xffff, v0  }
0x2ad: {  	v0 =	vld [tilespmem:s0+$0xE4E8];
	_ =	sdelay $0x4  }
0x2ae: {  	[tilespmem:s2+$0xE4E8] =	vst.add.f32.msk $0xffff, v0  }
0x2af: {  	v0 =	vld [tilespmem:s0+$0xE4F8];
	_ =	sdelay $0x4  }
0x2b0: {  	[tilespmem:s2+$0xE4F8] =	vst.add.f32.msk $0xffff, v0  }
0x2b1: {  	v0 =	vld [tilespmem:s0+$0xE508];
	_ =	sdelay $0x4  }
0x2b2: {  	[tilespmem:s2+$0xE508] =	vst.add.f32.msk $0xffff, v0  }
0x2b3: {  	v0 =	vld [tilespmem:s0+$0xE518];
	_ =	sdelay $0x4  }
0x2b4: {  	[tilespmem:s2+$0xE518] =	vst.add.f32.msk $0xffff, v0  }
0x2b5: {  	v0 =	vld [tilespmem:s0+$0xE528]  }
.Ltmp37:
0x2b6: {  	_ = 	snop;
	(pc) =	sbr.rel .LBB3_39-.Ltmp37, $2  }
0x2b7: {  	_ =	sdelay $0x2  }
0x2b8: {  	[tilespmem:s2+$0xE528] =	vst.add.f32.msk $0xffff, v0  }
.LBB3_40:
0x2b9: {  	s0 =	simm.s32 $0x6;
	p1 =	seq.s32 s6, $0x0  }
0x2ba: {  	[sflag:s0] =	ssyncpa.u1 $0x1;
	v0 =	vimm.s32 @p1 $0xFFFFFFFF  }
0x2bb: {  	s0 =	sadd.s32 $0xFFFFFFFF, s6;
	[tilespmem:$0x10438] =	vst @p1 v0  }
0x2bc: {  	v0 =	vld.msk @!p1 [tilespmem:s0+$0xE418], $0x1;
	_ =	sdelay $0x1  }
0x2bd: {  	v1 =	vld.msk @!p1 [tilespmem:$0xE418], $0x1;
	_ =	sdelay $0x2  }
0x2be: {  	p2 =	seq.s32 @!p1 s0, $0x0;
	v0 =	vbroadcast @!p1 v0, $0x0  }
0x2bf: {  	vm0 =	vmmov @!p1 $0x1;
	p2 =	por !p2, p1  }
0x2c0: {  	v1 =	vnsel @!p1 vm0, $0xFFFFFFFF, v1;
	vm0 =	vcmask @!p1 $0x308;
	v0 =	vpsel !p2, $0xFFFFFFFF, v0  }
0x2c1: {  	p2 =	sne.s32 @!p1 s8, s7;
	v0 =	vsel @!p1 vm0, v1, v0  }
0x2c2: {  	s2 =	simm.s32 @!p1 $0xE438;
	s3 =	simm.s32 @!p1 $0x0;
	p3 =	por !p2, p1;
	[tilespmem:$0x10438] =	vst @!p1 v0  }
0x2c3: {  	[spmem:s3] =	stream.linear.scatter @!p1 [tilespmem:s2], [sflag:$0x1], $0x100, $0x38;
	[tilespmem:$0x1E678] =	vst v63  }
0x2c4: {  	s2 =	sshll.u32 @!p3 s0, $0xA  }
0x2c5: {  	s2 =	sshra.s32 @!p3 s2, $0x2  }
0x2c6: {  	s3 =	simm.s32 @!p3 $0x100;
	s2 =	sadd.s32 @!p3 $0xE438, s2  }
0x2c7: {  	[spmem:s3] =	stream.linear.scatter @!p3 [tilespmem:s2], [sflag:$0x1], $0x100, $0x38;
	[tilespmem:$0x1E678] =	vst v63  }
0x2c8: {  	s2 =	simm.s32 @!p3 $0x1  }
0x2c9: {  	_ =	swait.ge @!p3 [sflag:s2], $0x200  }
0x2ca: {  	p1 =	por p2, p1;
	[sflag:s2] =	ssyncset.done @!p3 $0x0  }
0x2cb: {  	[sflag:s2] =	ssyncadd.s32 @!p3 $0xFFFFFE00;
	s2 =	simm.s32 @!p1 $0x1  }
0x2cc: {  	_ =	swait.ge @!p1 [sflag:s2], $0x100  }
0x2cd: {  	s29 =	simm.s32 $0x10438;
	[sflag:s2] =	ssyncset.done @!p1 $0x0  }
0x2ce: {  	s30 =	simm.s32 $0x2000;
	s31 =	simm.s32 $0x1;
	[sflag:s2] =	ssyncadd.s32 @!p1 $0xFFFFFF00  }
0x2cf: {  	[spmem:s30] =	stream.linear.scatter [tilespmem:s29], [sflag:$0x1], $0x10, $0x38;
	[tilespmem:$0x1E678] =	vst v63  }
0x2d0: {  	_ =	swait.ge [sflag:s31], $0x10  }
0x2d1: {  	[sflag:s31] =	ssyncset.done $0x0  }
0x2d2: {  	p1 =	seq.s32 s14, $0x0;
	s9 =	rddreg [dreg:$0x1];
	[sflag:s31] =	ssyncadd.s32 $0xFFFFFFF0  }
0x2d3: {  	s3 =	sshll.u32 @p1 s9, $0xE;
	s8 =	rddreg [dreg:$0x2]  }
0x2d4: {  	s2 =	sadd.s32 @p1 $0x15C3C, s3;
	s3 =	sshll.u32 @p1 s8, $0x11  }
0x2d5: {  	_ =	sfence.stream.spmem;
	s2 =	sor.u32 @p1 s3, s2  }
0x2d6: {  	[sflag:s2] =	ssyncadd.remote.s32 @p1 $0x1;
	s2 =	simm.s32 @p1 $0x4  }
0x2d7: {  	s4 =	simm.s32 @!p1 $0x3C;
	s3 =	sand.u32 $0xFFFFFFFE, s9;
	_ =	swait.ge @p1 [sflag:s2], $0x42  }
0x2d8: {  	s5 =	simm.s32 @!p1 $0x0;
	s3 =	sadd.s32 @!p1 $0x4, s3;
	[sflag:s2] =	ssyncset.done @p1 $0x0  }
0x2d9: {  	s7 =	simm.s32 @!p1 $0x200;
	[sflag:s2] =	ssyncadd.s32 @p1 $0xFFFFFFBE;
	s2 =	sshll.u32 @!p1 s3, $0x1A  }
0x2da: {  	s3 =	sshll.u32 @!p1 s3, $0xD;
	s2 =	sor.u32 @!p1 s2, s8;
	_ =	swait.eq @!p1 [sflag:s4], $0x1  }
0x2db: {  	s3 =	sor.u32 @!p1 $0x1C04, s3;
	s4 =	simm.s32 @!p1 $0x1C03;
	s2 =	sor.u32 @!p1 $0x80004000, s2  }
0x2dc: {  	[spmem:s7], [sflag:s3] =	dma.general @!p1 [spmem:s5], [sflag:s4], length:$0x40, [dreg:$0x0], stride_count:$0x0, ici_dest:s2, dma_misc:DstOpCode:WRITE  }
0x2dd: {  	p2 =	slt.s32 s0, $0x2;
	s5 =	simm.s32 @!p1 $0x400;
	s7 =	simm.s32 @!p1 $0x402  }
0x2de: {  	[spmem:s7], [sflag:s3] =	dma.general @!p1 [spmem:s5], [sflag:s4], length:$0x2, [dreg:$0x0], stride_count:$0x0, ici_dest:s2, dma_misc:DstOpCode:WRITE  }
.Ltmp38:
0x2df: {  	s2 =	simm.s32 @!p1 $0x3;
	(pc) =	sbr.rel @p2 .LBB3_44-.Ltmp38, $4  }
0x2e0: {  	s3 =	sshll.u32 @!p1 s9, $0xE;
	_ =	swait.ge @!p1 [sflag:s2], $0x42  }
0x2e1: {  	s4 =	sshll.u32 @!p1 s8, $0x11;
	s3 =	sadd.s32 @!p1 $0x11C3C, s3;
	[sflag:s2] =	ssyncset.done @!p1 $0x0  }
0x2e2: {  	[sflag:s2] =	ssyncadd.s32 @!p1 $0xFFFFFFBE;
	s2 =	sor.u32 @!p1 s4, s3  }
0x2e3: {  	s0 =	simm.s32 $0x0;
	[sflag:s2] =	ssyncadd.remote.s32 @!p1 $0xFFFFFFFF  }
0x2e4: {  	s0 =	simm.s32 $0xE419  }
0x2e5: {  	v0 =	vld.msk [tilespmem:s0+$0x0], $0x1;
	_ =	sdelay $0x4  }
0x2e6: {  	(v2sf) =	vpush v0, $0x0;
	_ =	sdelay $0xd  }
0x2e7: {  	s31 =	sadd.s32 $0xFFFFFFFE, s6  }
0x2e8: {  	s6 =	simm.s32 $0x0;
	s0 =	sadd.s32 $0xFFFFFFFF, s31;
	s2 =	spop (v2sf)  }
0x2e9: {  	s3 =	simm.s32 $0xE538;
	p1 =	sne.s32 s0, $0x0;
	p2 =	sgt.u32 s2, $0x3FF70  }
.Ltmp39:
0x2ea: {  	s4 =	simm.s32 $0xE638;
	s5 =	sand.u32 @!p2 $0x3FFF8, s2;
	(pc) =	sbr.rel @!p1 .LBB3_43-.Ltmp39, $4  }
0x2eb: {  	s7 =	sadd.s32 @!p2 $0x80, s2;
	s2 =	sand.u32 @!p2 $0x7, s2;
	s6 =	simm.s32 @!p2 $0x400  }
0x2ec: {  	s5 =	sadd.s32 @!p2 s1, s5;
	s7 =	sand.u32 @!p2 $0x7FFF8, s7;
	s6 =	sadd.s32 $0x0, s6  }
0x2ed: {  	[hbm4b:s5+s2] =	stream.linear.scatter @!p2 [tilespmem:s3], [sflag:$0x5], $0x80, $0x38;
	[tilespmem:$0x1E678] =	vst v63  }
0x2ee: {  	s5 =	simm.s32 $0xE41A;
	s3 =	simm.s32 @!p2 $0xE5B8;
	s7 =	sadd.s32 @!p2 s1, s7  }
.LBB3_42:
0x2ef: {  	[hbm4b:s7+s2] =	stream.linear.scatter @!p2 [tilespmem:s3], [sflag:$0x5], $0x80, $0x38;
	[tilespmem:$0x1E678] =	vst v63  }
0x2f0: {  	s0 =	sadd.s32 $0xFFFFFFFF, s0;
	s3 =	smov.u32 s4;
	v0 =	vld.msk [tilespmem:s5+$0x0], $0x1  }
0x2f1: {  	p1 =	sne.s32 s0, $0x0;
	_ =	sdelay $0x3  }
0x2f2: {  	(v2sf) =	vpush v0, $0x0;
	_ =	sdelay $0xe  }
0x2f3: {  	s4 =	sadd.s32 $0x100, s4;
	s8 =	simm.s32 $0x0;
	s2 =	spop (v2sf)  }
.Ltmp40:
0x2f4: {  	s5 =	sadd.s32 $0x1, s5;
	p2 =	sgt.u32 s2, $0x3FF70;
	(pc) =	sbr.rel @p1 .LBB3_42-.Ltmp40, $4  }
0x2f5: {  	s8 =	simm.s32 @!p2 $0x400;
	s7 =	sand.u32 @!p2 $0x3FFF8, s2;
	s9 =	sadd.s32 @!p2 $0x80, s2  }
0x2f6: {  	s2 =	sand.u32 @!p2 $0x7, s2;
	s7 =	sadd.s32 @!p2 s1, s7;
	s9 =	sand.u32 @!p2 $0x7FFF8, s9  }
0x2f7: {  	[hbm4b:s7+s2] =	stream.linear.scatter @!p2 [tilespmem:s3], [sflag:$0x5], $0x80, $0x38;
	[tilespmem:$0x1E678] =	vst v63  }
0x2f8: {  	s6 =	sadd.s32 s6, s8;
	s3 =	sadd.s32 @!p2 $0x80, s3;
	s7 =	sadd.s32 @!p2 s1, s9  }
.LBB3_43:
0x2f9: {  	[hbm4b:s7+s2] =	stream.linear.scatter @!p2 [tilespmem:s3], [sflag:$0x5], $0x80, $0x38;
	[tilespmem:$0x1E678] =	vst v63  }
0x2fa: {  	s0 =	sshrl.u32 s6, $0x2  }
.LBB3_44:
0x2fb: {  	s2 =	simm.s32 $0x5  }
0x2fc: {  	_ =	swait.ge [sflag:s2], s0  }
0x2fd: {  	s31 =	ssub.s32 $0x0, s0;
	[sflag:s2] =	ssyncset.done $0x0  }
0x2fe: {  	[sflag:s2] =	ssyncadd.s32 s31  }
0x2ff: {  	[sflag:s2] =	ssyncpa.u1 $0x1  }
.LBB3_45:
0x300: {  	s0 =	sor.u32 s14, s15  }
0x301: {  	p1 =	sne.s32 s0, $0x0  }
.Ltmp41:
0x302: {  	_ = 	snop;
	(pc) =	sbr.rel @p1 .LBB3_60-.Ltmp41, $3  }
0x303: {  	_ =	sdelay $0x1  }
0x304: {  	[bflag:$0x0] =	sbarrier.arrive $0xFFFF  }
0x305: {  	_ =	sfence  }
0x306: {  	s0 =	simm.s32 $0x7  }
0x307: {  	s2 =	simm.s32 $0x2000;
	s3 =	simm.s32 $0xE418;
	[sflag:s0] =	ssyncpa.u1 $0x0  }
0x308: {  	[tilespmem:s3], [sflag:$0x7] =	stream.linear.gather [spmem:s2], $0x20, $0x38;
	[tilespmem:$0x1E678] =	vst v63  }
0x309: {  	s30 =	simm.s32 $0xE438;
	s2 =	simm.s32 $0x0  }
0x30a: {  	[tilespmem:s30], [sflag:$0x7] =	stream.linear.gather [spmem:s2], $0x2000, $0x38;
	[tilespmem:$0x1E678] =	vst v63  }
.Ltmp42:
0x30b: {  	_ = 	snop;
	(pc) =	sbr.rel .LBB3_47-.Ltmp42, $4  }
0x30c: {  	_ =	swait.ge [sflag:s0], $0x2020  }
0x30d: {  	[sflag:s0] =	ssyncset.done $0x0  }
0x30e: {  	s31 =	simm.s32 $0x8;
	[sflag:s0] =	ssyncadd.s32 $0xFFFFDFE0  }
0x30f: {  	s3 =	simm.s32 $0x0;
	[sflag:s31] =	ssyncpa.u1 $0x0  }
.LBB3_53:
0x310: {  	p1 =	slt.u32 s0, $0x3FF71  }
0x311: {  	s4 =	sand.u32 @p1 $0x3FFF8, s0;
	s5 =	sand.u32 @p1 $0x7, s0;
	s0 =	sadd.s32 @p1 $0x80, s0  }
0x312: {  	s6 =	simm.s32 @p1 $0xE308;
	s4 =	sadd.s32 @p1 s1, s4;
	s0 =	sand.u32 @p1 $0x7FFF8, s0  }
0x313: {  	[tilespmem:s6], [sflag:$0x8] =	stream.linear.gather @p1 [hbm4b:s4+s5], $0x80, $0x38;
	[tilespmem:$0x1E678] =	vst v63  }
0x314: {  	s0 =	sadd.s32 @p1 s1, s0;
	s4 =	simm.s32 @p1 $0xE388  }
0x315: {  	[tilespmem:s4], [sflag:$0x8] =	stream.linear.gather @p1 [hbm4b:s0+s5], $0x80, $0x38;
	[tilespmem:$0x1E678] =	vst v63  }
0x316: {  	s0 =	simm.s32 @p1 $0x8  }
0x317: {  	_ =	swait.ge @p1 [sflag:s0], $0x100  }
0x318: {  	[sflag:s0] =	ssyncset.done @p1 $0x0  }
0x319: {  	[sflag:s0] =	ssyncadd.s32 @p1 $0xFFFFFF00  }
0x31a: {  	v1 =	vld @p1 [tilespmem:$0xE308];
	_ =	sdelay $0x2  }
0x31b: {  	s0 =	sshll.u32 @p1 s3, $0xA  }
0x31c: {  	s4 =	sshrl.u32 @p1 s0, $0x2  }
0x31d: {  	[tilespmem:s4+$0xE438] =	vst.add.f32.msk @p1 $0xffff, v1  }
0x31e: {  	v1 =	vld @p1 [tilespmem:$0xE318];
	_ =	sdelay $0x4  }
0x31f: {  	[tilespmem:s4+$0xE448] =	vst.add.f32.msk @p1 $0xffff, v1  }
0x320: {  	v1 =	vld @p1 [tilespmem:$0xE328];
	_ =	sdelay $0x4  }
0x321: {  	[tilespmem:s4+$0xE458] =	vst.add.f32.msk @p1 $0xffff, v1  }
0x322: {  	v1 =	vld @p1 [tilespmem:$0xE338];
	_ =	sdelay $0x4  }
0x323: {  	[tilespmem:s4+$0xE468] =	vst.add.f32.msk @p1 $0xffff, v1  }
0x324: {  	v1 =	vld @p1 [tilespmem:$0xE348];
	_ =	sdelay $0x4  }
0x325: {  	[tilespmem:s4+$0xE478] =	vst.add.f32.msk @p1 $0xffff, v1  }
0x326: {  	v1 =	vld @p1 [tilespmem:$0xE358];
	_ =	sdelay $0x4  }
0x327: {  	[tilespmem:s4+$0xE488] =	vst.add.f32.msk @p1 $0xffff, v1  }
0x328: {  	v1 =	vld @p1 [tilespmem:$0xE368];
	_ =	sdelay $0x4  }
0x329: {  	[tilespmem:s4+$0xE498] =	vst.add.f32.msk @p1 $0xffff, v1  }
0x32a: {  	v1 =	vld @p1 [tilespmem:$0xE378];
	_ =	sdelay $0x4  }
0x32b: {  	[tilespmem:s4+$0xE4A8] =	vst.add.f32.msk @p1 $0xffff, v1  }
0x32c: {  	v1 =	vld @p1 [tilespmem:$0xE388];
	_ =	sdelay $0x4  }
0x32d: {  	[tilespmem:s4+$0xE4B8] =	vst.add.f32.msk @p1 $0xffff, v1  }
0x32e: {  	v1 =	vld @p1 [tilespmem:$0xE398];
	_ =	sdelay $0x4  }
0x32f: {  	[tilespmem:s4+$0xE4C8] =	vst.add.f32.msk @p1 $0xffff, v1  }
0x330: {  	v1 =	vld @p1 [tilespmem:$0xE3A8];
	_ =	sdelay $0x4  }
0x331: {  	[tilespmem:s4+$0xE4D8] =	vst.add.f32.msk @p1 $0xffff, v1  }
0x332: {  	v1 =	vld @p1 [tilespmem:$0xE3B8];
	_ =	sdelay $0x4  }
0x333: {  	[tilespmem:s4+$0xE4E8] =	vst.add.f32.msk @p1 $0xffff, v1  }
0x334: {  	v1 =	vld @p1 [tilespmem:$0xE3C8];
	_ =	sdelay $0x4  }
0x335: {  	[tilespmem:s4+$0xE4F8] =	vst.add.f32.msk @p1 $0xffff, v1  }
0x336: {  	v1 =	vld @p1 [tilespmem:$0xE3D8];
	_ =	sdelay $0x4  }
0x337: {  	[tilespmem:s4+$0xE508] =	vst.add.f32.msk @p1 $0xffff, v1  }
0x338: {  	v1 =	vld @p1 [tilespmem:$0xE3E8];
	_ =	sdelay $0x4  }
0x339: {  	[tilespmem:s4+$0xE518] =	vst.add.f32.msk @p1 $0xffff, v1  }
0x33a: {  	v1 =	vld @p1 [tilespmem:$0xE3F8];
	_ =	sdelay $0x3  }
0x33b: {  	s5 =	sshll.u32 @!p1 s3, $0xA  }
0x33c: {  	s5 =	smov.u32 @p1 s0;
	[tilespmem:s4+$0xE528] =	vst.add.f32.msk @p1 $0xffff, v1  }
0x33d: {  	s0 =	sshrl.u32 s5, $0x2;
	[tilespmem:s2+$0xE418] =	vst.msk $0x1, v0  }
0x33e: {  	v0 =	vld [tilespmem:s0+$0xE438];
	_ =	sdelay $0x2  }
0x33f: {  	s31 =	sshll.u32 s2, $0xA  }
0x340: {  	s4 =	sshra.s32 s31, $0x2  }
0x341: {  	[tilespmem:s4+$0xE438] =	vst v0  }
0x342: {  	v0 =	vld [tilespmem:s0+$0xE448];
	_ =	sdelay $0x4  }
0x343: {  	[tilespmem:s4+$0xE448] =	vst v0  }
0x344: {  	v0 =	vld [tilespmem:s0+$0xE458];
	_ =	sdelay $0x4  }
0x345: {  	[tilespmem:s4+$0xE458] =	vst v0  }
0x346: {  	v0 =	vld [tilespmem:s0+$0xE468];
	_ =	sdelay $0x4  }
0x347: {  	[tilespmem:s4+$0xE468] =	vst v0  }
0x348: {  	v0 =	vld [tilespmem:s0+$0xE478];
	_ =	sdelay $0x4  }
0x349: {  	[tilespmem:s4+$0xE478] =	vst v0  }
0x34a: {  	v0 =	vld [tilespmem:s0+$0xE488];
	_ =	sdelay $0x4  }
0x34b: {  	[tilespmem:s4+$0xE488] =	vst v0  }
0x34c: {  	v0 =	vld [tilespmem:s0+$0xE498];
	_ =	sdelay $0x4  }
0x34d: {  	[tilespmem:s4+$0xE498] =	vst v0  }
0x34e: {  	v0 =	vld [tilespmem:s0+$0xE4A8];
	_ =	sdelay $0x4  }
0x34f: {  	[tilespmem:s4+$0xE4A8] =	vst v0  }
0x350: {  	v0 =	vld [tilespmem:s0+$0xE4B8];
	_ =	sdelay $0x4  }
0x351: {  	[tilespmem:s4+$0xE4B8] =	vst v0  }
0x352: {  	v0 =	vld [tilespmem:s0+$0xE4C8];
	_ =	sdelay $0x4  }
0x353: {  	[tilespmem:s4+$0xE4C8] =	vst v0  }
0x354: {  	v0 =	vld [tilespmem:s0+$0xE4D8];
	_ =	sdelay $0x4  }
0x355: {  	[tilespmem:s4+$0xE4D8] =	vst v0  }
0x356: {  	v0 =	vld [tilespmem:s0+$0xE4E8];
	_ =	sdelay $0x4  }
0x357: {  	[tilespmem:s4+$0xE4E8] =	vst v0  }
0x358: {  	v0 =	vld [tilespmem:s0+$0xE4F8];
	_ =	sdelay $0x4  }
0x359: {  	[tilespmem:s4+$0xE4F8] =	vst v0  }
0x35a: {  	v0 =	vld [tilespmem:s0+$0xE508];
	_ =	sdelay $0x4  }
0x35b: {  	[tilespmem:s4+$0xE508] =	vst v0  }
0x35c: {  	v0 =	vld [tilespmem:s0+$0xE518];
	_ =	sdelay $0x4  }
0x35d: {  	[tilespmem:s4+$0xE518] =	vst v0  }
0x35e: {  	v0 =	vld [tilespmem:s0+$0xE528];
	_ =	sdelay $0x4  }
0x35f: {  	s2 =	sadd.s32 $0x1, s2;
	[tilespmem:s4+$0xE528] =	vst v0  }
.LBB3_54:
0x360: {  	s3 =	sadd.s32 $0x1, s3  }
0x361: {  	p1 =	sne.s32 s3, $0x20  }
.Ltmp43:
0x362: {  	_ = 	snop;
	(pc) =	sbr.rel @!p1 .LBB3_55-.Ltmp43, $1  }
0x363: {  	_ =	sdelay $0x3  }
.LBB3_47:
0x364: {  	v0 =	vld.msk [tilespmem:s3+$0xE418], $0x1;
	_ =	sdelay $0x4  }
0x365: {  	(v2sf) =	vpush v0, $0x0;
	_ =	sdelay $0xe  }
0x366: {  	s0 =	spop (v2sf)  }
0x367: {  	p1 =	seq.s32 s0, $0xFFFFFFFF  }
.Ltmp44:
0x368: {  	_ = 	snop;
	(pc) =	sbr.rel @p1 .LBB3_54-.Ltmp44, $1  }
0x369: {  	_ =	sdelay $0x3  }
0x36a: {  	p1 =	slt.s32 s2, $0x1  }
.Ltmp45:
0x36b: {  	_ = 	snop;
	(pc) =	sbr.rel @p1 .LBB3_53-.Ltmp45, $1  }
0x36c: {  	_ =	sdelay $0x3  }
0x36d: {  	s4 =	simm.s32 $0xE418;
	p1 =	por $0x0, $0x0  }
0x36e: {  	v1 =	vld.msk @!p1 [tilespmem:s4+$0x0], $0x1;
	_ =	sdelay $0x4  }
0x36f: {  	(v2sf) =	vpush @!p1 v1, $0x0;
	_ =	sdelay $0xd  }
0x370: {  	p3 =	sne.s32 s2, $0x1  }
.Ltmp46:
0x371: {  	s5 =	spop @!p1 (v2sf);
	(pc) =	sbr.rel @!p3 .LBB3_51-.Ltmp46, $4  }
0x372: {  	p2 =	seq.s32 @!p1 s0, s5  }
0x373: {  	s5 =	simm.s32 $0x0;
	p2 =	por !p2, p1  }
0x374: {  	s7 =	simm.s32 $0xFFFFFFFF;
	s5 =	simm.s32 @p2 $0xFFFFFFFF  }
0x375: {  	s6 =	simm.s32 $0x1;
	s5 =	smov.u32 @p1 s7  }
.LBB3_50:
0x376: {  	s7 =	smov.u32 s5;
	p1 =	sne.s32 s5, $0xFFFFFFFF  }
0x377: {  	s4 =	sadd.s32 $0x1, s4;
	s5 =	smov.u32 s6;
	s6 =	sadd.s32 $0x1, s6  }
0x378: {  	p2 =	sne.s32 s2, s6;
	v1 =	vld.msk @!p1 [tilespmem:s4+$0x0], $0x1;
	_ =	sdelay $0x4  }
0x379: {  	(v2sf) =	vpush @!p1 v1, $0x0;
	_ =	sdelay $0xe  }
.Ltmp47:
0x37a: {  	s8 =	spop @!p1 (v2sf);
	(pc) =	sbr.rel @p2 .LBB3_50-.Ltmp47, $4  }
0x37b: {  	p3 =	seq.s32 @!p1 s0, s8  }
0x37c: {  	p3 =	por !p3, p1  }
0x37d: {  	s5 =	simm.s32 @p3 $0xFFFFFFFF  }
0x37e: {  	s5 =	smov.u32 @p1 s7  }
.LBB3_51:
0x37f: {  	p1 =	seq.s32 s5, $0xFFFFFFFF  }
.Ltmp48:
0x380: {  	_ = 	snop;
	(pc) =	sbr.rel @p1 .LBB3_53-.Ltmp48, $1  }
0x381: {  	_ =	sdelay $0x3  }
0x382: {  	s0 =	sshll.u32 s3, $0x8  }
0x383: {  	s0 =	sand.u32 $0x3FFFFF00, s0  }
0x384: {  	v0 =	vld [tilespmem:s0+$0xE438];
	_ =	sdelay $0x2  }
0x385: {  	s4 =	sshll.u32 s5, $0xA  }
0x386: {  	s4 =	sshra.s32 s4, $0x2  }
0x387: {  	[tilespmem:s4+$0xE438] =	vst.add.f32.msk $0xffff, v0  }
0x388: {  	v0 =	vld [tilespmem:s0+$0xE448];
	_ =	sdelay $0x4  }
0x389: {  	[tilespmem:s4+$0xE448] =	vst.add.f32.msk $0xffff, v0  }
0x38a: {  	v0 =	vld [tilespmem:s0+$0xE458];
	_ =	sdelay $0x4  }
0x38b: {  	[tilespmem:s4+$0xE458] =	vst.add.f32.msk $0xffff, v0  }
0x38c: {  	v0 =	vld [tilespmem:s0+$0xE468];
	_ =	sdelay $0x4  }
0x38d: {  	[tilespmem:s4+$0xE468] =	vst.add.f32.msk $0xffff, v0  }
0x38e: {  	v0 =	vld [tilespmem:s0+$0xE478];
	_ =	sdelay $0x4  }
0x38f: {  	[tilespmem:s4+$0xE478] =	vst.add.f32.msk $0xffff, v0  }
0x390: {  	v0 =	vld [tilespmem:s0+$0xE488];
	_ =	sdelay $0x4  }
0x391: {  	[tilespmem:s4+$0xE488] =	vst.add.f32.msk $0xffff, v0  }
0x392: {  	v0 =	vld [tilespmem:s0+$0xE498];
	_ =	sdelay $0x4  }
0x393: {  	[tilespmem:s4+$0xE498] =	vst.add.f32.msk $0xffff, v0  }
0x394: {  	v0 =	vld [tilespmem:s0+$0xE4A8];
	_ =	sdelay $0x4  }
0x395: {  	[tilespmem:s4+$0xE4A8] =	vst.add.f32.msk $0xffff, v0  }
0x396: {  	v0 =	vld [tilespmem:s0+$0xE4B8];
	_ =	sdelay $0x4  }
0x397: {  	[tilespmem:s4+$0xE4B8] =	vst.add.f32.msk $0xffff, v0  }
0x398: {  	v0 =	vld [tilespmem:s0+$0xE4C8];
	_ =	sdelay $0x4  }
0x399: {  	[tilespmem:s4+$0xE4C8] =	vst.add.f32.msk $0xffff, v0  }
0x39a: {  	v0 =	vld [tilespmem:s0+$0xE4D8];
	_ =	sdelay $0x4  }
0x39b: {  	[tilespmem:s4+$0xE4D8] =	vst.add.f32.msk $0xffff, v0  }
0x39c: {  	v0 =	vld [tilespmem:s0+$0xE4E8];
	_ =	sdelay $0x4  }
0x39d: {  	[tilespmem:s4+$0xE4E8] =	vst.add.f32.msk $0xffff, v0  }
0x39e: {  	v0 =	vld [tilespmem:s0+$0xE4F8];
	_ =	sdelay $0x4  }
0x39f: {  	[tilespmem:s4+$0xE4F8] =	vst.add.f32.msk $0xffff, v0  }
0x3a0: {  	v0 =	vld [tilespmem:s0+$0xE508];
	_ =	sdelay $0x4  }
0x3a1: {  	[tilespmem:s4+$0xE508] =	vst.add.f32.msk $0xffff, v0  }
0x3a2: {  	v0 =	vld [tilespmem:s0+$0xE518];
	_ =	sdelay $0x4  }
0x3a3: {  	[tilespmem:s4+$0xE518] =	vst.add.f32.msk $0xffff, v0  }
0x3a4: {  	v0 =	vld [tilespmem:s0+$0xE528]  }
.Ltmp49:
0x3a5: {  	_ = 	snop;
	(pc) =	sbr.rel .LBB3_54-.Ltmp49, $2  }
0x3a6: {  	_ =	sdelay $0x2  }
0x3a7: {  	[tilespmem:s4+$0xE528] =	vst.add.f32.msk $0xffff, v0  }
.LBB3_55:
0x3a8: {  	p1 =	slt.s32 s2, $0x1  }
.Ltmp50:
0x3a9: {  	_ = 	snop;
	(pc) =	sbr.rel @p1 .LBB3_59-.Ltmp50, $3  }
0x3aa: {  	_ =	sdelay $0x1  }
0x3ab: {  	s0 =	simm.s32 $0x8  }
0x3ac: {  	s4 =	simm.s32 $0x0;
	[sflag:s0] =	ssyncpa.u1 $0x1  }
0x3ad: {  	s0 =	simm.s32 $0xE418  }
0x3ae: {  	v0 =	vld.msk [tilespmem:s0+$0x0], $0x1;
	_ =	sdelay $0x4  }
0x3af: {  	(v2sf) =	vpush v0, $0x0;
	_ =	sdelay $0xe  }
0x3b0: {  	s0 =	sadd.s32 $0xFFFFFFFF, s2;
	s3 =	spop (v2sf)  }
0x3b1: {  	s6 =	simm.s32 $0xE438;
	p1 =	sne.s32 s0, $0x0;
	p2 =	sgt.u32 s3, $0x3FF70  }
.Ltmp51:
0x3b2: {  	s2 =	simm.s32 $0xE538;
	s5 =	sand.u32 @!p2 $0x3FFF8, s3;
	(pc) =	sbr.rel @!p1 .LBB3_58-.Ltmp51, $4  }
0x3b3: {  	s7 =	sadd.s32 @!p2 $0x80, s3;
	s4 =	simm.s32 @!p2 $0x400;
	s8 =	sadd.s32 @!p2 s1, s5  }
0x3b4: {  	s5 =	sand.u32 @!p2 $0x7, s3;
	s3 =	simm.s32 $0xE419;
	s7 =	sand.u32 @!p2 $0x7FFF8, s7  }
0x3b5: {  	[hbm4b:s8+s5] =	stream.linear.scatter @!p2 [tilespmem:s6], [sflag:$0x7], $0x80, $0x38;
	[tilespmem:$0x1E678] =	vst v63  }
0x3b6: {  	s4 =	sadd.s32 $0x0, s4;
	s6 =	simm.s32 @!p2 $0xE4B8;
	s7 =	sadd.s32 @!p2 s1, s7  }
.LBB3_57:
0x3b7: {  	[hbm4b:s7+s5] =	stream.linear.scatter @!p2 [tilespmem:s6], [sflag:$0x7], $0x80, $0x38;
	[tilespmem:$0x1E678] =	vst v63  }
0x3b8: {  	s0 =	sadd.s32 $0xFFFFFFFF, s0;
	s6 =	smov.u32 s2;
	v0 =	vld.msk [tilespmem:s3+$0x0], $0x1  }
0x3b9: {  	p1 =	sne.s32 s0, $0x0;
	_ =	sdelay $0x3  }
0x3ba: {  	(v2sf) =	vpush v0, $0x0;
	_ =	sdelay $0xe  }
0x3bb: {  	s2 =	sadd.s32 $0x100, s2;
	s8 =	simm.s32 $0x0;
	s5 =	spop (v2sf)  }
.Ltmp52:
0x3bc: {  	s3 =	sadd.s32 $0x1, s3;
	p2 =	sgt.u32 s5, $0x3FF70;
	(pc) =	sbr.rel @p1 .LBB3_57-.Ltmp52, $4  }
0x3bd: {  	s8 =	simm.s32 @!p2 $0x400;
	s7 =	sand.u32 @!p2 $0x3FFF8, s5;
	s9 =	sadd.s32 @!p2 $0x80, s5  }
0x3be: {  	s5 =	sand.u32 @!p2 $0x7, s5;
	s7 =	sadd.s32 @!p2 s1, s7;
	s9 =	sand.u32 @!p2 $0x7FFF8, s9  }
0x3bf: {  	[hbm4b:s7+s5] =	stream.linear.scatter @!p2 [tilespmem:s6], [sflag:$0x7], $0x80, $0x38;
	[tilespmem:$0x1E678] =	vst v63  }
0x3c0: {  	s4 =	sadd.s32 s4, s8;
	s6 =	sadd.s32 @!p2 $0x80, s6;
	s7 =	sadd.s32 @!p2 s1, s9  }
.LBB3_58:
0x3c1: {  	[hbm4b:s7+s5] =	stream.linear.scatter @!p2 [tilespmem:s6], [sflag:$0x7], $0x80, $0x38;
	[tilespmem:$0x1E678] =	vst v63  }
0x3c2: {  	s4 =	sshrl.u32 s4, $0x2  }
.LBB3_59:
0x3c3: {  	s0 =	simm.s32 $0x7  }
0x3c4: {  	_ =	swait.ge [sflag:s0], s4  }
0x3c5: {  	s1 =	ssub.s32 $0x0, s4;
	[sflag:s0] =	ssyncset.done $0x0  }
0x3c6: {  	[sflag:s0] =	ssyncadd.s32 s1  }
0x3c7: {  	[sflag:s0] =	ssyncpa.u1 $0x1  }
.LBB3_60:
0x3c8: {  	_ =	sfence;
	s0 =	simm.s32 $0x1  }
0x3c9: {  	[sflag:s0] =	ssyncpa.u1 $0x1  }
0x3ca: {  	_ =	strace $0x9000005C  }
0x3cb: {  	[bflag:$0x2] =	sbarrier.arrive $0xFFFF  }
0x3cc: {  	s0 =	rddreg [dreg:$0x3]  }
0x3cd: {  	s0 =	sadd.s32 @!p0 $0x100000, s0  }
0x3ce: {  	[sflag:s0] =	ssyncadd.tile.s32 @!p0 $0x1;
	_ =	shalt  }
.Lfunc_end3:
_tile_overlayer_lowered:
.L_overlay_start_3:
0x3cf: {  	(tag) =	ssettag $0x3  }
0x3d0: {  	s0 =	rddreg [dreg:$0x0];
	s2 =	stileid.u32  }
0x3d1: {  	s1 =	rddreg [dreg:$0x1];
	p0 =	sne.s32 s2, $0x0  }
0x3d2: {  	s3 =	rddreg [dreg:$0x2];
	[bflag:$0x3] =	sbarrier.arrive $0xFFFF;
	s2 =	simm.s32 @!p0 $0x1C01  }
0x3d3: {  	[timem:s3], [sflag:s2] =	dma.local @!p0 [hbm:s0], s1  }
0x3d4: {  	s0 =	simm.s32 @!p0 $0x1  }
0x3d5: {  	_ =	swait.ge @!p0 [sflag:s0], s1  }
0x3d6: {  	s1 =	ssub.s32 @!p0 $0x0, s1;
	[sflag:s0] =	ssyncset.done @!p0 $0x0  }
0x3d7: {  	[sflag:s0] =	ssyncadd.s32 @!p0 s1  }
0x3d8: {  	[bflag:$0x3] =	sbarrier.arrive $0xFFFF  }
0x3d9: {  	_ =	shalt  }

// kernel: scatter_offload_async_start.4
scs
__scs_entry_jumppad:
0x0: {  	(pc) =	sbr.rel $0x88, $3  }
0x1: {  	(tag) =	ssettag $0x0;
	lr =	simm.s32 $0x1  }
0x2: {  	[smem:$0x3F94] =	sst lr;
	_ =	strace $0xD0000000  }
0x3: {  	_ = 	snop  }
0x4: {  	_ = 	snop  }
0x5: {  	_ = 	snop  }
0x6: {  	_ = 	snop  }
0x7: {  	_ = 	snop  }
__scs_overlays_trampoline_lowered:
0x8: {  	[smem:$0x3FA3] =	sst s0  }
0x9: {  	[smem:$0x3FA4] =	sst s1  }
0xa: {  	[smem:$0x3FA5] =	sst s2  }
0xb: {  	[smem:$0x3FA6] =	sst s3  }
0xc: {  	[smem:$0x3FA7] =	sst s4  }
0xd: {  	[smem:$0x3FA8] =	sst s5  }
0xe: {  	[smem:$0x3FA9] =	sst s6  }
0xf: {  	[smem:$0x3FAA] =	sst s7  }
0x10: {  	[smem:$0x3FAB] =	sst s8  }
0x11: {  	[smem:$0x3FAC] =	sst s9;
	s0 =	simm.s32 @!p0 $0x0  }
0x12: {  	s1 =	sld [smem:$0x3F92];
	s0 =	simm.s32 @p0 $0x1  }
0x13: {  	[smem:$0x3FAD] =	sst s0;
	s0 =	simm.s32 @!p1 $0x0  }
0x14: {  	s2 =	sld [smem:$0x3F91];
	s0 =	simm.s32 @p1 $0x1  }
0x15: {  	[smem:$0x3FAE] =	sst s0;
	s0 =	simm.s32 @!p2 $0x0  }
0x16: {  	s3 =	sld [smem:$0x3FDB];
	s0 =	simm.s32 @p2 $0x1  }
0x17: {  	s4 =	simm.s32 $0x1BF5;
	[smem:$0x3FB0] =	sst s0  }
0x18: {  	s0 =	sld [smem:$0x3F93];
	_ =	swait.ge [sflag:s4], $0x0  }
0x19: {  	s7 =	sld [smem:$0x3F94]  }
0x1a: {  	s8 =	sadd.s32 $0xFFFFE003, lr  }
0x1b: {  	s9 =	sadd.s32 $0xFFFFFEF7, lr;
	s5 =	simm.s32 $0xFFFFFFFF;
	p2 =	slt.u32 s8, $0xFFFFF086  }
0x1c: {  	p1 =	slt.u32 s9, $0xF7A;
	s5 =	simm.s32 @!p2 $0x0  }
0x1d: {  	s5 =	simm.s32 @p1 $0x1;
	p0 =	seq.s32 s7, s2  }
0x1e: {  	s7 =	smul.u32 @!p0 $0xF7A, s2;
	p2 =	seq.s32 @!p0 s5, $0x0  }
0x1f: {  	s9 =	smul.u32 $0xF7A, s1;
	s8 =	simm.s32 @!p0 $0x1BF5;
	p2 =	por !p2, p0  }
0x20: {  	[sflag:s8] =	ssyncset.s32 @!p0 $0xFFFFF086;
	s6 =	sadd.s32 @!p0 s3, s7;
	s7 =	simm.s32 @!p0 $0x108  }
0x21: {  	s3 =	sadd.s32 s3, s9;
	s6 =	sadd.s32 @!p0 $0x88, s6;
	s7 =	simm.s32 @p2 $0x1082  }
0x22: {  	[simem:s7], [sflag:s8] =	dma.local @!p0 [hbm:s6], $0xF7A  }
0x23: {  	s9 =	sor.u32 $0xD0000000, s2;
	s6 =	simm.s32 $0x108;
	_ =	swait.ge @!p0 [sflag:s8], $0x0  }
0x24: {  	s3 =	sadd.s32 $0x88, s3;
	s6 =	simm.s32 @!p1 $0x1082;
	[sflag:s4] =	ssyncset.s32 $0xFFFFF086  }
0x25: {  	[simem:s6], [sflag:s4] =	dma.local [hbm:s3], $0xF7A  }
0x26: {  	[smem:$0x3F94] =	sst s1;
	(tag) =	ssettag s2;
	_ =	strace s9  }
0x27: {  	s1 =	sld [smem:$0x3FA4]  }
0x28: {  	s2 =	sld [smem:$0x3FA5]  }
0x29: {  	s4 =	sld [smem:$0x3FA7]  }
0x2a: {  	p0 =	seq.s32 s5, $0x0;
	s5 =	sld [smem:$0x3FA8]  }
0x2b: {  	s6 =	sld [smem:$0x3FA9]  }
0x2c: {  	s7 =	sld [smem:$0x3FAA]  }
0x2d: {  	s3 =	simm.s32 $0x108;
	s8 =	sld [smem:$0x3FAB]  }
0x2e: {  	s3 =	simm.s32 @!p0 $0x1082;
	s9 =	sld [smem:$0x3FAC]  }
0x2f: {  	lr =	sadd.s32 s0, s3;
	s0 =	sld [smem:$0x3FA3]  }
0x30: {  	s3 =	sld [smem:$0x3FA6]  }
0x31: {  	[smem:$0x3FAF] =	sst s10  }
0x32: {  	s10 =	sld [smem:$0x3FAD];
	_ =	sdelay $0x3  }
0x33: {  	p0 =	seq.s32 s10, $0x1;
	s10 =	sld [smem:$0x3FAF];
	_ =	sdelay $0x3  }
0x34: {  	[smem:$0x3FAF] =	sst s10  }
0x35: {  	s10 =	sld [smem:$0x3FAE];
	_ =	sdelay $0x3  }
0x36: {  	p1 =	seq.s32 s10, $0x1;
	s10 =	sld [smem:$0x3FAF];
	_ =	sdelay $0x3  }
0x37: {  	[smem:$0x3FAF] =	sst s10  }
0x38: {  	s10 =	sld [smem:$0x3FB0]  }
0x39: {  	_ = 	snop;
	(pc) =	sbr.ind lr, $3  }
0x3a: {  	_ = 	snop  }
0x3b: {  	_ = 	snop  }
0x3c: {  	p2 =	seq.s32 s10, $0x1;
	s10 =	sld [smem:$0x3FAF]  }
0x3d: {  	_ =	shalt  }
0x3e: {  	_ =	shalt  }
0x3f: {  	_ =	shalt  }
0x40: {  	_ =	shalt  }
0x41: {  	_ =	shalt  }
0x42: {  	_ =	shalt  }
0x43: {  	_ =	shalt  }
0x44: {  	_ =	shalt  }
0x45: {  	_ =	shalt  }
0x46: {  	_ =	shalt  }
0x47: {  	_ =	shalt  }
0x48: {  	_ =	shalt  }
0x49: {  	_ =	shalt  }
0x4a: {  	_ =	shalt  }
0x4b: {  	_ =	shalt  }
0x4c: {  	_ =	shalt  }
0x4d: {  	_ =	shalt  }
0x4e: {  	_ =	shalt  }
0x4f: {  	_ =	shalt  }
0x50: {  	_ =	shalt  }
0x51: {  	_ =	shalt  }
0x52: {  	_ =	shalt  }
0x53: {  	_ =	shalt  }
0x54: {  	_ =	shalt  }
0x55: {  	_ =	shalt  }
0x56: {  	_ =	shalt  }
0x57: {  	_ =	shalt  }
0x58: {  	_ =	shalt  }
0x59: {  	_ =	shalt  }
0x5a: {  	_ =	shalt  }
0x5b: {  	_ =	shalt  }
0x5c: {  	_ =	shalt  }
0x5d: {  	_ =	shalt  }
0x5e: {  	_ =	shalt  }
0x5f: {  	_ =	shalt  }
0x60: {  	_ =	shalt  }
0x61: {  	_ =	shalt  }
0x62: {  	_ =	shalt  }
0x63: {  	_ =	shalt  }
0x64: {  	_ =	shalt  }
0x65: {  	_ =	shalt  }
0x66: {  	_ =	shalt  }
0x67: {  	_ =	shalt  }
0x68: {  	_ =	shalt  }
0x69: {  	_ =	shalt  }
0x6a: {  	_ =	shalt  }
0x6b: {  	_ =	shalt  }
0x6c: {  	_ =	shalt  }
0x6d: {  	_ =	shalt  }
0x6e: {  	_ =	shalt  }
0x6f: {  	_ =	shalt  }
0x70: {  	_ =	shalt  }
0x71: {  	_ =	shalt  }
0x72: {  	_ =	shalt  }
0x73: {  	_ =	shalt  }
0x74: {  	_ =	shalt  }
0x75: {  	_ =	shalt  }
0x76: {  	_ =	shalt  }
0x77: {  	_ =	shalt  }
0x78: {  	_ =	shalt  }
0x79: {  	_ =	shalt  }
0x7a: {  	_ =	shalt  }
0x7b: {  	_ =	shalt  }
0x7c: {  	_ =	shalt  }
0x7d: {  	_ =	shalt  }
0x7e: {  	_ =	shalt  }
0x7f: {  	_ =	shalt  }
0x80: {  	_ =	shalt  }
0x81: {  	_ =	shalt  }
0x82: {  	_ =	shalt  }
0x83: {  	_ =	shalt  }
0x84: {  	_ =	shalt  }
0x85: {  	_ =	shalt  }
0x86: {  	_ =	shalt  }
0x87: {  	_ =	shalt  }
.Lfunc_end0:
.L_simem_size_0:
called_computation.4_lowered:
.L_overlay_start_0:
0x88: {  	s2 =	sld [smem:$0x3FD9]  }
0x89: {  	s3 =	sld [smem:$0x3FFE];
	_ =	sdelay $0x1  }
0x8a: {  	s1 =	srdreg.scid  }
0x8b: {  	s0 =	sand.u32 $0x1, s1  }
0x8c: {  	s12 =	sshll.u32 s0, $0xA;
	s2 =	sadd.s32 s3, s2  }
0x8d: {  	s2 =	sadd.s32 s2, s12  }
0x8e: {  	[smem:$0x3FBB] =	sst s2  }
0x8f: {  	_ = 	snop  }
0x90: {  	(tm) =	ssettm $0x1  }
0x91: {  	s13 =	sld [smem:$0x3FFB];
	_ =	sdelay $0x3  }
0x92: {  	_ =	strace s13  }
0x93: {  	s2 =	sld [smem:$0x3FFC];
	_ =	sdelay $0x3  }
0x94: {  	_ =	strace s2  }
0x95: {  	s2 =	sld [smem:$0x3FFD];
	_ =	sdelay $0x3  }
0x96: {  	_ =	strace s2  }
0x97: {  	_ =	strace $0x8FFFFFFF  }
0x98: {  	s14 =	sld [smem:$0x3FDB];
	_ =	sdelay $0x1  }
0x99: {  	s15 =	simm.s32 $_scs_section_size  }
0x9a: {  	s4 =	simm.s32 $_size__tile_overlayer_lowered;
	s5 =	simm.s32 $_tile_overlayer_lowered  }
0x9b: {  	s19 =	simm.s32 $0x1BFF;
	s17 =	sshll.u32 s5, $0x1;
	s6 =	sadd.s32 s15, s14  }
0x9c: {  	s20 =	simm.s32 $0x0;
	s16 =	sshll.u32 s4, $0x1;
	s18 =	sadd.s32 s17, s6  }
0x9d: {  	[timem:s20], [sflag:s19] =	dma.local [hbm:s18], s16  }
0x9e: {  	_ =	swait.ge [sflag:s19], s16  }
0x9f: {  	s3 =	ssub.s32 $0x0, s16;
	[sflag:s19] =	ssyncset.done $0x0  }
0xa0: {  	[sflag:s19] =	ssyncadd.s32 s3;
	_ =	sdelay $0x1  }
0xa1: {  	s21 =	simm.s32 $0x1B8B  }
0xa2: {  	_ =	swait.ge [sflag:s21], $0x1  }
0xa3: {  	[sflag:s21] =	ssyncset.done $0x0  }
0xa4: {  	[sflag:s21] =	ssyncadd.s32 $0xFFFFFFFF  }
0xa5: {  	s3 =	sld [smem:$0x0]  }
0xa6: {  	s4 =	sand.u32 $0xFFFFFFFE, s1  }
0xa7: {  	p0 =	sne.s32 s1, s4  }
0xa8: {  	s4 =	sshll.u32 @p0 s4, $0xE  }
0xa9: {  	s5 =	sadd.s32 @p0 $0x11B8D, s4;
	s7 =	sshll.u32 @p0 s3, $0x11  }
0xaa: {  	s5 =	sor.u32 @p0 s7, s5  }
0xab: {  	[sflag:s5] =	ssyncadd.remote.s32 @p0 $0x1;
	_ =	sdelay $0x1  }
0xac: {  	s5 =	simm.s32 @p0 $0x1B8D  }
0xad: {  	_ =	swait.eq @p0 [sflag:s5], $0x1  }
0xae: {  	[sflag:s5] =	ssyncadd.s32 @p0 $0xFFFFFFFF  }
0xaf: {  	s7 =	sshll.u32 @!p0 s1, $0xE  }
0xb0: {  	s7 =	sor.u32 @!p0 $0x4000, s7;
	s5 =	simm.s32 @!p0 $0x1B8D  }
0xb1: {  	s9 =	sshll.u32 @!p0 s3, $0x11;
	s8 =	sadd.s32 @!p0 $0x11B8D, s7;
	_ =	swait.eq @!p0 [sflag:s5], $0x1  }
0xb2: {  	[sflag:s5] =	ssyncadd.s32 @!p0 $0xFFFFFFFF;
	s5 =	sor.u32 @!p0 s9, s8  }
0xb3: {  	s23 =	simm.s32 $0x1B8E;
	s22 =	sld [smem:$0x3FFE];
	[sflag:s5] =	ssyncadd.remote.s32 @!p0 $0x1  }
0xb4: {  	s24 =	simm.s32 $execute0_lowered;
	[smem:$0x3FD2] =	sst s23  }
0xb5: {  	s8 =	sshll.u32 s24, $0x1;
	_ =	strace $0x8000005E;
	[dreg:$0x1] =	wrdreg $0xFFFFFFFF  }
0xb6: {  	s25 =	simm.s32 $_size_execute0_lowered;
	s8 =	sadd.s32 s6, s8;
	[dreg:$0x0] =	wrdreg $0x0  }
0xb7: {  	s9 =	sshll.u32 s25, $0x1;
	[dreg:$0x2] =	wrdreg s8  }
0xb8: {  	[dreg:$0x3] =	wrdreg s9  }
0xb9: {  	[dreg:$0x4] =	wrdreg $0xC0  }
0xba: {  	s26 =	simm.s32 $execute1_lowered;
	_ =	task [dreg:s20], $0x5FFFF  }
0xbb: {  	s8 =	sshll.u32 s26, $0x1;
	[dreg:$0x1] =	wrdreg $0xFFFFFFFF  }
0xbc: {  	s6 =	sadd.s32 s6, s8;
	[dreg:$0x0] =	wrdreg $0x60  }
0xbd: {  	[dreg:$0x2] =	wrdreg s6  }
0xbe: {  	[dreg:$0x3] =	wrdreg s22  }
0xbf: {  	[dreg:$0x4] =	wrdreg $0xB  }
0xc0: {  	_ =	task.clear_ibuf [dreg:s20], $0x5FFFF;
	_ =	strace $0x9000005E  }
0xc1: {  	s28 =	simm.s32 $0xB;
	_ =	strace $0x80000060  }
0xc2: {  	_ =	swait.ge [sflag:s28], $0x1  }
0xc3: {  	[sflag:s28] =	ssyncadd.s32 $0xFFFFFFFF  }
0xc4: {  	_ =	strace $0x90000060  }
0xc5: {  	s6 =	sld [smem:$0x0];
	_ =	sdelay $0x3  }
0xc6: {  	s4 =	sadd.s32 @p0 $0x11BF3, s4;
	s8 =	sshll.u32 @p0 s6, $0x11  }
0xc7: {  	s4 =	sor.u32 @p0 s8, s4  }
0xc8: {  	[sflag:s4] =	ssyncadd.remote.s32 @p0 $0x1;
	_ =	sdelay $0x1  }
0xc9: {  	s4 =	simm.s32 @p0 $0x1BF3  }
0xca: {  	_ =	swait.eq @p0 [sflag:s4], $0x1  }
0xcb: {  	[sflag:s4] =	ssyncadd.s32 @p0 $0xFFFFFFFF;
	_ =	sdelay $0x1  }
0xcc: {  	s4 =	simm.s32 @!p0 $0x1BF3  }
0xcd: {  	s7 =	sadd.s32 @!p0 $0x11BF3, s7;
	s6 =	sshll.u32 @!p0 s6, $0x11;
	_ =	swait.eq @!p0 [sflag:s4], $0x1  }
0xce: {  	[sflag:s4] =	ssyncadd.s32 @!p0 $0xFFFFFFFF;
	s4 =	sor.u32 @!p0 s6, s7  }
0xcf: {  	[sflag:s4] =	ssyncadd.remote.s32 @!p0 $0x1  }
0xd0: {  	_ =	strace $0x80000061;
	[dreg:$0x1] =	wrdreg $0xFFFFFFFF  }
0xd1: {  	[dreg:$0x0] =	wrdreg $0x2030  }
0xd2: {  	[dreg:$0x2] =	wrdreg s22  }
0xd3: {  	[dreg:$0x3] =	wrdreg s1  }
0xd4: {  	[dreg:$0x4] =	wrdreg s3  }
0xd5: {  	[dreg:$0x5] =	wrdreg $0xC  }
0xd6: {  	_ =	task.clear_ibuf [dreg:s20], $0x6FFFF;
	_ =	strace $0x90000061  }
0xd7: {  	s29 =	simm.s32 $0xC;
	_ =	strace $0x80000063  }
0xd8: {  	_ =	swait.ge [sflag:s29], $0x1  }
0xd9: {  	[sflag:s29] =	ssyncadd.s32 $0xFFFFFFFF  }
0xda: {  	_ =	strace $0x90000063  }
0xdb: {  	_ =	sfence  }
0xdc: {  	s30 =	sld [smem:$0x0];
	_ =	sdelay $0x2  }
0xdd: {  	s31 =	sshll.u32 s1, $0xD;
	s1 =	sshrl.u32 s1, $0x2  }
0xde: {  	s4 =	sand.u32 $0x4000, s31;
	s1 =	sadd.s32 s1, s30  }
0xdf: {  	s0 =	sor.u32 s4, s0;
	s1 =	sshll.u32 s1, $0x11  }
0xe0: {  	s0 =	sor.u32 s1, s0  }
0xe1: {  	s0 =	sadd.s32 $0x8F2B, s0  }
0xe2: {  	[sflag:s0] =	ssyncadd.remote.s32 $0x1  }
0xe3: {  	_ =	sfence.sel $0xFFFF  }
0xe4: {  	[dreg:$0x0] =	wrdreg $0xFFFFFFFF;
	(pc) =	sbr.abs _section_cstart, $3  }
0xe5: {  	[dreg:$0x1] =	wrdreg $0xFFFFFFFF  }
0xe6: {  	_ =	task.clear_ibuf [dreg:s20], $0x2FFFF;
	_ =	strace $0x9FFFFFFF  }
0xe7: {  	(tm) =	ssettm $0x7FFFFFFF  }
tec
execute0_lowered:
.L_overlay_start_1:
0x0: {  	(tag) =	ssettag $0x1  }
0x1: {  	s2 =	rddreg [dreg:$0x0]  }
0x2: {  	s6 =	rddreg [dreg:$0x1]  }
0x3: {  	s3 =	stileid.u32;
	[bflag:$0x3] =	sbarrier.arrive $0xFFFF;
	s1 =	simm.s32 $_size_execute1_lowered  }
0x4: {  	s29 =	srdreg.scid;
	p0 =	sne.s32 s3, $0x0;
	s0 =	sshll.u32 s1, $0x1  }
0x5: {  	s4 =	simm.s32 @!p0 $0x1C3F;
	s5 =	simm.s32 @!p0 $0x4060;
	[dreg:$0x3] =	wrdreg s0  }
0x6: {  	[timem:s5], [sflag:s4] =	dma.local @!p0 [hbm:s2], s0  }
0x7: {  	s2 =	sshll.u32 s29, $0x6  }
0x8: {  	s3 =	sshll.u32 s3, $0x7;
	s2 =	sand.u32 $0x40, s2  }
0x9: {  	s7 =	simm.s32 $0x1;
	s2 =	sor.u32 s3, s2  }
0xa: {  	s8 =	simm.s32 $0x2;
	s11 =	simm.s32 $0x0;
	s30 =	ssub.s32 $0x2000, s2  }
.Ltmp0:
0xb: {  	s10 =	simm.s32 $0x0;
	s31 =	sand.u32 $0x7C0, s30;
	(pc) =	sbr.rel .LBB2_1-.Ltmp0, $4  }
0xc: {  	s4 =	simm.s32 $0x1;
	_ =	strace $0x8000005F;
	p1 =	sne.s32 s31, $0x0  }
0xd: {  	s3 =	sadd.s32 $0x43A000, s6;
	s5 =	sshrl.u32 s30, $0xB;
	s7 =	simm.s32 @!p1 $0x0  }
0xe: {  	[sflag:s4] =	ssyncpa.u1 $0x0;
	s6 =	sadd.s32 $0x9A000, s6;
	s5 =	sadd.s32 s7, s5  }
0xf: {  	[sflag:s8] =	ssyncpa.u1 $0x0;
	s9 =	smov.u32 s2;
	s7 =	sadd.s32 $0x1, s5  }
.LBB2_4:
0x10: {  	_ =	sdelay $0x3  }
0x11: {  	[tilespmem:v1+s22+$0x0 ss:$0x1] =	vst.idx.msk $0xffff, v7  }
0x12: {  	s0 =	sor.u32 s24, s23;
	v46 =	vld.idx.msk [tilespmem:v0+s14+$0x0 ss:$0x1], $0xffff;
	[tilespmem:v1+s20+$0x0 ss:$0x1] =	vst.idx.msk $0xffff, v6  }
0x13: {  	v47 =	vld.idx.msk [tilespmem:v0+s13+$0x0 ss:$0x1], $0xffff;
	[tilespmem:v1+s15+$0x0 ss:$0x1] =	vst.idx.msk $0xffff, v4;
	s29 =	sor.u32 $0x410, s0  }
0x14: {  	[tilespmem:v1+s19+$0x0 ss:$0x1] =	vst.idx.msk $0xffff, v3;
	s22 =	sor.u32 $0x420, s0;
	v48 =	vld.idx.msk [tilespmem:v0+s29+$0x0 ss:$0x1], $0xffff  }
0x15: {  	[tilespmem:v1+s17+$0x0 ss:$0x1] =	vst.idx.msk $0xffff, v2;
	s23 =	sor.u32 $0x430, s0;
	v58 =	vld.idx.msk [tilespmem:v0+s22+$0x0 ss:$0x1], $0xffff  }
0x16: {  	[tilespmem:v1+s16+$0x0 ss:$0x1] =	vst.idx.msk $0xffff, v5;
	s24 =	sor.u32 $0x440, s0;
	v59 =	vld.idx.msk [tilespmem:v0+s23+$0x0 ss:$0x1], $0xffff  }
0x17: {  	s25 =	sor.u32 $0x450, s0;
	v60 =	vld.idx.msk [tilespmem:v0+s24+$0x0 ss:$0x1], $0xffff;
	[tilespmem:v1+s14+$0x0 ss:$0x1] =	vst.idx.msk $0xffff, v46  }
0x18: {  	s1 =	sand.u32 $0x80, s18;
	s8 =	sand.u32 $0x3B00, s0;
	s26 =	sor.u32 $0x460, s0;
	v61 =	vld.idx.msk [tilespmem:v0+s25+$0x0 ss:$0x1], $0xffff;
	[tilespmem:v1+s13+$0x0 ss:$0x1] =	vst.idx.msk $0xffff, v47  }
0x19: {  	s1 =	sor.u32 s1, s8;
	v62 =	vld.idx.msk [tilespmem:v0+s26+$0x0 ss:$0x1], $0xffff;
	[tilespmem:v1+s29+$0x0 ss:$0x1] =	vst.idx.msk $0xffff, v48  }
0x1a: {  	s0 =	sor.u32 $0x470, s0;
	v49 =	vld.idx.msk [tilespmem:v0+s1+$0x0 ss:$0x1], $0xffff;
	[tilespmem:v1+s22+$0x0 ss:$0x1] =	vst.idx.msk $0xffff, v58  }
0x1b: {  	v63 =	vld.idx.msk [tilespmem:v0+s0+$0x0 ss:$0x1], $0xffff;
	s8 =	sor.u32 $0x400, s1;
	[tilespmem:v1+s23+$0x0 ss:$0x1] =	vst.idx.msk $0xffff, v59  }
0x1c: {  	s30 =	sor.u32 $0x10, s1;
	v50 =	vld.idx.msk [tilespmem:v0+s8+$0x0 ss:$0x1], $0xffff;
	[tilespmem:v1+s24+$0x0 ss:$0x1] =	vst.idx.msk $0xffff, v60  }
0x1d: {  	s31 =	sor.u32 $0x20, s1;
	v51 =	vld.idx.msk [tilespmem:v0+s30+$0x0 ss:$0x1], $0xffff;
	[tilespmem:v1+s25+$0x0 ss:$0x1] =	vst.idx.msk $0xffff, v61  }
0x1e: {  	s17 =	sor.u32 $0x30, s1;
	s19 =	sor.u32 $0x40, s1;
	v52 =	vld.idx.msk [tilespmem:v0+s31+$0x0 ss:$0x1], $0xffff;
	[tilespmem:v1+s26+$0x0 ss:$0x1] =	vst.idx.msk $0xffff, v62  }
0x1f: {  	s20 =	sor.u32 $0x50, s1;
	s21 =	sor.u32 $0x60, s1;
	v53 =	vld.idx.msk [tilespmem:v0+s17+$0x0 ss:$0x1], $0xffff;
	[tilespmem:v1+s1+$0x0 ss:$0x1] =	vst.idx.msk $0xffff, v49;
	s1 =	sor.u32 $0x70, s1  }
0x20: {  	[tilespmem:v1+s0+$0x0 ss:$0x1] =	vst.idx.msk $0xffff, v63;
	v57 =	vld.idx.msk [tilespmem:v0+s1+$0x0 ss:$0x1], $0xffff  }
0x21: {  	v54 =	vld.idx.msk [tilespmem:v0+s19+$0x0 ss:$0x1], $0xffff;
	[tilespmem:v1+s8+$0x0 ss:$0x1] =	vst.idx.msk $0xffff, v50  }
0x22: {  	v55 =	vld.idx.msk [tilespmem:v0+s20+$0x0 ss:$0x1], $0xffff;
	[tilespmem:v1+s30+$0x0 ss:$0x1] =	vst.idx.msk $0xffff, v51  }
0x23: {  	v56 =	vld.idx.msk [tilespmem:v0+s21+$0x0 ss:$0x1], $0xffff;
	[tilespmem:v1+s31+$0x0 ss:$0x1] =	vst.idx.msk $0xffff, v52  }
0x24: {  	s28 =	sshll.u32 s11, $0x8;
	s29 =	sshll.u32 s11, $0x7;
	[tilespmem:v1+s17+$0x0 ss:$0x1] =	vst.idx.msk $0xffff, v53  }
0x25: {  	s8 =	sand.u32 $0x380, s29;
	[tilespmem:v1+s1+$0x0 ss:$0x1] =	vst.idx.msk $0xffff, v57;
	s1 =	sand.u32 $0x1FF800, s28  }
0x26: {  	[tilespmem:v1+s19+$0x0 ss:$0x1] =	vst.idx.msk $0xffff, v54;
	s1 =	sor.u32 s8, s1  }
0x27: {  	[tilespmem:v1+s20+$0x0 ss:$0x1] =	vst.idx.msk $0xffff, v55;
	s1 =	sshrl.u32 s1, $0x3  }
0x28: {  	[tilespmem:v1+s21+$0x0 ss:$0x1] =	vst.idx.msk $0xffff, v56;
	s31 =	simm.s32 $0x0;
	s30 =	sadd.s32 s6, s1  }
0x29: {  	[hbm4b:s30+s31] =	stream.linear.scatter [tilespmem:s12], [sflag:$0x2], $0x4000, $0x38;
	[tilespmem:$0x10000] =	vst v63  }
.LBB2_5:
0x2a: {  	s1 =	sadd.s32 $0x800, s9  }
0x2b: {  	p2 =	sgt.s32 s1, $0x1FFF  }
0x2c: {  	s1 =	smov.u32 @p2 s2;
	p2 =	sne.s32 s10, s7  }
.Ltmp1:
0x2d: {  	p1 =	slt.u32 s10, $0x2;
	(pc) =	sbr.rel @!p2 .LBB2_6-.Ltmp1, $4  }
0x2e: {  	s0 =	simm.s32 @!p1 $0x2  }
0x2f: {  	_ =	swait.ge @!p1 [sflag:s0], $0x4000  }
0x30: {  	s8 =	sadd.s32 $0x1, s10;
	s11 =	smov.u32 s9;
	[sflag:s0] =	ssyncset.done @!p1 $0x0  }
0x31: {  	s10 =	smov.u32 s8;
	s9 =	smov.u32 s1;
	[sflag:s0] =	ssyncadd.s32 @!p1 $0xFFFFC000  }
.LBB2_1:
0x32: {  	p1 =	sge.u32 s10, s5  }
0x33: {  	s12 =	sshll.u32 @!p1 s9, $0x8;
	s13 =	sshll.u32 @!p1 s9, $0x7  }
0x34: {  	s12 =	sand.u32 @!p1 $0x1FF800, s12;
	s13 =	sand.u32 @!p1 $0x380, s13  }
0x35: {  	s14 =	sxor.u32 @!p1 $0xFFFFFFFF, s10;
	s12 =	sor.u32 @!p1 s13, s12  }
0x36: {  	s31 =	sadd.s32 $0xFFFFFFFF, s10;
	s13 =	sshll.u32 @!p1 s14, $0xE;
	s12 =	sshrl.u32 @!p1 s12, $0x3  }
0x37: {  	s14 =	simm.s32 @!p1 $0x0;
	s13 =	sand.u32 @!p1 $0x4000, s13;
	s12 =	sadd.s32 @!p1 s3, s12  }
0x38: {  	[tilespmem:s13], [sflag:$0x1] =	stream.linear.gather @!p1 [hbm4b:s12+s14], $0x4000, $0x38;
	[tilespmem:$0x10000] =	vst v63  }
0x39: {  	p1 =	sge.u32 s31, s5  }
.Ltmp2:
0x3a: {  	_ = 	snop;
	(pc) =	sbr.rel @p1 .LBB2_5-.Ltmp2, $1  }
0x3b: {  	_ =	sdelay $0x3  }
0x3c: {  	s12 =	sshll.u32 s10, $0xE  }
0x3d: {  	s12 =	sand.u32 $0x4000, s12  }
0x3e: {  	v0 =	vmov s12  }
0x3f: {  	s13 =	simm.s32 $0x0  }
0x40: {  	_ =	swait.ge [sflag:s4], $0x4000;
	s14 =	sand.u32 $0x3800, s13;
	s15 =	sand.u32 $0x380, s13  }
0x41: {  	[sflag:s4] =	ssyncset.done $0x0;
	s13 =	sand.u32 $0x80, s13;
	s18 =	sor.u32 s15, s14  }
0x42: {  	[sflag:s4] =	ssyncadd.s32 $0xFFFFC000;
	s14 =	sand.u32 $0x3B00, s18;
	s15 =	sor.u32 $0x410, s18  }
0x43: {  	s12 =	sor.u32 $0x8000, s12;
	s13 =	sor.u32 s13, s14;
	v2 =	vld.idx.msk [tilespmem:v0+s15+$0x0 ss:$0x1], $0xffff  }
0x44: {  	v1 =	vmov s12;
	s14 =	sor.u32 $0x400, s13;
	v3 =	vld.idx.msk [tilespmem:v0+s13+$0x0 ss:$0x1], $0xffff  }
0x45: {  	s16 =	sor.u32 $0x10, s13;
	v4 =	vld.idx.msk [tilespmem:v0+s14+$0x0 ss:$0x1], $0xffff  }
0x46: {  	s17 =	sor.u32 $0x20, s13;
	v5 =	vld.idx.msk [tilespmem:v0+s16+$0x0 ss:$0x1], $0xffff  }
0x47: {  	s21 =	sor.u32 $0x30, s13;
	v8 =	vld.idx.msk [tilespmem:v0+s17+$0x0 ss:$0x1], $0xffff  }
0x48: {  	s23 =	sor.u32 $0x40, s13;
	v9 =	vld.idx.msk [tilespmem:v0+s21+$0x0 ss:$0x1], $0xffff  }
0x49: {  	s25 =	sor.u32 $0x50, s13;
	v10 =	vld.idx.msk [tilespmem:v0+s23+$0x0 ss:$0x1], $0xffff;
	[tilespmem:v1+s15+$0x0 ss:$0x1] =	vst.idx.msk $0xffff, v2  }
0x4a: {  	s22 =	sor.u32 $0x60, s13;
	v11 =	vld.idx.msk [tilespmem:v0+s25+$0x0 ss:$0x1], $0xffff;
	[tilespmem:v1+s13+$0x0 ss:$0x1] =	vst.idx.msk $0xffff, v3  }
0x4b: {  	s20 =	sor.u32 $0x70, s13;
	v7 =	vld.idx.msk [tilespmem:v0+s22+$0x0 ss:$0x1], $0xffff;
	[tilespmem:v1+s14+$0x0 ss:$0x1] =	vst.idx.msk $0xffff, v4  }
0x4c: {  	s19 =	sor.u32 $0x430, s18;
	v6 =	vld.idx.msk [tilespmem:v0+s20+$0x0 ss:$0x1], $0xffff;
	[tilespmem:v1+s16+$0x0 ss:$0x1] =	vst.idx.msk $0xffff, v5  }
0x4d: {  	s15 =	sor.u32 $0x420, s18;
	[tilespmem:v1+s17+$0x0 ss:$0x1] =	vst.idx.msk $0xffff, v8;
	v3 =	vld.idx.msk [tilespmem:v0+s19+$0x0 ss:$0x1], $0xffff  }
0x4e: {  	s24 =	simm.s32 $0x100;
	s17 =	sor.u32 $0x440, s18;
	s16 =	sor.u32 $0x450, s18;
	[tilespmem:v1+s21+$0x0 ss:$0x1] =	vst.idx.msk $0xffff, v9;
	v4 =	vld.idx.msk [tilespmem:v0+s15+$0x0 ss:$0x1], $0xffff  }
0x4f: {  	s14 =	sor.u32 $0x460, s18;
	s13 =	sor.u32 $0x470, s18;
	[tilespmem:v1+s23+$0x0 ss:$0x1] =	vst.idx.msk $0xffff, v10;
	s18 =	simm.s32 $0x80;
	v2 =	vld.idx.msk [tilespmem:v0+s17+$0x0 ss:$0x1], $0xffff  }
0x50: {  	s23 =	sand.u32 $0x3800, s24;
	s21 =	simm.s32 $0x200;
	[tilespmem:v1+s25+$0x0 ss:$0x1] =	vst.idx.msk $0xffff, v11;
	s24 =	sand.u32 $0x380, s18;
	v5 =	vld.idx.msk [tilespmem:v0+s16+$0x0 ss:$0x1], $0xffff  }
.LBB2_3:
0x51: {  	p1 =	sne.s32 s21, $0x3F00;
	s23 =	sor.u32 s24, s23;
	[tilespmem:v1+s22+$0x0 ss:$0x1] =	vst.idx.msk $0xffff, v7;
	v7 =	vld.idx.msk [tilespmem:v0+s14+$0x0 ss:$0x1], $0xffff  }
0x52: {  	s22 =	sand.u32 $0x80, s18;
	s24 =	sand.u32 $0x3B00, s23;
	s25 =	sor.u32 $0x410, s23;
	[tilespmem:v1+s20+$0x0 ss:$0x1] =	vst.idx.msk $0xffff, v6;
	v6 =	vld.idx.msk [tilespmem:v0+s13+$0x0 ss:$0x1], $0xffff  }
0x53: {  	s26 =	sor.u32 $0x430, s23;
	s24 =	sor.u32 s22, s24;
	v8 =	vld.idx.msk [tilespmem:v0+s25+$0x0 ss:$0x1], $0xffff;
	[tilespmem:v1+s15+$0x0 ss:$0x1] =	vst.idx.msk $0xffff, v4;
	s15 =	sor.u32 $0x420, s23  }
0x54: {  	v4 =	vld.idx.msk [tilespmem:v0+s24+$0x0 ss:$0x1], $0xffff;
	s28 =	sor.u32 $0x10, s24;
	s29 =	sor.u32 $0x20, s24;
	s30 =	sor.u32 $0x400, s24;
	[tilespmem:v1+s19+$0x0 ss:$0x1] =	vst.idx.msk $0xffff, v3  }
0x55: {  	s31 =	sor.u32 $0x30, s24;
	s0 =	sor.u32 $0x40, s24;
	s1 =	sor.u32 $0x50, s24;
	v3 =	vld.idx.msk [tilespmem:v0+s30+$0x0 ss:$0x1], $0xffff;
	[tilespmem:v1+s17+$0x0 ss:$0x1] =	vst.idx.msk $0xffff, v2  }
0x56: {  	s22 =	sor.u32 $0x60, s24;
	s20 =	sor.u32 $0x70, s24;
	s17 =	sor.u32 $0x440, s23;
	v2 =	vld.idx.msk [tilespmem:v0+s28+$0x0 ss:$0x1], $0xffff;
	[tilespmem:v1+s16+$0x0 ss:$0x1] =	vst.idx.msk $0xffff, v5  }
0x57: {  	s8 =	sor.u32 $0x470, s23;
	s16 =	sor.u32 $0x450, s23;
	v5 =	vld.idx.msk [tilespmem:v0+s29+$0x0 ss:$0x1], $0xffff;
	[tilespmem:v1+s14+$0x0 ss:$0x1] =	vst.idx.msk $0xffff, v7;
	s14 =	sor.u32 $0x460, s23  }
0x58: {  	s19 =	smov.u32 s26;
	v9 =	vld.idx.msk [tilespmem:v0+s31+$0x0 ss:$0x1], $0xffff;
	[tilespmem:v1+s13+$0x0 ss:$0x1] =	vst.idx.msk $0xffff, v6;
	s13 =	smov.u32 s8  }
0x59: {  	v10 =	vld.idx.msk [tilespmem:v0+s0+$0x0 ss:$0x1], $0xffff;
	[tilespmem:v1+s25+$0x0 ss:$0x1] =	vst.idx.msk $0xffff, v8  }
0x5a: {  	[tilespmem:v1+s24+$0x0 ss:$0x1] =	vst.idx.msk $0xffff, v4;
	v8 =	vld.idx.msk [tilespmem:v0+s1+$0x0 ss:$0x1], $0xffff  }
0x5b: {  	v7 =	vld.idx.msk [tilespmem:v0+s22+$0x0 ss:$0x1], $0xffff;
	[tilespmem:v1+s30+$0x0 ss:$0x1] =	vst.idx.msk $0xffff, v3  }
.Ltmp3:
0x5c: {  	[tilespmem:v1+s28+$0x0 ss:$0x1] =	vst.idx.msk $0xffff, v2;
	v6 =	vld.idx.msk [tilespmem:v0+s20+$0x0 ss:$0x1], $0xffff;
	(pc) =	sbr.rel @p1 .LBB2_3-.Ltmp3, $4  }
0x5d: {  	[tilespmem:v1+s29+$0x0 ss:$0x1] =	vst.idx.msk $0xffff, v5;
	v4 =	vld.idx.msk [tilespmem:v0+s15+$0x0 ss:$0x1], $0xffff  }
0x5e: {  	[tilespmem:v1+s31+$0x0 ss:$0x1] =	vst.idx.msk $0xffff, v9;
	v3 =	vld.idx.msk [tilespmem:v0+s19+$0x0 ss:$0x1], $0xffff  }
0x5f: {  	s18 =	sadd.s32 $0x80, s18;
	[tilespmem:v1+s0+$0x0 ss:$0x1] =	vst.idx.msk $0xffff, v10;
	v2 =	vld.idx.msk [tilespmem:v0+s17+$0x0 ss:$0x1], $0xffff  }
0x60: {  	s23 =	sand.u32 $0x3800, s21;
	s21 =	sadd.s32 $0x100, s21;
	s24 =	sand.u32 $0x380, s18;
	[tilespmem:v1+s1+$0x0 ss:$0x1] =	vst.idx.msk $0xffff, v8;
	v5 =	vld.idx.msk [tilespmem:v0+s16+$0x0 ss:$0x1], $0xffff  }
.Ltmp4:
0x61: {  	_ = 	snop;
	(pc) =	sbr.rel .LBB2_4-.Ltmp4, $1  }
0x62: {  	_ =	sdelay $0x3  }
.LBB2_6:
0x63: {  	_ =	sfence.sel $0x180000  }
0x64: {  	s0 =	simm.s32 $0x1;
	[bflag:$0x0] =	sbarrier.arrive $0xFFFF  }
0x65: {  	s31 =	simm.s32 $0x2;
	[sflag:s0] =	ssyncpa.u1 $0x1  }
0x66: {  	[sflag:s31] =	ssyncpa.u1 $0x1  }
0x67: {  	_ =	strace $0x9000005F  }
0x68: {  	[bflag:$0x2] =	sbarrier.arrive $0xFFFF  }
0x69: {  	s0 =	rddreg [dreg:$0x2]  }
0x6a: {  	s0 =	sadd.s32 @!p0 $0x100000, s0  }
0x6b: {  	s1 =	rddreg [dreg:$0x3];
	[sflag:s0] =	ssyncadd.tile.s32 @!p0 $0x1;
	s0 =	simm.s32 @!p0 $0x3F  }
0x6c: {  	_ =	swait.ge @!p0 [sflag:s0], s1  }
0x6d: {  	s1 =	ssub.s32 @!p0 $0x0, s1;
	[sflag:s0] =	ssyncset.done @!p0 $0x0  }
0x6e: {  	[sflag:s0] =	ssyncadd.s32 @!p0 s1  }
0x6f: {  	[bflag:$0x3] =	sbarrier.arrive $0xFFFF  }
0x70: {  	_ =	shalt  }
.Lfunc_end2:
execute1_lowered:
.L_overlay_start_2:
0x71: {  	(tag) =	ssettag $0x2  }
0x72: {  	s2 =	rddreg [dreg:$0x0]  }
0x73: {  	s3 =	rddreg [dreg:$0x1];
	_ =	strace $0x80000062;
	s0 =	simm.s32 $0x1  }
0x74: {  	s9 =	simm.s32 $0x208;
	v0 =	vimm.s32 $0x0;
	[sflag:s0] =	ssyncpa.u1 $0x0  }
0x75: {  	[tilespmem:s9+$0x70] =	vst v0  }
0x76: {  	[tilespmem:s9+$0x60] =	vst v0  }
0x77: {  	[tilespmem:s9+$0x50] =	vst v0  }
0x78: {  	[tilespmem:s9+$0x40] =	vst v0  }
0x79: {  	s1 =	sadd.s32 $0x9A000, s2;
	s0 =	sadd.s32 $0x7E00, s2;
	[tilespmem:s9+$0x30] =	vst v0  }
0x7a: {  	s6 =	sadd.s32 $0x87A000, s2;
	s3 =	sand.u32 $0x1, s3;
	s4 =	sadd.s32 $0xBE00, s2;
	[tilespmem:s9+$0x20] =	vst v0  }
0x7b: {  	s2 =	simm.s32 $0x40;
	[dreg:$0x4] =	wrdreg s3;
	s5 =	sshll.u32 s3, $0xD;
	[tilespmem:s9+$0x10] =	vst v0  }
.LBB3_1:
0x7c: {  	s2 =	sadd.s32 $0x40, s2;
	[tilespmem:s9+$0x0] =	vst v0;
	s9 =	sadd.s32 $0x80, s9  }
0x7d: {  	p0 =	slt.u32 s2, $0x3880;
	[tilespmem:s9+$0x70] =	vst v0  }
0x7e: {  	[tilespmem:s9+$0x60] =	vst v0  }
.Ltmp5:
0x7f: {  	[tilespmem:s9+$0x50] =	vst v0;
	(pc) =	sbr.rel @p0 .LBB3_1-.Ltmp5, $4  }
0x80: {  	[tilespmem:s9+$0x40] =	vst v0  }
0x81: {  	[tilespmem:s9+$0x30] =	vst v0  }
0x82: {  	[tilespmem:s9+$0x20] =	vst v0  }
0x83: {  	[tilespmem:s9+$0x10] =	vst v0  }
0x84: {  	s11 =	stileid.u32  }
0x85: {  	s2 =	smul.u32 $0x24, s11  }
0x86: {  	s3 =	smin.u32 s11, $0xA  }
0x87: {  	s2 =	sadd.s32 s3, s2  }
0x88: {  	p0 =	slt.u32 s11, $0xA;
	s20 =	smul.u32 $0x70, s2;
	s2 =	simm.s32 $0x1030  }
0x89: {  	s2 =	simm.s32 @!p0 $0xFC0  }
0x8a: {  	s2 =	sadd.s32 s2, s20  }
0x8b: {  	s8 =	smin.u32 s2, $0x10000  }
0x8c: {  	s2 =	ssub.s32 s8, s20  }
0x8d: {  	s28 =	simm.s32 $0x2;
	p0 =	sgt.s32 s2, $0x0  }
0x8e: {  	s10 =	simm.s32 $0x9;
	s30 =	simm.s32 $0xA;
	s2 =	simm.s32 @!p0 $0x0  }
0x8f: {  	s31 =	simm.s32 $0xB;
	s12 =	simm.s32 $0x1;
	s26 =	smulhi.u32 $0x92492493, s2  }
0x90: {  	s14 =	sadd.s32 s5, s4;
	s15 =	sadd.s32 s5, s0;
	s24 =	simm.s32 $0x0  }
0x91: {  	p1 =	por $0x0, $0x0;
	s18 =	simm.s32 $0x80;
	s3 =	sshrl.u32 s26, $0x6  }
0x92: {  	s19 =	simm.s32 $0x400;
	s17 =	simm.s32 $0xC;
	s29 =	smul.u32 $0x70, s3  }
.Ltmp6:
0x93: {  	[tilespmem:s9+$0x0] =	vst v0;
	v0 =	vimm.s32 $0xFFFFFFFF;
	s21 =	simm.s32 $0x0;
	[sflag:s28] =	ssyncpa.u1 $0x0;
	(pc) =	sbr.rel .LBB3_3-.Ltmp6, $4  }
0x94: {  	[tilespmem:$0xE408] =	vst v0;
	[sflag:s10] =	ssyncpa.u1 $0x0;
	p0 =	sne.s32 s2, s29;
	s2 =	simm.s32 $0x1  }
0x95: {  	s23 =	simm.s32 $0x0;
	[sflag:s30] =	ssyncpa.u1 $0x0;
	s2 =	simm.s32 @!p0 $0x0  }
0x96: {  	s16 =	sshll.u32 s11, $0x9;
	[sflag:s31] =	ssyncpa.u1 $0x0;
	s13 =	sadd.s32 s2, s3  }
0x97: {  	v0 =	vlaneseq.u32;
	s22 =	smov.u32 s20;
	p0 =	por $0x1, $0x1;
	s11 =	sadd.s32 $0x1, s13  }
.LBB3_24:
0x98: {  	s2 =	sshrl.u32 s4, $0x2  }
.LBB3_26:
0x99: {  	_ =	swait.ge [sflag:s17], s2  }
0x9a: {  	s31 =	ssub.s32 $0x0, s2;
	v1 =	vmov s26;
	vm0 =	veq.s32 v0, $0x0;
	[sflag:s17] =	ssyncset.done $0x0  }
0x9b: {  	vm15 =	veq.s32 v0, $0x2;
	v1 =	vsel vm0, s0, v1;
	[sflag:s17] =	ssyncadd.s32 s31  }
0x9c: {  	v1 =	vsel vm15, s24, v1;
	[sflag:s17] =	ssyncpa.u1 $0x1  }
0x9d: {  	[tilespmem:$0xE408] =	vst v1  }
.LBB3_27:
0x9e: {  	s0 =	sadd.s32 $0x70, s22  }
0x9f: {  	s2 =	smov.u32 s20;
	p2 =	slt.s32 s0, s8  }
0xa0: {  	s2 =	smov.u32 @p2 s0;
	p2 =	sne.s32 s23, s11  }
.Ltmp7:
0xa1: {  	_ = 	snop;
	(pc) =	sbr.rel @!p2 .LBB3_28-.Ltmp7, $4  }
0xa2: {  	_ = 	snop  }
0xa3: {  	s24 =	smov.u32 s21  }
0xa4: {  	s31 =	sadd.s32 $0x1, s23;
	s21 =	smov.u32 s22;
	p0 =	por !p0, !p0  }
0xa5: {  	p1 =	por !p1, !p1;
	s23 =	smov.u32 s31;
	s22 =	smov.u32 s2  }
.LBB3_3:
0xa6: {  	p2 =	sge.u32 s23, s13  }
0xa7: {  	s0 =	smulhi.u32 @!p2 $0xAAAAAAAB, s23  }
0xa8: {  	s2 =	smov.u32 s22;
	p3 =	sgt.s32 @!p2 s22, $0xFF90  }
0xa9: {  	s3 =	sshra.s32 @!p2 s22, $0x1F;
	p3 =	por !p3, p2;
	s0 =	sshrl.u32 @!p2 s0, $0x1  }
0xaa: {  	s3 =	sand.u32 @!p2 s3, s22;
	s2 =	simm.s32 @p3 $0xFF90;
	s0 =	smul.u32 @!p2 $0x3, s0  }
0xab: {  	s2 =	ssub.s32 @!p2 s2, s3  }
0xac: {  	s2 =	sadd.s32 @!p2 $0xFFFF0070, s2;
	s0 =	ssub.s32 @!p2 s23, s0  }
0xad: {  	s3 =	sshll.u32 @!p2 s2, $0x2;
	p3 =	sgt.s32 @!p2 s2, $0x6F;
	s0 =	smul.u32 @!p2 $0x1C0, s0  }
0xae: {  	s4 =	sand.u32 @!p2 $0x7, s22;
	s2 =	ssub.s32 @!p2 $0x1C0, s3;
	p3 =	por !p3, p2  }
0xaf: {  	s3 =	sshrl.u32 @!p2 s22, $0x3;
	s2 =	sshrl.u32 @!p2 s2, $0x2;
	s0 =	sshrl.u32 @!p2 s0, $0x2  }
0xb0: {  	s3 =	sadd.s32 @!p2 s3, s14;
	s2 =	simm.s32 @!p3 $0x0;
	s0 =	sadd.s32 @!p2 $0x10448, s0  }
0xb1: {  	[tilespmem:s0], [sflag:$0xA] =	stream.linear.gather @!p2 [hbm4b:s3+s4], s2, $0x38;
	[tilespmem:$0x1E678] =	vst v63  }
0xb2: {  	s2 =	sadd.s32 $0xFFFFFFFF, s23  }
0xb3: {  	p2 =	sge.u32 s2, s13  }
0xb4: {  	p3 =	sgt.s32 @!p2 s21, $0xFF90  }
0xb5: {  	s0 =	smov.u32 s21;
	s3 =	sshra.s32 @!p2 s21, $0x1F;
	p3 =	por !p3, p2  }
0xb6: {  	s3 =	sand.u32 @!p2 s3, s21;
	s0 =	simm.s32 @p3 $0xFF90  }
0xb7: {  	s0 =	ssub.s32 @!p2 s0, s3  }
0xb8: {  	s0 =	sadd.s32 @!p2 $0xFFFF0070, s0  }
0xb9: {  	s3 =	sshll.u32 @!p2 s0, $0x2  }
0xba: {  	p3 =	sgt.s32 @!p2 s0, $0x6F;
	s0 =	ssub.s32 @!p2 $0x1C0, s3  }
0xbb: {  	p3 =	por !p3, p2;
	s0 =	sshrl.u32 @!p2 s0, $0x2  }
0xbc: {  	s4 =	simm.s32 @!p2 $0xA;
	s3 =	sand.u32 @!p2 $0x1, s2;
	s0 =	simm.s32 @!p3 $0x0  }
0xbd: {  	s3 =	smul.u32 @!p2 $0x1C0, s3;
	_ =	swait.ge @!p2 [sflag:s4], s0  }
0xbe: {  	s5 =	ssub.s32 @!p2 $0x0, s0;
	[sflag:s4] =	ssyncset.done @!p2 $0x0  }
0xbf: {  	s3 =	sshrl.u32 @!p2 s3, $0x2;
	[sflag:s4] =	ssyncadd.s32 @!p2 s5;
	s4 =	sshrl.u32 @!p2 s21, $0x3  }
0xc0: {  	s3 =	sadd.s32 @!p2 $0x10598, s3;
	s5 =	sand.u32 @!p2 $0x7, s21;
	s4 =	sadd.s32 @!p2 s4, s15  }
0xc1: {  	[tilespmem:s3], [sflag:$0xB] =	stream.linear.gather @!p2 [hbm4b:s4+s5], s0, $0x38;
	[tilespmem:$0x1E678] =	vst v63  }
0xc2: {  	s0 =	ssub.s32 @!p2 $0x10000, s21  }
0xc3: {  	p3 =	slt.s32 @!p2 s0, $0x1  }
0xc4: {  	p3 =	por p2, p3  }
.Ltmp8:
0xc5: {  	_ = 	snop;
	(pc) =	sbr.rel @p3 .LBB3_9-.Ltmp8, $1  }
0xc6: {  	_ =	sdelay $0x3  }
0xc7: {  	s3 =	smulhi.u32 $0xAAAAAAAB, s2;
	_ =	sdelay $0x1  }
0xc8: {  	s3 =	sshrl.u32 s3, $0x1  }
0xc9: {  	s3 =	smul.u32 $0x3, s3;
	_ =	sdelay $0x1  }
0xca: {  	s30 =	ssub.s32 s2, s3  }
0xcb: {  	s4 =	simm.s32 $0x1;
	s2 =	smul.u32 $0x1C0, s30  }
.Ltmp9:
0xcc: {  	s4 =	simm.s32 @!p0 $0x0;
	(pc) =	sbr.rel .LBB3_6-.Ltmp9, $4  }
0xcd: {  	s31 =	smul.u32 $0x1C000, s4  }
0xce: {  	p3 =	slt.s32 @!p2 s0, $0x70;
	s2 =	sshrl.u32 s2, $0x2  }
0xcf: {  	p2 =	por !p3, p2;
	s3 =	sshrl.u32 s31, $0x2;
	s5 =	sadd.s32 $0x10448, s2  }
0xd0: {  	s0 =	simm.s32 @p2 $0x70;
	s4 =	sor.u32 $0x10678, s3;
	s2 =	simm.s32 $0x0;
	v1 =	vmov s5  }
.LBB3_5:
0xd1: {  	p2 =	sge.s32 s2, s0  }
.Ltmp10:
0xd2: {  	_ = 	snop;
	(pc) =	sbr.rel @p2 .LBB3_9-.Ltmp10, $2  }
0xd3: {  	_ =	sdelay $0x2  }
0xd4: {  	s4 =	sadd.s32 $0x1000, s4  }
.LBB3_6:
0xd5: {  	p2 =	sle.s32 s0, s2  }
.Ltmp11:
0xd6: {  	_ = 	snop;
	(pc) =	sbr.rel @p2 .LBB3_5-.Ltmp11, $2  }
0xd7: {  	_ =	sdelay $0x2  }
0xd8: {  	s5 =	smov.u32 s2;
	s2 =	sadd.s32 $0x10, s2  }
0xd9: {  	s3 =	ssub.s32 s0, s5  }
0xda: {  	p2 =	slt.s32 s3, $0x10  }
0xdb: {  	s3 =	simm.s32 @!p2 $0x10  }
0xdc: {  	v2 =	vmov s3  }
0xdd: {  	vm0 =	vgt.s32 v2, v0;
	_ =	sdelay $0x5  }
0xde: {  	v2 =	vld.idx.msk [tilespmem:v1+s5+$0x0 ss:$0x1], vm0;
	_ =	sdelay $0x2  }
0xdf: {  	p2 =	slt.s32 s2, s0;
	s3 =	smov.u32 s0  }
0xe0: {  	s9 =	smov.u32 s4;
	s25 =	simm.s32 $0x0;
	s3 =	smov.u32 @p2 s2  }
.LBB3_8:
0xe1: {  	(v2sf) =	vpush v2, s25;
	_ =	sdelay $0xe  }
0xe2: {  	s25 =	sadd.s32 $0x1, s25;
	s10 =	spop (v2sf)  }
0xe3: {  	s31 =	sadd.s32 s25, s5;
	s26 =	sshll.u32 s10, $0x8;
	s10 =	sshll.u32 s10, $0x7  }
0xe4: {  	p2 =	slt.s32 s31, s3;
	s26 =	sand.u32 $0xFFFFF800, s26;
	s10 =	sand.u32 $0x380, s10  }
.Ltmp12:
0xe5: {  	s10 =	sor.u32 s10, s26;
	(pc) =	sbr.rel @p2 .LBB3_8-.Ltmp12, $4  }
0xe6: {  	s10 =	sshrl.u32 s10, $0x3  }
0xe7: {  	s10 =	sadd.s32 s6, s10  }
0xe8: {  	[tilespmem:s9], [sflag:$0x9] =	stream.strided.gather [hbm4b:s10+s18], $0x100, s19, s18, $0x38;
	[tilespmem:$0x1E678] =	vst v63  }
0xe9: {  	s9 =	sadd.s32 $0x100, s9  }
.Ltmp13:
0xea: {  	_ = 	snop;
	(pc) =	sbr.rel .LBB3_5-.Ltmp13, $1  }
0xeb: {  	_ =	sdelay $0x3  }
.LBB3_9:
0xec: {  	p2 =	slt.u32 s23, $0x2  }
.Ltmp14:
0xed: {  	_ = 	snop;
	(pc) =	sbr.rel @p2 .LBB3_27-.Ltmp14, $1  }
0xee: {  	_ =	sdelay $0x3  }
0xef: {  	p2 =	sgt.s32 s24, $0xFF90  }
0xf0: {  	s0 =	smov.u32 s24;
	s2 =	sshra.s32 s24, $0x1F;
	s3 =	ssub.s32 $0x10000, s24  }
0xf1: {  	s0 =	simm.s32 @!p2 $0xFF90;
	s2 =	sand.u32 s2, s24;
	p2 =	slt.s32 s3, $0x70  }
0xf2: {  	s0 =	ssub.s32 s0, s2;
	s3 =	simm.s32 @!p2 $0x70  }
0xf3: {  	s0 =	sadd.s32 $0xFFFF0070, s0;
	s9 =	sshll.u32 s3, $0x8  }
0xf4: {  	s26 =	simm.s32 $0x9;
	s10 =	sshll.u32 s0, $0x2;
	s2 =	sand.u32 $0x3FFFFF00, s9  }
0xf5: {  	p2 =	sgt.s32 s0, $0x6F;
	s25 =	ssub.s32 $0x1C0, s10;
	_ =	swait.ge [sflag:s26], s2  }
0xf6: {  	s2 =	ssub.s32 $0x0, s2;
	[sflag:s26] =	ssyncset.done $0x0;
	s0 =	sshrl.u32 s25, $0x2  }
0xf7: {  	s29 =	simm.s32 $0xB;
	[sflag:s26] =	ssyncadd.s32 s2;
	s0 =	simm.s32 @p2 $0x0  }
0xf8: {  	_ =	swait.ge [sflag:s29], s0  }
0xf9: {  	s0 =	ssub.s32 $0x0, s0;
	[sflag:s29] =	ssyncset.done $0x0  }
0xfa: {  	[sflag:s29] =	ssyncadd.s32 s0  }
0xfb: {  	v1 =	vld [tilespmem:$0xE408];
	_ =	sdelay $0x4  }
0xfc: {  	(v2sf) =	vpush v1, $0x0  }
0xfd: {  	(v2sf) =	vpush v1, $0x1  }
0xfe: {  	(v2sf) =	vpush v1, $0x2;
	_ =	sdelay $0x3  }
0xff: {  	s0 =	sadd.s32 $0x70, s24  }
0x100: {  	s2 =	ssub.s32 $0x20000, s24;
	p2 =	slt.s32 s8, s0  }
0x101: {  	s0 =	smov.u32 @p2 s8;
	p2 =	sgt.s32 s2, $0x0  }
0x102: {  	s0 =	ssub.s32 s0, s24;
	s2 =	simm.s32 @!p2 $0x0  }
0x103: {  	p2 =	slt.s32 s2, s0  }
0x104: {  	s0 =	smov.u32 @p2 s2  }
0x105: {  	s4 =	simm.s32 $0x1;
	p2 =	slt.s32 s0, $0x1  }
.Ltmp15:
0x106: {  	s4 =	simm.s32 @!p1 $0x0;
	(pc) =	sbr.rel @p2 .LBB3_14-.Ltmp15, $4  }
0x107: {  	s30 =	smul.u32 $0x1C0, s4  }
0x108: {  	s5 =	spop (v2sf)  }
0x109: {  	s31 =	sshrl.u32 s30, $0x2;
	s28 =	spop (v2sf)  }
0x10a: {  	s25 =	sadd.s32 $0x10598, s31;
	s24 =	spop (v2sf)  }
0x10b: {  	s2 =	smin.u32 s0, $0x10  }
0x10c: {  	v1 =	vmov s2  }
0x10d: {  	vm1 =	vgt.u32 v1, v0  }
0x10e: {  	p3 =	sgt.s32 s0, $0x10  }
.Ltmp16:
0x10f: {  	_ = 	snop;
	(pc) =	sbr.rel @!p3 .LBB3_13-.Ltmp16, $2  }
0x110: {  	_ =	sdelay $0x2  }
0x111: {  	s26 =	simm.s32 $0x10;
	s29 =	sadd.s32 $0xFFFFFFF0, s0;
	s2 =	smov.u32 s25;
	vm0 =	vmmov vm1;
	v1 =	vld.msk [tilespmem:s25+$0x0 ss:$0x1], vm1  }
.LBB3_12:
0x112: {  	s3 =	smin.u32 s29, $0x10;
	s26 =	sadd.s32 $0x10, s26  }
0x113: {  	v2 =	vmov s3;
	p3 =	slt.s32 s26, s0  }
0x114: {  	vm1 =	vgt.u32 v2, v0;
	_ =	sdelay $0x1  }
0x115: {  	v2 =	vshll.u32 v1, $0x5;
	v1 =	vshll.u32 v1, $0x4  }
.Ltmp17:
0x116: {  	v2 =	vand.u32 $0xFFFFFF00, v2;
	v1 =	vand.u32 $0x70, v1;
	(pc) =	sbr.rel @p3 .LBB3_12-.Ltmp17, $4  }
0x117: {  	v1 =	vor.u32 v1, v2  }
0x118: {  	[tilespmem:s2+$0x0] =	vst.msk vm0, v1;
	s2 =	sadd.s32 $0x10, s2;
	vm0 =	vmmov vm1  }
0x119: {  	v1 =	vld.msk [tilespmem:s2+$0x0 ss:$0x1], vm1  }
0x11a: {  	s29 =	sadd.s32 $0xFFFFFFF0, s29  }
.LBB3_13:
0x11b: {  	_ =	sdelay $0x3  }
0x11c: {  	v2 =	vshll.u32 v1, $0x5;
	v1 =	vshll.u32 v1, $0x4  }
0x11d: {  	v2 =	vand.u32 $0xFFFFFF00, v2;
	v1 =	vand.u32 $0x70, v1  }
0x11e: {  	v1 =	vor.u32 v1, v2  }
0x11f: {  	[tilespmem:s2+$0x0] =	vst.msk vm0, v1  }
.LBB3_14:
0x120: {  	s2 =	sand.u32 $0x1, s23  }
0x121: {  	s2 =	smul.u32 $0x70, s2  }
0x122: {  	p3 =	sne.s32 s28, $0xFFFFFFFF  }
0x123: {  	v1 =	vld.msk @!p3 [tilespmem:s2+$0x10598], $0x1;
	_ =	sdelay $0x4  }
0x124: {  	(v2sf) =	vpush @!p3 v1, $0x0;
	_ =	sdelay $0xc  }
.Ltmp18:
0x125: {  	_ = 	snop;
	(pc) =	sbr.rel @p2 .LBB3_25-.Ltmp18, $4  }
0x126: {  	_ = 	snop  }
0x127: {  	s31 =	spop @!p3 (v2sf)  }
0x128: {  	s24 =	simm.s32 @!p3 $0x0;
	s26 =	smov.u32 s31  }
0x129: {  	[sflag:s17] =	ssyncpa.u1 $0x0;
	s31 =	smov.u32 @p3 s5;
	s26 =	smov.u32 @p3 s28  }
0x12a: {  	v1 =	vld.msk [tilespmem:s25+$0x0], $0x1;
	_ =	sdelay $0x4  }
0x12b: {  	(v2sf) =	vpush v1, $0x0;
	_ =	sdelay $0xe  }
0x12c: {  	s7 =	smov.u32 s11;
	s5 =	spop (v2sf)  }
0x12d: {  	s17 =	smov.u32 s15;
	s2 =	smul.u32 $0x1C000, s4;
	p2 =	seq.s32 s31, s5  }
0x12e: {  	s3 =	smov.u32 s31;
	s29 =	ssub.s32 $0x0, s0;
	p3 =	sgt.s32 @!p2 s31, $0x0  }
0x12f: {  	s30 =	simm.s32 $0x0;
	s2 =	sshrl.u32 s2, $0x2;
	p3 =	por !p3, p2  }
0x130: {  	s0 =	sadd.s32 $0x1, s29;
	s28 =	sor.u32 $0x106F8, s2;
	s3 =	simm.s32 @p3 $0x0  }
0x131: {  	s2 =	simm.s32 @!p2 $0x1;
	p3 =	seq.s32 s0, $0x0;
	s3 =	smin.u32 @!p2 s3, $0x3FF70  }
.Ltmp19:
0x132: {  	s4 =	simm.s32 @!p2 $0x7308;
	s9 =	sand.u32 @!p2 $0x3FFF8, s3;
	(pc) =	sbr.rel @p3 .LBB3_17-.Ltmp19, $4  }
0x133: {  	s10 =	sadd.s32 @!p2 $0x80, s3;
	s11 =	sadd.s32 @!p2 s1, s9;
	s9 =	sand.u32 @!p2 $0x7, s3  }
0x134: {  	[tilespmem:s4], [sflag:$0x2] =	stream.linear.gather @!p2 [hbm4b:s11+s9], $0x80, $0x38;
	[tilespmem:$0x1E678] =	vst v63  }
0x135: {  	s15 =	smov.u32 s14;
	s2 =	smov.u32 @p2 s30;
	s4 =	sand.u32 @!p2 $0x7FFF8, s10  }
0x136: {  	s3 =	simm.s32 @!p2 $0x7388;
	s10 =	sadd.s32 @!p2 s1, s4;
	s4 =	sadd.s32 $0x1, s25  }
.LBB3_16:
0x137: {  	s11 =	smov.u32 s2  }
0x138: {  	[tilespmem:s3], [sflag:$0x2] =	stream.linear.gather @!p2 [hbm4b:s10+s9], $0x80, $0x38;
	[tilespmem:$0x1E678] =	vst v63  }
0x139: {  	s0 =	sadd.s32 $0x1, s0;
	s9 =	smov.u32 s5;
	v1 =	vld.msk [tilespmem:s4+$0x0], $0x1  }
0x13a: {  	p3 =	seq.s32 s0, $0x0;
	_ =	sdelay $0x3  }
0x13b: {  	(v2sf) =	vpush v1, $0x0;
	_ =	sdelay $0xe  }
0x13c: {  	s5 =	spop (v2sf)  }
0x13d: {  	p2 =	seq.s32 s9, s5  }
0x13e: {  	p4 =	sgt.s32 @!p2 s9, $0x0;
	s3 =	sshll.u32 @!p2 s2, $0xA;
	s2 =	sadd.s32 @!p2 $0x1, s2  }
0x13f: {  	p4 =	por !p4, p2;
	s3 =	sshra.s32 @!p2 s3, $0x2;
	s2 =	smov.u32 @p2 s11  }
0x140: {  	s9 =	simm.s32 @p4 $0x0;
	s10 =	sadd.s32 @!p2 $0x7308, s3;
	s3 =	sadd.s32 @!p2 $0x7388, s3  }
.Ltmp20:
0x141: {  	s9 =	smin.u32 @!p2 s9, $0x3FF70;
	(pc) =	sbr.rel @!p3 .LBB3_16-.Ltmp20, $4  }
0x142: {  	s11 =	sand.u32 @!p2 $0x3FFF8, s9;
	s14 =	sadd.s32 @!p2 $0x80, s9  }
0x143: {  	s9 =	sand.u32 @!p2 $0x7, s9;
	s11 =	sadd.s32 @!p2 s1, s11;
	s14 =	sand.u32 @!p2 $0x7FFF8, s14  }
0x144: {  	[tilespmem:s10], [sflag:$0x2] =	stream.linear.gather @!p2 [hbm4b:s11+s9], $0x80, $0x38;
	[tilespmem:$0x1E678] =	vst v63  }
0x145: {  	s4 =	sadd.s32 $0x1, s4;
	s10 =	sadd.s32 @!p2 s1, s14  }
.LBB3_17:
0x146: {  	[tilespmem:s3], [sflag:$0x2] =	stream.linear.gather @!p2 [hbm4b:s10+s9], $0x80, $0x38;
	[tilespmem:$0x1E678] =	vst v63  }
0x147: {  	s0 =	sshll.u32 s2, $0x8  }
.Ltmp21:
0x148: {  	s14 =	simm.s32 $0x2;
	s0 =	sand.u32 $0x3FFFFF00, s0;
	(pc) =	sbr.rel .LBB3_18-.Ltmp21, $4  }
0x149: {  	_ =	swait.ge [sflag:s14], s0  }
0x14a: {  	s0 =	ssub.s32 $0x0, s0;
	[sflag:s14] =	ssyncset.done $0x0  }
0x14b: {  	s4 =	simm.s32 $0x0;
	s11 =	smov.u32 s7;
	[sflag:s14] =	ssyncadd.s32 s0  }
0x14c: {  	s14 =	smov.u32 s15;
	s15 =	smov.u32 s17;
	s17 =	simm.s32 $0xC  }
.LBB3_19:
0x14d: {  	v1 =	vld [tilespmem:s28+$0xFFFFFF80];
	_ =	sdelay $0x4  }
0x14e: {  	[tilespmem:s5+$0x208] =	vst.add.f32.msk $0xffff, v1  }
0x14f: {  	v1 =	vld [tilespmem:s28+$0xFFFFFF90];
	_ =	sdelay $0x4  }
0x150: {  	[tilespmem:s5+$0x218] =	vst.add.f32.msk $0xffff, v1  }
0x151: {  	v1 =	vld [tilespmem:s28+$0xFFFFFFA0];
	_ =	sdelay $0x4  }
0x152: {  	[tilespmem:s5+$0x228] =	vst.add.f32.msk $0xffff, v1  }
0x153: {  	v1 =	vld [tilespmem:s28+$0xFFFFFFB0];
	_ =	sdelay $0x4  }
0x154: {  	[tilespmem:s5+$0x238] =	vst.add.f32.msk $0xffff, v1  }
0x155: {  	v1 =	vld [tilespmem:s28+$0xFFFFFFC0];
	_ =	sdelay $0x4  }
0x156: {  	[tilespmem:s5+$0x248] =	vst.add.f32.msk $0xffff, v1  }
0x157: {  	v1 =	vld [tilespmem:s28+$0xFFFFFFD0];
	_ =	sdelay $0x4  }
0x158: {  	[tilespmem:s5+$0x258] =	vst.add.f32.msk $0xffff, v1  }
0x159: {  	v1 =	vld [tilespmem:s28+$0xFFFFFFE0];
	_ =	sdelay $0x4  }
0x15a: {  	[tilespmem:s5+$0x268] =	vst.add.f32.msk $0xffff, v1  }
0x15b: {  	v1 =	vld [tilespmem:s28+$0xFFFFFFF0];
	_ =	sdelay $0x4  }
0x15c: {  	[tilespmem:s5+$0x278] =	vst.add.f32.msk $0xffff, v1  }
0x15d: {  	v1 =	vld [tilespmem:s28+$0x0];
	_ =	sdelay $0x4  }
0x15e: {  	[tilespmem:s5+$0x288] =	vst.add.f32.msk $0xffff, v1  }
0x15f: {  	v1 =	vld [tilespmem:s28+$0x10];
	_ =	sdelay $0x4  }
0x160: {  	[tilespmem:s5+$0x298] =	vst.add.f32.msk $0xffff, v1  }
0x161: {  	v1 =	vld [tilespmem:s28+$0x20];
	_ =	sdelay $0x4  }
0x162: {  	[tilespmem:s5+$0x2A8] =	vst.add.f32.msk $0xffff, v1  }
0x163: {  	v1 =	vld [tilespmem:s28+$0x30];
	_ =	sdelay $0x4  }
0x164: {  	[tilespmem:s5+$0x2B8] =	vst.add.f32.msk $0xffff, v1  }
0x165: {  	v1 =	vld [tilespmem:s28+$0x40];
	_ =	sdelay $0x4  }
0x166: {  	[tilespmem:s5+$0x2C8] =	vst.add.f32.msk $0xffff, v1  }
0x167: {  	v1 =	vld [tilespmem:s28+$0x50];
	_ =	sdelay $0x4  }
0x168: {  	[tilespmem:s5+$0x2D8] =	vst.add.f32.msk $0xffff, v1  }
0x169: {  	v1 =	vld [tilespmem:s28+$0x60];
	_ =	sdelay $0x4  }
0x16a: {  	[tilespmem:s5+$0x2E8] =	vst.add.f32.msk $0xffff, v1  }
0x16b: {  	v1 =	vld [tilespmem:s28+$0x70];
	_ =	sdelay $0x4  }
0x16c: {  	[tilespmem:s5+$0x2F8] =	vst.add.f32.msk $0xffff, v1  }
.LBB3_23:
0x16d: {  	s29 =	sadd.s32 $0x1, s29  }
0x16e: {  	p2 =	seq.s32 s29, $0x0  }
.Ltmp22:
0x16f: {  	_ = 	snop;
	(pc) =	sbr.rel @p2 .LBB3_24-.Ltmp22, $2  }
0x170: {  	_ =	sdelay $0x2  }
0x171: {  	s25 =	sadd.s32 $0x1, s25;
	s28 =	sadd.s32 $0x100, s28;
	s31 =	smov.u32 s0  }
.LBB3_18:
0x172: {  	v1 =	vld.msk [tilespmem:s25+$0x0], $0x1;
	_ =	sdelay $0x4  }
0x173: {  	(v2sf) =	vpush v1, $0x0;
	_ =	sdelay $0xe  }
0x174: {  	s0 =	spop (v2sf)  }
0x175: {  	p2 =	sne.s32 s31, s0  }
.Ltmp23:
0x176: {  	_ = 	snop;
	(pc) =	sbr.rel @!p2 .LBB3_19-.Ltmp23, $3  }
0x177: {  	_ =	sdelay $0x1  }
0x178: {  	s2 =	sshll.u32 s24, $0xA  }
0x179: {  	s5 =	sshra.s32 s2, $0x2  }
0x17a: {  	p2 =	seq.s32 s31, s26  }
.Ltmp24:
0x17b: {  	_ = 	snop;
	(pc) =	sbr.rel @!p2 .LBB3_21-.Ltmp24, $1  }
0x17c: {  	_ =	sdelay $0x3  }
.Ltmp25:
0x17d: {  	s2 =	sadd.s32 $0x208, s5;
	(pc) =	sbr.rel .LBB3_22-.Ltmp25, $4  }
0x17e: {  	[spmem:s16] =	stream.linear.scatter [tilespmem:s2], [sflag:$0x1], $0x100, $0x38;
	[tilespmem:$0x1E678] =	vst v63  }
0x17f: {  	_ =	swait.ge [sflag:s12], $0x100  }
0x180: {  	[sflag:s12] =	ssyncset.done $0x0  }
0x181: {  	[sflag:s12] =	ssyncadd.s32 $0xFFFFFF00  }
.LBB3_21:
0x182: {  	s2 =	sshll.u32 s30, $0xA  }
0x183: {  	s2 =	sshra.s32 s2, $0x2  }
0x184: {  	v1 =	vld [tilespmem:s2+$0x7308];
	_ =	sdelay $0x4  }
0x185: {  	[tilespmem:s5+$0x208] =	vst.add.f32.msk $0xffff, v1  }
0x186: {  	v1 =	vld [tilespmem:s2+$0x7318];
	_ =	sdelay $0x4  }
0x187: {  	[tilespmem:s5+$0x218] =	vst.add.f32.msk $0xffff, v1  }
0x188: {  	v1 =	vld [tilespmem:s2+$0x7328];
	_ =	sdelay $0x4  }
0x189: {  	[tilespmem:s5+$0x228] =	vst.add.f32.msk $0xffff, v1  }
0x18a: {  	v1 =	vld [tilespmem:s2+$0x7338];
	_ =	sdelay $0x4  }
0x18b: {  	[tilespmem:s5+$0x238] =	vst.add.f32.msk $0xffff, v1  }
0x18c: {  	v1 =	vld [tilespmem:s2+$0x7348];
	_ =	sdelay $0x4  }
0x18d: {  	[tilespmem:s5+$0x248] =	vst.add.f32.msk $0xffff, v1  }
0x18e: {  	v1 =	vld [tilespmem:s2+$0x7358];
	_ =	sdelay $0x4  }
0x18f: {  	[tilespmem:s5+$0x258] =	vst.add.f32.msk $0xffff, v1  }
0x190: {  	v1 =	vld [tilespmem:s2+$0x7368];
	_ =	sdelay $0x4  }
0x191: {  	[tilespmem:s5+$0x268] =	vst.add.f32.msk $0xffff, v1  }
0x192: {  	v1 =	vld [tilespmem:s2+$0x7378];
	_ =	sdelay $0x4  }
0x193: {  	[tilespmem:s5+$0x278] =	vst.add.f32.msk $0xffff, v1  }
0x194: {  	v1 =	vld [tilespmem:s2+$0x7388];
	_ =	sdelay $0x4  }
0x195: {  	[tilespmem:s5+$0x288] =	vst.add.f32.msk $0xffff, v1  }
0x196: {  	v1 =	vld [tilespmem:s2+$0x7398];
	_ =	sdelay $0x4  }
0x197: {  	[tilespmem:s5+$0x298] =	vst.add.f32.msk $0xffff, v1  }
0x198: {  	v1 =	vld [tilespmem:s2+$0x73A8];
	_ =	sdelay $0x4  }
0x199: {  	[tilespmem:s5+$0x2A8] =	vst.add.f32.msk $0xffff, v1  }
0x19a: {  	v1 =	vld [tilespmem:s2+$0x73B8];
	_ =	sdelay $0x4  }
0x19b: {  	[tilespmem:s5+$0x2B8] =	vst.add.f32.msk $0xffff, v1  }
0x19c: {  	v1 =	vld [tilespmem:s2+$0x73C8];
	_ =	sdelay $0x4  }
0x19d: {  	[tilespmem:s5+$0x2C8] =	vst.add.f32.msk $0xffff, v1  }
0x19e: {  	v1 =	vld [tilespmem:s2+$0x73D8];
	_ =	sdelay $0x4  }
0x19f: {  	[tilespmem:s5+$0x2D8] =	vst.add.f32.msk $0xffff, v1  }
0x1a0: {  	v1 =	vld [tilespmem:s2+$0x73E8];
	_ =	sdelay $0x4  }
0x1a1: {  	[tilespmem:s5+$0x2E8] =	vst.add.f32.msk $0xffff, v1  }
0x1a2: {  	v1 =	vld [tilespmem:s2+$0x73F8];
	_ =	sdelay $0x2  }
0x1a3: {  	p2 =	sgt.u32 s31, $0x3FF70  }
0x1a4: {  	s2 =	sand.u32 @!p2 $0x3FFF8, s31  }
0x1a5: {  	s3 =	sadd.s32 $0x208, s5;
	s9 =	sand.u32 @!p2 $0x7, s31;
	s2 =	sadd.s32 @!p2 s1, s2;
	[tilespmem:s5+$0x2F8] =	vst.add.f32.msk $0xffff, v1  }
0x1a6: {  	[hbm4b:s2+s9] =	stream.linear.scatter @!p2 [tilespmem:s3], [sflag:$0xC], $0x80, $0x38;
	[tilespmem:$0x1E678] =	vst v63  }
0x1a7: {  	s2 =	sadd.s32 @!p2 $0x80, s31  }
0x1a8: {  	s2 =	sand.u32 @!p2 $0x7FFF8, s2  }
0x1a9: {  	s3 =	sadd.s32 $0x288, s5;
	s2 =	sadd.s32 @!p2 s1, s2  }
0x1aa: {  	[hbm4b:s2+s9] =	stream.linear.scatter @!p2 [tilespmem:s3], [sflag:$0xC], $0x80, $0x38;
	[tilespmem:$0x1E678] =	vst v63  }
0x1ab: {  	s2 =	simm.s32 $0x0  }
0x1ac: {  	s2 =	simm.s32 @!p2 $0x400  }
0x1ad: {  	s4 =	sadd.s32 s2, s4  }
.LBB3_22:
0x1ae: {  	s2 =	sadd.s32 $0x1, s24  }
0x1af: {  	s3 =	sshrl.u32 s2, $0x4  }
0x1b0: {  	s3 =	smulhi.u32 $0x24924925, s3  }
0x1b1: {  	v1 =	vld [tilespmem:s28+$0xFFFFFF80]  }
0x1b2: {  	s3 =	smul.u32 $0x70, s3;
	_ =	sdelay $0x1  }
0x1b3: {  	s24 =	ssub.s32 s2, s3  }
0x1b4: {  	s2 =	sshll.u32 s24, $0x8  }
0x1b5: {  	[tilespmem:s2+$0x208] =	vst v1  }
0x1b6: {  	v1 =	vld [tilespmem:s28+$0xFFFFFF90];
	_ =	sdelay $0x4  }
0x1b7: {  	[tilespmem:s2+$0x218] =	vst v1  }
0x1b8: {  	v1 =	vld [tilespmem:s28+$0xFFFFFFA0];
	_ =	sdelay $0x4  }
0x1b9: {  	[tilespmem:s2+$0x228] =	vst v1  }
0x1ba: {  	v1 =	vld [tilespmem:s28+$0xFFFFFFB0];
	_ =	sdelay $0x4  }
0x1bb: {  	[tilespmem:s2+$0x238] =	vst v1  }
0x1bc: {  	v1 =	vld [tilespmem:s28+$0xFFFFFFC0];
	_ =	sdelay $0x4  }
0x1bd: {  	[tilespmem:s2+$0x248] =	vst v1  }
0x1be: {  	v1 =	vld [tilespmem:s28+$0xFFFFFFD0];
	_ =	sdelay $0x4  }
0x1bf: {  	[tilespmem:s2+$0x258] =	vst v1  }
0x1c0: {  	v1 =	vld [tilespmem:s28+$0xFFFFFFE0];
	_ =	sdelay $0x4  }
0x1c1: {  	[tilespmem:s2+$0x268] =	vst v1  }
0x1c2: {  	v1 =	vld [tilespmem:s28+$0xFFFFFFF0];
	_ =	sdelay $0x4  }
0x1c3: {  	[tilespmem:s2+$0x278] =	vst v1  }
0x1c4: {  	v1 =	vld [tilespmem:s28+$0x0];
	_ =	sdelay $0x4  }
0x1c5: {  	[tilespmem:s2+$0x288] =	vst v1  }
0x1c6: {  	v1 =	vld [tilespmem:s28+$0x10];
	_ =	sdelay $0x4  }
0x1c7: {  	[tilespmem:s2+$0x298] =	vst v1  }
0x1c8: {  	v1 =	vld [tilespmem:s28+$0x20];
	_ =	sdelay $0x4  }
0x1c9: {  	[tilespmem:s2+$0x2A8] =	vst v1  }
0x1ca: {  	v1 =	vld [tilespmem:s28+$0x30];
	_ =	sdelay $0x4  }
0x1cb: {  	[tilespmem:s2+$0x2B8] =	vst v1  }
0x1cc: {  	v1 =	vld [tilespmem:s28+$0x40];
	_ =	sdelay $0x4  }
0x1cd: {  	[tilespmem:s2+$0x2C8] =	vst v1  }
0x1ce: {  	v1 =	vld [tilespmem:s28+$0x50];
	_ =	sdelay $0x4  }
0x1cf: {  	[tilespmem:s2+$0x2D8] =	vst v1  }
0x1d0: {  	v1 =	vld [tilespmem:s28+$0x60];
	_ =	sdelay $0x4  }
0x1d1: {  	[tilespmem:s2+$0x2E8] =	vst v1  }
0x1d2: {  	v1 =	vld [tilespmem:s28+$0x70]  }
.Ltmp26:
0x1d3: {  	_ = 	snop;
	(pc) =	sbr.rel .LBB3_23-.Ltmp26, $2  }
0x1d4: {  	_ =	sdelay $0x2  }
0x1d5: {  	s30 =	sadd.s32 $0x1, s30;
	[tilespmem:s2+$0x2F8] =	vst v1  }
.LBB3_25:
.Ltmp27:
0x1d6: {  	(pc) =	sbr.rel .LBB3_26-.Ltmp27, $4  }
0x1d7: {  	_ = 	snop  }
0x1d8: {  	s0 =	simm.s32 $0x2  }
0x1d9: {  	_ =	swait.ge [sflag:s0], $0x0  }
0x1da: {  	s2 =	simm.s32 $0x0;
	[sflag:s0] =	ssyncset.done $0x0;
	s0 =	smov.u32 s31  }
.LBB3_28:
0x1db: {  	_ =	sfence.sel $0x180000  }
0x1dc: {  	s0 =	simm.s32 $0x9;
	[bflag:$0x0] =	sbarrier.arrive $0xFFFF  }
0x1dd: {  	s24 =	simm.s32 $0xA;
	[sflag:s0] =	ssyncpa.u1 $0x1  }
0x1de: {  	s25 =	simm.s32 $0xB;
	[sflag:s24] =	ssyncpa.u1 $0x1  }
0x1df: {  	s26 =	simm.s32 $0x2;
	[sflag:s25] =	ssyncpa.u1 $0x1  }
0x1e0: {  	[sflag:s26] =	ssyncpa.u1 $0x1  }
0x1e1: {  	v0 =	vld [tilespmem:$0xE408];
	_ =	sdelay $0x4  }
0x1e2: {  	(v2sf) =	vpush v0, $0x0  }
0x1e3: {  	(v2sf) =	vpush v0, $0x1;
	_ =	sdelay $0x1  }
0x1e4: {  	(v2sf) =	vpush v0, $0x2;
	_ =	sdelay $0xb  }
0x1e5: {  	s0 =	spop (v2sf)  }
0x1e6: {  	s2 =	spop (v2sf)  }
0x1e7: {  	s3 =	smov.u32 s0;
	p0 =	sne.s32 s0, s2  }
0x1e8: {  	s4 =	spop (v2sf);
	s3 =	simm.s32 @!p0 $0xFFFFFFFF  }
0x1e9: {  	v2 =	vimm.s32 $0x1;
	v3 =	vlaneseq.u32;
	p0 =	seq.s32 s4, $0xFFFFFFFF;
	v1 =	vmov s3  }
0x1ea: {  	s15 =	stileid.u32;
	v0 =	vperm.xlane v0, v2;
	p1 =	sne.s32 @!p0 s0, s2;
	v1 =	vperm.xlane v1, v3  }
0x1eb: {  	vm0 =	vcmask $0x3F04;
	s6 =	simm.s32 $0xE408;
	s0 =	simm.s32 @!p0 $0x1;
	p1 =	por !p1, p0  }
0x1ec: {  	s3 =	sshll.u32 s15, $0x1;
	s2 =	sshll.u32 @!p0 s4, $0xA;
	s0 =	simm.s32 @p1 $0x0;
	v0 =	vsel vm0, v1, v0  }
0x1ed: {  	s5 =	sor.u32 $0x2000, s3;
	s2 =	sshra.s32 @!p0 s2, $0x2;
	s0 =	sor.u32 @!p0 s0, s3;
	[tilespmem:$0xE408] =	vst v0  }
0x1ee: {  	[spmem:s5] =	stream.linear.scatter [tilespmem:s6], [sflag:$0x1], $0x2, $0x38;
	[tilespmem:$0x1E678] =	vst v63  }
0x1ef: {  	s2 =	sadd.s32 @!p0 $0x208, s2;
	s0 =	sshll.u32 @!p0 s0, $0x8  }
0x1f0: {  	[spmem:s0] =	stream.linear.scatter @!p0 [tilespmem:s2], [sflag:$0x1], $0x100, $0x38;
	[tilespmem:$0x1E678] =	vst v63  }
0x1f1: {  	s0 =	simm.s32 @!p0 $0x102  }
0x1f2: {  	s28 =	simm.s32 $0x1;
	s0 =	simm.s32 @p0 $0x2  }
0x1f3: {  	_ =	swait.ge [sflag:s28], s0  }
0x1f4: {  	s0 =	ssub.s32 $0x0, s0;
	[sflag:s28] =	ssyncset.done $0x0  }
0x1f5: {  	p0 =	sne.s32 s15, $0x0;
	[sflag:s28] =	ssyncadd.s32 s0  }
.Ltmp28:
0x1f6: {  	_ =	sfence.stream.spmem;
	(pc) =	sbr.rel @p0 .LBB3_45-.Ltmp28, $4  }
0x1f7: {  	s29 =	simm.s32 $0x3;
	[bflag:$0x0] =	sbarrier.arrive $0xFFFF  }
0x1f8: {  	s30 =	simm.s32 $0x4;
	[sflag:s29] =	ssyncpa.u1 $0x1  }
0x1f9: {  	s31 =	simm.s32 $0x3C;
	[sflag:s30] =	ssyncpa.u1 $0x1  }
0x1fa: {  	s14 =	rddreg [dreg:$0x4];
	[sflag:s31] =	ssyncpa.u1 $0x1  }
0x1fb: {  	_ =	sfence.stream.spmem;
	s0 =	simm.s32 $0x5  }
0x1fc: {  	s2 =	simm.s32 $0x2000;
	s3 =	simm.s32 $0xE418;
	[sflag:s0] =	ssyncpa.u1 $0x0  }
0x1fd: {  	[tilespmem:s3], [sflag:$0x5] =	stream.linear.gather [spmem:s2], $0x20, $0x38;
	[tilespmem:$0x1E678] =	vst v63  }
0x1fe: {  	s26 =	simm.s32 $0x0;
	s28 =	simm.s32 $0xE438  }
0x1ff: {  	[tilespmem:s28], [sflag:$0x5] =	stream.linear.gather [spmem:s26], $0x2000, $0x38;
	[tilespmem:$0x1E678] =	vst v63  }
0x200: {  	_ =	swait.ge [sflag:s0], $0x2020  }
0x201: {  	[sflag:s0] =	ssyncset.done $0x0  }
0x202: {  	s29 =	simm.s32 $0x0;
	[sflag:s0] =	ssyncadd.s32 $0xFFFFDFE0  }
0x203: {  	v0 =	vld.msk [tilespmem:s29+$0xE418], $0x1;
	_ =	sdelay $0x1  }
0x204: {  	s30 =	simm.s32 $0x1  }
0x205: {  	v1 =	vld.msk [tilespmem:s30+$0xE418], $0x1;
	_ =	sdelay $0x1  }
0x206: {  	(v2sf) =	vpush v0, $0x0;
	_ =	sdelay $0x2  }
0x207: {  	(v2sf) =	vpush v1, $0x0;
	_ =	sdelay $0x2  }
0x208: {  	s31 =	simm.s32 $0x2  }
0x209: {  	v0 =	vld.msk [tilespmem:s31+$0xE418], $0x1;
	_ =	sdelay $0x2  }
0x20a: {  	s2 =	simm.s32 $0xFFFFFFFF;
	s3 =	simm.s32 $0xFFFFFFFF;
	s0 =	simm.s32 $0xC  }
.LBB3_30:
0x20b: {  	s4 =	smov.u32 s3;
	s5 =	smov.u32 s2  }
0x20c: {  	s2 =	sshra.s32 s0, $0x2;
	p1 =	sne.s32 s0, $0x7C;
	s0 =	sadd.s32 $0x4, s0;
	(v2sf) =	vpush v0, $0x0  }
0x20d: {  	v0 =	vld.msk [tilespmem:s2+$0xE418], $0x1  }
.Ltmp29:
0x20e: {  	(pc) =	sbr.rel @p1 .LBB3_30-.Ltmp29, $4  }
0x20f: {  	s3 =	spop (v2sf)  }
0x210: {  	p2 =	sne.s32 s5, $0xFFFFFFFF;
	s2 =	smov.u32 s3  }
0x211: {  	p3 =	seq.s32 s3, $0xFFFFFFFF;
	s2 =	smov.u32 @p2 s5  }
0x212: {  	s3 =	smov.u32 @p3 s4;
	s2 =	smov.u32 @p3 s5  }
0x213: {  	(v2sf) =	vpush v0, $0x0;
	_ =	sdelay $0x8  }
0x214: {  	s0 =	spop (v2sf)  }
0x215: {  	p1 =	sne.s32 s2, $0xFFFFFFFF;
	s9 =	simm.s32 $0x6;
	s4 =	smov.u32 s0  }
0x216: {  	s6 =	simm.s32 $0x0;
	p2 =	seq.s32 s0, $0xFFFFFFFF;
	s4 =	smov.u32 @p1 s2  }
0x217: {  	s10 =	simm.s32 $0xE308;
	s4 =	smov.u32 @p2 s2;
	s2 =	spop (v2sf)  }
0x218: {  	s0 =	smov.u32 @p2 s3;
	p1 =	sne.s32 s4, $0xFFFFFFFF;
	s5 =	smov.u32 s2  }
.Ltmp30:
0x219: {  	p2 =	seq.s32 s2, $0xFFFFFFFF;
	s5 =	smov.u32 @p1 s4;
	(pc) =	sbr.rel .LBB3_32-.Ltmp30, $4  }
0x21a: {  	s11 =	simm.s32 $0xE388;
	s5 =	smov.u32 @p2 s4;
	s7 =	spop (v2sf)  }
0x21b: {  	s12 =	simm.s32 $0x0;
	p1 =	sne.s32 s5, $0xFFFFFFFF;
	s8 =	smov.u32 s7  }
0x21c: {  	s2 =	smov.u32 @p2 s0;
	p2 =	seq.s32 s7, $0xFFFFFFFF;
	s8 =	smov.u32 @p1 s5  }
0x21d: {  	[sflag:s9] =	ssyncpa.u1 $0x0;
	s7 =	smov.u32 @p2 s2;
	s8 =	smov.u32 @p2 s5  }
.LBB3_38:
0x21e: {  	p1 =	sgt.u32 s0, $0x3FF70  }
0x21f: {  	p2 =	seq.s32 @!p1 s0, s8  }
0x220: {  	p1 =	por p1, p2  }
0x221: {  	p2 =	sne.s32 @!p1 s0, s7  }
0x222: {  	p1 =	por p1, !p2  }
0x223: {  	s0 =	sshll.u32 @p1 s12, $0xA  }
0x224: {  	s2 =	sand.u32 @!p1 $0x3FFF8, s0;
	s3 =	sand.u32 @!p1 $0x7, s0;
	s0 =	sadd.s32 @!p1 $0x80, s0  }
0x225: {  	s2 =	sadd.s32 @!p1 s1, s2;
	s0 =	sand.u32 @!p1 $0x7FFF8, s0  }
0x226: {  	[tilespmem:s10], [sflag:$0x6] =	stream.linear.gather @!p1 [hbm4b:s2+s3], $0x80, $0x38;
	[tilespmem:$0x1E678] =	vst v63  }
0x227: {  	s0 =	sadd.s32 @!p1 s1, s0  }
0x228: {  	[tilespmem:s11], [sflag:$0x6] =	stream.linear.gather @!p1 [hbm4b:s0+s3], $0x80, $0x38;
	[tilespmem:$0x1E678] =	vst v63  }
0x229: {  	_ =	swait.ge @!p1 [sflag:s9], $0x100  }
0x22a: {  	[sflag:s9] =	ssyncset.done @!p1 $0x0  }
0x22b: {  	[sflag:s9] =	ssyncadd.s32 @!p1 $0xFFFFFF00  }
0x22c: {  	v1 =	vld @!p1 [tilespmem:$0xE308];
	_ =	sdelay $0x2  }
0x22d: {  	s0 =	sshll.u32 @!p1 s12, $0xA  }
0x22e: {  	s2 =	sshrl.u32 @!p1 s0, $0x2  }
0x22f: {  	[tilespmem:s2+$0xE438] =	vst.add.f32.msk @!p1 $0xffff, v1  }
0x230: {  	v1 =	vld @!p1 [tilespmem:$0xE318];
	_ =	sdelay $0x4  }
0x231: {  	[tilespmem:s2+$0xE448] =	vst.add.f32.msk @!p1 $0xffff, v1  }
0x232: {  	v1 =	vld @!p1 [tilespmem:$0xE328];
	_ =	sdelay $0x4  }
0x233: {  	[tilespmem:s2+$0xE458] =	vst.add.f32.msk @!p1 $0xffff, v1  }
0x234: {  	v1 =	vld @!p1 [tilespmem:$0xE338];
	_ =	sdelay $0x4  }
0x235: {  	[tilespmem:s2+$0xE468] =	vst.add.f32.msk @!p1 $0xffff, v1  }
0x236: {  	v1 =	vld @!p1 [tilespmem:$0xE348];
	_ =	sdelay $0x4  }
0x237: {  	[tilespmem:s2+$0xE478] =	vst.add.f32.msk @!p1 $0xffff, v1  }
0x238: {  	v1 =	vld @!p1 [tilespmem:$0xE358];
	_ =	sdelay $0x4  }
0x239: {  	[tilespmem:s2+$0xE488] =	vst.add.f32.msk @!p1 $0xffff, v1  }
0x23a: {  	v1 =	vld @!p1 [tilespmem:$0xE368];
	_ =	sdelay $0x4  }
0x23b: {  	[tilespmem:s2+$0xE498] =	vst.add.f32.msk @!p1 $0xffff, v1  }
0x23c: {  	v1 =	vld @!p1 [tilespmem:$0xE378];
	_ =	sdelay $0x4  }
0x23d: {  	[tilespmem:s2+$0xE4A8] =	vst.add.f32.msk @!p1 $0xffff, v1  }
0x23e: {  	v1 =	vld @!p1 [tilespmem:$0xE388];
	_ =	sdelay $0x4  }
0x23f: {  	[tilespmem:s2+$0xE4B8] =	vst.add.f32.msk @!p1 $0xffff, v1  }
0x240: {  	v1 =	vld @!p1 [tilespmem:$0xE398];
	_ =	sdelay $0x4  }
0x241: {  	[tilespmem:s2+$0xE4C8] =	vst.add.f32.msk @!p1 $0xffff, v1  }
0x242: {  	v1 =	vld @!p1 [tilespmem:$0xE3A8];
	_ =	sdelay $0x4  }
0x243: {  	[tilespmem:s2+$0xE4D8] =	vst.add.f32.msk @!p1 $0xffff, v1  }
0x244: {  	v1 =	vld @!p1 [tilespmem:$0xE3B8];
	_ =	sdelay $0x4  }
0x245: {  	[tilespmem:s2+$0xE4E8] =	vst.add.f32.msk @!p1 $0xffff, v1  }
0x246: {  	v1 =	vld @!p1 [tilespmem:$0xE3C8];
	_ =	sdelay $0x4  }
0x247: {  	[tilespmem:s2+$0xE4F8] =	vst.add.f32.msk @!p1 $0xffff, v1  }
0x248: {  	v1 =	vld @!p1 [tilespmem:$0xE3D8];
	_ =	sdelay $0x4  }
0x249: {  	[tilespmem:s2+$0xE508] =	vst.add.f32.msk @!p1 $0xffff, v1  }
0x24a: {  	v1 =	vld @!p1 [tilespmem:$0xE3E8];
	_ =	sdelay $0x4  }
0x24b: {  	[tilespmem:s2+$0xE518] =	vst.add.f32.msk @!p1 $0xffff, v1  }
0x24c: {  	v1 =	vld @!p1 [tilespmem:$0xE3F8];
	_ =	sdelay $0x4  }
0x24d: {  	[tilespmem:s2+$0xE528] =	vst.add.f32.msk @!p1 $0xffff, v1  }
0x24e: {  	s0 =	sshrl.u32 s0, $0x2;
	[tilespmem:s6+$0xE418] =	vst.msk $0x1, v0  }
0x24f: {  	v0 =	vld [tilespmem:s0+$0xE438];
	_ =	sdelay $0x2  }
0x250: {  	s31 =	sshll.u32 s6, $0xA  }
0x251: {  	s2 =	sshra.s32 s31, $0x2  }
0x252: {  	[tilespmem:s2+$0xE438] =	vst v0  }
0x253: {  	v0 =	vld [tilespmem:s0+$0xE448];
	_ =	sdelay $0x4  }
0x254: {  	[tilespmem:s2+$0xE448] =	vst v0  }
0x255: {  	v0 =	vld [tilespmem:s0+$0xE458];
	_ =	sdelay $0x4  }
0x256: {  	[tilespmem:s2+$0xE458] =	vst v0  }
0x257: {  	v0 =	vld [tilespmem:s0+$0xE468];
	_ =	sdelay $0x4  }
0x258: {  	[tilespmem:s2+$0xE468] =	vst v0  }
0x259: {  	v0 =	vld [tilespmem:s0+$0xE478];
	_ =	sdelay $0x4  }
0x25a: {  	[tilespmem:s2+$0xE478] =	vst v0  }
0x25b: {  	v0 =	vld [tilespmem:s0+$0xE488];
	_ =	sdelay $0x4  }
0x25c: {  	[tilespmem:s2+$0xE488] =	vst v0  }
0x25d: {  	v0 =	vld [tilespmem:s0+$0xE498];
	_ =	sdelay $0x4  }
0x25e: {  	[tilespmem:s2+$0xE498] =	vst v0  }
0x25f: {  	v0 =	vld [tilespmem:s0+$0xE4A8];
	_ =	sdelay $0x4  }
0x260: {  	[tilespmem:s2+$0xE4A8] =	vst v0  }
0x261: {  	v0 =	vld [tilespmem:s0+$0xE4B8];
	_ =	sdelay $0x4  }
0x262: {  	[tilespmem:s2+$0xE4B8] =	vst v0  }
0x263: {  	v0 =	vld [tilespmem:s0+$0xE4C8];
	_ =	sdelay $0x4  }
0x264: {  	[tilespmem:s2+$0xE4C8] =	vst v0  }
0x265: {  	v0 =	vld [tilespmem:s0+$0xE4D8];
	_ =	sdelay $0x4  }
0x266: {  	[tilespmem:s2+$0xE4D8] =	vst v0  }
0x267: {  	v0 =	vld [tilespmem:s0+$0xE4E8];
	_ =	sdelay $0x4  }
0x268: {  	[tilespmem:s2+$0xE4E8] =	vst v0  }
0x269: {  	v0 =	vld [tilespmem:s0+$0xE4F8];
	_ =	sdelay $0x4  }
0x26a: {  	[tilespmem:s2+$0xE4F8] =	vst v0  }
0x26b: {  	v0 =	vld [tilespmem:s0+$0xE508];
	_ =	sdelay $0x4  }
0x26c: {  	[tilespmem:s2+$0xE508] =	vst v0  }
0x26d: {  	v0 =	vld [tilespmem:s0+$0xE518];
	_ =	sdelay $0x4  }
0x26e: {  	[tilespmem:s2+$0xE518] =	vst v0  }
0x26f: {  	v0 =	vld [tilespmem:s0+$0xE528];
	_ =	sdelay $0x4  }
0x270: {  	s6 =	sadd.s32 $0x1, s6;
	[tilespmem:s2+$0xE528] =	vst v0  }
.LBB3_39:
0x271: {  	s12 =	sadd.s32 $0x1, s12  }
0x272: {  	p1 =	sne.s32 s12, $0x20  }
.Ltmp31:
0x273: {  	_ = 	snop;
	(pc) =	sbr.rel @!p1 .LBB3_40-.Ltmp31, $1  }
0x274: {  	_ =	sdelay $0x3  }
.LBB3_32:
0x275: {  	v0 =	vld.msk [tilespmem:s12+$0xE418], $0x1;
	_ =	sdelay $0x4  }
0x276: {  	(v2sf) =	vpush v0, $0x0;
	_ =	sdelay $0xe  }
0x277: {  	s0 =	spop (v2sf)  }
0x278: {  	p1 =	seq.s32 s0, $0xFFFFFFFF  }
.Ltmp32:
0x279: {  	_ = 	snop;
	(pc) =	sbr.rel @p1 .LBB3_39-.Ltmp32, $1  }
0x27a: {  	_ =	sdelay $0x3  }
0x27b: {  	p1 =	slt.s32 s6, $0x1  }
.Ltmp33:
0x27c: {  	_ = 	snop;
	(pc) =	sbr.rel @p1 .LBB3_38-.Ltmp33, $1  }
0x27d: {  	_ =	sdelay $0x3  }
0x27e: {  	s4 =	simm.s32 $0xE418;
	p1 =	por $0x0, $0x0  }
0x27f: {  	v1 =	vld.msk @!p1 [tilespmem:s4+$0x0], $0x1;
	_ =	sdelay $0x4  }
0x280: {  	(v2sf) =	vpush @!p1 v1, $0x0;
	_ =	sdelay $0xd  }
0x281: {  	p3 =	sne.s32 s6, $0x1  }
.Ltmp34:
0x282: {  	s2 =	spop @!p1 (v2sf);
	(pc) =	sbr.rel @!p3 .LBB3_36-.Ltmp34, $4  }
0x283: {  	p2 =	seq.s32 @!p1 s0, s2  }
0x284: {  	s5 =	simm.s32 $0x0;
	p2 =	por !p2, p1  }
0x285: {  	s2 =	simm.s32 $0xFFFFFFFF;
	s5 =	simm.s32 @p2 $0xFFFFFFFF  }
0x286: {  	s13 =	simm.s32 $0x1;
	s5 =	smov.u32 @p1 s2  }
.LBB3_35:
0x287: {  	s2 =	smov.u32 s5;
	p1 =	sne.s32 s5, $0xFFFFFFFF  }
0x288: {  	s4 =	sadd.s32 $0x1, s4;
	s5 =	smov.u32 s13;
	s13 =	sadd.s32 $0x1, s13  }
0x289: {  	p2 =	sne.s32 s6, s13;
	v1 =	vld.msk @!p1 [tilespmem:s4+$0x0], $0x1;
	_ =	sdelay $0x4  }
0x28a: {  	(v2sf) =	vpush @!p1 v1, $0x0;
	_ =	sdelay $0xe  }
.Ltmp35:
0x28b: {  	s3 =	spop @!p1 (v2sf);
	(pc) =	sbr.rel @p2 .LBB3_35-.Ltmp35, $4  }
0x28c: {  	p3 =	seq.s32 @!p1 s0, s3  }
0x28d: {  	p3 =	por !p3, p1  }
0x28e: {  	s5 =	simm.s32 @p3 $0xFFFFFFFF  }
0x28f: {  	s5 =	smov.u32 @p1 s2  }
.LBB3_36:
0x290: {  	p1 =	seq.s32 s5, $0xFFFFFFFF  }
.Ltmp36:
0x291: {  	_ = 	snop;
	(pc) =	sbr.rel @p1 .LBB3_38-.Ltmp36, $1  }
0x292: {  	_ =	sdelay $0x3  }
0x293: {  	s0 =	sshll.u32 s12, $0x8  }
0x294: {  	s0 =	sand.u32 $0x3FFFFF00, s0  }
0x295: {  	v0 =	vld [tilespmem:s0+$0xE438];
	_ =	sdelay $0x2  }
0x296: {  	s2 =	sshll.u32 s5, $0xA  }
0x297: {  	s2 =	sshra.s32 s2, $0x2  }
0x298: {  	[tilespmem:s2+$0xE438] =	vst.add.f32.msk $0xffff, v0  }
0x299: {  	v0 =	vld [tilespmem:s0+$0xE448];
	_ =	sdelay $0x4  }
0x29a: {  	[tilespmem:s2+$0xE448] =	vst.add.f32.msk $0xffff, v0  }
0x29b: {  	v0 =	vld [tilespmem:s0+$0xE458];
	_ =	sdelay $0x4  }
0x29c: {  	[tilespmem:s2+$0xE458] =	vst.add.f32.msk $0xffff, v0  }
0x29d: {  	v0 =	vld [tilespmem:s0+$0xE468];
	_ =	sdelay $0x4  }
0x29e: {  	[tilespmem:s2+$0xE468] =	vst.add.f32.msk $0xffff, v0  }
0x29f: {  	v0 =	vld [tilespmem:s0+$0xE478];
	_ =	sdelay $0x4  }
0x2a0: {  	[tilespmem:s2+$0xE478] =	vst.add.f32.msk $0xffff, v0  }
0x2a1: {  	v0 =	vld [tilespmem:s0+$0xE488];
	_ =	sdelay $0x4  }
0x2a2: {  	[tilespmem:s2+$0xE488] =	vst.add.f32.msk $0xffff, v0  }
0x2a3: {  	v0 =	vld [tilespmem:s0+$0xE498];
	_ =	sdelay $0x4  }
0x2a4: {  	[tilespmem:s2+$0xE498] =	vst.add.f32.msk $0xffff, v0  }
0x2a5: {  	v0 =	vld [tilespmem:s0+$0xE4A8];
	_ =	sdelay $0x4  }
0x2a6: {  	[tilespmem:s2+$0xE4A8] =	vst.add.f32.msk $0xffff, v0  }
0x2a7: {  	v0 =	vld [tilespmem:s0+$0xE4B8];
	_ =	sdelay $0x4  }
0x2a8: {  	[tilespmem:s2+$0xE4B8] =	vst.add.f32.msk $0xffff, v0  }
0x2a9: {  	v0 =	vld [tilespmem:s0+$0xE4C8];
	_ =	sdelay $0x4  }
0x2aa: {  	[tilespmem:s2+$0xE4C8] =	vst.add.f32.msk $0xffff, v0  }
0x2ab: {  	v0 =	vld [tilespmem:s0+$0xE4D8];
	_ =	sdelay $0x4  }
0x2ac: {  	[tilespmem:s2+$0xE4D8] =	vst.add.f32.msk $0xffff, v0  }
0x2ad: {  	v0 =	vld [tilespmem:s0+$0xE4E8];
	_ =	sdelay $0x4  }
0x2ae: {  	[tilespmem:s2+$0xE4E8] =	vst.add.f32.msk $0xffff, v0  }
0x2af: {  	v0 =	vld [tilespmem:s0+$0xE4F8];
	_ =	sdelay $0x4  }
0x2b0: {  	[tilespmem:s2+$0xE4F8] =	vst.add.f32.msk $0xffff, v0  }
0x2b1: {  	v0 =	vld [tilespmem:s0+$0xE508];
	_ =	sdelay $0x4  }
0x2b2: {  	[tilespmem:s2+$0xE508] =	vst.add.f32.msk $0xffff, v0  }
0x2b3: {  	v0 =	vld [tilespmem:s0+$0xE518];
	_ =	sdelay $0x4  }
0x2b4: {  	[tilespmem:s2+$0xE518] =	vst.add.f32.msk $0xffff, v0  }
0x2b5: {  	v0 =	vld [tilespmem:s0+$0xE528]  }
.Ltmp37:
0x2b6: {  	_ = 	snop;
	(pc) =	sbr.rel .LBB3_39-.Ltmp37, $2  }
0x2b7: {  	_ =	sdelay $0x2  }
0x2b8: {  	[tilespmem:s2+$0xE528] =	vst.add.f32.msk $0xffff, v0  }
.LBB3_40:
0x2b9: {  	s0 =	simm.s32 $0x6;
	p1 =	seq.s32 s6, $0x0  }
0x2ba: {  	[sflag:s0] =	ssyncpa.u1 $0x1;
	v0 =	vimm.s32 @p1 $0xFFFFFFFF  }
0x2bb: {  	s0 =	sadd.s32 $0xFFFFFFFF, s6;
	[tilespmem:$0x10438] =	vst @p1 v0  }
0x2bc: {  	v0 =	vld.msk @!p1 [tilespmem:s0+$0xE418], $0x1;
	_ =	sdelay $0x1  }
0x2bd: {  	v1 =	vld.msk @!p1 [tilespmem:$0xE418], $0x1;
	_ =	sdelay $0x2  }
0x2be: {  	p2 =	seq.s32 @!p1 s0, $0x0;
	v0 =	vbroadcast @!p1 v0, $0x0  }
0x2bf: {  	vm0 =	vmmov @!p1 $0x1;
	p2 =	por !p2, p1  }
0x2c0: {  	v1 =	vnsel @!p1 vm0, $0xFFFFFFFF, v1;
	vm0 =	vcmask @!p1 $0x308;
	v0 =	vpsel !p2, $0xFFFFFFFF, v0  }
0x2c1: {  	p2 =	sne.s32 @!p1 s8, s7;
	v0 =	vsel @!p1 vm0, v1, v0  }
0x2c2: {  	s2 =	simm.s32 @!p1 $0xE438;
	s3 =	simm.s32 @!p1 $0x0;
	p3 =	por !p2, p1;
	[tilespmem:$0x10438] =	vst @!p1 v0  }
0x2c3: {  	[spmem:s3] =	stream.linear.scatter @!p1 [tilespmem:s2], [sflag:$0x1], $0x100, $0x38;
	[tilespmem:$0x1E678] =	vst v63  }
0x2c4: {  	s2 =	sshll.u32 @!p3 s0, $0xA  }
0x2c5: {  	s2 =	sshra.s32 @!p3 s2, $0x2  }
0x2c6: {  	s3 =	simm.s32 @!p3 $0x100;
	s2 =	sadd.s32 @!p3 $0xE438, s2  }
0x2c7: {  	[spmem:s3] =	stream.linear.scatter @!p3 [tilespmem:s2], [sflag:$0x1], $0x100, $0x38;
	[tilespmem:$0x1E678] =	vst v63  }
0x2c8: {  	s2 =	simm.s32 @!p3 $0x1  }
0x2c9: {  	_ =	swait.ge @!p3 [sflag:s2], $0x200  }
0x2ca: {  	p1 =	por p2, p1;
	[sflag:s2] =	ssyncset.done @!p3 $0x0  }
0x2cb: {  	[sflag:s2] =	ssyncadd.s32 @!p3 $0xFFFFFE00;
	s2 =	simm.s32 @!p1 $0x1  }
0x2cc: {  	_ =	swait.ge @!p1 [sflag:s2], $0x100  }
0x2cd: {  	s29 =	simm.s32 $0x10438;
	[sflag:s2] =	ssyncset.done @!p1 $0x0  }
0x2ce: {  	s30 =	simm.s32 $0x2000;
	s31 =	simm.s32 $0x1;
	[sflag:s2] =	ssyncadd.s32 @!p1 $0xFFFFFF00  }
0x2cf: {  	[spmem:s30] =	stream.linear.scatter [tilespmem:s29], [sflag:$0x1], $0x10, $0x38;
	[tilespmem:$0x1E678] =	vst v63  }
0x2d0: {  	_ =	swait.ge [sflag:s31], $0x10  }
0x2d1: {  	[sflag:s31] =	ssyncset.done $0x0  }
0x2d2: {  	p1 =	seq.s32 s14, $0x0;
	s9 =	rddreg [dreg:$0x1];
	[sflag:s31] =	ssyncadd.s32 $0xFFFFFFF0  }
0x2d3: {  	s3 =	sshll.u32 @p1 s9, $0xE;
	s8 =	rddreg [dreg:$0x2]  }
0x2d4: {  	s2 =	sadd.s32 @p1 $0x15C3C, s3;
	s3 =	sshll.u32 @p1 s8, $0x11  }
0x2d5: {  	_ =	sfence.stream.spmem;
	s2 =	sor.u32 @p1 s3, s2  }
0x2d6: {  	[sflag:s2] =	ssyncadd.remote.s32 @p1 $0x1;
	s2 =	simm.s32 @p1 $0x4  }
0x2d7: {  	s4 =	simm.s32 @!p1 $0x3C;
	s3 =	sand.u32 $0xFFFFFFFE, s9;
	_ =	swait.ge @p1 [sflag:s2], $0x42  }
0x2d8: {  	s5 =	simm.s32 @!p1 $0x0;
	s3 =	sadd.s32 @!p1 $0x4, s3;
	[sflag:s2] =	ssyncset.done @p1 $0x0  }
0x2d9: {  	s7 =	simm.s32 @!p1 $0x200;
	[sflag:s2] =	ssyncadd.s32 @p1 $0xFFFFFFBE;
	s2 =	sshll.u32 @!p1 s3, $0x1A  }
0x2da: {  	s3 =	sshll.u32 @!p1 s3, $0xD;
	s2 =	sor.u32 @!p1 s2, s8;
	_ =	swait.eq @!p1 [sflag:s4], $0x1  }
0x2db: {  	s3 =	sor.u32 @!p1 $0x1C04, s3;
	s4 =	simm.s32 @!p1 $0x1C03;
	s2 =	sor.u32 @!p1 $0x80004000, s2  }
0x2dc: {  	[spmem:s7], [sflag:s3] =	dma.general @!p1 [spmem:s5], [sflag:s4], length:$0x40, [dreg:$0x0], stride_count:$0x0, ici_dest:s2, dma_misc:DstOpCode:WRITE  }
0x2dd: {  	p2 =	slt.s32 s0, $0x2;
	s5 =	simm.s32 @!p1 $0x400;
	s7 =	simm.s32 @!p1 $0x402  }
0x2de: {  	[spmem:s7], [sflag:s3] =	dma.general @!p1 [spmem:s5], [sflag:s4], length:$0x2, [dreg:$0x0], stride_count:$0x0, ici_dest:s2, dma_misc:DstOpCode:WRITE  }
.Ltmp38:
0x2df: {  	s2 =	simm.s32 @!p1 $0x3;
	(pc) =	sbr.rel @p2 .LBB3_44-.Ltmp38, $4  }
0x2e0: {  	s3 =	sshll.u32 @!p1 s9, $0xE;
	_ =	swait.ge @!p1 [sflag:s2], $0x42  }
0x2e1: {  	s4 =	sshll.u32 @!p1 s8, $0x11;
	s3 =	sadd.s32 @!p1 $0x11C3C, s3;
	[sflag:s2] =	ssyncset.done @!p1 $0x0  }
0x2e2: {  	[sflag:s2] =	ssyncadd.s32 @!p1 $0xFFFFFFBE;
	s2 =	sor.u32 @!p1 s4, s3  }
0x2e3: {  	s0 =	simm.s32 $0x0;
	[sflag:s2] =	ssyncadd.remote.s32 @!p1 $0xFFFFFFFF  }
0x2e4: {  	s0 =	simm.s32 $0xE419  }
0x2e5: {  	v0 =	vld.msk [tilespmem:s0+$0x0], $0x1;
	_ =	sdelay $0x4  }
0x2e6: {  	(v2sf) =	vpush v0, $0x0;
	_ =	sdelay $0xd  }
0x2e7: {  	s31 =	sadd.s32 $0xFFFFFFFE, s6  }
0x2e8: {  	s6 =	simm.s32 $0x0;
	s0 =	sadd.s32 $0xFFFFFFFF, s31;
	s2 =	spop (v2sf)  }
0x2e9: {  	s3 =	simm.s32 $0xE538;
	p1 =	sne.s32 s0, $0x0;
	p2 =	sgt.u32 s2, $0x3FF70  }
.Ltmp39:
0x2ea: {  	s4 =	simm.s32 $0xE638;
	s5 =	sand.u32 @!p2 $0x3FFF8, s2;
	(pc) =	sbr.rel @!p1 .LBB3_43-.Ltmp39, $4  }
0x2eb: {  	s7 =	sadd.s32 @!p2 $0x80, s2;
	s2 =	sand.u32 @!p2 $0x7, s2;
	s6 =	simm.s32 @!p2 $0x400  }
0x2ec: {  	s5 =	sadd.s32 @!p2 s1, s5;
	s7 =	sand.u32 @!p2 $0x7FFF8, s7;
	s6 =	sadd.s32 $0x0, s6  }
0x2ed: {  	[hbm4b:s5+s2] =	stream.linear.scatter @!p2 [tilespmem:s3], [sflag:$0x5], $0x80, $0x38;
	[tilespmem:$0x1E678] =	vst v63  }
0x2ee: {  	s5 =	simm.s32 $0xE41A;
	s3 =	simm.s32 @!p2 $0xE5B8;
	s7 =	sadd.s32 @!p2 s1, s7  }
.LBB3_42:
0x2ef: {  	[hbm4b:s7+s2] =	stream.linear.scatter @!p2 [tilespmem:s3], [sflag:$0x5], $0x80, $0x38;
	[tilespmem:$0x1E678] =	vst v63  }
0x2f0: {  	s0 =	sadd.s32 $0xFFFFFFFF, s0;
	s3 =	smov.u32 s4;
	v0 =	vld.msk [tilespmem:s5+$0x0], $0x1  }
0x2f1: {  	p1 =	sne.s32 s0, $0x0;
	_ =	sdelay $0x3  }
0x2f2: {  	(v2sf) =	vpush v0, $0x0;
	_ =	sdelay $0xe  }
0x2f3: {  	s4 =	sadd.s32 $0x100, s4;
	s8 =	simm.s32 $0x0;
	s2 =	spop (v2sf)  }
.Ltmp40:
0x2f4: {  	s5 =	sadd.s32 $0x1, s5;
	p2 =	sgt.u32 s2, $0x3FF70;
	(pc) =	sbr.rel @p1 .LBB3_42-.Ltmp40, $4  }
0x2f5: {  	s8 =	simm.s32 @!p2 $0x400;
	s7 =	sand.u32 @!p2 $0x3FFF8, s2;
	s9 =	sadd.s32 @!p2 $0x80, s2  }
0x2f6: {  	s2 =	sand.u32 @!p2 $0x7, s2;
	s7 =	sadd.s32 @!p2 s1, s7;
	s9 =	sand.u32 @!p2 $0x7FFF8, s9  }
0x2f7: {  	[hbm4b:s7+s2] =	stream.linear.scatter @!p2 [tilespmem:s3], [sflag:$0x5], $0x80, $0x38;
	[tilespmem:$0x1E678] =	vst v63  }
0x2f8: {  	s6 =	sadd.s32 s6, s8;
	s3 =	sadd.s32 @!p2 $0x80, s3;
	s7 =	sadd.s32 @!p2 s1, s9  }
.LBB3_43:
0x2f9: {  	[hbm4b:s7+s2] =	stream.linear.scatter @!p2 [tilespmem:s3], [sflag:$0x5], $0x80, $0x38;
	[tilespmem:$0x1E678] =	vst v63  }
0x2fa: {  	s0 =	sshrl.u32 s6, $0x2  }
.LBB3_44:
0x2fb: {  	s2 =	simm.s32 $0x5  }
0x2fc: {  	_ =	swait.ge [sflag:s2], s0  }
0x2fd: {  	s31 =	ssub.s32 $0x0, s0;
	[sflag:s2] =	ssyncset.done $0x0  }
0x2fe: {  	[sflag:s2] =	ssyncadd.s32 s31  }
0x2ff: {  	[sflag:s2] =	ssyncpa.u1 $0x1  }
.LBB3_45:
0x300: {  	s0 =	sor.u32 s14, s15  }
0x301: {  	p1 =	sne.s32 s0, $0x0  }
.Ltmp41:
0x302: {  	_ = 	snop;
	(pc) =	sbr.rel @p1 .LBB3_60-.Ltmp41, $3  }
0x303: {  	_ =	sdelay $0x1  }
0x304: {  	[bflag:$0x0] =	sbarrier.arrive $0xFFFF  }
0x305: {  	_ =	sfence  }
0x306: {  	s0 =	simm.s32 $0x7  }
0x307: {  	s2 =	simm.s32 $0x2000;
	s3 =	simm.s32 $0xE418;
	[sflag:s0] =	ssyncpa.u1 $0x0  }
0x308: {  	[tilespmem:s3], [sflag:$0x7] =	stream.linear.gather [spmem:s2], $0x20, $0x38;
	[tilespmem:$0x1E678] =	vst v63  }
0x309: {  	s30 =	simm.s32 $0xE438;
	s2 =	simm.s32 $0x0  }
0x30a: {  	[tilespmem:s30], [sflag:$0x7] =	stream.linear.gather [spmem:s2], $0x2000, $0x38;
	[tilespmem:$0x1E678] =	vst v63  }
.Ltmp42:
0x30b: {  	_ = 	snop;
	(pc) =	sbr.rel .LBB3_47-.Ltmp42, $4  }
0x30c: {  	_ =	swait.ge [sflag:s0], $0x2020  }
0x30d: {  	[sflag:s0] =	ssyncset.done $0x0  }
0x30e: {  	s31 =	simm.s32 $0x8;
	[sflag:s0] =	ssyncadd.s32 $0xFFFFDFE0  }
0x30f: {  	s3 =	simm.s32 $0x0;
	[sflag:s31] =	ssyncpa.u1 $0x0  }
.LBB3_53:
0x310: {  	p1 =	slt.u32 s0, $0x3FF71  }
0x311: {  	s4 =	sand.u32 @p1 $0x3FFF8, s0;
	s5 =	sand.u32 @p1 $0x7, s0;
	s0 =	sadd.s32 @p1 $0x80, s0  }
0x312: {  	s6 =	simm.s32 @p1 $0xE308;
	s4 =	sadd.s32 @p1 s1, s4;
	s0 =	sand.u32 @p1 $0x7FFF8, s0  }
0x313: {  	[tilespmem:s6], [sflag:$0x8] =	stream.linear.gather @p1 [hbm4b:s4+s5], $0x80, $0x38;
	[tilespmem:$0x1E678] =	vst v63  }
0x314: {  	s0 =	sadd.s32 @p1 s1, s0;
	s4 =	simm.s32 @p1 $0xE388  }
0x315: {  	[tilespmem:s4], [sflag:$0x8] =	stream.linear.gather @p1 [hbm4b:s0+s5], $0x80, $0x38;
	[tilespmem:$0x1E678] =	vst v63  }
0x316: {  	s0 =	simm.s32 @p1 $0x8  }
0x317: {  	_ =	swait.ge @p1 [sflag:s0], $0x100  }
0x318: {  	[sflag:s0] =	ssyncset.done @p1 $0x0  }
0x319: {  	[sflag:s0] =	ssyncadd.s32 @p1 $0xFFFFFF00  }
0x31a: {  	v1 =	vld @p1 [tilespmem:$0xE308];
	_ =	sdelay $0x2  }
0x31b: {  	s0 =	sshll.u32 @p1 s3, $0xA  }
0x31c: {  	s4 =	sshrl.u32 @p1 s0, $0x2  }
0x31d: {  	[tilespmem:s4+$0xE438] =	vst.add.f32.msk @p1 $0xffff, v1  }
0x31e: {  	v1 =	vld @p1 [tilespmem:$0xE318];
	_ =	sdelay $0x4  }
0x31f: {  	[tilespmem:s4+$0xE448] =	vst.add.f32.msk @p1 $0xffff, v1  }
0x320: {  	v1 =	vld @p1 [tilespmem:$0xE328];
	_ =	sdelay $0x4  }
0x321: {  	[tilespmem:s4+$0xE458] =	vst.add.f32.msk @p1 $0xffff, v1  }
0x322: {  	v1 =	vld @p1 [tilespmem:$0xE338];
	_ =	sdelay $0x4  }
0x323: {  	[tilespmem:s4+$0xE468] =	vst.add.f32.msk @p1 $0xffff, v1  }
0x324: {  	v1 =	vld @p1 [tilespmem:$0xE348];
	_ =	sdelay $0x4  }
0x325: {  	[tilespmem:s4+$0xE478] =	vst.add.f32.msk @p1 $0xffff, v1  }
0x326: {  	v1 =	vld @p1 [tilespmem:$0xE358];
	_ =	sdelay $0x4  }
0x327: {  	[tilespmem:s4+$0xE488] =	vst.add.f32.msk @p1 $0xffff, v1  }
0x328: {  	v1 =	vld @p1 [tilespmem:$0xE368];
	_ =	sdelay $0x4  }
0x329: {  	[tilespmem:s4+$0xE498] =	vst.add.f32.msk @p1 $0xffff, v1  }
0x32a: {  	v1 =	vld @p1 [tilespmem:$0xE378];
	_ =	sdelay $0x4  }
0x32b: {  	[tilespmem:s4+$0xE4A8] =	vst.add.f32.msk @p1 $0xffff, v1  }
0x32c: {  	v1 =	vld @p1 [tilespmem:$0xE388];
	_ =	sdelay $0x4  }
0x32d: {  	[tilespmem:s4+$0xE4B8] =	vst.add.f32.msk @p1 $0xffff, v1  }
0x32e: {  	v1 =	vld @p1 [tilespmem:$0xE398];
	_ =	sdelay $0x4  }
0x32f: {  	[tilespmem:s4+$0xE4C8] =	vst.add.f32.msk @p1 $0xffff, v1  }
0x330: {  	v1 =	vld @p1 [tilespmem:$0xE3A8];
	_ =	sdelay $0x4  }
0x331: {  	[tilespmem:s4+$0xE4D8] =	vst.add.f32.msk @p1 $0xffff, v1  }
0x332: {  	v1 =	vld @p1 [tilespmem:$0xE3B8];
	_ =	sdelay $0x4  }
0x333: {  	[tilespmem:s4+$0xE4E8] =	vst.add.f32.msk @p1 $0xffff, v1  }
0x334: {  	v1 =	vld @p1 [tilespmem:$0xE3C8];
	_ =	sdelay $0x4  }
0x335: {  	[tilespmem:s4+$0xE4F8] =	vst.add.f32.msk @p1 $0xffff, v1  }
0x336: {  	v1 =	vld @p1 [tilespmem:$0xE3D8];
	_ =	sdelay $0x4  }
0x337: {  	[tilespmem:s4+$0xE508] =	vst.add.f32.msk @p1 $0xffff, v1  }
0x338: {  	v1 =	vld @p1 [tilespmem:$0xE3E8];
	_ =	sdelay $0x4  }
0x339: {  	[tilespmem:s4+$0xE518] =	vst.add.f32.msk @p1 $0xffff, v1  }
0x33a: {  	v1 =	vld @p1 [tilespmem:$0xE3F8];
	_ =	sdelay $0x3  }
0x33b: {  	s5 =	sshll.u32 @!p1 s3, $0xA  }
0x33c: {  	s5 =	smov.u32 @p1 s0;
	[tilespmem:s4+$0xE528] =	vst.add.f32.msk @p1 $0xffff, v1  }
0x33d: {  	s0 =	sshrl.u32 s5, $0x2;
	[tilespmem:s2+$0xE418] =	vst.msk $0x1, v0  }
0x33e: {  	v0 =	vld [tilespmem:s0+$0xE438];
	_ =	sdelay $0x2  }
0x33f: {  	s31 =	sshll.u32 s2, $0xA  }
0x340: {  	s4 =	sshra.s32 s31, $0x2  }
0x341: {  	[tilespmem:s4+$0xE438] =	vst v0  }
0x342: {  	v0 =	vld [tilespmem:s0+$0xE448];
	_ =	sdelay $0x4  }
0x343: {  	[tilespmem:s4+$0xE448] =	vst v0  }
0x344: {  	v0 =	vld [tilespmem:s0+$0xE458];
	_ =	sdelay $0x4  }
0x345: {  	[tilespmem:s4+$0xE458] =	vst v0  }
0x346: {  	v0 =	vld [tilespmem:s0+$0xE468];
	_ =	sdelay $0x4  }
0x347: {  	[tilespmem:s4+$0xE468] =	vst v0  }
0x348: {  	v0 =	vld [tilespmem:s0+$0xE478];
	_ =	sdelay $0x4  }
0x349: {  	[tilespmem:s4+$0xE478] =	vst v0  }
0x34a: {  	v0 =	vld [tilespmem:s0+$0xE488];
	_ =	sdelay $0x4  }
0x34b: {  	[tilespmem:s4+$0xE488] =	vst v0  }
0x34c: {  	v0 =	vld [tilespmem:s0+$0xE498];
	_ =	sdelay $0x4  }
0x34d: {  	[tilespmem:s4+$0xE498] =	vst v0  }
0x34e: {  	v0 =	vld [tilespmem:s0+$0xE4A8];
	_ =	sdelay $0x4  }
0x34f: {  	[tilespmem:s4+$0xE4A8] =	vst v0  }
0x350: {  	v0 =	vld [tilespmem:s0+$0xE4B8];
	_ =	sdelay $0x4  }
0x351: {  	[tilespmem:s4+$0xE4B8] =	vst v0  }
0x352: {  	v0 =	vld [tilespmem:s0+$0xE4C8];
	_ =	sdelay $0x4  }
0x353: {  	[tilespmem:s4+$0xE4C8] =	vst v0  }
0x354: {  	v0 =	vld [tilespmem:s0+$0xE4D8];
	_ =	sdelay $0x4  }
0x355: {  	[tilespmem:s4+$0xE4D8] =	vst v0  }
0x356: {  	v0 =	vld [tilespmem:s0+$0xE4E8];
	_ =	sdelay $0x4  }
0x357: {  	[tilespmem:s4+$0xE4E8] =	vst v0  }
0x358: {  	v0 =	vld [tilespmem:s0+$0xE4F8];
	_ =	sdelay $0x4  }
0x359: {  	[tilespmem:s4+$0xE4F8] =	vst v0  }
0x35a: {  	v0 =	vld [tilespmem:s0+$0xE508];
	_ =	sdelay $0x4  }
0x35b: {  	[tilespmem:s4+$0xE508] =	vst v0  }
0x35c: {  	v0 =	vld [tilespmem:s0+$0xE518];
	_ =	sdelay $0x4  }
0x35d: {  	[tilespmem:s4+$0xE518] =	vst v0  }
0x35e: {  	v0 =	vld [tilespmem:s0+$0xE528];
	_ =	sdelay $0x4  }
0x35f: {  	s2 =	sadd.s32 $0x1, s2;
	[tilespmem:s4+$0xE528] =	vst v0  }
.LBB3_54:
0x360: {  	s3 =	sadd.s32 $0x1, s3  }
0x361: {  	p1 =	sne.s32 s3, $0x20  }
.Ltmp43:
0x362: {  	_ = 	snop;
	(pc) =	sbr.rel @!p1 .LBB3_55-.Ltmp43, $1  }
0x363: {  	_ =	sdelay $0x3  }
.LBB3_47:
0x364: {  	v0 =	vld.msk [tilespmem:s3+$0xE418], $0x1;
	_ =	sdelay $0x4  }
0x365: {  	(v2sf) =	vpush v0, $0x0;
	_ =	sdelay $0xe  }
0x366: {  	s0 =	spop (v2sf)  }
0x367: {  	p1 =	seq.s32 s0, $0xFFFFFFFF  }
.Ltmp44:
0x368: {  	_ = 	snop;
	(pc) =	sbr.rel @p1 .LBB3_54-.Ltmp44, $1  }
0x369: {  	_ =	sdelay $0x3  }
0x36a: {  	p1 =	slt.s32 s2, $0x1  }
.Ltmp45:
0x36b: {  	_ = 	snop;
	(pc) =	sbr.rel @p1 .LBB3_53-.Ltmp45, $1  }
0x36c: {  	_ =	sdelay $0x3  }
0x36d: {  	s4 =	simm.s32 $0xE418;
	p1 =	por $0x0, $0x0  }
0x36e: {  	v1 =	vld.msk @!p1 [tilespmem:s4+$0x0], $0x1;
	_ =	sdelay $0x4  }
0x36f: {  	(v2sf) =	vpush @!p1 v1, $0x0;
	_ =	sdelay $0xd  }
0x370: {  	p3 =	sne.s32 s2, $0x1  }
.Ltmp46:
0x371: {  	s5 =	spop @!p1 (v2sf);
	(pc) =	sbr.rel @!p3 .LBB3_51-.Ltmp46, $4  }
0x372: {  	p2 =	seq.s32 @!p1 s0, s5  }
0x373: {  	s5 =	simm.s32 $0x0;
	p2 =	por !p2, p1  }
0x374: {  	s7 =	simm.s32 $0xFFFFFFFF;
	s5 =	simm.s32 @p2 $0xFFFFFFFF  }
0x375: {  	s6 =	simm.s32 $0x1;
	s5 =	smov.u32 @p1 s7  }
.LBB3_50:
0x376: {  	s7 =	smov.u32 s5;
	p1 =	sne.s32 s5, $0xFFFFFFFF  }
0x377: {  	s4 =	sadd.s32 $0x1, s4;
	s5 =	smov.u32 s6;
	s6 =	sadd.s32 $0x1, s6  }
0x378: {  	p2 =	sne.s32 s2, s6;
	v1 =	vld.msk @!p1 [tilespmem:s4+$0x0], $0x1;
	_ =	sdelay $0x4  }
0x379: {  	(v2sf) =	vpush @!p1 v1, $0x0;
	_ =	sdelay $0xe  }
.Ltmp47:
0x37a: {  	s8 =	spop @!p1 (v2sf);
	(pc) =	sbr.rel @p2 .LBB3_50-.Ltmp47, $4  }
0x37b: {  	p3 =	seq.s32 @!p1 s0, s8  }
0x37c: {  	p3 =	por !p3, p1  }
0x37d: {  	s5 =	simm.s32 @p3 $0xFFFFFFFF  }
0x37e: {  	s5 =	smov.u32 @p1 s7  }
.LBB3_51:
0x37f: {  	p1 =	seq.s32 s5, $0xFFFFFFFF  }
.Ltmp48:
0x380: {  	_ = 	snop;
	(pc) =	sbr.rel @p1 .LBB3_53-.Ltmp48, $1  }
0x381: {  	_ =	sdelay $0x3  }
0x382: {  	s0 =	sshll.u32 s3, $0x8  }
0x383: {  	s0 =	sand.u32 $0x3FFFFF00, s0  }
0x384: {  	v0 =	vld [tilespmem:s0+$0xE438];
	_ =	sdelay $0x2  }
0x385: {  	s4 =	sshll.u32 s5, $0xA  }
0x386: {  	s4 =	sshra.s32 s4, $0x2  }
0x387: {  	[tilespmem:s4+$0xE438] =	vst.add.f32.msk $0xffff, v0  }
0x388: {  	v0 =	vld [tilespmem:s0+$0xE448];
	_ =	sdelay $0x4  }
0x389: {  	[tilespmem:s4+$0xE448] =	vst.add.f32.msk $0xffff, v0  }
0x38a: {  	v0 =	vld [tilespmem:s0+$0xE458];
	_ =	sdelay $0x4  }
0x38b: {  	[tilespmem:s4+$0xE458] =	vst.add.f32.msk $0xffff, v0  }
0x38c: {  	v0 =	vld [tilespmem:s0+$0xE468];
	_ =	sdelay $0x4  }
0x38d: {  	[tilespmem:s4+$0xE468] =	vst.add.f32.msk $0xffff, v0  }
0x38e: {  	v0 =	vld [tilespmem:s0+$0xE478];
	_ =	sdelay $0x4  }
0x38f: {  	[tilespmem:s4+$0xE478] =	vst.add.f32.msk $0xffff, v0  }
0x390: {  	v0 =	vld [tilespmem:s0+$0xE488];
	_ =	sdelay $0x4  }
0x391: {  	[tilespmem:s4+$0xE488] =	vst.add.f32.msk $0xffff, v0  }
0x392: {  	v0 =	vld [tilespmem:s0+$0xE498];
	_ =	sdelay $0x4  }
0x393: {  	[tilespmem:s4+$0xE498] =	vst.add.f32.msk $0xffff, v0  }
0x394: {  	v0 =	vld [tilespmem:s0+$0xE4A8];
	_ =	sdelay $0x4  }
0x395: {  	[tilespmem:s4+$0xE4A8] =	vst.add.f32.msk $0xffff, v0  }
0x396: {  	v0 =	vld [tilespmem:s0+$0xE4B8];
	_ =	sdelay $0x4  }
0x397: {  	[tilespmem:s4+$0xE4B8] =	vst.add.f32.msk $0xffff, v0  }
0x398: {  	v0 =	vld [tilespmem:s0+$0xE4C8];
	_ =	sdelay $0x4  }
0x399: {  	[tilespmem:s4+$0xE4C8] =	vst.add.f32.msk $0xffff, v0  }
0x39a: {  	v0 =	vld [tilespmem:s0+$0xE4D8];
	_ =	sdelay $0x4  }
0x39b: {  	[tilespmem:s4+$0xE4D8] =	vst.add.f32.msk $0xffff, v0  }
0x39c: {  	v0 =	vld [tilespmem:s0+$0xE4E8];
	_ =	sdelay $0x4  }
0x39d: {  	[tilespmem:s4+$0xE4E8] =	vst.add.f32.msk $0xffff, v0  }
0x39e: {  	v0 =	vld [tilespmem:s0+$0xE4F8];
	_ =	sdelay $0x4  }
0x39f: {  	[tilespmem:s4+$0xE4F8] =	vst.add.f32.msk $0xffff, v0  }
0x3a0: {  	v0 =	vld [tilespmem:s0+$0xE508];
	_ =	sdelay $0x4  }
0x3a1: {  	[tilespmem:s4+$0xE508] =	vst.add.f32.msk $0xffff, v0  }
0x3a2: {  	v0 =	vld [tilespmem:s0+$0xE518];
	_ =	sdelay $0x4  }
0x3a3: {  	[tilespmem:s4+$0xE518] =	vst.add.f32.msk $0xffff, v0  }
0x3a4: {  	v0 =	vld [tilespmem:s0+$0xE528]  }
.Ltmp49:
0x3a5: {  	_ = 	snop;
	(pc) =	sbr.rel .LBB3_54-.Ltmp49, $2  }
0x3a6: {  	_ =	sdelay $0x2  }
0x3a7: {  	[tilespmem:s4+$0xE528] =	vst.add.f32.msk $0xffff, v0  }
.LBB3_55:
0x3a8: {  	p1 =	slt.s32 s2, $0x1  }
.Ltmp50:
0x3a9: {  	_ = 	snop;
	(pc) =	sbr.rel @p1 .LBB3_59-.Ltmp50, $3  }
0x3aa: {  	_ =	sdelay $0x1  }
0x3ab: {  	s0 =	simm.s32 $0x8  }
0x3ac: {  	s4 =	simm.s32 $0x0;
	[sflag:s0] =	ssyncpa.u1 $0x1  }
0x3ad: {  	s0 =	simm.s32 $0xE418  }
0x3ae: {  	v0 =	vld.msk [tilespmem:s0+$0x0], $0x1;
	_ =	sdelay $0x4  }
0x3af: {  	(v2sf) =	vpush v0, $0x0;
	_ =	sdelay $0xe  }
0x3b0: {  	s0 =	sadd.s32 $0xFFFFFFFF, s2;
	s3 =	spop (v2sf)  }
0x3b1: {  	s6 =	simm.s32 $0xE438;
	p1 =	sne.s32 s0, $0x0;
	p2 =	sgt.u32 s3, $0x3FF70  }
.Ltmp51:
0x3b2: {  	s2 =	simm.s32 $0xE538;
	s5 =	sand.u32 @!p2 $0x3FFF8, s3;
	(pc) =	sbr.rel @!p1 .LBB3_58-.Ltmp51, $4  }
0x3b3: {  	s7 =	sadd.s32 @!p2 $0x80, s3;
	s4 =	simm.s32 @!p2 $0x400;
	s8 =	sadd.s32 @!p2 s1, s5  }
0x3b4: {  	s5 =	sand.u32 @!p2 $0x7, s3;
	s3 =	simm.s32 $0xE419;
	s7 =	sand.u32 @!p2 $0x7FFF8, s7  }
0x3b5: {  	[hbm4b:s8+s5] =	stream.linear.scatter @!p2 [tilespmem:s6], [sflag:$0x7], $0x80, $0x38;
	[tilespmem:$0x1E678] =	vst v63  }
0x3b6: {  	s4 =	sadd.s32 $0x0, s4;
	s6 =	simm.s32 @!p2 $0xE4B8;
	s7 =	sadd.s32 @!p2 s1, s7  }
.LBB3_57:
0x3b7: {  	[hbm4b:s7+s5] =	stream.linear.scatter @!p2 [tilespmem:s6], [sflag:$0x7], $0x80, $0x38;
	[tilespmem:$0x1E678] =	vst v63  }
0x3b8: {  	s0 =	sadd.s32 $0xFFFFFFFF, s0;
	s6 =	smov.u32 s2;
	v0 =	vld.msk [tilespmem:s3+$0x0], $0x1  }
0x3b9: {  	p1 =	sne.s32 s0, $0x0;
	_ =	sdelay $0x3  }
0x3ba: {  	(v2sf) =	vpush v0, $0x0;
	_ =	sdelay $0xe  }
0x3bb: {  	s2 =	sadd.s32 $0x100, s2;
	s8 =	simm.s32 $0x0;
	s5 =	spop (v2sf)  }
.Ltmp52:
0x3bc: {  	s3 =	sadd.s32 $0x1, s3;
	p2 =	sgt.u32 s5, $0x3FF70;
	(pc) =	sbr.rel @p1 .LBB3_57-.Ltmp52, $4  }
0x3bd: {  	s8 =	simm.s32 @!p2 $0x400;
	s7 =	sand.u32 @!p2 $0x3FFF8, s5;
	s9 =	sadd.s32 @!p2 $0x80, s5  }
0x3be: {  	s5 =	sand.u32 @!p2 $0x7, s5;
	s7 =	sadd.s32 @!p2 s1, s7;
	s9 =	sand.u32 @!p2 $0x7FFF8, s9  }
0x3bf: {  	[hbm4b:s7+s5] =	stream.linear.scatter @!p2 [tilespmem:s6], [sflag:$0x7], $0x80, $0x38;
	[tilespmem:$0x1E678] =	vst v63  }
0x3c0: {  	s4 =	sadd.s32 s4, s8;
	s6 =	sadd.s32 @!p2 $0x80, s6;
	s7 =	sadd.s32 @!p2 s1, s9  }
.LBB3_58:
0x3c1: {  	[hbm4b:s7+s5] =	stream.linear.scatter @!p2 [tilespmem:s6], [sflag:$0x7], $0x80, $0x38;
	[tilespmem:$0x1E678] =	vst v63  }
0x3c2: {  	s4 =	sshrl.u32 s4, $0x2  }
.LBB3_59:
0x3c3: {  	s0 =	simm.s32 $0x7  }
0x3c4: {  	_ =	swait.ge [sflag:s0], s4  }
0x3c5: {  	s1 =	ssub.s32 $0x0, s4;
	[sflag:s0] =	ssyncset.done $0x0  }
0x3c6: {  	[sflag:s0] =	ssyncadd.s32 s1  }
0x3c7: {  	[sflag:s0] =	ssyncpa.u1 $0x1  }
.LBB3_60:
0x3c8: {  	_ =	sfence;
	s0 =	simm.s32 $0x1  }
0x3c9: {  	[sflag:s0] =	ssyncpa.u1 $0x1  }
0x3ca: {  	_ =	strace $0x90000062  }
0x3cb: {  	[bflag:$0x2] =	sbarrier.arrive $0xFFFF  }
0x3cc: {  	s0 =	rddreg [dreg:$0x3]  }
0x3cd: {  	s0 =	sadd.s32 @!p0 $0x100000, s0  }
0x3ce: {  	[sflag:s0] =	ssyncadd.tile.s32 @!p0 $0x1;
	_ =	shalt  }
.Lfunc_end3:
_tile_overlayer_lowered:
.L_overlay_start_3:
0x3cf: {  	(tag) =	ssettag $0x3  }
0x3d0: {  	s0 =	rddreg [dreg:$0x0];
	s2 =	stileid.u32  }
0x3d1: {  	s1 =	rddreg [dreg:$0x1];
	p0 =	sne.s32 s2, $0x0  }
0x3d2: {  	s3 =	rddreg [dreg:$0x2];
	[bflag:$0x3] =	sbarrier.arrive $0xFFFF;
	s2 =	simm.s32 @!p0 $0x1C01  }
0x3d3: {  	[timem:s3], [sflag:s2] =	dma.local @!p0 [hbm:s0], s1  }
0x3d4: {  	s0 =	simm.s32 @!p0 $0x1  }
0x3d5: {  	_ =	swait.ge @!p0 [sflag:s0], s1  }
0x3d6: {  	s1 =	ssub.s32 @!p0 $0x0, s1;
	[sflag:s0] =	ssyncset.done @!p0 $0x0  }
0x3d7: {  	[sflag:s0] =	ssyncadd.s32 @!p0 s1  }
0x3d8: {  	[bflag:$0x3] =	sbarrier.arrive $0xFFFF  }
0x3d9: {  	_ =	shalt  }

// kernel: scatter_offload_async_start
scs
__scs_entry_jumppad:
0x0: {  	(pc) =	sbr.rel $0x88, $3  }
0x1: {  	(tag) =	ssettag $0x0;
	lr =	simm.s32 $0x1  }
0x2: {  	[smem:$0x3F94] =	sst lr;
	_ =	strace $0xD0000000  }
0x3: {  	_ = 	snop  }
0x4: {  	_ = 	snop  }
0x5: {  	_ = 	snop  }
0x6: {  	_ = 	snop  }
0x7: {  	_ = 	snop  }
__scs_overlays_trampoline_lowered:
0x8: {  	[smem:$0x3FA3] =	sst s0  }
0x9: {  	[smem:$0x3FA4] =	sst s1  }
0xa: {  	[smem:$0x3FA5] =	sst s2  }
0xb: {  	[smem:$0x3FA6] =	sst s3  }
0xc: {  	[smem:$0x3FA7] =	sst s4  }
0xd: {  	[smem:$0x3FA8] =	sst s5  }
0xe: {  	[smem:$0x3FA9] =	sst s6  }
0xf: {  	[smem:$0x3FAA] =	sst s7  }
0x10: {  	[smem:$0x3FAB] =	sst s8  }
0x11: {  	[smem:$0x3FAC] =	sst s9;
	s0 =	simm.s32 @!p0 $0x0  }
0x12: {  	s1 =	sld [smem:$0x3F92];
	s0 =	simm.s32 @p0 $0x1  }
0x13: {  	[smem:$0x3FAD] =	sst s0;
	s0 =	simm.s32 @!p1 $0x0  }
0x14: {  	s2 =	sld [smem:$0x3F91];
	s0 =	simm.s32 @p1 $0x1  }
0x15: {  	[smem:$0x3FAE] =	sst s0;
	s0 =	simm.s32 @!p2 $0x0  }
0x16: {  	s3 =	sld [smem:$0x3FDB];
	s0 =	simm.s32 @p2 $0x1  }
0x17: {  	s4 =	simm.s32 $0x1BF5;
	[smem:$0x3FB0] =	sst s0  }
0x18: {  	s0 =	sld [smem:$0x3F93];
	_ =	swait.ge [sflag:s4], $0x0  }
0x19: {  	s7 =	sld [smem:$0x3F94]  }
0x1a: {  	s8 =	sadd.s32 $0xFFFFE003, lr  }
0x1b: {  	s9 =	sadd.s32 $0xFFFFFEF7, lr;
	s5 =	simm.s32 $0xFFFFFFFF;
	p2 =	slt.u32 s8, $0xFFFFF086  }
0x1c: {  	p1 =	slt.u32 s9, $0xF7A;
	s5 =	simm.s32 @!p2 $0x0  }
0x1d: {  	s5 =	simm.s32 @p1 $0x1;
	p0 =	seq.s32 s7, s2  }
0x1e: {  	s7 =	smul.u32 @!p0 $0xF7A, s2;
	p2 =	seq.s32 @!p0 s5, $0x0  }
0x1f: {  	s9 =	smul.u32 $0xF7A, s1;
	s8 =	simm.s32 @!p0 $0x1BF5;
	p2 =	por !p2, p0  }
0x20: {  	[sflag:s8] =	ssyncset.s32 @!p0 $0xFFFFF086;
	s6 =	sadd.s32 @!p0 s3, s7;
	s7 =	simm.s32 @!p0 $0x108  }
0x21: {  	s3 =	sadd.s32 s3, s9;
	s6 =	sadd.s32 @!p0 $0x88, s6;
	s7 =	simm.s32 @p2 $0x1082  }
0x22: {  	[simem:s7], [sflag:s8] =	dma.local @!p0 [hbm:s6], $0xF7A  }
0x23: {  	s9 =	sor.u32 $0xD0000000, s2;
	s6 =	simm.s32 $0x108;
	_ =	swait.ge @!p0 [sflag:s8], $0x0  }
0x24: {  	s3 =	sadd.s32 $0x88, s3;
	s6 =	simm.s32 @!p1 $0x1082;
	[sflag:s4] =	ssyncset.s32 $0xFFFFF086  }
0x25: {  	[simem:s6], [sflag:s4] =	dma.local [hbm:s3], $0xF7A  }
0x26: {  	[smem:$0x3F94] =	sst s1;
	(tag) =	ssettag s2;
	_ =	strace s9  }
0x27: {  	s1 =	sld [smem:$0x3FA4]  }
0x28: {  	s2 =	sld [smem:$0x3FA5]  }
0x29: {  	s4 =	sld [smem:$0x3FA7]  }
0x2a: {  	p0 =	seq.s32 s5, $0x0;
	s5 =	sld [smem:$0x3FA8]  }
0x2b: {  	s6 =	sld [smem:$0x3FA9]  }
0x2c: {  	s7 =	sld [smem:$0x3FAA]  }
0x2d: {  	s3 =	simm.s32 $0x108;
	s8 =	sld [smem:$0x3FAB]  }
0x2e: {  	s3 =	simm.s32 @!p0 $0x1082;
	s9 =	sld [smem:$0x3FAC]  }
0x2f: {  	lr =	sadd.s32 s0, s3;
	s0 =	sld [smem:$0x3FA3]  }
0x30: {  	s3 =	sld [smem:$0x3FA6]  }
0x31: {  	[smem:$0x3FAF] =	sst s10  }
0x32: {  	s10 =	sld [smem:$0x3FAD];
	_ =	sdelay $0x3  }
0x33: {  	p0 =	seq.s32 s10, $0x1;
	s10 =	sld [smem:$0x3FAF];
	_ =	sdelay $0x3  }
0x34: {  	[smem:$0x3FAF] =	sst s10  }
0x35: {  	s10 =	sld [smem:$0x3FAE];
	_ =	sdelay $0x3  }
0x36: {  	p1 =	seq.s32 s10, $0x1;
	s10 =	sld [smem:$0x3FAF];
	_ =	sdelay $0x3  }
0x37: {  	[smem:$0x3FAF] =	sst s10  }
0x38: {  	s10 =	sld [smem:$0x3FB0]  }
0x39: {  	_ = 	snop;
	(pc) =	sbr.ind lr, $3  }
0x3a: {  	_ = 	snop  }
0x3b: {  	_ = 	snop  }
0x3c: {  	p2 =	seq.s32 s10, $0x1;
	s10 =	sld [smem:$0x3FAF]  }
0x3d: {  	_ =	shalt  }
0x3e: {  	_ =	shalt  }
0x3f: {  	_ =	shalt  }
0x40: {  	_ =	shalt  }
0x41: {  	_ =	shalt  }
0x42: {  	_ =	shalt  }
0x43: {  	_ =	shalt  }
0x44: {  	_ =	shalt  }
0x45: {  	_ =	shalt  }
0x46: {  	_ =	shalt  }
0x47: {  	_ =	shalt  }
0x48: {  	_ =	shalt  }
0x49: {  	_ =	shalt  }
0x4a: {  	_ =	shalt  }
0x4b: {  	_ =	shalt  }
0x4c: {  	_ =	shalt  }
0x4d: {  	_ =	shalt  }
0x4e: {  	_ =	shalt  }
0x4f: {  	_ =	shalt  }
0x50: {  	_ =	shalt  }
0x51: {  	_ =	shalt  }
0x52: {  	_ =	shalt  }
0x53: {  	_ =	shalt  }
0x54: {  	_ =	shalt  }
0x55: {  	_ =	shalt  }
0x56: {  	_ =	shalt  }
0x57: {  	_ =	shalt  }
0x58: {  	_ =	shalt  }
0x59: {  	_ =	shalt  }
0x5a: {  	_ =	shalt  }
0x5b: {  	_ =	shalt  }
0x5c: {  	_ =	shalt  }
0x5d: {  	_ =	shalt  }
0x5e: {  	_ =	shalt  }
0x5f: {  	_ =	shalt  }
0x60: {  	_ =	shalt  }
0x61: {  	_ =	shalt  }
0x62: {  	_ =	shalt  }
0x63: {  	_ =	shalt  }
0x64: {  	_ =	shalt  }
0x65: {  	_ =	shalt  }
0x66: {  	_ =	shalt  }
0x67: {  	_ =	shalt  }
0x68: {  	_ =	shalt  }
0x69: {  	_ =	shalt  }
0x6a: {  	_ =	shalt  }
0x6b: {  	_ =	shalt  }
0x6c: {  	_ =	shalt  }
0x6d: {  	_ =	shalt  }
0x6e: {  	_ =	shalt  }
0x6f: {  	_ =	shalt  }
0x70: {  	_ =	shalt  }
0x71: {  	_ =	shalt  }
0x72: {  	_ =	shalt  }
0x73: {  	_ =	shalt  }
0x74: {  	_ =	shalt  }
0x75: {  	_ =	shalt  }
0x76: {  	_ =	shalt  }
0x77: {  	_ =	shalt  }
0x78: {  	_ =	shalt  }
0x79: {  	_ =	shalt  }
0x7a: {  	_ =	shalt  }
0x7b: {  	_ =	shalt  }
0x7c: {  	_ =	shalt  }
0x7d: {  	_ =	shalt  }
0x7e: {  	_ =	shalt  }
0x7f: {  	_ =	shalt  }
0x80: {  	_ =	shalt  }
0x81: {  	_ =	shalt  }
0x82: {  	_ =	shalt  }
0x83: {  	_ =	shalt  }
0x84: {  	_ =	shalt  }
0x85: {  	_ =	shalt  }
0x86: {  	_ =	shalt  }
0x87: {  	_ =	shalt  }
.Lfunc_end0:
.L_simem_size_0:
called_computation_lowered:
.L_overlay_start_0:
0x88: {  	s0 =	sld [smem:$0x3FD9]  }
0x89: {  	s1 =	sld [smem:$0x3FFE];
	_ =	sdelay $0x3  }
0x8a: {  	s0 =	sadd.s32 s1, s0  }
0x8b: {  	[smem:$0x3FBB] =	sst s0  }
0x8c: {  	_ = 	snop  }
0x8d: {  	s0 =	sld [smem:$0x3FD0];
	_ =	sdelay $0x2  }
0x8e: {  	s2 =	simm.s32 $0xD;
	s12 =	simm.s32 $0x10  }
0x8f: {  	[smem:s12], [sflag:s2] =	dma.local [hbm:s0], $0x1  }
0x90: {  	_ =	swait.eq [sflag:s2], $0x1  }
0x91: {  	[sflag:s2] =	ssyncset.done $0x0  }
0x92: {  	s13 =	sld [smem:$0x10];
	[sflag:s2] =	ssyncadd.s32 $0xFFFFFFFF  }
0x93: {  	s14 =	sld [smem:$0x12];
	(tm) =	ssettm $0x1  }
0x94: {  	s15 =	sld [smem:$0x3FFB];
	_ =	sdelay $0x3  }
0x95: {  	_ =	strace s15  }
0x96: {  	s0 =	sld [smem:$0x3FFC];
	_ =	sdelay $0x3  }
0x97: {  	_ =	strace s0  }
0x98: {  	s0 =	sld [smem:$0x3FFD];
	_ =	sdelay $0x3  }
0x99: {  	_ =	strace s0  }
0x9a: {  	_ =	strace $0x8FFFFFFF  }
0x9b: {  	s16 =	sld [smem:$0x3FDB];
	_ =	sdelay $0x1  }
0x9c: {  	s3 =	simm.s32 $_scs_section_size  }
0x9d: {  	s4 =	simm.s32 $_size__tile_overlayer_lowered;
	s5 =	simm.s32 $_tile_overlayer_lowered  }
0x9e: {  	s6 =	simm.s32 $0x1BFF;
	s17 =	sshll.u32 s5, $0x1;
	s3 =	sadd.s32 s3, s16  }
0x9f: {  	s18 =	simm.s32 $0x0;
	s4 =	sshll.u32 s4, $0x1;
	s5 =	sadd.s32 s17, s3  }
0xa0: {  	[timem:s18], [sflag:s6] =	dma.local [hbm:s5], s4  }
0xa1: {  	_ =	swait.ge [sflag:s6], s4  }
0xa2: {  	s4 =	ssub.s32 $0x0, s4;
	[sflag:s6] =	ssyncset.done $0x0  }
0xa3: {  	[sflag:s6] =	ssyncadd.s32 s4;
	_ =	sdelay $0x1  }
0xa4: {  	s19 =	simm.s32 $0x1B8B  }
0xa5: {  	_ =	swait.ge [sflag:s19], $0x1  }
0xa6: {  	[sflag:s19] =	ssyncset.done $0x0  }
0xa7: {  	s21 =	simm.s32 $0x1B8E;
	s20 =	sld [smem:$0x3FFE];
	[sflag:s19] =	ssyncadd.s32 $0xFFFFFFFF  }
0xa8: {  	s22 =	simm.s32 $execute0_lowered;
	[smem:$0x3FD2] =	sst s21  }
0xa9: {  	s5 =	sshll.u32 s22, $0x1;
	_ =	strace $0x80000046;
	[dreg:$0x1] =	wrdreg $0xFFFFFFFF  }
0xaa: {  	s23 =	simm.s32 $_size_execute0_lowered;
	s5 =	sadd.s32 s3, s5;
	[dreg:$0x0] =	wrdreg $0x0  }
0xab: {  	s6 =	sshll.u32 s23, $0x1;
	[dreg:$0x2] =	wrdreg s5  }
0xac: {  	[dreg:$0x3] =	wrdreg s6  }
0xad: {  	[dreg:$0x4] =	wrdreg $0xC0  }
0xae: {  	s24 =	simm.s32 $execute1_lowered;
	_ =	task [dreg:s18], $0x5FFFF  }
0xaf: {  	s5 =	sshll.u32 s24, $0x1;
	[dreg:$0x1] =	wrdreg $0xFFFFFFFF  }
0xb0: {  	s3 =	sadd.s32 s3, s5;
	[dreg:$0x0] =	wrdreg $0x60  }
0xb1: {  	[dreg:$0x2] =	wrdreg s3  }
0xb2: {  	[dreg:$0x3] =	wrdreg s20  }
0xb3: {  	[dreg:$0x4] =	wrdreg $0x9  }
0xb4: {  	_ =	task.clear_ibuf [dreg:s18], $0x5FFFF;
	_ =	strace $0x90000046  }
0xb5: {  	s25 =	simm.s32 $0x9;
	_ =	strace $0x80000048  }
0xb6: {  	_ =	swait.ge [sflag:s25], $0x1  }
0xb7: {  	[sflag:s25] =	ssyncadd.s32 $0xFFFFFFFF  }
0xb8: {  	_ =	strace $0x90000048  }
0xb9: {  	_ =	strace $0x80000049;
	[dreg:$0x1] =	wrdreg $0xFFFFFFFF  }
0xba: {  	[dreg:$0x0] =	wrdreg $0x2030  }
0xbb: {  	[dreg:$0x2] =	wrdreg s20  }
0xbc: {  	[dreg:$0x3] =	wrdreg s13  }
0xbd: {  	[dreg:$0x4] =	wrdreg s14  }
0xbe: {  	[dreg:$0x5] =	wrdreg $0xA  }
0xbf: {  	_ =	task.clear_ibuf [dreg:s18], $0x6FFFF;
	_ =	strace $0x90000049  }
0xc0: {  	s26 =	simm.s32 $0xA;
	_ =	strace $0x8000004B  }
0xc1: {  	_ =	swait.ge [sflag:s26], $0x1  }
0xc2: {  	[sflag:s26] =	ssyncadd.s32 $0xFFFFFFFF  }
0xc3: {  	_ =	strace $0x9000004B  }
0xc4: {  	_ =	sfence  }
0xc5: {  	s28 =	sld [smem:$0x0];
	_ =	sdelay $0x1  }
0xc6: {  	s29 =	srdreg.scid  }
0xc7: {  	s30 =	sshll.u32 s29, $0xD;
	s31 =	sshrl.u32 s29, $0x2  }
0xc8: {  	s2 =	sand.u32 $0x1, s29;
	s3 =	sand.u32 $0x4000, s30;
	s1 =	sadd.s32 s31, s28  }
0xc9: {  	s2 =	sor.u32 s3, s2;
	s1 =	sshll.u32 s1, $0x11  }
0xca: {  	s1 =	sor.u32 s1, s2  }
0xcb: {  	s1 =	sadd.s32 $0x8F2B, s1  }
0xcc: {  	[sflag:s1] =	ssyncadd.remote.s32 $0x1  }
0xcd: {  	_ =	sfence.sel $0xFFFF  }
0xce: {  	[dreg:$0x0] =	wrdreg $0xFFFFFFFF;
	(pc) =	sbr.abs _section_cstart, $3  }
0xcf: {  	[dreg:$0x1] =	wrdreg $0xFFFFFFFF  }
0xd0: {  	_ =	task.clear_ibuf [dreg:s18], $0x2FFFF;
	_ =	strace $0x9FFFFFFF  }
0xd1: {  	(tm) =	ssettm $0x7FFFFFFF  }
tec
execute0_lowered:
.L_overlay_start_1:
0x0: {  	(tag) =	ssettag $0x1  }
0x1: {  	s2 =	rddreg [dreg:$0x0]  }
0x2: {  	s4 =	rddreg [dreg:$0x1]  }
0x3: {  	s0 =	rddreg [dreg:$0x2]  }
0x4: {  	s3 =	stileid.u32;
	[bflag:$0x3] =	sbarrier.arrive $0xFFFF;
	s1 =	simm.s32 $_size_execute1_lowered  }
0x5: {  	s8 =	simm.s32 $0x2;
	s9 =	simm.s32 $0x0;
	p0 =	sne.s32 s3, $0x0  }
0x6: {  	s1 =	sshll.u32 s1, $0x1;
	s5 =	simm.s32 @!p0 $0x1C3F;
	s6 =	simm.s32 @!p0 $0x4060  }
0x7: {  	[timem:s6], [sflag:s5] =	dma.local @!p0 [hbm:s2], s1  }
0x8: {  	s11 =	simm.s32 $0x0;
	s10 =	simm.s32 $0x0;
	s2 =	sshll.u32 s3, $0x9  }
0x9: {  	s3 =	sshll.u32 s3, $0x6;
	_ =	strace $0x80000047;
	s30 =	ssub.s32 $0x2000, s2  }
.Ltmp0:
0xa: {  	s31 =	sadd.s32 s3, s4;
	s7 =	sand.u32 $0x1E00, s30;
	(pc) =	sbr.rel .LBB2_1-.Ltmp0, $4  }
0xb: {  	s3 =	simm.s32 $0x1;
	p1 =	sne.s32 s7, $0x0;
	s7 =	simm.s32 $0x1  }
0xc: {  	s4 =	sadd.s32 $0x9C00, s4;
	s5 =	sshrl.u32 s30, $0xD;
	s7 =	simm.s32 @!p1 $0x0  }
0xd: {  	[sflag:s3] =	ssyncpa.u1 $0x0;
	s6 =	sadd.s32 $0x9800, s31;
	s5 =	sadd.s32 s7, s5  }
0xe: {  	[sflag:s8] =	ssyncpa.u1 $0x0;
	s8 =	simm.s32 $0x0;
	s7 =	sadd.s32 $0x1, s5  }
.LBB2_3:
0xf: {  	p2 =	sne.s32 s10, s7  }
.Ltmp1:
0x10: {  	p1 =	slt.u32 s10, $0x2;
	(pc) =	sbr.rel @!p2 .LBB2_4-.Ltmp1, $4  }
0x11: {  	s11 =	simm.s32 @!p1 $0x2  }
0x12: {  	_ =	swait.ge @!p1 [sflag:s11], $0x200  }
0x13: {  	s9 =	sadd.s32 $0x200, s9;
	[sflag:s11] =	ssyncset.done @!p1 $0x0  }
0x14: {  	s10 =	sadd.s32 $0x1, s10;
	[sflag:s11] =	ssyncadd.s32 @!p1 $0xFFFFFE00;
	s11 =	smov.u32 s2  }
.LBB2_1:
0x15: {  	p1 =	sge.u32 s10, s5  }
0x16: {  	s12 =	sxor.u32 @!p1 $0xFFFFFFFF, s9  }
0x17: {  	s31 =	sadd.s32 $0xFFFFFFFF, s10;
	s13 =	simm.s32 @!p1 $0x0;
	s12 =	sand.u32 @!p1 $0x200, s12  }
0x18: {  	[tilespmem:s12], [sflag:$0x1] =	stream.linear.gather @!p1 [hbm4b:s6+s13], $0x200, $0x38;
	[tilespmem:$0x800] =	vst v63  }
0x19: {  	p1 =	sge.u32 s31, s5  }
.Ltmp2:
0x1a: {  	_ = 	snop;
	(pc) =	sbr.rel @p1 .LBB2_3-.Ltmp2, $1  }
0x1b: {  	_ =	sdelay $0x3  }
0x1c: {  	_ =	swait.ge [sflag:s3], $0x200  }
0x1d: {  	[sflag:s3] =	ssyncset.done $0x0  }
0x1e: {  	s12 =	sand.u32 $0x200, s9;
	[sflag:s3] =	ssyncadd.s32 $0xFFFFFE00  }
0x1f: {  	v0 =	vld [tilespmem:s12+$0x0]  }
0x20: {  	v1 =	vld [tilespmem:s12+$0x10]  }
0x21: {  	v2 =	vld [tilespmem:s12+$0x20]  }
0x22: {  	v3 =	vld [tilespmem:s12+$0x30]  }
0x23: {  	v4 =	vld [tilespmem:s12+$0x40]  }
0x24: {  	v37 =	vld [tilespmem:s12+$0x50];
	[tilespmem:s12+$0x400] =	vst v0  }
0x25: {  	v38 =	vld [tilespmem:s12+$0x60];
	[tilespmem:s12+$0x410] =	vst v1  }
0x26: {  	v39 =	vld [tilespmem:s12+$0x70];
	[tilespmem:s12+$0x420] =	vst v2  }
0x27: {  	v40 =	vld [tilespmem:s12+$0x80];
	[tilespmem:s12+$0x430] =	vst v3  }
0x28: {  	v41 =	vld [tilespmem:s12+$0x90];
	[tilespmem:s12+$0x440] =	vst v4  }
0x29: {  	v42 =	vld [tilespmem:s12+$0xA0];
	[tilespmem:s12+$0x450] =	vst v37  }
0x2a: {  	v43 =	vld [tilespmem:s12+$0xB0];
	[tilespmem:s12+$0x460] =	vst v38  }
0x2b: {  	v44 =	vld [tilespmem:s12+$0xC0];
	[tilespmem:s12+$0x470] =	vst v39  }
0x2c: {  	v45 =	vld [tilespmem:s12+$0xD0];
	[tilespmem:s12+$0x480] =	vst v40  }
0x2d: {  	v46 =	vld [tilespmem:s12+$0xE0];
	[tilespmem:s12+$0x490] =	vst v41  }
0x2e: {  	v47 =	vld [tilespmem:s12+$0xF0];
	[tilespmem:s12+$0x4A0] =	vst v42  }
0x2f: {  	v48 =	vld [tilespmem:s12+$0x100];
	[tilespmem:s12+$0x4B0] =	vst v43  }
0x30: {  	v49 =	vld [tilespmem:s12+$0x110];
	[tilespmem:s12+$0x4C0] =	vst v44  }
0x31: {  	v50 =	vld [tilespmem:s12+$0x120];
	[tilespmem:s12+$0x4D0] =	vst v45  }
0x32: {  	v51 =	vld [tilespmem:s12+$0x130];
	[tilespmem:s12+$0x4E0] =	vst v46  }
0x33: {  	v52 =	vld [tilespmem:s12+$0x140];
	[tilespmem:s12+$0x4F0] =	vst v47  }
0x34: {  	v53 =	vld [tilespmem:s12+$0x150];
	[tilespmem:s12+$0x500] =	vst v48  }
0x35: {  	v54 =	vld [tilespmem:s12+$0x160];
	[tilespmem:s12+$0x510] =	vst v49  }
0x36: {  	v55 =	vld [tilespmem:s12+$0x170];
	[tilespmem:s12+$0x520] =	vst v50  }
0x37: {  	v56 =	vld [tilespmem:s12+$0x180];
	[tilespmem:s12+$0x530] =	vst v51  }
0x38: {  	v57 =	vld [tilespmem:s12+$0x190];
	[tilespmem:s12+$0x540] =	vst v52  }
0x39: {  	v58 =	vld [tilespmem:s12+$0x1A0];
	[tilespmem:s12+$0x550] =	vst v53  }
0x3a: {  	v59 =	vld [tilespmem:s12+$0x1B0];
	[tilespmem:s12+$0x560] =	vst v54  }
0x3b: {  	v60 =	vld [tilespmem:s12+$0x1C0];
	[tilespmem:s12+$0x570] =	vst v55  }
0x3c: {  	v61 =	vld [tilespmem:s12+$0x1D0];
	[tilespmem:s12+$0x580] =	vst v56  }
0x3d: {  	v62 =	vld [tilespmem:s12+$0x1E0];
	[tilespmem:s12+$0x590] =	vst v57  }
0x3e: {  	v63 =	vld [tilespmem:s12+$0x1F0];
	[tilespmem:s12+$0x5A0] =	vst v58  }
0x3f: {  	[tilespmem:s12+$0x5B0] =	vst v59  }
.Ltmp3:
0x40: {  	[tilespmem:s12+$0x5C0] =	vst v60;
	(pc) =	sbr.rel .LBB2_3-.Ltmp3, $4  }
0x41: {  	[tilespmem:s12+$0x5D0] =	vst v61  }
0x42: {  	s11 =	sshrl.u32 s11, $0x3;
	[tilespmem:s12+$0x5E0] =	vst v62  }
0x43: {  	s13 =	sor.u32 $0x400, s12;
	s11 =	sadd.s32 s4, s11;
	[tilespmem:s12+$0x5F0] =	vst v63  }
0x44: {  	[hbm4b:s11+s8] =	stream.linear.scatter [tilespmem:s13], [sflag:$0x2], $0x200, $0x38;
	[tilespmem:$0x800] =	vst v63  }
.LBB2_4:
0x45: {  	_ =	sfence.sel $0x180000  }
0x46: {  	s2 =	simm.s32 $0x1;
	[bflag:$0x0] =	sbarrier.arrive $0xFFFF  }
0x47: {  	s31 =	simm.s32 $0x2;
	[sflag:s2] =	ssyncpa.u1 $0x1  }
0x48: {  	[sflag:s31] =	ssyncpa.u1 $0x1  }
0x49: {  	_ =	strace $0x90000047  }
0x4a: {  	s0 =	sadd.s32 @!p0 $0x100000, s0;
	[bflag:$0x2] =	sbarrier.arrive $0xFFFF  }
0x4b: {  	[sflag:s0] =	ssyncadd.tile.s32 @!p0 $0x1;
	s0 =	simm.s32 @!p0 $0x3F  }
0x4c: {  	_ =	swait.ge @!p0 [sflag:s0], s1  }
0x4d: {  	s1 =	ssub.s32 @!p0 $0x0, s1;
	[sflag:s0] =	ssyncset.done @!p0 $0x0  }
0x4e: {  	[sflag:s0] =	ssyncadd.s32 @!p0 s1  }
0x4f: {  	[bflag:$0x3] =	sbarrier.arrive $0xFFFF  }
0x50: {  	_ =	shalt  }
.Lfunc_end2:
execute1_lowered:
.L_overlay_start_2:
0x51: {  	(tag) =	ssettag $0x2  }
0x52: {  	s0 =	rddreg [dreg:$0x0];
	_ =	strace $0x8000004A;
	s5 =	simm.s32 $0x1  }
0x53: {  	v1 =	vimm.s32 $0xFFFFFFFF;
	[sflag:s5] =	ssyncpa.u1 $0x0  }
0x54: {  	[tilespmem:$0x10] =	vst v1  }
0x55: {  	v0 =	vimm.f32 $0.0e+00;
	[tilespmem:$0x20] =	vst v1  }
0x56: {  	[tilespmem:$0x30] =	vst v0  }
0x57: {  	s2 =	simm.s32 $0x2;
	s6 =	simm.s32 $0x7;
	s26 =	stileid.u32;
	[tilespmem:$0x40] =	vst v0  }
0x58: {  	s7 =	simm.s32 $0x8;
	s31 =	simm.s32 $0x9;
	s14 =	simm.s32 $0x0;
	[tilespmem:$0x50] =	vst v0  }
0x59: {  	s15 =	simm.s32 $0x100;
	s16 =	simm.s32 $0xA100;
	s17 =	simm.s32 $0x20FF;
	[tilespmem:$0x60] =	vst v1  }
0x5a: {  	s18 =	simm.s32 $0x10;
	s19 =	simm.s32 $0x12100;
	s20 =	simm.s32 $0xF;
	[tilespmem:$0x70] =	vst v1  }
0x5b: {  	s21 =	simm.s32 $0x50;
	s22 =	simm.s32 $0x80FF;
	s23 =	simm.s32 $0x20;
	[tilespmem:$0x80] =	vst v1  }
0x5c: {  	s24 =	simm.s32 $0x30;
	s25 =	simm.s32 $0x100FF;
	s30 =	simm.s32 $0x0;
	v1 =	vimm.s32 $0x0;
	[tilespmem:$0xB0] =	vst v0  }
.Ltmp4:
0x5d: {  	s29 =	simm.s32 $0x0;
	s1 =	sadd.s32 $0x9C00, s0;
	[tilespmem:$0x90] =	vst v1;
	(pc) =	sbr.rel .LBB3_1-.Ltmp4, $4  }
0x5e: {  	s8 =	sshll.u32 s26, $0xD;
	s10 =	sshll.u32 s26, $0x1;
	[tilespmem:$0xA0] =	vst v1;
	[sflag:s2] =	ssyncpa.u1 $0x0  }
0x5f: {  	s12 =	sshllo.u32 s26, $0x1;
	s26 =	simm.s32 $0x80;
	[sflag:s6] =	ssyncpa.u1 $0x0  }
0x60: {  	vm0 =	vmmov $0xffff;
	v2 =	vlaneseq.u32;
	s9 =	sadd.s32 $0x2000, s8;
	s11 =	sor.u32 $0x81, s10;
	[sflag:s7] =	ssyncpa.u1 $0x0  }
0x61: {  	vm1 =	vmxor vm1, vm1;
	vm2 =	vmmov $0x1;
	vm3 =	vcmask $0x3F3C;
	s13 =	sor.u32 $0x80, s10;
	s28 =	smov.u32 s8;
	[sflag:s31] =	ssyncpa.u1 $0x0  }
.LBB3_3:
0x62: {  	s0 =	sshrl.u32 s28, $0x3;
	s2 =	rddreg [dreg:$0x1]  }
0x63: {  	s31 =	sand.u32 $0x7, s28;
	s0 =	sadd.s32 s2, s0  }
0x64: {  	[tilespmem:s15], [sflag:$0x7] =	stream.linear.gather [hbm4b:s0+s31], $0x2000, $0x38;
	[tilespmem:$0x12120] =	vst v63  }
.LBB3_4:
0x65: {  	s0 =	sadd.s32 $0x2000, s28  }
0x66: {  	s2 =	smov.u32 s8;
	s29 =	sadd.s32 $0x1, s29;
	p0 =	slt.s32 s0, s9  }
0x67: {  	s2 =	smov.u32 @p0 s0;
	p0 =	sne.s32 s29, $0x4  }
.Ltmp5:
0x68: {  	_ = 	snop;
	(pc) =	sbr.rel @!p0 .LBB3_13-.Ltmp5, $2  }
0x69: {  	_ =	sdelay $0x2  }
0x6a: {  	s30 =	smov.u32 s28;
	s28 =	smov.u32 s2  }
.LBB3_1:
0x6b: {  	p0 =	sgt.s32 s29, $0x1  }
.Ltmp6:
0x6c: {  	_ = 	snop;
	(pc) =	sbr.rel @p0 .LBB3_11-.Ltmp6, $1  }
0x6d: {  	_ =	sdelay $0x3  }
0x6e: {  	p0 =	seq.s32 s29, $0x0  }
.Ltmp7:
0x6f: {  	_ = 	snop;
	(pc) =	sbr.rel @p0 .LBB3_3-.Ltmp7, $1  }
0x70: {  	_ =	sdelay $0x3  }
0x71: {  	_ =	swait.ge [sflag:s6], $0x2000  }
0x72: {  	[sflag:s6] =	ssyncset.done $0x0  }
0x73: {  	[sflag:s6] =	ssyncadd.s32 $0xFFFFE000;
	(ifvalue) =	ssetifvalue $0xFFFFFFFF;
	v3 =	vld.msk [tilespmem:s15+$0x0 ss:$0x1], $0xffff;
	_ =	sdelay $0x4  }
0x74: {  	v4 =	vperm.xlane v3, v1  }
0x75: {  	vm4 =	vlt.u32 v3, $0x2000  }
0x76: {  	v3 =	vnsel vm4, $0xFFFFFFFE, v3;
	vm4 =	vlt.u32 v4, $0x2000  }
0x77: {  	[tilespmem:$0x70] =	vst v3;
	v3 =	vnsel vm4, $0xFFFFFFFE, v4  }
0x78: {  	s4 =	simm.s32 $0x20F0;
	[tilespmem:$0x80] =	vst v3  }
0x79: {  	v3 =	vld.msk [tilespmem:s4+$0x0 ss:$0x1], $0xffff;
	_ =	sdelay $0x4  }
0x7a: {  	(xrf1) =	vunique.msk.u32 $0xffff, v3;
	_ =	sdelay $0xd  }
0x7b: {  	v4 =	vimm.s32 $0xFFFFFFFF;
	v5, _, _ =	vpop (xrf1)  }
0x7c: {  	vm5 =	vne.s32 v3, v4;
	vm4 =	veq.s32 v5, v2  }
0x7d: {  	vm6 =	vlt.u32 v3, $0x2000;
	vm4 =	vmand vm5, vm4  }
0x7e: {  	vm4 =	vmand vm6, vm4  }
0x7f: {  	v4 =	vnsel vm4, $0xFFFFFFFF, v3;
	_ =	sdelay $0x3  }
0x80: {  	s0 =	simm.s32 $0x80F0;
	(ifvalue) =	ssetifvalue $0xFFFFFFFF  }
0x81: {  	v3 =	vperm.xlane v3, v1;
	[tilespmem:s0], [sflag:$0x8] =	stream.indirect_vreg.gather [hbm4b:s1+s14], $0x1, v4, vm0, $0x4038;
	v4 =	vnsel vm6, $0xFFFFFFFE, v4;
	[tilespmem:$0x12120] =	vst v63  }
0x82: {  	s2 =	simm.s32 $0x0;
	s3 =	simm.s32 $0x20E0;
	[tilespmem:s4+$0x0] =	vst v4  }
.LBB3_6:
0x83: {  	v4 =	vld.msk [tilespmem:s3+$0x0 ss:$0x1], $0xffff;
	s2 =	sadd.s32 $0x10, s2;
	v5 =	vmov v3;
	s4 =	smov.u32 s3  }
0x84: {  	p0 =	slt.u32 s2, $0x1FF0;
	_ =	sdelay $0x4  }
0x85: {  	v3 =	vperm.xlane v4, v1;
	(xrf1) =	vunique.msk.u32 $0xffff, v4;
	_ =	sdelay $0xd  }
0x86: {  	v6, _, _ =	vpop (xrf1)  }
0x87: {  	vm5 =	vne.s32 v4, v5;
	vm4 =	veq.s32 v6, v2  }
0x88: {  	vm6 =	vlt.u32 v4, $0x2000;
	vm4 =	vmand vm5, vm4  }
0x89: {  	vm4 =	vmand vm6, vm4  }
0x8a: {  	v4 =	vnsel vm4, $0xFFFFFFFF, v4  }
.Ltmp8:
0x8b: {  	v5 =	vnsel vm6, $0xFFFFFFFE, v4;
	(pc) =	sbr.rel @p0 .LBB3_6-.Ltmp8, $3  }
0x8c: {  	_ =	sdelay $0x1  }
0x8d: {  	s3 =	sadd.s32 $0xFFFFFFF0, s3;
	s0 =	sadd.s32 $0xFFFFFFF0, s0;
	(ifvalue) =	ssetifvalue $0xFFFFFFFF  }
0x8e: {  	[tilespmem:s0], [sflag:$0x8] =	stream.indirect_vreg.gather [hbm4b:s1+s14], $0x1, v4, vm0, $0x4038;
	[tilespmem:s4+$0x0] =	vst v5  }
.Ltmp9:
0x8f: {  	(pc) =	sbr.rel .LBB3_4-.Ltmp9, $4  }
0x90: {  	_ = 	snop  }
0x91: {  	s0 =	sshrl.u32 s30, $0x3;
	s2 =	rddreg [dreg:$0x2]  }
0x92: {  	s0 =	sadd.s32 s2, s0  }
0x93: {  	[tilespmem:s16], [sflag:$0x8] =	stream.linear.gather [hbm:s0], $0x2000, $0x38;
	[tilespmem:$0x12120] =	vst v63  }
.LBB3_11:
0x94: {  	p0 =	seq.s32 s29, $0x2  }
.Ltmp10:
0x95: {  	_ = 	snop;
	(pc) =	sbr.rel @!p0 .LBB3_12-.Ltmp10, $1  }
0x96: {  	_ =	sdelay $0x3  }
0x97: {  	_ =	swait.ge [sflag:s7], $0x4000  }
0x98: {  	[sflag:s7] =	ssyncset.done $0x0  }
0x99: {  	[sflag:s7] =	ssyncadd.s32 $0xFFFFC000  }
0x9a: {  	[spmem:s11] =	stream.linear.scatter [tilespmem:s17], [sflag:$0x1], $0x1, $0x38;
	[tilespmem:$0x12120] =	vst v63  }
0x9b: {  	_ =	swait.ge [sflag:s5], $0x1  }
0x9c: {  	[sflag:s5] =	ssyncset.done $0x0  }
0x9d: {  	[sflag:s5] =	ssyncadd.s32 $0xFFFFFFFF  }
0x9e: {  	v4 =	vld [tilespmem:$0x10]  }
0x9f: {  	v5 =	vld [tilespmem:$0x70]  }
0xa0: {  	v3 =	vld [tilespmem:$0x80];
	_ =	sdelay $0x2  }
0xa1: {  	(v2sf) =	vpush v4, $0x0  }
0xa2: {  	(v2sf) =	vpush v5, $0x0  }
0xa3: {  	(v2sf) =	vpush v3, $0x0;
	_ =	sdelay $0xc  }
0xa4: {  	s0 =	spop (v2sf)  }
0xa5: {  	s2 =	spop (v2sf)  }
0xa6: {  	s30 =	spop (v2sf)  }
0xa7: {  	p0 =	seq.s32 s0, s2;
	p1 =	seq.s32 s30, s0  }
0xa8: {  	p1 =	por p0, p1  }
0xa9: {  	v4 =	vpsel p1, $0xFFFFFFFF, v4  }
0xaa: {  	[tilespmem:s18+$0x0] =	vst.msk $0x1, v4  }
0xab: {  	v4 =	vld [tilespmem:$0x30]  }
0xac: {  	v5 =	vld [tilespmem:$0xA100]  }
0xad: {  	v6 =	vld [tilespmem:$0x40];
	_ =	sdelay $0x3  }
0xae: {  	vm4 =	vmmov vm1;
	v5 =	vadd.f32 v5, v4  }
0xaf: {  	vm5 =	vmmov vm2;
	s31 =	simm.s32 $0xA100;
	vm4 =	vmmov @p0 vm2;
	v4 =	vadd.f32 v6, v4  }
0xb0: {  	vm5 =	vmmov @p1 vm1;
	[tilespmem:s31+$0x0] =	vst.msk vm4, v5  }
0xb1: {  	[tilespmem:s19+$0x0] =	vst.msk vm5, v4  }
0xb2: {  	v4 =	vld [tilespmem:$0x80F0];
	_ =	sdelay $0x3  }
0xb3: {  	v5 =	vimm.f32 $0.0e+00  }
0xb4: {  	v4 =	vshift.insert v4, v5, s20;
	_ =	sdelay $0x1  }
0xb5: {  	[tilespmem:s21+$0x0] =	vst.msk $0x1, v4  }
0xb6: {  	[tilespmem:s22+$0x0] =	vst.msk $0x1, v5  }
0xb7: {  	v4 =	vld [tilespmem:$0x20F0];
	_ =	sdelay $0x4  }
0xb8: {  	v4 =	vshift.insert v4, v1, s20;
	_ =	sdelay $0x1  }
0xb9: {  	[tilespmem:s23+$0x0] =	vst.msk $0x1, v4  }
0xba: {  	s4 =	simm.s32 $0x100;
	v6 =	vld [tilespmem:s31+$0x0]  }
0xbb: {  	v7 =	vld [tilespmem:s4+$0x0];
	_ =	sdelay $0x3  }
0xbc: {  	v5 =	vadd.f32 v6, v5  }
0xbd: {  	vm4 =	vne.s32 v7, $0xFFFFFFFF  }
0xbe: {  	(xrf2) =	vadd.seg.scan.f32 vm4, v5;
	_ =	sdelay $0x3  }
0xbf: {  	s0 =	simm.s32 $0x6100;
	v5 =	vperm.xlane v4, v1  }
0xc0: {  	v6 =	vld [tilespmem:s0+$0x0]  }
0xc1: {  	vm5 =	veq.s32 v7, v3;
	vm6 =	veq.s32 v7, v5  }
0xc2: {  	vm7 =	vgt.u32 v7, $0xFFFFFFFD;
	vm6 =	vmor vm6, vm5  }
0xc3: {  	vm6 =	vmor vm6, vm7  }
0xc4: {  	v9 =	vld [tilespmem:$0xA0];
	v7 =	vsel vm6, $0xFFFFFFFF, v7  }
0xc5: {  	v10 =	vld [tilespmem:$0x90];
	v6 =	vsel vm5, $0x0, v6;
	v8, _, _ =	vpop (xrf2)  }
0xc6: {  	v6 =	vadd.f32 v8, v6  }
0xc7: {  	s2 =	simm.s32 $0xE100  }
0xc8: {  	vm4 =	vmand vm4, vm3;
	[tilespmem:s2+$0x0] =	vst v6;
	(ifvalue) =	ssetifvalue $0xFFFFFFFF  }
0xc9: {  	vm6 =	veq.s32 v9, $0x1;
	[hbm4b:s1+s14] =	stream.indirect_vreg.scatter [tilespmem:s2], [sflag:$0x2], $0x1, v7, vm0, $0x4038;
	v7 =	vsel vm4, $0x0, v8;
	[tilespmem:$0x12120] =	vst v63  }
0xca: {  	s3 =	simm.s32 $0x0;
	s4 =	simm.s32 $0x110;
	vm4 =	vmor vm6, vm5;
	v6 =	vsel vm5, v8, v10;
	v7 =	vshift.insert v7, v0, s20  }
.LBB3_9:
0xcb: {  	v8 =	vld [tilespmem:s4+$0x0];
	s31 =	sadd.s32 $0x10, s31  }
0xcc: {  	s0 =	sadd.s32 $0x10, s0;
	v9 =	vld [tilespmem:s31+$0x0]  }
0xcd: {  	s3 =	sadd.s32 $0x10, s3;
	v10 =	vld [tilespmem:s0+$0x0]  }
0xce: {  	p0 =	slt.u32 s3, $0x1FF0;
	_ =	sdelay $0x2  }
0xcf: {  	v7 =	vadd.f32 v9, v7  }
0xd0: {  	vm5 =	vne.s32 v8, $0xFFFFFFFF  }
0xd1: {  	vm6 =	vmand vm5, vm3;
	(xrf2) =	vadd.seg.scan.f32 vm5, v7;
	_ =	sdelay $0x5  }
0xd2: {  	vm7 =	veq.s32 v8, v5;
	vm5 =	veq.s32 v8, v3  }
0xd3: {  	vm8 =	vgt.u32 v8, $0xFFFFFFFD;
	vm4 =	vmor vm4, vm5;
	vm7 =	vmor vm7, vm5  }
0xd4: {  	vm7 =	vmor vm7, vm8  }
0xd5: {  	v8 =	vsel vm7, $0xFFFFFFFF, v8  }
.Ltmp11:
0xd6: {  	v7 =	vsel vm5, $0x0, v10;
	v9, _, _ =	vpop (xrf2);
	(pc) =	sbr.rel @p0 .LBB3_9-.Ltmp11, $4  }
0xd7: {  	v6 =	vsel vm5, v9, v6;
	v10 =	vadd.f32 v9, v7;
	v7 =	vsel vm6, $0x0, v9  }
0xd8: {  	s2 =	sadd.s32 $0x10, s2;
	v7 =	vshift.insert v7, v0, s20  }
0xd9: {  	s4 =	sadd.s32 $0x10, s4;
	[tilespmem:s2+$0x0] =	vst v10;
	(ifvalue) =	ssetifvalue $0xFFFFFFFF  }
0xda: {  	[hbm4b:s1+s14] =	stream.indirect_vreg.scatter [tilespmem:s2], [sflag:$0x2], $0x1, v8, vm0, $0x4038;
	[tilespmem:$0x12120] =	vst v63  }
0xdb: {  	v3 =	vld [tilespmem:$0x100F0];
	_ =	sdelay $0x4  }
0xdc: {  	v3 =	vshift.insert v3, v0, s20;
	_ =	sdelay $0x1  }
0xdd: {  	[tilespmem:s24+$0x0] =	vst.msk $0x1, v3  }
0xde: {  	v3 =	vsel vm4, $0x1, v1;
	[tilespmem:$0x90] =	vst v6  }
0xdf: {  	[tilespmem:$0xA0] =	vst v3  }
0xe0: {  	[spmem:s12] =	stream.linear.scatter [tilespmem:s25], [sflag:$0x1], $0x1, $0x38;
	[tilespmem:$0x12120] =	vst v63  }
0xe1: {  	v3 =	vmctz.xlane vm4;
	_ =	swait.ge [sflag:s5], $0x1  }
0xe2: {  	(v2sf) =	vpush v4, $0x0  }
0xe3: {  	(v2sf) =	vpush v3, $0x0;
	_ =	sdelay $0xd  }
0xe4: {  	s0 =	spop (v2sf)  }
0xe5: {  	s2 =	spop (v2sf)  }
0xe6: {  	[sflag:s5] =	ssyncset.done $0x0;
	p0 =	sne.s32 s30, s0;
	p1 =	slt.s32 s2, $0xF  }
0xe7: {  	[sflag:s5] =	ssyncadd.s32 $0xFFFFFFFF;
	v3 =	vimm.s32 @!p0 $0xFFFFFFFF;
	s2 =	simm.s32 @!p1 $0xF  }
0xe8: {  	[tilespmem:$0x80] =	vst @!p0 v3;
	s31 =	sadd.s32 $0x90, s2  }
0xe9: {  	[spmem:s10] =	stream.linear.scatter [tilespmem:s31], [sflag:$0x1], $0x1, $0x38;
	[tilespmem:$0x12120] =	vst v63  }
0xea: {  	_ =	swait.ge [sflag:s5], $0x1  }
0xeb: {  	[sflag:s5] =	ssyncset.done $0x0  }
0xec: {  	[sflag:s5] =	ssyncadd.s32 $0xFFFFFFFF  }
0xed: {  	[spmem:s13] =	stream.linear.scatter [tilespmem:s26], [sflag:$0x1], $0x1, $0x38;
	[tilespmem:$0x12120] =	vst v63  }
0xee: {  	_ =	swait.ge [sflag:s5], $0x1  }
0xef: {  	[sflag:s5] =	ssyncset.done $0x0  }
0xf0: {  	[sflag:s5] =	ssyncadd.s32 $0xFFFFFFFF;
	(ifvalue) =	ssetifvalue $0xFFFFFFFF;
	v3 =	vld [tilespmem:$0x10];
	_ =	sdelay $0x3  }
.Ltmp12:
0xf1: {  	_ = 	snop;
	(pc) =	sbr.rel .LBB3_4-.Ltmp12, $3  }
0xf2: {  	_ =	sdelay $0x1  }
0xf3: {  	(ifvalue) =	ssetifvalue $0xFFFFFFFF  }
0xf4: {  	[hbm4b:s1+s14] =	stream.indirect_vreg.scatter [tilespmem:s19], [sflag:$0x9], $0x1, v3, vm0, $0x4038;
	[tilespmem:$0x12120] =	vst v63  }
.LBB3_12:
0xf5: {  	s0 =	simm.s32 $0x2  }
0xf6: {  	_ =	swait.ge [sflag:s0], $0x2000  }
0xf7: {  	[sflag:s0] =	ssyncset.done $0x0  }
0xf8: {  	s31 =	simm.s32 $0x9;
	[sflag:s0] =	ssyncadd.s32 $0xFFFFE000  }
0xf9: {  	_ =	swait.ge [sflag:s31], $0x10  }
0xfa: {  	[sflag:s31] =	ssyncset.done $0x0  }
0xfb: {  	[sflag:s31] =	ssyncadd.s32 $0xFFFFFFF0  }
.LBB3_13:
0xfc: {  	_ =	sfence.sel $0x180000  }
0xfd: {  	s0 =	simm.s32 $0x7;
	[bflag:$0x0] =	sbarrier.arrive $0xFFFF  }
0xfe: {  	s26 =	simm.s32 $0x8;
	[sflag:s0] =	ssyncpa.u1 $0x1  }
0xff: {  	s28 =	simm.s32 $0x9;
	[sflag:s26] =	ssyncpa.u1 $0x1  }
0x100: {  	[sflag:s28] =	ssyncpa.u1 $0x1  }
0x101: {  	_ =	sfence.stream.spmem  }
0x102: {  	s29 =	simm.s32 $0x3;
	[bflag:$0x0] =	sbarrier.arrive $0xFFFF  }
0x103: {  	s30 =	simm.s32 $0x4;
	[sflag:s29] =	ssyncpa.u1 $0x1  }
0x104: {  	s31 =	simm.s32 $0x3C;
	s2 =	stileid.u32;
	[sflag:s30] =	ssyncpa.u1 $0x1  }
0x105: {  	p0 =	sne.s32 s2, $0x0;
	[sflag:s31] =	ssyncpa.u1 $0x1  }
0x106: {  	s0 =	simm.s32 @p0 $0x1;
	_ =	sfence @p0  }
0x107: {  	[sflag:s0] =	ssyncpa.u1 @p0 $0x1;
	s0 =	simm.s32 @p0 $0x2  }
0x108: {  	[sflag:s0] =	ssyncpa.u1 @p0 $0x1  }
0x109: {  	_ =	strace @p0 $0x9000004A  }
0x10a: {  	[bflag:$0x2] =	sbarrier.arrive @p0 $0xFFFF  }
0x10b: {  	_ =	shalt @p0  }
.LBB3_14:
0x10c: {  	_ =	sfence.stream.spmem;
	s0 =	simm.s32 $0x5  }
0x10d: {  	s2 =	simm.s32 $0x80;
	s3 =	simm.s32 $0xC0;
	[sflag:s0] =	ssyncpa.u1 $0x0  }
0x10e: {  	[tilespmem:s3], [sflag:$0x5] =	stream.linear.gather [spmem:s2], $0x20, $0x38;
	[tilespmem:$0x12120] =	vst v63  }
0x10f: {  	s2 =	simm.s32 $0x0;
	s3 =	simm.s32 $0xE0  }
0x110: {  	[tilespmem:s3], [sflag:$0x5] =	stream.linear.gather [spmem:s2], $0x20, $0x38;
	[tilespmem:$0x12120] =	vst v63  }
.Ltmp13:
0x111: {  	_ = 	snop;
	(pc) =	sbr.rel .LBB3_15-.Ltmp13, $4  }
0x112: {  	_ =	swait.ge [sflag:s0], $0x40  }
0x113: {  	[sflag:s0] =	ssyncset.done $0x0  }
0x114: {  	s31 =	simm.s32 $0x6;
	[sflag:s0] =	ssyncadd.s32 $0xFFFFFFC0  }
0x115: {  	s4 =	simm.s32 $0x0;
	[sflag:s31] =	ssyncpa.u1 $0x0  }
.LBB3_20:
0x116: {  	p0 =	sgt.u32 s0, $0x1FFF  }
0x117: {  	s5 =	sshrl.u32 @!p0 s0, $0x3  }
0x118: {  	s0 =	sand.u32 @!p0 $0x7, s0;
	s6 =	simm.s32 @!p0 $0xB0;
	s5 =	sadd.s32 @!p0 s1, s5  }
0x119: {  	[tilespmem:s6], [sflag:$0x6] =	stream.linear.gather @!p0 [hbm4b:s5+s0], $0x1, $0x38;
	[tilespmem:$0x12120] =	vst v63  }
0x11a: {  	s0 =	simm.s32 @!p0 $0x6  }
0x11b: {  	_ =	swait.ge @!p0 [sflag:s0], $0x1  }
0x11c: {  	[sflag:s0] =	ssyncset.done @!p0 $0x0  }
0x11d: {  	[sflag:s0] =	ssyncadd.s32 @!p0 $0xFFFFFFFF  }
0x11e: {  	v2 =	vmov @!p0 s4;
	v1 =	vld.msk @!p0 [tilespmem:$0xB0], $0x1;
	_ =	sdelay $0x3  }
0x11f: {  	s0 =	simm.s32 @!p0 $0xE0  }
0x120: {  	[tilespmem:v2+s0+$0x0], v1 =	vst.idx.ret.add.f32.msk @!p0 $0x1, v1  }
0x121: {  	[tilespmem:s2+$0xC0] =	vst.msk $0x1, v0  }
0x122: {  	v0 =	vld.msk [tilespmem:s4+$0xE0], $0x1;
	_ =	sdelay $0x4  }
0x123: {  	[tilespmem:s2+$0xE0] =	vst.msk $0x1, v0;
	s2 =	sadd.s32 $0x1, s2  }
.LBB3_22:
0x124: {  	s4 =	sadd.s32 $0x1, s4  }
0x125: {  	p0 =	sne.s32 s4, $0x20  }
.Ltmp14:
0x126: {  	_ = 	snop;
	(pc) =	sbr.rel @!p0 .LBB3_23-.Ltmp14, $1  }
0x127: {  	_ =	sdelay $0x3  }
.LBB3_15:
0x128: {  	v0 =	vld.msk [tilespmem:s4+$0xC0], $0x1;
	_ =	sdelay $0x4  }
0x129: {  	(v2sf) =	vpush v0, $0x0;
	_ =	sdelay $0xe  }
0x12a: {  	s0 =	spop (v2sf)  }
0x12b: {  	p0 =	seq.s32 s0, $0xFFFFFFFF  }
.Ltmp15:
0x12c: {  	_ = 	snop;
	(pc) =	sbr.rel @p0 .LBB3_22-.Ltmp15, $1  }
0x12d: {  	_ =	sdelay $0x3  }
0x12e: {  	p0 =	slt.s32 s2, $0x1  }
.Ltmp16:
0x12f: {  	_ = 	snop;
	(pc) =	sbr.rel @p0 .LBB3_20-.Ltmp16, $1  }
0x130: {  	_ =	sdelay $0x3  }
0x131: {  	s5 =	simm.s32 $0xC0;
	p0 =	por $0x0, $0x0  }
0x132: {  	v1 =	vld.msk @!p0 [tilespmem:s5+$0x0], $0x1;
	_ =	sdelay $0x4  }
0x133: {  	(v2sf) =	vpush @!p0 v1, $0x0;
	_ =	sdelay $0xd  }
0x134: {  	p2 =	sne.s32 s2, $0x1  }
.Ltmp17:
0x135: {  	s6 =	spop @!p0 (v2sf);
	(pc) =	sbr.rel @!p2 .LBB3_19-.Ltmp17, $4  }
0x136: {  	p1 =	seq.s32 @!p0 s0, s6  }
0x137: {  	s6 =	simm.s32 $0x0;
	p1 =	por !p1, p0  }
0x138: {  	s8 =	simm.s32 $0xFFFFFFFF;
	s6 =	simm.s32 @p1 $0xFFFFFFFF  }
0x139: {  	s7 =	simm.s32 $0x1;
	s6 =	smov.u32 @p0 s8  }
.LBB3_18:
0x13a: {  	s8 =	smov.u32 s6;
	p0 =	sne.s32 s6, $0xFFFFFFFF  }
0x13b: {  	s5 =	sadd.s32 $0x1, s5;
	s6 =	smov.u32 s7;
	s7 =	sadd.s32 $0x1, s7  }
0x13c: {  	p1 =	sne.s32 s2, s7;
	v1 =	vld.msk @!p0 [tilespmem:s5+$0x0], $0x1;
	_ =	sdelay $0x4  }
0x13d: {  	(v2sf) =	vpush @!p0 v1, $0x0;
	_ =	sdelay $0xe  }
.Ltmp18:
0x13e: {  	s9 =	spop @!p0 (v2sf);
	(pc) =	sbr.rel @p1 .LBB3_18-.Ltmp18, $4  }
0x13f: {  	p2 =	seq.s32 @!p0 s0, s9  }
0x140: {  	p2 =	por !p2, p0  }
0x141: {  	s6 =	simm.s32 @p2 $0xFFFFFFFF  }
0x142: {  	s6 =	smov.u32 @p0 s8  }
.LBB3_19:
0x143: {  	p0 =	sne.s32 s6, $0xFFFFFFFF  }
.Ltmp19:
0x144: {  	_ = 	snop;
	(pc) =	sbr.rel @!p0 .LBB3_20-.Ltmp19, $1  }
0x145: {  	_ =	sdelay $0x3  }
0x146: {  	v0 =	vld.msk [tilespmem:s4+$0xE0], $0x1;
	v1 =	vmov s6  }
.Ltmp20:
0x147: {  	_ = 	snop;
	(pc) =	sbr.rel .LBB3_22-.Ltmp20, $2  }
0x148: {  	_ =	sdelay $0x2  }
0x149: {  	[tilespmem:v1+s3+$0x0], v0 =	vst.idx.ret.add.f32.msk $0x1, v0  }
.LBB3_23:
0x14a: {  	p0 =	slt.s32 s2, $0x1  }
.Ltmp21:
0x14b: {  	_ = 	snop;
	(pc) =	sbr.rel @p0 .LBB3_27-.Ltmp21, $3  }
0x14c: {  	_ =	sdelay $0x1  }
0x14d: {  	s0 =	simm.s32 $0x6  }
0x14e: {  	[sflag:s0] =	ssyncpa.u1 $0x1;
	s0 =	simm.s32 $0x0  }
0x14f: {  	s3 =	simm.s32 $0xC0  }
0x150: {  	v0 =	vld.msk [tilespmem:s3+$0x0], $0x1;
	_ =	sdelay $0x4  }
0x151: {  	(v2sf) =	vpush v0, $0x0;
	_ =	sdelay $0xe  }
0x152: {  	s2 =	sadd.s32 $0xFFFFFFFF, s2;
	s4 =	spop (v2sf)  }
0x153: {  	p1 =	sne.s32 s2, $0x0;
	p0 =	sgt.u32 s4, $0x1FFF  }
.Ltmp22:
0x154: {  	s5 =	sshrl.u32 @!p0 s4, $0x3;
	(pc) =	sbr.rel @!p1 .LBB3_26-.Ltmp22, $4  }
0x155: {  	s3 =	simm.s32 $0xE0;
	s4 =	sand.u32 @!p0 $0x7, s4;
	s5 =	sadd.s32 @!p0 s1, s5  }
0x156: {  	[hbm4b:s5+s4] =	stream.linear.scatter @!p0 [tilespmem:s3], [sflag:$0x5], $0x1, $0x38;
	[tilespmem:$0x12120] =	vst v63  }
0x157: {  	s5 =	simm.s32 $0x0  }
0x158: {  	s4 =	simm.s32 $0xC1;
	s5 =	simm.s32 @!p0 $0x4  }
.LBB3_25:
0x159: {  	v0 =	vld.msk [tilespmem:s4+$0x0], $0x1;
	s2 =	sadd.s32 $0xFFFFFFFF, s2;
	s0 =	sadd.s32 s0, s5  }
0x15a: {  	p0 =	sne.s32 s2, $0x0;
	_ =	sdelay $0x3  }
0x15b: {  	(v2sf) =	vpush v0, $0x0;
	_ =	sdelay $0xe  }
.Ltmp23:
0x15c: {  	s6 =	spop (v2sf);
	(pc) =	sbr.rel @p0 .LBB3_25-.Ltmp23, $4  }
0x15d: {  	s5 =	simm.s32 $0x0;
	p1 =	sgt.u32 s6, $0x1FFF  }
0x15e: {  	s3 =	sadd.s32 $0x1, s3;
	s5 =	simm.s32 @!p1 $0x4;
	s7 =	sshrl.u32 @!p1 s6, $0x3  }
0x15f: {  	s4 =	sadd.s32 $0x1, s4;
	s6 =	sand.u32 @!p1 $0x7, s6;
	s7 =	sadd.s32 @!p1 s1, s7  }
0x160: {  	[hbm4b:s7+s6] =	stream.linear.scatter @!p1 [tilespmem:s3], [sflag:$0x5], $0x1, $0x38;
	[tilespmem:$0x12120] =	vst v63  }
.LBB3_26:
0x161: {  	s0 =	sadd.s32 s0, s5  }
0x162: {  	s0 =	sshrl.u32 s0, $0x2  }
.LBB3_27:
0x163: {  	s1 =	simm.s32 $0x5  }
0x164: {  	_ =	swait.ge [sflag:s1], s0  }
0x165: {  	s28 =	ssub.s32 $0x0, s0;
	[sflag:s1] =	ssyncset.done $0x0  }
0x166: {  	[sflag:s1] =	ssyncadd.s32 s28  }
0x167: {  	[sflag:s1] =	ssyncpa.u1 $0x1  }
0x168: {  	s29 =	simm.s32 $0x1;
	_ =	sfence  }
0x169: {  	s30 =	simm.s32 $0x2;
	[sflag:s29] =	ssyncpa.u1 $0x1  }
0x16a: {  	[sflag:s30] =	ssyncpa.u1 $0x1  }
0x16b: {  	_ =	strace $0x9000004A  }
0x16c: {  	[bflag:$0x2] =	sbarrier.arrive $0xFFFF  }
0x16d: {  	s31 =	rddreg [dreg:$0x3]  }
0x16e: {  	s0 =	sadd.s32 $0x100000, s31  }
0x16f: {  	[sflag:s0] =	ssyncadd.tile.s32 $0x1;
	_ =	shalt  }
.Lfunc_end3:
_tile_overlayer_lowered:
.L_overlay_start_3:
0x170: {  	(tag) =	ssettag $0x3  }
0x171: {  	s0 =	rddreg [dreg:$0x0];
	s2 =	stileid.u32  }
0x172: {  	s1 =	rddreg [dreg:$0x1];
	p0 =	sne.s32 s2, $0x0  }
0x173: {  	s3 =	rddreg [dreg:$0x2];
	[bflag:$0x3] =	sbarrier.arrive $0xFFFF;
	s2 =	simm.s32 @!p0 $0x1C01  }
0x174: {  	[timem:s3], [sflag:s2] =	dma.local @!p0 [hbm:s0], s1  }
0x175: {  	s0 =	simm.s32 @!p0 $0x1  }
0x176: {  	_ =	swait.ge @!p0 [sflag:s0], s1  }
0x177: {  	s1 =	ssub.s32 @!p0 $0x0, s1;
	[sflag:s0] =	ssyncset.done @!p0 $0x0  }
0x178: {  	[sflag:s0] =	ssyncadd.s32 @!p0 s1  }
0x179: {  	[bflag:$0x3] =	sbarrier.arrive $0xFFFF  }
0x17a: {  	_ =	shalt  }

</sc_bundles>
